<compile_context>
chip_gen: v7x
topology: tpu7x:2x2x1
jax: 0.10.2.dev20260603
libtpu: 0.0.44.dev20260713+nightly
codegen_flags: <defaults>
</compile_context>

<pallas_src>
import dataclasses
import functools

import jax
import jax.numpy as jnp
from jax import lax
from jax.experimental import pallas as pl
from jax.experimental.pallas import tpu as pltpu
from jax.experimental.pallas import tpu_sc as plsc

L = 2048
C = 1024
H = 16
K = 64
D = C // H
S = 17
HALF_S = 8
MAX_FREQ = 16.0
MIN_FREQ = 1.0
MAX_RECEPTIVE = 128.0

BLK = 256
CH = 128
W = 392
BASE_MAX = L - W

NLANE = 16


def _sigmoid(t):
    return 1.0 / (1.0 + jnp.exp(-t))


def _tanh(t):
    return 2.0 / (1.0 + jnp.exp(-2.0 * t)) - 1.0


def _silu(t):
    return t * _sigmoid(t)


def _dot_t(a, b):
    return lax.dot_general(
        a.astype(jnp.bfloat16), b.astype(jnp.bfloat16), (((1,), (1,)), ((), ())),
        preferred_element_type=jnp.float32,
    )


def _prep_kernel(xb_ref, ww_ref, wb_ref, kw_ref, kb_ref,
                 jr_ref, a0_ref, a1_ref, xh_ref):
    i = pl.program_id(0)
    l0 = i * BLK
    xb = xb_ref[...]

    wave = _silu(_dot_t(xb, ww_ref[...]) + wb_ref[...])
    freq = _sigmoid(wave[:, :H]) * (MAX_FREQ - MIN_FREQ) + MIN_FREQ
    phase = _tanh(wave[:, H:]) * MAX_FREQ
    kern = _silu(_dot_t(xb, kw_ref[...]) + kb_ref[...])

    rel = (lax.broadcasted_iota(jnp.int32, (1, S), 1) - HALF_S).astype(jnp.float32)
    li = l0 + lax.broadcasted_iota(jnp.int32, (BLK, S), 0)
    l_col = li.astype(jnp.float32)
    gbase = jnp.clip((li // CH) * CH - 128, 0, BASE_MAX)

    for h in range(H):
        off = rel * freq[:, h:h + 1] + phase[:, h:h + 1]
        off = jnp.clip(off, -MAX_RECEPTIVE, MAX_RECEPTIVE)
        pos = l_col + off
        pos0 = jnp.floor(pos)
        frac = pos - pos0
        i0 = jnp.clip(pos0, 0, L - 1).astype(jnp.int32)
        k_idx = jnp.clip(
            jnp.floor((off + MAX_RECEPTIVE) * (K / (2.0 * MAX_RECEPTIVE))),
            0, K - 1).astype(jnp.int32)
        kern_h = kern[:, h * K:(h + 1) * K]
        w = jnp.take_along_axis(kern_h, k_idx, axis=1)
        clipped = jnp.logical_or(pos0 < 0.0, pos0 + 1.0 > L - 1)
        xh_ref[h, :, :] = xb[:, h * D:(h + 1) * D]
        jr_ref[h, :, :] = i0 - gbase
        a0_ref[h, :, :] = jnp.where(clipped, w, w * (1.0 - frac))
        a1_ref[h, :, :] = jnp.where(clipped, 0.0, w * frac)


def _sc_gather_kernel(xh_hbm, jr_hbm, a0_hbm, a1_hbm, hid_hbm,
                      xw, jrv, a0v, a1v, outv):
    wid = 2 * lax.axis_index("s") + lax.axis_index("c")
    chunk = wid // 2
    h0 = (wid % 2) * (H // 2)
    lstart = pl.multiple_of(chunk * CH, CH)
    base = pl.multiple_of(jnp.clip(chunk * CH - 128, 0, BASE_MAX), 8)
    iota = lax.broadcasted_iota(jnp.int32, (NLANE,), 0)

    @pl.loop(h0, h0 + H // 2)
    def _h_loop(h):
        pltpu.sync_copy(xh_hbm.at[h, pl.ds(base, W), :], xw)
        pltpu.sync_copy(jr_hbm.at[h, pl.ds(lstart, CH), :], jrv)
        pltpu.sync_copy(a0_hbm.at[h, pl.ds(lstart, CH), :], a0v)
        pltpu.sync_copy(a1_hbm.at[h, pl.ds(lstart, CH), :], a1v)

        @pl.loop(0, CH)
        def _row_loop(r):
            rv = jnp.full((NLANE,), r, jnp.int32)
            accs = [jnp.zeros((NLANE,), jnp.float32) for _ in range(D // NLANE)]
            for s in range(S):
                sv = jnp.full((NLANE,), s, jnp.int32)
                j0b = plsc.load_gather(jrv, [rv, sv])
                a0b = plsc.load_gather(a0v, [rv, sv])
                a1b = plsc.load_gather(a1v, [rv, sv])
                j1b = j0b + 1
                for dc in range(D // NLANE):
                    cols = iota + NLANE * dc
                    g0 = plsc.load_gather(xw, [j0b, cols])
                    g1 = plsc.load_gather(xw, [j1b, cols])
                    accs[dc] = accs[dc] + a0b * g0 + a1b * g1
            for dc in range(D // NLANE):
                plsc.store_scatter(outv, [rv, iota + NLANE * dc], accs[dc])

        pltpu.sync_copy(outv, hid_hbm.at[h, pl.ds(lstart, CH), :])


def _out_kernel(hid_ref, ow_ref, o_ref):
    hid = jnp.concatenate([hid_ref[h] for h in range(H)], axis=1)
    o_ref[...] = _silu(_dot_t(hid, ow_ref[...]))


@jax.jit
def kernel(x, wave_w, wave_b, kernel_w, kernel_b, out_w):
    Bi, Li, Ci = x.shape
    x2 = x.reshape(Li, Ci)

    jr, a0, a1, xh = pl.pallas_call(
        _prep_kernel,
        grid=(Li // BLK,),
        in_specs=[
            pl.BlockSpec((BLK, Ci), lambda i: (i, 0)),
            pl.BlockSpec((2 * H, Ci), lambda i: (0, 0)),
            pl.BlockSpec((1, 2 * H), lambda i: (0, 0)),
            pl.BlockSpec((H * K, Ci), lambda i: (0, 0)),
            pl.BlockSpec((1, H * K), lambda i: (0, 0)),
        ],
        out_specs=[
            pl.BlockSpec((H, BLK, S), lambda i: (0, i, 0)),
            pl.BlockSpec((H, BLK, S), lambda i: (0, i, 0)),
            pl.BlockSpec((H, BLK, S), lambda i: (0, i, 0)),
            pl.BlockSpec((H, BLK, D), lambda i: (0, i, 0)),
        ],
        out_shape=[
            jax.ShapeDtypeStruct((H, Li, S), jnp.int32),
            jax.ShapeDtypeStruct((H, Li, S), jnp.float32),
            jax.ShapeDtypeStruct((H, Li, S), jnp.float32),
            jax.ShapeDtypeStruct((H, Li, D), jnp.float32),
        ],
    )(x2, wave_w, wave_b.reshape(1, 2 * H), kernel_w, kernel_b.reshape(1, H * K))

    sc_params = pltpu.CompilerParams()
    if "needs_layout_passes" in pltpu.CompilerParams.__dataclass_fields__:
        sc_params = dataclasses.replace(sc_params, needs_layout_passes=False)
    sc_gather = pl.kernel(
        _sc_gather_kernel,
        out_type=jax.ShapeDtypeStruct((H, Li, D), jnp.float32),
        compiler_params=sc_params,
        mesh=plsc.VectorSubcoreMesh(core_axis_name="c", subcore_axis_name="s"),
        scratch_types=[
            pltpu.VMEM((W, D), jnp.float32),
            pltpu.VMEM((CH, S), jnp.int32),
            pltpu.VMEM((CH, S), jnp.float32),
            pltpu.VMEM((CH, S), jnp.float32),
            pltpu.VMEM((CH, D), jnp.float32),
        ],
    )
    hidden = sc_gather(xh, jr, a0, a1)

    out = pl.pallas_call(
        _out_kernel,
        grid=(Li // BLK,),
        in_specs=[
            pl.BlockSpec((H, BLK, D), lambda i: (0, i, 0)),
            pl.BlockSpec((Ci, Ci), lambda i: (0, 0)),
        ],
        out_specs=pl.BlockSpec((BLK, Ci), lambda i: (i, 0)),
        out_shape=jax.ShapeDtypeStruct((Li, Ci), jnp.float32),
    )(hidden, out_w)
    return out.reshape(Bi, Li, Ci)

# --- scband reference (transcript-rebuilt; emitter-appended) ---
"""Pipeline reference for scband-triton-gather-conv-35734127903504 (READ-ONLY COPY).

The authoritative reference and input builder live on the scoring server;
editing this copy changes nothing except your own understanding.
"""

import jax, jax.numpy as jnp
import numpy as np

B, L, C = 1, 2048, 1024
H = 16
K = 64
MAX_SAMPLES = 16
HALF_S = MAX_SAMPLES // 2
S = 2 * HALF_S + 1
MAX_FREQ = 16.0
MIN_FREQ = 1.0
MAX_RECEPTIVE = HALF_S * MAX_FREQ


def setup_inputs(seed: int = 0) -> dict:
    key = jax.random.key(seed)
    ks = jax.random.split(key, 5)
    x = jax.random.normal(ks[0], (B, L, C), dtype=jnp.float32)
    wave_w = 0.02 * jax.random.normal(ks[1], (2 * H, C), dtype=jnp.float32)
    wave_b = jnp.zeros((2 * H,), dtype=jnp.float32)
    kernel_w = 0.02 * jax.random.normal(ks[2], (H * K, C), dtype=jnp.float32)
    kernel_b = jnp.zeros((H * K,), dtype=jnp.float32)
    out_w = 0.02 * jax.random.normal(ks[3], (C, C), dtype=jnp.float32)
    return {"x": x, "wave_w": wave_w, "wave_b": wave_b, "kernel_w": kernel_w, "kernel_b": kernel_b, "out_w": out_w}


def _silu(t):
    return t * jax.nn.sigmoid(t)


def reference(x, wave_w, wave_b, kernel_w, kernel_b, out_w):
    Bi, Li, Ci = x.shape
    D = Ci // H
    # wave projection -> per-position, per-head frequency and phase
    wave_pre = x @ wave_w.T + wave_b
    wave_out = _silu(wave_pre).reshape(Bi, Li, 2, H)
    freq = jax.nn.sigmoid(wave_out[:, :, 0, :]) * (MAX_FREQ - MIN_FREQ) + MIN_FREQ  # [B,L,H]
    phase = jnp.tanh(wave_out[:, :, 1, :]) * MAX_FREQ                               # [B,L,H]
    # data-dependent kernel taps
    kernel = _silu(x @ kernel_w.T + kernel_b).reshape(Bi, Li, H, K)                 # [B,L,H,K]
    # sample offsets: rel index scaled by learned frequency, shifted by phase
    rel = jnp.arange(S, dtype=x.dtype) - HALF_S                                     # [S]
    offset = rel[None, None, None, :] * freq[..., None] + phase[..., None]          # [B,L,H,S]
    offset = jnp.clip(offset, -MAX_RECEPTIVE, MAX_RECEPTIVE)
    l_idx = jnp.arange(Li, dtype=x.dtype)[None, :, None, None]
    pos_f = l_idx + offset
    pos0 = jnp.floor(pos_f)
    frac = pos_f - pos0                                                             # [B,L,H,S]
    i0 = jnp.clip(pos0, 0, Li - 1).astype(jnp.int32)
    i1 = jnp.clip(pos0 + 1.0, 0, Li - 1).astype(jnp.int32)
    # map offset into kernel tap bin
    k_idx = jnp.clip(jnp.floor((offset + MAX_RECEPTIVE) / (2.0 * MAX_RECEPTIVE) * K), 0, K - 1).astype(jnp.int32)
    w = jnp.take_along_axis(kernel, k_idx, axis=3)                                  # [B,L,H,S]
    # gather with linear interpolation (per batch/head along sequence axis)
    xh = x.reshape(Bi, Li, H, D)
    b_ix = jnp.arange(Bi)[:, None, None, None]
    h_ix = jnp.arange(H)[None, None, :, None]
    g0 = xh[b_ix, i0, h_ix, :]                                                      # [B,L,H,S,D]
    g1 = xh[b_ix, i1, h_ix, :]
    gathered = g0 + frac[..., None] * (g1 - g0)
    hidden = jnp.sum(w[..., None] * gathered, axis=3).reshape(Bi, Li, Ci)
    out_pre = hidden @ out_w.T
    out = _silu(out_pre)
    return out

if __name__ == "__main__":
    import jax
    _d = setup_inputs()
    print(jax.jit(kernel)(*tuple(_d.values())))

</pallas_src>

<mosaic_0001>
#map = affine_map<(d0, d1) -> (0, 0, 0)>
module attributes {stable_mosaic.version = 14 : i64} {
  func.func @_sc_gather_kernel(%arg0: i32, %arg1: i32, %arg2: memref<16x2048x64xf32, #tpu.memory_space<hbm>>, %arg3: memref<16x2048x17xi32, #tpu.memory_space<hbm>>, %arg4: memref<16x2048x17xf32, #tpu.memory_space<hbm>>, %arg5: memref<16x2048x17xf32, #tpu.memory_space<hbm>>, %arg6: memref<16x2048x64xf32, #tpu.memory_space<hbm>>, %arg7: memref<392x64xf32, #tpu.memory_space<vmem>>, %arg8: memref<128x17xi32, #tpu.memory_space<vmem>>, %arg9: memref<128x17xf32, #tpu.memory_space<vmem>>, %arg10: memref<128x17xf32, #tpu.memory_space<vmem>>, %arg11: memref<128x64xf32, #tpu.memory_space<vmem>>) attributes {dimension_semantics = [#tpu.dimension_semantics<core_parallel>, #tpu.dimension_semantics<subcore_parallel>], iteration_bounds = array<i64: 2, 16>, scalar_prefetch = 0 : i64, scratch_operands = 5 : i64, tpu.core_type = #tpu.core_type<sc_vector_subcore>, window_params = [{transform_indices = #map}, {transform_indices = #map}, {transform_indices = #map}, {transform_indices = #map}, {transform_indices = #map}]} {
    %mul3A = arith.constant 2 : i32
    %mul3A_0 = arith.muli %mul3A, %arg1 : i32
    %add3A = arith.addi %mul3A_0, %arg0 : i32
    %jit3A = arith.constant 2 : i32
    %div3A = arith.divsi %add3A, %jit3A : i32
    %sign3A = arith.constant 0 : i32
    %sign3A_1 = arith.cmpi sgt, %add3A, %sign3A : i32
    %sign3A_2 = arith.extui %sign3A_1 : i1 to i32
    %sign3A_3 = arith.constant 0 : i32
    %sign3A_4 = arith.cmpi slt, %add3A, %sign3A_3 : i32
    %sign3A_5 = arith.extui %sign3A_4 : i1 to i32
    %sign3A_6 = arith.subi %sign3A_2, %sign3A_5 : i32
    %sign3A_7 = arith.constant 0 : i32
    %sign3A_8 = arith.cmpi sgt, %jit3A, %sign3A_7 : i32
    %sign3A_9 = arith.extui %sign3A_8 : i1 to i32
    %sign3A_10 = arith.constant 0 : i32
    %sign3A_11 = arith.cmpi slt, %jit3A, %sign3A_10 : i32
    %sign3A_12 = arith.extui %sign3A_11 : i1 to i32
    %sign3A_13 = arith.subi %sign3A_9, %sign3A_12 : i32
    %ne3A = arith.cmpi ne, %sign3A_6, %sign3A_13 : i32
    %rem3A = arith.remsi %add3A, %jit3A : i32
    %ne3A_14 = arith.constant 0 : i32
    %ne3A_15 = arith.cmpi ne, %rem3A, %ne3A_14 : i32
    %and3A = arith.andi %ne3A, %ne3A_15 : i1
    %sub3A = arith.constant 1 : i32
    %sub3A_16 = arith.subi %div3A, %sub3A : i32
    %select_n3A = arith.select %and3A, %sub3A_16, %div3A : i32
    %jit3A_17 = arith.constant 2 : i32
    %eq3A = arith.constant 0 : i32
    %eq3A_18 = arith.cmpi eq, %jit3A_17, %eq3A : i32
    %jit3A_19 = arith.constant 1 : i32
    %select_n3A_20 = arith.select %eq3A_18, %jit3A_19, %jit3A_17 : i32
    %rem3A_21 = arith.remsi %add3A, %select_n3A_20 : i32
    %ne3A_22 = arith.constant 0 : i32
    %ne3A_23 = arith.cmpi ne, %rem3A_21, %ne3A_22 : i32
    %lt3A = arith.constant 0 : i32
    %lt3A_24 = arith.cmpi slt, %rem3A_21, %lt3A : i32
    %lt3A_25 = arith.constant 0 : i32
    %lt3A_26 = arith.cmpi slt, %select_n3A_20, %lt3A_25 : i32
    %ne3A_27 = arith.xori %lt3A_24, %lt3A_26 : i1
    %and3A_28 = arith.andi %ne3A_27, %ne3A_23 : i1
    %add3A_29 = arith.addi %rem3A_21, %select_n3A_20 : i32
    %select_n3A_30 = arith.select %and3A_28, %add3A_29, %rem3A_21 : i32
    %mul3A_31 = arith.constant 8 : i32
    %mul3A_32 = arith.muli %select_n3A_30, %mul3A_31 : i32
    %mul3A_33 = arith.constant 128 : i32
    %mul3A_34 = arith.muli %select_n3A, %mul3A_33 : i32
    %multiple_of3A = tpu.assume_multiple %mul3A_34, 128 : i32
    %mul3A_35 = arith.constant 128 : i32
    %mul3A_36 = arith.muli %select_n3A, %mul3A_35 : i32
    %sub3A_37 = arith.constant 128 : i32
    %sub3A_38 = arith.subi %mul3A_36, %sub3A_37 : i32
    %jit3A_39 = arith.constant 0 : i32
    %jit3A_40 = arith.constant 1656 : i32
    %max3A = arith.maxsi %jit3A_39, %sub3A_38 : i32
    %min3A = arith.minsi %jit3A_40, %max3A : i32
    %multiple_of3A_41 = tpu.assume_multiple %min3A, 8 : i32
    %iota3A = tpu.iota {dimensions = array<i32: 0>} : vector<16xi32>
    %add3A_42 = arith.constant 8 : i32
    %add3A_43 = arith.addi %mul3A_32, %add3A_42 : i32
    %sub3A_44 = arith.subi %add3A_43, %mul3A_32 : i32
    %sub3A_45 = arith.constant 1 : i32
    %sub3A_46 = arith.constant 1 : i32
    %sub3A_47 = arith.subi %sub3A_45, %sub3A_46 : i32
    %add3A_48 = arith.addi %sub3A_44, %sub3A_47 : i32
    %div3A_49 = arith.constant 1 : i32
    %div3A_50 = arith.divsi %add3A_48, %div3A_49 : i32
    %while3A = arith.constant 1 : i32
    %while3A_51 = arith.constant 0 : i32
    %while3A_52 = arith.subi %div3A_50, %while3A_51 : i32
    %while3A_53 = arith.addi %while3A_51, %while3A_52 : i32
    %while3A_54 = arith.constant 1 : i32
    %while3A_55 = arith.divsi %while3A_52, %while3A_54 : i32
    %while3A_56 = arith.muli %while3A_55, %while3A_54 : i32
    %while3A_57 = arith.addi %while3A_51, %while3A_56 : i32
    %while3A_58 = arith.constant 1 : i32
    scf.for %while3A_60 = %while3A_51 to %while3A_57 step %while3A_58  : i32 {
      %mul3A_61 = arith.muli %while3A_60, %while3A : i32
      %add3A_62 = arith.addi %mul3A_32, %mul3A_61 : i32
      "tpu.region"() ({
        %run_scoped3A = tpu.sem_alloc : memref<!tpu.dma_semaphore, #tpu.memory_space<semaphore_mem>>
        %dma_start3A = arith.constant 0 : i32
        %dma_start3A_67 = tpu.memref_slice %arg2[%add3A_62, %multiple_of3A_41, %dma_start3A] : memref<16x2048x64xf32, #tpu.memory_space<hbm>> -> memref<1x392x64xf32, #tpu.memory_space<hbm>>
        %dma_start3A_68 = tpu.memref_squeeze %dma_start3A_67 : memref<1x392x64xf32, #tpu.memory_space<hbm>> -> memref<392x64xf32, #tpu.memory_space<hbm>>
        %dma_start3A_69 = arith.constant 0 : i32
        %dma_start3A_70 = tpu.memref_slice %arg2[%add3A_62, %multiple_of3A_41, %dma_start3A_69] : memref<16x2048x64xf32, #tpu.memory_space<hbm>> -> memref<1x392x64xf32, #tpu.memory_space<hbm>>
        %dma_start3A_71 = tpu.memref_squeeze %dma_start3A_70 : memref<1x392x64xf32, #tpu.memory_space<hbm>> -> memref<392x64xf32, #tpu.memory_space<hbm>>
        tpu.enqueue_dma source(%dma_start3A_71 : memref<392x64xf32, #tpu.memory_space<hbm>>) target(%arg7 : memref<392x64xf32, #tpu.memory_space<vmem>>) target_semaphore(%run_scoped3A : memref<!tpu.dma_semaphore, #tpu.memory_space<semaphore_mem>>)
        %dma_wait3A = arith.constant 0 : i32
        %dma_wait3A_72 = tpu.memref_slice %arg2[%add3A_62, %multiple_of3A_41, %dma_wait3A] : memref<16x2048x64xf32, #tpu.memory_space<hbm>> -> memref<1x392x64xf32, #tpu.memory_space<hbm>>
        %dma_wait3A_73 = tpu.memref_squeeze %dma_wait3A_72 : memref<1x392x64xf32, #tpu.memory_space<hbm>> -> memref<392x64xf32, #tpu.memory_space<hbm>>
        %dma_wait3A_74 = arith.constant 0 : i32
        %dma_wait3A_75 = tpu.memref_slice %arg2[%add3A_62, %multiple_of3A_41, %dma_wait3A_74] : memref<16x2048x64xf32, #tpu.memory_space<hbm>> -> memref<1x392x64xf32, #tpu.memory_space<hbm>>
        %dma_wait3A_76 = tpu.memref_squeeze %dma_wait3A_75 : memref<1x392x64xf32, #tpu.memory_space<hbm>> -> memref<392x64xf32, #tpu.memory_space<hbm>>
        tpu.wait_dma2 semaphore(%run_scoped3A : memref<!tpu.dma_semaphore, #tpu.memory_space<semaphore_mem>>) src(%dma_wait3A_76 : memref<392x64xf32, #tpu.memory_space<hbm>>) dst(%arg7 : memref<392x64xf32, #tpu.memory_space<vmem>>)
        tpu.yield
      }) : () -> ()
      "tpu.region"() ({
        %run_scoped3A = tpu.sem_alloc : memref<!tpu.dma_semaphore, #tpu.memory_space<semaphore_mem>>
        %dma_start3A = arith.constant 0 : i32
        %dma_start3A_67 = tpu.memref_slice %arg3[%add3A_62, %multiple_of3A, %dma_start3A] : memref<16x2048x17xi32, #tpu.memory_space<hbm>> -> memref<1x128x17xi32, #tpu.memory_space<hbm>>
        %dma_start3A_68 = tpu.memref_squeeze %dma_start3A_67 : memref<1x128x17xi32, #tpu.memory_space<hbm>> -> memref<128x17xi32, #tpu.memory_space<hbm>>
        %dma_start3A_69 = arith.constant 0 : i32
        %dma_start3A_70 = tpu.memref_slice %arg3[%add3A_62, %multiple_of3A, %dma_start3A_69] : memref<16x2048x17xi32, #tpu.memory_space<hbm>> -> memref<1x128x17xi32, #tpu.memory_space<hbm>>
        %dma_start3A_71 = tpu.memref_squeeze %dma_start3A_70 : memref<1x128x17xi32, #tpu.memory_space<hbm>> -> memref<128x17xi32, #tpu.memory_space<hbm>>
        tpu.enqueue_dma source(%dma_start3A_71 : memref<128x17xi32, #tpu.memory_space<hbm>>) target(%arg8 : memref<128x17xi32, #tpu.memory_space<vmem>>) target_semaphore(%run_scoped3A : memref<!tpu.dma_semaphore, #tpu.memory_space<semaphore_mem>>)
        %dma_wait3A = arith.constant 0 : i32
        %dma_wait3A_72 = tpu.memref_slice %arg3[%add3A_62, %multiple_of3A, %dma_wait3A] : memref<16x2048x17xi32, #tpu.memory_space<hbm>> -> memref<1x128x17xi32, #tpu.memory_space<hbm>>
        %dma_wait3A_73 = tpu.memref_squeeze %dma_wait3A_72 : memref<1x128x17xi32, #tpu.memory_space<hbm>> -> memref<128x17xi32, #tpu.memory_space<hbm>>
        %dma_wait3A_74 = arith.constant 0 : i32
        %dma_wait3A_75 = tpu.memref_slice %arg3[%add3A_62, %multiple_of3A, %dma_wait3A_74] : memref<16x2048x17xi32, #tpu.memory_space<hbm>> -> memref<1x128x17xi32, #tpu.memory_space<hbm>>
        %dma_wait3A_76 = tpu.memref_squeeze %dma_wait3A_75 : memref<1x128x17xi32, #tpu.memory_space<hbm>> -> memref<128x17xi32, #tpu.memory_space<hbm>>
        tpu.wait_dma2 semaphore(%run_scoped3A : memref<!tpu.dma_semaphore, #tpu.memory_space<semaphore_mem>>) src(%dma_wait3A_76 : memref<128x17xi32, #tpu.memory_space<hbm>>) dst(%arg8 : memref<128x17xi32, #tpu.memory_space<vmem>>)
        tpu.yield
      }) : () -> ()
      "tpu.region"() ({
        %run_scoped3A = tpu.sem_alloc : memref<!tpu.dma_semaphore, #tpu.memory_space<semaphore_mem>>
        %dma_start3A = arith.constant 0 : i32
        %dma_start3A_67 = tpu.memref_slice %arg4[%add3A_62, %multiple_of3A, %dma_start3A] : memref<16x2048x17xf32, #tpu.memory_space<hbm>> -> memref<1x128x17xf32, #tpu.memory_space<hbm>>
        %dma_start3A_68 = tpu.memref_squeeze %dma_start3A_67 : memref<1x128x17xf32, #tpu.memory_space<hbm>> -> memref<128x17xf32, #tpu.memory_space<hbm>>
        %dma_start3A_69 = arith.constant 0 : i32
        %dma_start3A_70 = tpu.memref_slice %arg4[%add3A_62, %multiple_of3A, %dma_start3A_69] : memref<16x2048x17xf32, #tpu.memory_space<hbm>> -> memref<1x128x17xf32, #tpu.memory_space<hbm>>
        %dma_start3A_71 = tpu.memref_squeeze %dma_start3A_70 : memref<1x128x17xf32, #tpu.memory_space<hbm>> -> memref<128x17xf32, #tpu.memory_space<hbm>>
        tpu.enqueue_dma source(%dma_start3A_71 : memref<128x17xf32, #tpu.memory_space<hbm>>) target(%arg9 : memref<128x17xf32, #tpu.memory_space<vmem>>) target_semaphore(%run_scoped3A : memref<!tpu.dma_semaphore, #tpu.memory_space<semaphore_mem>>)
        %dma_wait3A = arith.constant 0 : i32
        %dma_wait3A_72 = tpu.memref_slice %arg4[%add3A_62, %multiple_of3A, %dma_wait3A] : memref<16x2048x17xf32, #tpu.memory_space<hbm>> -> memref<1x128x17xf32, #tpu.memory_space<hbm>>
        %dma_wait3A_73 = tpu.memref_squeeze %dma_wait3A_72 : memref<1x128x17xf32, #tpu.memory_space<hbm>> -> memref<128x17xf32, #tpu.memory_space<hbm>>
        %dma_wait3A_74 = arith.constant 0 : i32
        %dma_wait3A_75 = tpu.memref_slice %arg4[%add3A_62, %multiple_of3A, %dma_wait3A_74] : memref<16x2048x17xf32, #tpu.memory_space<hbm>> -> memref<1x128x17xf32, #tpu.memory_space<hbm>>
        %dma_wait3A_76 = tpu.memref_squeeze %dma_wait3A_75 : memref<1x128x17xf32, #tpu.memory_space<hbm>> -> memref<128x17xf32, #tpu.memory_space<hbm>>
        tpu.wait_dma2 semaphore(%run_scoped3A : memref<!tpu.dma_semaphore, #tpu.memory_space<semaphore_mem>>) src(%dma_wait3A_76 : memref<128x17xf32, #tpu.memory_space<hbm>>) dst(%arg9 : memref<128x17xf32, #tpu.memory_space<vmem>>)
        tpu.yield
      }) : () -> ()
      "tpu.region"() ({
        %run_scoped3A = tpu.sem_alloc : memref<!tpu.dma_semaphore, #tpu.memory_space<semaphore_mem>>
        %dma_start3A = arith.constant 0 : i32
        %dma_start3A_67 = tpu.memref_slice %arg5[%add3A_62, %multiple_of3A, %dma_start3A] : memref<16x2048x17xf32, #tpu.memory_space<hbm>> -> memref<1x128x17xf32, #tpu.memory_space<hbm>>
        %dma_start3A_68 = tpu.memref_squeeze %dma_start3A_67 : memref<1x128x17xf32, #tpu.memory_space<hbm>> -> memref<128x17xf32, #tpu.memory_space<hbm>>
        %dma_start3A_69 = arith.constant 0 : i32
        %dma_start3A_70 = tpu.memref_slice %arg5[%add3A_62, %multiple_of3A, %dma_start3A_69] : memref<16x2048x17xf32, #tpu.memory_space<hbm>> -> memref<1x128x17xf32, #tpu.memory_space<hbm>>
        %dma_start3A_71 = tpu.memref_squeeze %dma_start3A_70 : memref<1x128x17xf32, #tpu.memory_space<hbm>> -> memref<128x17xf32, #tpu.memory_space<hbm>>
        tpu.enqueue_dma source(%dma_start3A_71 : memref<128x17xf32, #tpu.memory_space<hbm>>) target(%arg10 : memref<128x17xf32, #tpu.memory_space<vmem>>) target_semaphore(%run_scoped3A : memref<!tpu.dma_semaphore, #tpu.memory_space<semaphore_mem>>)
        %dma_wait3A = arith.constant 0 : i32
        %dma_wait3A_72 = tpu.memref_slice %arg5[%add3A_62, %multiple_of3A, %dma_wait3A] : memref<16x2048x17xf32, #tpu.memory_space<hbm>> -> memref<1x128x17xf32, #tpu.memory_space<hbm>>
        %dma_wait3A_73 = tpu.memref_squeeze %dma_wait3A_72 : memref<1x128x17xf32, #tpu.memory_space<hbm>> -> memref<128x17xf32, #tpu.memory_space<hbm>>
        %dma_wait3A_74 = arith.constant 0 : i32
        %dma_wait3A_75 = tpu.memref_slice %arg5[%add3A_62, %multiple_of3A, %dma_wait3A_74] : memref<16x2048x17xf32, #tpu.memory_space<hbm>> -> memref<1x128x17xf32, #tpu.memory_space<hbm>>
        %dma_wait3A_76 = tpu.memref_squeeze %dma_wait3A_75 : memref<1x128x17xf32, #tpu.memory_space<hbm>> -> memref<128x17xf32, #tpu.memory_space<hbm>>
        tpu.wait_dma2 semaphore(%run_scoped3A : memref<!tpu.dma_semaphore, #tpu.memory_space<semaphore_mem>>) src(%dma_wait3A_76 : memref<128x17xf32, #tpu.memory_space<hbm>>) dst(%arg10 : memref<128x17xf32, #tpu.memory_space<vmem>>)
        tpu.yield
      }) : () -> ()
      %scan3A = arith.constant 0 : i32
      %scan3A_63 = arith.constant 128 : i32
      %scan3A_64 = arith.addi %scan3A, %scan3A_63 : i32
      %scan3A_65 = arith.constant 1 : i32
      scf.for %scan3A_67 = %scan3A to %scan3A_64 step %scan3A_65  : i32 {
        %mul3A_68 = arith.constant 1 : i32
        %mul3A_69 = arith.muli %scan3A_67, %mul3A_68 : i32
        %add3A_70 = arith.constant 0 : i32
        %add3A_71 = arith.addi %add3A_70, %mul3A_69 : i32
        %broadcast_in_dim3A = vector.broadcast %add3A_71 : i32 to vector<16xi32>
        %broadcast_in_dim3A_72 = arith.constant 0.000000e+00 : f32
        %broadcast_in_dim3A_73 = vector.broadcast %broadcast_in_dim3A_72 : f32 to vector<16xf32>
        %broadcast_in_dim3A_74 = arith.constant 0.000000e+00 : f32
        %broadcast_in_dim3A_75 = vector.broadcast %broadcast_in_dim3A_74 : f32 to vector<16xf32>
        %broadcast_in_dim3A_76 = arith.constant 0.000000e+00 : f32
        %broadcast_in_dim3A_77 = vector.broadcast %broadcast_in_dim3A_76 : f32 to vector<16xf32>
        %broadcast_in_dim3A_78 = arith.constant 0.000000e+00 : f32
        %broadcast_in_dim3A_79 = vector.broadcast %broadcast_in_dim3A_78 : f32 to vector<16xf32>
        %broadcast_in_dim3A_80 = arith.constant 0 : i32
        %broadcast_in_dim3A_81 = vector.broadcast %broadcast_in_dim3A_80 : i32 to vector<16xi32>
        %gather3A = tpu.vector_load_idx %arg8[%broadcast_in_dim3A, %broadcast_in_dim3A_81] : memref<128x17xi32, #tpu.memory_space<vmem>>[vector<16xi32>, vector<16xi32>], vector<16xi32>,
        %gather3A_82 = tpu.vector_load_idx %arg9[%broadcast_in_dim3A, %broadcast_in_dim3A_81] : memref<128x17xf32, #tpu.memory_space<vmem>>[vector<16xi32>, vector<16xi32>], vector<16xf32>,
        %gather3A_83 = tpu.vector_load_idx %arg10[%broadcast_in_dim3A, %broadcast_in_dim3A_81] : memref<128x17xf32, #tpu.memory_space<vmem>>[vector<16xi32>, vector<16xi32>], vector<16xf32>,
        %add3A_84 = arith.constant 1 : i32
        %add3A_85 = vector.broadcast %add3A_84 : i32 to vector<16xi32>
        %add3A_86 = arith.addi %gather3A, %add3A_85 : vector<16xi32>
        %add3A_87 = arith.constant 0 : i32
        %add3A_88 = vector.broadcast %add3A_87 : i32 to vector<16xi32>
        %add3A_89 = arith.addi %iota3A, %add3A_88 : vector<16xi32>
        %gather3A_90 = tpu.vector_load_idx %arg7[%gather3A, %add3A_89] : memref<392x64xf32, #tpu.memory_space<vmem>>[vector<16xi32>, vector<16xi32>], vector<16xf32>,
        %gather3A_91 = tpu.vector_load_idx %arg7[%add3A_86, %add3A_89] : memref<392x64xf32, #tpu.memory_space<vmem>>[vector<16xi32>, vector<16xi32>], vector<16xf32>,
        %mul3A_92 = arith.mulf %gather3A_82, %gather3A_90 : vector<16xf32>
        %add3A_93 = arith.addf %broadcast_in_dim3A_73, %mul3A_92 : vector<16xf32>
        %mul3A_94 = arith.mulf %gather3A_83, %gather3A_91 : vector<16xf32>
        %add3A_95 = arith.addf %add3A_93, %mul3A_94 : vector<16xf32>
        %add3A_96 = arith.constant 16 : i32
        %add3A_97 = vector.broadcast %add3A_96 : i32 to vector<16xi32>
        %add3A_98 = arith.addi %iota3A, %add3A_97 : vector<16xi32>
        %gather3A_99 = tpu.vector_load_idx %arg7[%gather3A, %add3A_98] : memref<392x64xf32, #tpu.memory_space<vmem>>[vector<16xi32>, vector<16xi32>], vector<16xf32>,
        %gather3A_100 = tpu.vector_load_idx %arg7[%add3A_86, %add3A_98] : memref<392x64xf32, #tpu.memory_space<vmem>>[vector<16xi32>, vector<16xi32>], vector<16xf32>,
        %mul3A_101 = arith.mulf %gather3A_82, %gather3A_99 : vector<16xf32>
        %add3A_102 = arith.addf %broadcast_in_dim3A_75, %mul3A_101 : vector<16xf32>
        %mul3A_103 = arith.mulf %gather3A_83, %gather3A_100 : vector<16xf32>
        %add3A_104 = arith.addf %add3A_102, %mul3A_103 : vector<16xf32>
        %add3A_105 = arith.constant 32 : i32
        %add3A_106 = vector.broadcast %add3A_105 : i32 to vector<16xi32>
        %add3A_107 = arith.addi %iota3A, %add3A_106 : vector<16xi32>
        %gather3A_108 = tpu.vector_load_idx %arg7[%gather3A, %add3A_107] : memref<392x64xf32, #tpu.memory_space<vmem>>[vector<16xi32>, vector<16xi32>], vector<16xf32>,
        %gather3A_109 = tpu.vector_load_idx %arg7[%add3A_86, %add3A_107] : memref<392x64xf32, #tpu.memory_space<vmem>>[vector<16xi32>, vector<16xi32>], vector<16xf32>,
        %mul3A_110 = arith.mulf %gather3A_82, %gather3A_108 : vector<16xf32>
        %add3A_111 = arith.addf %broadcast_in_dim3A_77, %mul3A_110 : vector<16xf32>
        %mul3A_112 = arith.mulf %gather3A_83, %gather3A_109 : vector<16xf32>
        %add3A_113 = arith.addf %add3A_111, %mul3A_112 : vector<16xf32>
        %add3A_114 = arith.constant 48 : i32
        %add3A_115 = vector.broadcast %add3A_114 : i32 to vector<16xi32>
        %add3A_116 = arith.addi %iota3A, %add3A_115 : vector<16xi32>
        %gather3A_117 = tpu.vector_load_idx %arg7[%gather3A, %add3A_116] : memref<392x64xf32, #tpu.memory_space<vmem>>[vector<16xi32>, vector<16xi32>], vector<16xf32>,
        %gather3A_118 = tpu.vector_load_idx %arg7[%add3A_86, %add3A_116] : memref<392x64xf32, #tpu.memory_space<vmem>>[vector<16xi32>, vector<16xi32>], vector<16xf32>,
        %mul3A_119 = arith.mulf %gather3A_82, %gather3A_117 : vector<16xf32>
        %add3A_120 = arith.addf %broadcast_in_dim3A_79, %mul3A_119 : vector<16xf32>
        %mul3A_121 = arith.mulf %gather3A_83, %gather3A_118 : vector<16xf32>
        %add3A_122 = arith.addf %add3A_120, %mul3A_121 : vector<16xf32>
        %broadcast_in_dim3A_123 = arith.constant 1 : i32
        %broadcast_in_dim3A_124 = vector.broadcast %broadcast_in_dim3A_123 : i32 to vector<16xi32>
        %gather3A_125 = tpu.vector_load_idx %arg8[%broadcast_in_dim3A, %broadcast_in_dim3A_124] : memref<128x17xi32, #tpu.memory_space<vmem>>[vector<16xi32>, vector<16xi32>], vector<16xi32>,
        %gather3A_126 = tpu.vector_load_idx %arg9[%broadcast_in_dim3A, %broadcast_in_dim3A_124] : memref<128x17xf32, #tpu.memory_space<vmem>>[vector<16xi32>, vector<16xi32>], vector<16xf32>,
        %gather3A_127 = tpu.vector_load_idx %arg10[%broadcast_in_dim3A, %broadcast_in_dim3A_124] : memref<128x17xf32, #tpu.memory_space<vmem>>[vector<16xi32>, vector<16xi32>], vector<16xf32>,
        %add3A_128 = arith.constant 1 : i32
        %add3A_129 = vector.broadcast %add3A_128 : i32 to vector<16xi32>
        %add3A_130 = arith.addi %gather3A_125, %add3A_129 : vector<16xi32>
        %add3A_131 = arith.constant 0 : i32
        %add3A_132 = vector.broadcast %add3A_131 : i32 to vector<16xi32>
        %add3A_133 = arith.addi %iota3A, %add3A_132 : vector<16xi32>
        %gather3A_134 = tpu.vector_load_idx %arg7[%gather3A_125, %add3A_133] : memref<392x64xf32, #tpu.memory_space<vmem>>[vector<16xi32>, vector<16xi32>], vector<16xf32>,
        %gather3A_135 = tpu.vector_load_idx %arg7[%add3A_130, %add3A_133] : memref<392x64xf32, #tpu.memory_space<vmem>>[vector<16xi32>, vector<16xi32>], vector<16xf32>,
        %mul3A_136 = arith.mulf %gather3A_126, %gather3A_134 : vector<16xf32>
        %add3A_137 = arith.addf %add3A_95, %mul3A_136 : vector<16xf32>
        %mul3A_138 = arith.mulf %gather3A_127, %gather3A_135 : vector<16xf32>
        %add3A_139 = arith.addf %add3A_137, %mul3A_138 : vector<16xf32>
        %add3A_140 = arith.constant 16 : i32
        %add3A_141 = vector.broadcast %add3A_140 : i32 to vector<16xi32>
        %add3A_142 = arith.addi %iota3A, %add3A_141 : vector<16xi32>
        %gather3A_143 = tpu.vector_load_idx %arg7[%gather3A_125, %add3A_142] : memref<392x64xf32, #tpu.memory_space<vmem>>[vector<16xi32>, vector<16xi32>], vector<16xf32>,
        %gather3A_144 = tpu.vector_load_idx %arg7[%add3A_130, %add3A_142] : memref<392x64xf32, #tpu.memory_space<vmem>>[vector<16xi32>, vector<16xi32>], vector<16xf32>,
        %mul3A_145 = arith.mulf %gather3A_126, %gather3A_143 : vector<16xf32>
        %add3A_146 = arith.addf %add3A_104, %mul3A_145 : vector<16xf32>
        %mul3A_147 = arith.mulf %gather3A_127, %gather3A_144 : vector<16xf32>
        %add3A_148 = arith.addf %add3A_146, %mul3A_147 : vector<16xf32>
        %add3A_149 = arith.constant 32 : i32
        %add3A_150 = vector.broadcast %add3A_149 : i32 to vector<16xi32>
        %add3A_151 = arith.addi %iota3A, %add3A_150 : vector<16xi32>
        %gather3A_152 = tpu.vector_load_idx %arg7[%gather3A_125, %add3A_151] : memref<392x64xf32, #tpu.memory_space<vmem>>[vector<16xi32>, vector<16xi32>], vector<16xf32>,
        %gather3A_153 = tpu.vector_load_idx %arg7[%add3A_130, %add3A_151] : memref<392x64xf32, #tpu.memory_space<vmem>>[vector<16xi32>, vector<16xi32>], vector<16xf32>,
        %mul3A_154 = arith.mulf %gather3A_126, %gather3A_152 : vector<16xf32>
        %add3A_155 = arith.addf %add3A_113, %mul3A_154 : vector<16xf32>
        %mul3A_156 = arith.mulf %gather3A_127, %gather3A_153 : vector<16xf32>
        %add3A_157 = arith.addf %add3A_155, %mul3A_156 : vector<16xf32>
        %add3A_158 = arith.constant 48 : i32
        %add3A_159 = vector.broadcast %add3A_158 : i32 to vector<16xi32>
        %add3A_160 = arith.addi %iota3A, %add3A_159 : vector<16xi32>
        %gather3A_161 = tpu.vector_load_idx %arg7[%gather3A_125, %add3A_160] : memref<392x64xf32, #tpu.memory_space<vmem>>[vector<16xi32>, vector<16xi32>], vector<16xf32>,
        %gather3A_162 = tpu.vector_load_idx %arg7[%add3A_130, %add3A_160] : memref<392x64xf32, #tpu.memory_space<vmem>>[vector<16xi32>, vector<16xi32>], vector<16xf32>,
        %mul3A_163 = arith.mulf %gather3A_126, %gather3A_161 : vector<16xf32>
        %add3A_164 = arith.addf %add3A_122, %mul3A_163 : vector<16xf32>
        %mul3A_165 = arith.mulf %gather3A_127, %gather3A_162 : vector<16xf32>
        %add3A_166 = arith.addf %add3A_164, %mul3A_165 : vector<16xf32>
        %broadcast_in_dim3A_167 = arith.constant 2 : i32
        %broadcast_in_dim3A_168 = vector.broadcast %broadcast_in_dim3A_167 : i32 to vector<16xi32>
        %gather3A_169 = tpu.vector_load_idx %arg8[%broadcast_in_dim3A, %broadcast_in_dim3A_168] : memref<128x17xi32, #tpu.memory_space<vmem>>[vector<16xi32>, vector<16xi32>], vector<16xi32>,
        %gather3A_170 = tpu.vector_load_idx %arg9[%broadcast_in_dim3A, %broadcast_in_dim3A_168] : memref<128x17xf32, #tpu.memory_space<vmem>>[vector<16xi32>, vector<16xi32>], vector<16xf32>,
        %gather3A_171 = tpu.vector_load_idx %arg10[%broadcast_in_dim3A, %broadcast_in_dim3A_168] : memref<128x17xf32, #tpu.memory_space<vmem>>[vector<16xi32>, vector<16xi32>], vector<16xf32>,
        %add3A_172 = arith.constant 1 : i32
        %add3A_173 = vector.broadcast %add3A_172 : i32 to vector<16xi32>
        %add3A_174 = arith.addi %gather3A_169, %add3A_173 : vector<16xi32>
        %add3A_175 = arith.constant 0 : i32
        %add3A_176 = vector.broadcast %add3A_175 : i32 to vector<16xi32>
        %add3A_177 = arith.addi %iota3A, %add3A_176 : vector<16xi32>
        %gather3A_178 = tpu.vector_load_idx %arg7[%gather3A_169, %add3A_177] : memref<392x64xf32, #tpu.memory_space<vmem>>[vector<16xi32>, vector<16xi32>], vector<16xf32>,
        %gather3A_179 = tpu.vector_load_idx %arg7[%add3A_174, %add3A_177] : memref<392x64xf32, #tpu.memory_space<vmem>>[vector<16xi32>, vector<16xi32>], vector<16xf32>,
        %mul3A_180 = arith.mulf %gather3A_170, %gather3A_178 : vector<16xf32>
        %add3A_181 = arith.addf %add3A_139, %mul3A_180 : vector<16xf32>
        %mul3A_182 = arith.mulf %gather3A_171, %gather3A_179 : vector<16xf32>
        %add3A_183 = arith.addf %add3A_181, %mul3A_182 : vector<16xf32>
        %add3A_184 = arith.constant 16 : i32
        %add3A_185 = vector.broadcast %add3A_184 : i32 to vector<16xi32>
        %add3A_186 = arith.addi %iota3A, %add3A_185 : vector<16xi32>
        %gather3A_187 = tpu.vector_load_idx %arg7[%gather3A_169, %add3A_186] : memref<392x64xf32, #tpu.memory_space<vmem>>[vector<16xi32>, vector<16xi32>], vector<16xf32>,
        %gather3A_188 = tpu.vector_load_idx %arg7[%add3A_174, %add3A_186] : memref<392x64xf32, #tpu.memory_space<vmem>>[vector<16xi32>, vector<16xi32>], vector<16xf32>,
        %mul3A_189 = arith.mulf %gather3A_170, %gather3A_187 : vector<16xf32>
        %add3A_190 = arith.addf %add3A_148, %mul3A_189 : vector<16xf32>
        %mul3A_191 = arith.mulf %gather3A_171, %gather3A_188 : vector<16xf32>
        %add3A_192 = arith.addf %add3A_190, %mul3A_191 : vector<16xf32>
        %add3A_193 = arith.constant 32 : i32
        %add3A_194 = vector.broadcast %add3A_193 : i32 to vector<16xi32>
        %add3A_195 = arith.addi %iota3A, %add3A_194 : vector<16xi32>
        %gather3A_196 = tpu.vector_load_idx %arg7[%gather3A_169, %add3A_195] : memref<392x64xf32, #tpu.memory_space<vmem>>[vector<16xi32>, vector<16xi32>], vector<16xf32>,
        %gather3A_197 = tpu.vector_load_idx %arg7[%add3A_174, %add3A_195] : memref<392x64xf32, #tpu.memory_space<vmem>>[vector<16xi32>, vector<16xi32>], vector<16xf32>,
        %mul3A_198 = arith.mulf %gather3A_170, %gather3A_196 : vector<16xf32>
        %add3A_199 = arith.addf %add3A_157, %mul3A_198 : vector<16xf32>
        %mul3A_200 = arith.mulf %gather3A_171, %gather3A_197 : vector<16xf32>
        %add3A_201 = arith.addf %add3A_199, %mul3A_200 : vector<16xf32>
        %add3A_202 = arith.constant 48 : i32
        %add3A_203 = vector.broadcast %add3A_202 : i32 to vector<16xi32>
        %add3A_204 = arith.addi %iota3A, %add3A_203 : vector<16xi32>
        %gather3A_205 = tpu.vector_load_idx %arg7[%gather3A_169, %add3A_204] : memref<392x64xf32, #tpu.memory_space<vmem>>[vector<16xi32>, vector<16xi32>], vector<16xf32>,
        %gather3A_206 = tpu.vector_load_idx %arg7[%add3A_174, %add3A_204] : memref<392x64xf32, #tpu.memory_space<vmem>>[vector<16xi32>, vector<16xi32>], vector<16xf32>,
        %mul3A_207 = arith.mulf %gather3A_170, %gather3A_205 : vector<16xf32>
        %add3A_208 = arith.addf %add3A_166, %mul3A_207 : vector<16xf32>
        %mul3A_209 = arith.mulf %gather3A_171, %gather3A_206 : vector<16xf32>
        %add3A_210 = arith.addf %add3A_208, %mul3A_209 : vector<16xf32>
        %broadcast_in_dim3A_211 = arith.constant 3 : i32
        %broadcast_in_dim3A_212 = vector.broadcast %broadcast_in_dim3A_211 : i32 to vector<16xi32>
        %gather3A_213 = tpu.vector_load_idx %arg8[%broadcast_in_dim3A, %broadcast_in_dim3A_212] : memref<128x17xi32, #tpu.memory_space<vmem>>[vector<16xi32>, vector<16xi32>], vector<16xi32>,
        %gather3A_214 = tpu.vector_load_idx %arg9[%broadcast_in_dim3A, %broadcast_in_dim3A_212] : memref<128x17xf32, #tpu.memory_space<vmem>>[vector<16xi32>, vector<16xi32>], vector<16xf32>,
        %gather3A_215 = tpu.vector_load_idx %arg10[%broadcast_in_dim3A, %broadcast_in_dim3A_212] : memref<128x17xf32, #tpu.memory_space<vmem>>[vector<16xi32>, vector<16xi32>], vector<16xf32>,
        %add3A_216 = arith.constant 1 : i32
        %add3A_217 = vector.broadcast %add3A_216 : i32 to vector<16xi32>
        %add3A_218 = arith.addi %gather3A_213, %add3A_217 : vector<16xi32>
        %add3A_219 = arith.constant 0 : i32
        %add3A_220 = vector.broadcast %add3A_219 : i32 to vector<16xi32>
        %add3A_221 = arith.addi %iota3A, %add3A_220 : vector<16xi32>
        %gather3A_222 = tpu.vector_load_idx %arg7[%gather3A_213, %add3A_221] : memref<392x64xf32, #tpu.memory_space<vmem>>[vector<16xi32>, vector<16xi32>], vector<16xf32>,
        %gather3A_223 = tpu.vector_load_idx %arg7[%add3A_218, %add3A_221] : memref<392x64xf32, #tpu.memory_space<vmem>>[vector<16xi32>, vector<16xi32>], vector<16xf32>,
        %mul3A_224 = arith.mulf %gather3A_214, %gather3A_222 : vector<16xf32>
        %add3A_225 = arith.addf %add3A_183, %mul3A_224 : vector<16xf32>
        %mul3A_226 = arith.mulf %gather3A_215, %gather3A_223 : vector<16xf32>
        %add3A_227 = arith.addf %add3A_225, %mul3A_226 : vector<16xf32>
        %add3A_228 = arith.constant 16 : i32
        %add3A_229 = vector.broadcast %add3A_228 : i32 to vector<16xi32>
        %add3A_230 = arith.addi %iota3A, %add3A_229 : vector<16xi32>
        %gather3A_231 = tpu.vector_load_idx %arg7[%gather3A_213, %add3A_230] : memref<392x64xf32, #tpu.memory_space<vmem>>[vector<16xi32>, vector<16xi32>], vector<16xf32>,
        %gather3A_232 = tpu.vector_load_idx %arg7[%add3A_218, %add3A_230] : memref<392x64xf32, #tpu.memory_space<vmem>>[vector<16xi32>, vector<16xi32>], vector<16xf32>,
        %mul3A_233 = arith.mulf %gather3A_214, %gather3A_231 : vector<16xf32>
        %add3A_234 = arith.addf %add3A_192, %mul3A_233 : vector<16xf32>
        %mul3A_235 = arith.mulf %gather3A_215, %gather3A_232 : vector<16xf32>
        %add3A_236 = arith.addf %add3A_234, %mul3A_235 : vector<16xf32>
        %add3A_237 = arith.constant 32 : i32
        %add3A_238 = vector.broadcast %add3A_237 : i32 to vector<16xi32>
        %add3A_239 = arith.addi %iota3A, %add3A_238 : vector<16xi32>
        %gather3A_240 = tpu.vector_load_idx %arg7[%gather3A_213, %add3A_239] : memref<392x64xf32, #tpu.memory_space<vmem>>[vector<16xi32>, vector<16xi32>], vector<16xf32>,
        %gather3A_241 = tpu.vector_load_idx %arg7[%add3A_218, %add3A_239] : memref<392x64xf32, #tpu.memory_space<vmem>>[vector<16xi32>, vector<16xi32>], vector<16xf32>,
        %mul3A_242 = arith.mulf %gather3A_214, %gather3A_240 : vector<16xf32>
        %add3A_243 = arith.addf %add3A_201, %mul3A_242 : vector<16xf32>
        %mul3A_244 = arith.mulf %gather3A_215, %gather3A_241 : vector<16xf32>
        %add3A_245 = arith.addf %add3A_243, %mul3A_244 : vector<16xf32>
        %add3A_246 = arith.constant 48 : i32
        %add3A_247 = vector.broadcast %add3A_246 : i32 to vector<16xi32>
        %add3A_248 = arith.addi %iota3A, %add3A_247 : vector<16xi32>
        %gather3A_249 = tpu.vector_load_idx %arg7[%gather3A_213, %add3A_248] : memref<392x64xf32, #tpu.memory_space<vmem>>[vector<16xi32>, vector<16xi32>], vector<16xf32>,
        %gather3A_250 = tpu.vector_load_idx %arg7[%add3A_218, %add3A_248] : memref<392x64xf32, #tpu.memory_space<vmem>>[vector<16xi32>, vector<16xi32>], vector<16xf32>,
        %mul3A_251 = arith.mulf %gather3A_214, %gather3A_249 : vector<16xf32>
        %add3A_252 = arith.addf %add3A_210, %mul3A_251 : vector<16xf32>
        %mul3A_253 = arith.mulf %gather3A_215, %gather3A_250 : vector<16xf32>
        %add3A_254 = arith.addf %add3A_252, %mul3A_253 : vector<16xf32>
        %broadcast_in_dim3A_255 = arith.constant 4 : i32
        %broadcast_in_dim3A_256 = vector.broadcast %broadcast_in_dim3A_255 : i32 to vector<16xi32>
        %gather3A_257 = tpu.vector_load_idx %arg8[%broadcast_in_dim3A, %broadcast_in_dim3A_256] : memref<128x17xi32, #tpu.memory_space<vmem>>[vector<16xi32>, vector<16xi32>], vector<16xi32>,
        %gather3A_258 = tpu.vector_load_idx %arg9[%broadcast_in_dim3A, %broadcast_in_dim3A_256] : memref<128x17xf32, #tpu.memory_space<vmem>>[vector<16xi32>, vector<16xi32>], vector<16xf32>,
        %gather3A_259 = tpu.vector_load_idx %arg10[%broadcast_in_dim3A, %broadcast_in_dim3A_256] : memref<128x17xf32, #tpu.memory_space<vmem>>[vector<16xi32>, vector<16xi32>], vector<16xf32>,
        %add3A_260 = arith.constant 1 : i32
        %add3A_261 = vector.broadcast %add3A_260 : i32 to vector<16xi32>
        %add3A_262 = arith.addi %gather3A_257, %add3A_261 : vector<16xi32>
        %add3A_263 = arith.constant 0 : i32
        %add3A_264 = vector.broadcast %add3A_263 : i32 to vector<16xi32>
        %add3A_265 = arith.addi %iota3A, %add3A_264 : vector<16xi32>
        %gather3A_266 = tpu.vector_load_idx %arg7[%gather3A_257, %add3A_265] : memref<392x64xf32, #tpu.memory_space<vmem>>[vector<16xi32>, vector<16xi32>], vector<16xf32>,
        %gather3A_267 = tpu.vector_load_idx %arg7[%add3A_262, %add3A_265] : memref<392x64xf32, #tpu.memory_space<vmem>>[vector<16xi32>, vector<16xi32>], vector<16xf32>,
        %mul3A_268 = arith.mulf %gather3A_258, %gather3A_266 : vector<16xf32>
        %add3A_269 = arith.addf %add3A_227, %mul3A_268 : vector<16xf32>
        %mul3A_270 = arith.mulf %gather3A_259, %gather3A_267 : vector<16xf32>
        %add3A_271 = arith.addf %add3A_269, %mul3A_270 : vector<16xf32>
        %add3A_272 = arith.constant 16 : i32
        %add3A_273 = vector.broadcast %add3A_272 : i32 to vector<16xi32>
        %add3A_274 = arith.addi %iota3A, %add3A_273 : vector<16xi32>
        %gather3A_275 = tpu.vector_load_idx %arg7[%gather3A_257, %add3A_274] : memref<392x64xf32, #tpu.memory_space<vmem>>[vector<16xi32>, vector<16xi32>], vector<16xf32>,
        %gather3A_276 = tpu.vector_load_idx %arg7[%add3A_262, %add3A_274] : memref<392x64xf32, #tpu.memory_space<vmem>>[vector<16xi32>, vector<16xi32>], vector<16xf32>,
        %mul3A_277 = arith.mulf %gather3A_258, %gather3A_275 : vector<16xf32>
        %add3A_278 = arith.addf %add3A_236, %mul3A_277 : vector<16xf32>
        %mul3A_279 = arith.mulf %gather3A_259, %gather3A_276 : vector<16xf32>
        %add3A_280 = arith.addf %add3A_278, %mul3A_279 : vector<16xf32>
        %add3A_281 = arith.constant 32 : i32
        %add3A_282 = vector.broadcast %add3A_281 : i32 to vector<16xi32>
        %add3A_283 = arith.addi %iota3A, %add3A_282 : vector<16xi32>
        %gather3A_284 = tpu.vector_load_idx %arg7[%gather3A_257, %add3A_283] : memref<392x64xf32, #tpu.memory_space<vmem>>[vector<16xi32>, vector<16xi32>], vector<16xf32>,
        %gather3A_285 = tpu.vector_load_idx %arg7[%add3A_262, %add3A_283] : memref<392x64xf32, #tpu.memory_space<vmem>>[vector<16xi32>, vector<16xi32>], vector<16xf32>,
        %mul3A_286 = arith.mulf %gather3A_258, %gather3A_284 : vector<16xf32>
        %add3A_287 = arith.addf %add3A_245, %mul3A_286 : vector<16xf32>
        %mul3A_288 = arith.mulf %gather3A_259, %gather3A_285 : vector<16xf32>
        %add3A_289 = arith.addf %add3A_287, %mul3A_288 : vector<16xf32>
        %add3A_290 = arith.constant 48 : i32
        %add3A_291 = vector.broadcast %add3A_290 : i32 to vector<16xi32>
        %add3A_292 = arith.addi %iota3A, %add3A_291 : vector<16xi32>
        %gather3A_293 = tpu.vector_load_idx %arg7[%gather3A_257, %add3A_292] : memref<392x64xf32, #tpu.memory_space<vmem>>[vector<16xi32>, vector<16xi32>], vector<16xf32>,
        %gather3A_294 = tpu.vector_load_idx %arg7[%add3A_262, %add3A_292] : memref<392x64xf32, #tpu.memory_space<vmem>>[vector<16xi32>, vector<16xi32>], vector<16xf32>,
        %mul3A_295 = arith.mulf %gather3A_258, %gather3A_293 : vector<16xf32>
        %add3A_296 = arith.addf %add3A_254, %mul3A_295 : vector<16xf32>
        %mul3A_297 = arith.mulf %gather3A_259, %gather3A_294 : vector<16xf32>
        %add3A_298 = arith.addf %add3A_296, %mul3A_297 : vector<16xf32>
        %broadcast_in_dim3A_299 = arith.constant 5 : i32
        %broadcast_in_dim3A_300 = vector.broadcast %broadcast_in_dim3A_299 : i32 to vector<16xi32>
        %gather3A_301 = tpu.vector_load_idx %arg8[%broadcast_in_dim3A, %broadcast_in_dim3A_300] : memref<128x17xi32, #tpu.memory_space<vmem>>[vector<16xi32>, vector<16xi32>], vector<16xi32>,
        %gather3A_302 = tpu.vector_load_idx %arg9[%broadcast_in_dim3A, %broadcast_in_dim3A_300] : memref<128x17xf32, #tpu.memory_space<vmem>>[vector<16xi32>, vector<16xi32>], vector<16xf32>,
        %gather3A_303 = tpu.vector_load_idx %arg10[%broadcast_in_dim3A, %broadcast_in_dim3A_300] : memref<128x17xf32, #tpu.memory_space<vmem>>[vector<16xi32>, vector<16xi32>], vector<16xf32>,
        %add3A_304 = arith.constant 1 : i32
        %add3A_305 = vector.broadcast %add3A_304 : i32 to vector<16xi32>
        %add3A_306 = arith.addi %gather3A_301, %add3A_305 : vector<16xi32>
        %add3A_307 = arith.constant 0 : i32
        %add3A_308 = vector.broadcast %add3A_307 : i32 to vector<16xi32>
        %add3A_309 = arith.addi %iota3A, %add3A_308 : vector<16xi32>
        %gather3A_310 = tpu.vector_load_idx %arg7[%gather3A_301, %add3A_309] : memref<392x64xf32, #tpu.memory_space<vmem>>[vector<16xi32>, vector<16xi32>], vector<16xf32>,
        %gather3A_311 = tpu.vector_load_idx %arg7[%add3A_306, %add3A_309] : memref<392x64xf32, #tpu.memory_space<vmem>>[vector<16xi32>, vector<16xi32>], vector<16xf32>,
        %mul3A_312 = arith.mulf %gather3A_302, %gather3A_310 : vector<16xf32>
        %add3A_313 = arith.addf %add3A_271, %mul3A_312 : vector<16xf32>
        %mul3A_314 = arith.mulf %gather3A_303, %gather3A_311 : vector<16xf32>
        %add3A_315 = arith.addf %add3A_313, %mul3A_314 : vector<16xf32>
        %add3A_316 = arith.constant 16 : i32
        %add3A_317 = vector.broadcast %add3A_316 : i32 to vector<16xi32>
        %add3A_318 = arith.addi %iota3A, %add3A_317 : vector<16xi32>
        %gather3A_319 = tpu.vector_load_idx %arg7[%gather3A_301, %add3A_318] : memref<392x64xf32, #tpu.memory_space<vmem>>[vector<16xi32>, vector<16xi32>], vector<16xf32>,
        %gather3A_320 = tpu.vector_load_idx %arg7[%add3A_306, %add3A_318] : memref<392x64xf32, #tpu.memory_space<vmem>>[vector<16xi32>, vector<16xi32>], vector<16xf32>,
        %mul3A_321 = arith.mulf %gather3A_302, %gather3A_319 : vector<16xf32>
        %add3A_322 = arith.addf %add3A_280, %mul3A_321 : vector<16xf32>
        %mul3A_323 = arith.mulf %gather3A_303, %gather3A_320 : vector<16xf32>
        %add3A_324 = arith.addf %add3A_322, %mul3A_323 : vector<16xf32>
        %add3A_325 = arith.constant 32 : i32
        %add3A_326 = vector.broadcast %add3A_325 : i32 to vector<16xi32>
        %add3A_327 = arith.addi %iota3A, %add3A_326 : vector<16xi32>
        %gather3A_328 = tpu.vector_load_idx %arg7[%gather3A_301, %add3A_327] : memref<392x64xf32, #tpu.memory_space<vmem>>[vector<16xi32>, vector<16xi32>], vector<16xf32>,
        %gather3A_329 = tpu.vector_load_idx %arg7[%add3A_306, %add3A_327] : memref<392x64xf32, #tpu.memory_space<vmem>>[vector<16xi32>, vector<16xi32>], vector<16xf32>,
        %mul3A_330 = arith.mulf %gather3A_302, %gather3A_328 : vector<16xf32>
        %add3A_331 = arith.addf %add3A_289, %mul3A_330 : vector<16xf32>
        %mul3A_332 = arith.mulf %gather3A_303, %gather3A_329 : vector<16xf32>
        %add3A_333 = arith.addf %add3A_331, %mul3A_332 : vector<16xf32>
        %add3A_334 = arith.constant 48 : i32
        %add3A_335 = vector.broadcast %add3A_334 : i32 to vector<16xi32>
        %add3A_336 = arith.addi %iota3A, %add3A_335 : vector<16xi32>
        %gather3A_337 = tpu.vector_load_idx %arg7[%gather3A_301, %add3A_336] : memref<392x64xf32, #tpu.memory_space<vmem>>[vector<16xi32>, vector<16xi32>], vector<16xf32>,
        %gather3A_338 = tpu.vector_load_idx %arg7[%add3A_306, %add3A_336] : memref<392x64xf32, #tpu.memory_space<vmem>>[vector<16xi32>, vector<16xi32>], vector<16xf32>,
        %mul3A_339 = arith.mulf %gather3A_302, %gather3A_337 : vector<16xf32>
        %add3A_340 = arith.addf %add3A_298, %mul3A_339 : vector<16xf32>
        %mul3A_341 = arith.mulf %gather3A_303, %gather3A_338 : vector<16xf32>
        %add3A_342 = arith.addf %add3A_340, %mul3A_341 : vector<16xf32>
        %broadcast_in_dim3A_343 = arith.constant 6 : i32
        %broadcast_in_dim3A_344 = vector.broadcast %broadcast_in_dim3A_343 : i32 to vector<16xi32>
        %gather3A_345 = tpu.vector_load_idx %arg8[%broadcast_in_dim3A, %broadcast_in_dim3A_344] : memref<128x17xi32, #tpu.memory_space<vmem>>[vector<16xi32>, vector<16xi32>], vector<16xi32>,
        %gather3A_346 = tpu.vector_load_idx %arg9[%broadcast_in_dim3A, %broadcast_in_dim3A_344] : memref<128x17xf32, #tpu.memory_space<vmem>>[vector<16xi32>, vector<16xi32>], vector<16xf32>,
        %gather3A_347 = tpu.vector_load_idx %arg10[%broadcast_in_dim3A, %broadcast_in_dim3A_344] : memref<128x17xf32, #tpu.memory_space<vmem>>[vector<16xi32>, vector<16xi32>], vector<16xf32>,
        %add3A_348 = arith.constant 1 : i32
        %add3A_349 = vector.broadcast %add3A_348 : i32 to vector<16xi32>
        %add3A_350 = arith.addi %gather3A_345, %add3A_349 : vector<16xi32>
        %add3A_351 = arith.constant 0 : i32
        %add3A_352 = vector.broadcast %add3A_351 : i32 to vector<16xi32>
        %add3A_353 = arith.addi %iota3A, %add3A_352 : vector<16xi32>
        %gather3A_354 = tpu.vector_load_idx %arg7[%gather3A_345, %add3A_353] : memref<392x64xf32, #tpu.memory_space<vmem>>[vector<16xi32>, vector<16xi32>], vector<16xf32>,
        %gather3A_355 = tpu.vector_load_idx %arg7[%add3A_350, %add3A_353] : memref<392x64xf32, #tpu.memory_space<vmem>>[vector<16xi32>, vector<16xi32>], vector<16xf32>,
        %mul3A_356 = arith.mulf %gather3A_346, %gather3A_354 : vector<16xf32>
        %add3A_357 = arith.addf %add3A_315, %mul3A_356 : vector<16xf32>
        %mul3A_358 = arith.mulf %gather3A_347, %gather3A_355 : vector<16xf32>
        %add3A_359 = arith.addf %add3A_357, %mul3A_358 : vector<16xf32>
        %add3A_360 = arith.constant 16 : i32
        %add3A_361 = vector.broadcast %add3A_360 : i32 to vector<16xi32>
        %add3A_362 = arith.addi %iota3A, %add3A_361 : vector<16xi32>
        %gather3A_363 = tpu.vector_load_idx %arg7[%gather3A_345, %add3A_362] : memref<392x64xf32, #tpu.memory_space<vmem>>[vector<16xi32>, vector<16xi32>], vector<16xf32>,
        %gather3A_364 = tpu.vector_load_idx %arg7[%add3A_350, %add3A_362] : memref<392x64xf32, #tpu.memory_space<vmem>>[vector<16xi32>, vector<16xi32>], vector<16xf32>,
        %mul3A_365 = arith.mulf %gather3A_346, %gather3A_363 : vector<16xf32>
        %add3A_366 = arith.addf %add3A_324, %mul3A_365 : vector<16xf32>
        %mul3A_367 = arith.mulf %gather3A_347, %gather3A_364 : vector<16xf32>
        %add3A_368 = arith.addf %add3A_366, %mul3A_367 : vector<16xf32>
        %add3A_369 = arith.constant 32 : i32
        %add3A_370 = vector.broadcast %add3A_369 : i32 to vector<16xi32>
        %add3A_371 = arith.addi %iota3A, %add3A_370 : vector<16xi32>
        %gather3A_372 = tpu.vector_load_idx %arg7[%gather3A_345, %add3A_371] : memref<392x64xf32, #tpu.memory_space<vmem>>[vector<16xi32>, vector<16xi32>], vector<16xf32>,
        %gather3A_373 = tpu.vector_load_idx %arg7[%add3A_350, %add3A_371] : memref<392x64xf32, #tpu.memory_space<vmem>>[vector<16xi32>, vector<16xi32>], vector<16xf32>,
        %mul3A_374 = arith.mulf %gather3A_346, %gather3A_372 : vector<16xf32>
        %add3A_375 = arith.addf %add3A_333, %mul3A_374 : vector<16xf32>
        %mul3A_376 = arith.mulf %gather3A_347, %gather3A_373 : vector<16xf32>
        %add3A_377 = arith.addf %add3A_375, %mul3A_376 : vector<16xf32>
        %add3A_378 = arith.constant 48 : i32
        %add3A_379 = vector.broadcast %add3A_378 : i32 to vector<16xi32>
        %add3A_380 = arith.addi %iota3A, %add3A_379 : vector<16xi32>
        %gather3A_381 = tpu.vector_load_idx %arg7[%gather3A_345, %add3A_380] : memref<392x64xf32, #tpu.memory_space<vmem>>[vector<16xi32>, vector<16xi32>], vector<16xf32>,
        %gather3A_382 = tpu.vector_load_idx %arg7[%add3A_350, %add3A_380] : memref<392x64xf32, #tpu.memory_space<vmem>>[vector<16xi32>, vector<16xi32>], vector<16xf32>,
        %mul3A_383 = arith.mulf %gather3A_346, %gather3A_381 : vector<16xf32>
        %add3A_384 = arith.addf %add3A_342, %mul3A_383 : vector<16xf32>
        %mul3A_385 = arith.mulf %gather3A_347, %gather3A_382 : vector<16xf32>
        %add3A_386 = arith.addf %add3A_384, %mul3A_385 : vector<16xf32>
        %broadcast_in_dim3A_387 = arith.constant 7 : i32
        %broadcast_in_dim3A_388 = vector.broadcast %broadcast_in_dim3A_387 : i32 to vector<16xi32>
        %gather3A_389 = tpu.vector_load_idx %arg8[%broadcast_in_dim3A, %broadcast_in_dim3A_388] : memref<128x17xi32, #tpu.memory_space<vmem>>[vector<16xi32>, vector<16xi32>], vector<16xi32>,
        %gather3A_390 = tpu.vector_load_idx %arg9[%broadcast_in_dim3A, %broadcast_in_dim3A_388] : memref<128x17xf32, #tpu.memory_space<vmem>>[vector<16xi32>, vector<16xi32>], vector<16xf32>,
        %gather3A_391 = tpu.vector_load_idx %arg10[%broadcast_in_dim3A, %broadcast_in_dim3A_388] : memref<128x17xf32, #tpu.memory_space<vmem>>[vector<16xi32>, vector<16xi32>], vector<16xf32>,
        %add3A_392 = arith.constant 1 : i32
        %add3A_393 = vector.broadcast %add3A_392 : i32 to vector<16xi32>
        %add3A_394 = arith.addi %gather3A_389, %add3A_393 : vector<16xi32>
        %add3A_395 = arith.constant 0 : i32
        %add3A_396 = vector.broadcast %add3A_395 : i32 to vector<16xi32>
        %add3A_397 = arith.addi %iota3A, %add3A_396 : vector<16xi32>
        %gather3A_398 = tpu.vector_load_idx %arg7[%gather3A_389, %add3A_397] : memref<392x64xf32, #tpu.memory_space<vmem>>[vector<16xi32>, vector<16xi32>], vector<16xf32>,
        %gather3A_399 = tpu.vector_load_idx %arg7[%add3A_394, %add3A_397] : memref<392x64xf32, #tpu.memory_space<vmem>>[vector<16xi32>, vector<16xi32>], vector<16xf32>,
        %mul3A_400 = arith.mulf %gather3A_390, %gather3A_398 : vector<16xf32>
        %add3A_401 = arith.addf %add3A_359, %mul3A_400 : vector<16xf32>
        %mul3A_402 = arith.mulf %gather3A_391, %gather3A_399 : vector<16xf32>
        %add3A_403 = arith.addf %add3A_401, %mul3A_402 : vector<16xf32>
        %add3A_404 = arith.constant 16 : i32
        %add3A_405 = vector.broadcast %add3A_404 : i32 to vector<16xi32>
        %add3A_406 = arith.addi %iota3A, %add3A_405 : vector<16xi32>
        %gather3A_407 = tpu.vector_load_idx %arg7[%gather3A_389, %add3A_406] : memref<392x64xf32, #tpu.memory_space<vmem>>[vector<16xi32>, vector<16xi32>], vector<16xf32>,
        %gather3A_408 = tpu.vector_load_idx %arg7[%add3A_394, %add3A_406] : memref<392x64xf32, #tpu.memory_space<vmem>>[vector<16xi32>, vector<16xi32>], vector<16xf32>,
        %mul3A_409 = arith.mulf %gather3A_390, %gather3A_407 : vector<16xf32>
        %add3A_410 = arith.addf %add3A_368, %mul3A_409 : vector<16xf32>
        %mul3A_411 = arith.mulf %gather3A_391, %gather3A_408 : vector<16xf32>
        %add3A_412 = arith.addf %add3A_410, %mul3A_411 : vector<16xf32>
        %add3A_413 = arith.constant 32 : i32
        %add3A_414 = vector.broadcast %add3A_413 : i32 to vector<16xi32>
        %add3A_415 = arith.addi %iota3A, %add3A_414 : vector<16xi32>
        %gather3A_416 = tpu.vector_load_idx %arg7[%gather3A_389, %add3A_415] : memref<392x64xf32, #tpu.memory_space<vmem>>[vector<16xi32>, vector<16xi32>], vector<16xf32>,
        %gather3A_417 = tpu.vector_load_idx %arg7[%add3A_394, %add3A_415] : memref<392x64xf32, #tpu.memory_space<vmem>>[vector<16xi32>, vector<16xi32>], vector<16xf32>,
        %mul3A_418 = arith.mulf %gather3A_390, %gather3A_416 : vector<16xf32>
        %add3A_419 = arith.addf %add3A_377, %mul3A_418 : vector<16xf32>
        %mul3A_420 = arith.mulf %gather3A_391, %gather3A_417 : vector<16xf32>
        %add3A_421 = arith.addf %add3A_419, %mul3A_420 : vector<16xf32>
        %add3A_422 = arith.constant 48 : i32
        %add3A_423 = vector.broadcast %add3A_422 : i32 to vector<16xi32>
        %add3A_424 = arith.addi %iota3A, %add3A_423 : vector<16xi32>
        %gather3A_425 = tpu.vector_load_idx %arg7[%gather3A_389, %add3A_424] : memref<392x64xf32, #tpu.memory_space<vmem>>[vector<16xi32>, vector<16xi32>], vector<16xf32>,
        %gather3A_426 = tpu.vector_load_idx %arg7[%add3A_394, %add3A_424] : memref<392x64xf32, #tpu.memory_space<vmem>>[vector<16xi32>, vector<16xi32>], vector<16xf32>,
        %mul3A_427 = arith.mulf %gather3A_390, %gather3A_425 : vector<16xf32>
        %add3A_428 = arith.addf %add3A_386, %mul3A_427 : vector<16xf32>
        %mul3A_429 = arith.mulf %gather3A_391, %gather3A_426 : vector<16xf32>
        %add3A_430 = arith.addf %add3A_428, %mul3A_429 : vector<16xf32>
        %broadcast_in_dim3A_431 = arith.constant 8 : i32
        %broadcast_in_dim3A_432 = vector.broadcast %broadcast_in_dim3A_431 : i32 to vector<16xi32>
        %gather3A_433 = tpu.vector_load_idx %arg8[%broadcast_in_dim3A, %broadcast_in_dim3A_432] : memref<128x17xi32, #tpu.memory_space<vmem>>[vector<16xi32>, vector<16xi32>], vector<16xi32>,
        %gather3A_434 = tpu.vector_load_idx %arg9[%broadcast_in_dim3A, %broadcast_in_dim3A_432] : memref<128x17xf32, #tpu.memory_space<vmem>>[vector<16xi32>, vector<16xi32>], vector<16xf32>,
        %gather3A_435 = tpu.vector_load_idx %arg10[%broadcast_in_dim3A, %broadcast_in_dim3A_432] : memref<128x17xf32, #tpu.memory_space<vmem>>[vector<16xi32>, vector<16xi32>], vector<16xf32>,
        %add3A_436 = arith.constant 1 : i32
        %add3A_437 = vector.broadcast %add3A_436 : i32 to vector<16xi32>
        %add3A_438 = arith.addi %gather3A_433, %add3A_437 : vector<16xi32>
        %add3A_439 = arith.constant 0 : i32
        %add3A_440 = vector.broadcast %add3A_439 : i32 to vector<16xi32>
        %add3A_441 = arith.addi %iota3A, %add3A_440 : vector<16xi32>
        %gather3A_442 = tpu.vector_load_idx %arg7[%gather3A_433, %add3A_441] : memref<392x64xf32, #tpu.memory_space<vmem>>[vector<16xi32>, vector<16xi32>], vector<16xf32>,
        %gather3A_443 = tpu.vector_load_idx %arg7[%add3A_438, %add3A_441] : memref<392x64xf32, #tpu.memory_space<vmem>>[vector<16xi32>, vector<16xi32>], vector<16xf32>,
        %mul3A_444 = arith.mulf %gather3A_434, %gather3A_442 : vector<16xf32>
        %add3A_445 = arith.addf %add3A_403, %mul3A_444 : vector<16xf32>
        %mul3A_446 = arith.mulf %gather3A_435, %gather3A_443 : vector<16xf32>
        %add3A_447 = arith.addf %add3A_445, %mul3A_446 : vector<16xf32>
        %add3A_448 = arith.constant 16 : i32
        %add3A_449 = vector.broadcast %add3A_448 : i32 to vector<16xi32>
        %add3A_450 = arith.addi %iota3A, %add3A_449 : vector<16xi32>
        %gather3A_451 = tpu.vector_load_idx %arg7[%gather3A_433, %add3A_450] : memref<392x64xf32, #tpu.memory_space<vmem>>[vector<16xi32>, vector<16xi32>], vector<16xf32>,
        %gather3A_452 = tpu.vector_load_idx %arg7[%add3A_438, %add3A_450] : memref<392x64xf32, #tpu.memory_space<vmem>>[vector<16xi32>, vector<16xi32>], vector<16xf32>,
        %mul3A_453 = arith.mulf %gather3A_434, %gather3A_451 : vector<16xf32>
        %add3A_454 = arith.addf %add3A_412, %mul3A_453 : vector<16xf32>
        %mul3A_455 = arith.mulf %gather3A_435, %gather3A_452 : vector<16xf32>
        %add3A_456 = arith.addf %add3A_454, %mul3A_455 : vector<16xf32>
        %add3A_457 = arith.constant 32 : i32
        %add3A_458 = vector.broadcast %add3A_457 : i32 to vector<16xi32>
        %add3A_459 = arith.addi %iota3A, %add3A_458 : vector<16xi32>
        %gather3A_460 = tpu.vector_load_idx %arg7[%gather3A_433, %add3A_459] : memref<392x64xf32, #tpu.memory_space<vmem>>[vector<16xi32>, vector<16xi32>], vector<16xf32>,
        %gather3A_461 = tpu.vector_load_idx %arg7[%add3A_438, %add3A_459] : memref<392x64xf32, #tpu.memory_space<vmem>>[vector<16xi32>, vector<16xi32>], vector<16xf32>,
        %mul3A_462 = arith.mulf %gather3A_434, %gather3A_460 : vector<16xf32>
        %add3A_463 = arith.addf %add3A_421, %mul3A_462 : vector<16xf32>
        %mul3A_464 = arith.mulf %gather3A_435, %gather3A_461 : vector<16xf32>
        %add3A_465 = arith.addf %add3A_463, %mul3A_464 : vector<16xf32>
        %add3A_466 = arith.constant 48 : i32
        %add3A_467 = vector.broadcast %add3A_466 : i32 to vector<16xi32>
        %add3A_468 = arith.addi %iota3A, %add3A_467 : vector<16xi32>
        %gather3A_469 = tpu.vector_load_idx %arg7[%gather3A_433, %add3A_468] : memref<392x64xf32, #tpu.memory_space<vmem>>[vector<16xi32>, vector<16xi32>], vector<16xf32>,
        %gather3A_470 = tpu.vector_load_idx %arg7[%add3A_438, %add3A_468] : memref<392x64xf32, #tpu.memory_space<vmem>>[vector<16xi32>, vector<16xi32>], vector<16xf32>,
        %mul3A_471 = arith.mulf %gather3A_434, %gather3A_469 : vector<16xf32>
        %add3A_472 = arith.addf %add3A_430, %mul3A_471 : vector<16xf32>
        %mul3A_473 = arith.mulf %gather3A_435, %gather3A_470 : vector<16xf32>
        %add3A_474 = arith.addf %add3A_472, %mul3A_473 : vector<16xf32>
        %broadcast_in_dim3A_475 = arith.constant 9 : i32
        %broadcast_in_dim3A_476 = vector.broadcast %broadcast_in_dim3A_475 : i32 to vector<16xi32>
        %gather3A_477 = tpu.vector_load_idx %arg8[%broadcast_in_dim3A, %broadcast_in_dim3A_476] : memref<128x17xi32, #tpu.memory_space<vmem>>[vector<16xi32>, vector<16xi32>], vector<16xi32>,
        %gather3A_478 = tpu.vector_load_idx %arg9[%broadcast_in_dim3A, %broadcast_in_dim3A_476] : memref<128x17xf32, #tpu.memory_space<vmem>>[vector<16xi32>, vector<16xi32>], vector<16xf32>,
        %gather3A_479 = tpu.vector_load_idx %arg10[%broadcast_in_dim3A, %broadcast_in_dim3A_476] : memref<128x17xf32, #tpu.memory_space<vmem>>[vector<16xi32>, vector<16xi32>], vector<16xf32>,
        %add3A_480 = arith.constant 1 : i32
        %add3A_481 = vector.broadcast %add3A_480 : i32 to vector<16xi32>
        %add3A_482 = arith.addi %gather3A_477, %add3A_481 : vector<16xi32>
        %add3A_483 = arith.constant 0 : i32
        %add3A_484 = vector.broadcast %add3A_483 : i32 to vector<16xi32>
        %add3A_485 = arith.addi %iota3A, %add3A_484 : vector<16xi32>
        %gather3A_486 = tpu.vector_load_idx %arg7[%gather3A_477, %add3A_485] : memref<392x64xf32, #tpu.memory_space<vmem>>[vector<16xi32>, vector<16xi32>], vector<16xf32>,
        %gather3A_487 = tpu.vector_load_idx %arg7[%add3A_482, %add3A_485] : memref<392x64xf32, #tpu.memory_space<vmem>>[vector<16xi32>, vector<16xi32>], vector<16xf32>,
        %mul3A_488 = arith.mulf %gather3A_478, %gather3A_486 : vector<16xf32>
        %add3A_489 = arith.addf %add3A_447, %mul3A_488 : vector<16xf32>
        %mul3A_490 = arith.mulf %gather3A_479, %gather3A_487 : vector<16xf32>
        %add3A_491 = arith.addf %add3A_489, %mul3A_490 : vector<16xf32>
        %add3A_492 = arith.constant 16 : i32
        %add3A_493 = vector.broadcast %add3A_492 : i32 to vector<16xi32>
        %add3A_494 = arith.addi %iota3A, %add3A_493 : vector<16xi32>
        %gather3A_495 = tpu.vector_load_idx %arg7[%gather3A_477, %add3A_494] : memref<392x64xf32, #tpu.memory_space<vmem>>[vector<16xi32>, vector<16xi32>], vector<16xf32>,
        %gather3A_496 = tpu.vector_load_idx %arg7[%add3A_482, %add3A_494] : memref<392x64xf32, #tpu.memory_space<vmem>>[vector<16xi32>, vector<16xi32>], vector<16xf32>,
        %mul3A_497 = arith.mulf %gather3A_478, %gather3A_495 : vector<16xf32>
        %add3A_498 = arith.addf %add3A_456, %mul3A_497 : vector<16xf32>
        %mul3A_499 = arith.mulf %gather3A_479, %gather3A_496 : vector<16xf32>
        %add3A_500 = arith.addf %add3A_498, %mul3A_499 : vector<16xf32>
        %add3A_501 = arith.constant 32 : i32
        %add3A_502 = vector.broadcast %add3A_501 : i32 to vector<16xi32>
        %add3A_503 = arith.addi %iota3A, %add3A_502 : vector<16xi32>
        %gather3A_504 = tpu.vector_load_idx %arg7[%gather3A_477, %add3A_503] : memref<392x64xf32, #tpu.memory_space<vmem>>[vector<16xi32>, vector<16xi32>], vector<16xf32>,
        %gather3A_505 = tpu.vector_load_idx %arg7[%add3A_482, %add3A_503] : memref<392x64xf32, #tpu.memory_space<vmem>>[vector<16xi32>, vector<16xi32>], vector<16xf32>,
        %mul3A_506 = arith.mulf %gather3A_478, %gather3A_504 : vector<16xf32>
        %add3A_507 = arith.addf %add3A_465, %mul3A_506 : vector<16xf32>
        %mul3A_508 = arith.mulf %gather3A_479, %gather3A_505 : vector<16xf32>
        %add3A_509 = arith.addf %add3A_507, %mul3A_508 : vector<16xf32>
        %add3A_510 = arith.constant 48 : i32
        %add3A_511 = vector.broadcast %add3A_510 : i32 to vector<16xi32>
        %add3A_512 = arith.addi %iota3A, %add3A_511 : vector<16xi32>
        %gather3A_513 = tpu.vector_load_idx %arg7[%gather3A_477, %add3A_512] : memref<392x64xf32, #tpu.memory_space<vmem>>[vector<16xi32>, vector<16xi32>], vector<16xf32>,
        %gather3A_514 = tpu.vector_load_idx %arg7[%add3A_482, %add3A_512] : memref<392x64xf32, #tpu.memory_space<vmem>>[vector<16xi32>, vector<16xi32>], vector<16xf32>,
        %mul3A_515 = arith.mulf %gather3A_478, %gather3A_513 : vector<16xf32>
        %add3A_516 = arith.addf %add3A_474, %mul3A_515 : vector<16xf32>
        %mul3A_517 = arith.mulf %gather3A_479, %gather3A_514 : vector<16xf32>
        %add3A_518 = arith.addf %add3A_516, %mul3A_517 : vector<16xf32>
        %broadcast_in_dim3A_519 = arith.constant 10 : i32
        %broadcast_in_dim3A_520 = vector.broadcast %broadcast_in_dim3A_519 : i32 to vector<16xi32>
        %gather3A_521 = tpu.vector_load_idx %arg8[%broadcast_in_dim3A, %broadcast_in_dim3A_520] : memref<128x17xi32, #tpu.memory_space<vmem>>[vector<16xi32>, vector<16xi32>], vector<16xi32>,
        %gather3A_522 = tpu.vector_load_idx %arg9[%broadcast_in_dim3A, %broadcast_in_dim3A_520] : memref<128x17xf32, #tpu.memory_space<vmem>>[vector<16xi32>, vector<16xi32>], vector<16xf32>,
        %gather3A_523 = tpu.vector_load_idx %arg10[%broadcast_in_dim3A, %broadcast_in_dim3A_520] : memref<128x17xf32, #tpu.memory_space<vmem>>[vector<16xi32>, vector<16xi32>], vector<16xf32>,
        %add3A_524 = arith.constant 1 : i32
        %add3A_525 = vector.broadcast %add3A_524 : i32 to vector<16xi32>
        %add3A_526 = arith.addi %gather3A_521, %add3A_525 : vector<16xi32>
        %add3A_527 = arith.constant 0 : i32
        %add3A_528 = vector.broadcast %add3A_527 : i32 to vector<16xi32>
        %add3A_529 = arith.addi %iota3A, %add3A_528 : vector<16xi32>
        %gather3A_530 = tpu.vector_load_idx %arg7[%gather3A_521, %add3A_529] : memref<392x64xf32, #tpu.memory_space<vmem>>[vector<16xi32>, vector<16xi32>], vector<16xf32>,
        %gather3A_531 = tpu.vector_load_idx %arg7[%add3A_526, %add3A_529] : memref<392x64xf32, #tpu.memory_space<vmem>>[vector<16xi32>, vector<16xi32>], vector<16xf32>,
        %mul3A_532 = arith.mulf %gather3A_522, %gather3A_530 : vector<16xf32>
        %add3A_533 = arith.addf %add3A_491, %mul3A_532 : vector<16xf32>
        %mul3A_534 = arith.mulf %gather3A_523, %gather3A_531 : vector<16xf32>
        %add3A_535 = arith.addf %add3A_533, %mul3A_534 : vector<16xf32>
        %add3A_536 = arith.constant 16 : i32
        %add3A_537 = vector.broadcast %add3A_536 : i32 to vector<16xi32>
        %add3A_538 = arith.addi %iota3A, %add3A_537 : vector<16xi32>
        %gather3A_539 = tpu.vector_load_idx %arg7[%gather3A_521, %add3A_538] : memref<392x64xf32, #tpu.memory_space<vmem>>[vector<16xi32>, vector<16xi32>], vector<16xf32>,
        %gather3A_540 = tpu.vector_load_idx %arg7[%add3A_526, %add3A_538] : memref<392x64xf32, #tpu.memory_space<vmem>>[vector<16xi32>, vector<16xi32>], vector<16xf32>,
        %mul3A_541 = arith.mulf %gather3A_522, %gather3A_539 : vector<16xf32>
        %add3A_542 = arith.addf %add3A_500, %mul3A_541 : vector<16xf32>
        %mul3A_543 = arith.mulf %gather3A_523, %gather3A_540 : vector<16xf32>
        %add3A_544 = arith.addf %add3A_542, %mul3A_543 : vector<16xf32>
        %add3A_545 = arith.constant 32 : i32
        %add3A_546 = vector.broadcast %add3A_545 : i32 to vector<16xi32>
        %add3A_547 = arith.addi %iota3A, %add3A_546 : vector<16xi32>
        %gather3A_548 = tpu.vector_load_idx %arg7[%gather3A_521, %add3A_547] : memref<392x64xf32, #tpu.memory_space<vmem>>[vector<16xi32>, vector<16xi32>], vector<16xf32>,
        %gather3A_549 = tpu.vector_load_idx %arg7[%add3A_526, %add3A_547] : memref<392x64xf32, #tpu.memory_space<vmem>>[vector<16xi32>, vector<16xi32>], vector<16xf32>,
        %mul3A_550 = arith.mulf %gather3A_522, %gather3A_548 : vector<16xf32>
        %add3A_551 = arith.addf %add3A_509, %mul3A_550 : vector<16xf32>
        %mul3A_552 = arith.mulf %gather3A_523, %gather3A_549 : vector<16xf32>
        %add3A_553 = arith.addf %add3A_551, %mul3A_552 : vector<16xf32>
        %add3A_554 = arith.constant 48 : i32
        %add3A_555 = vector.broadcast %add3A_554 : i32 to vector<16xi32>
        %add3A_556 = arith.addi %iota3A, %add3A_555 : vector<16xi32>
        %gather3A_557 = tpu.vector_load_idx %arg7[%gather3A_521, %add3A_556] : memref<392x64xf32, #tpu.memory_space<vmem>>[vector<16xi32>, vector<16xi32>], vector<16xf32>,
        %gather3A_558 = tpu.vector_load_idx %arg7[%add3A_526, %add3A_556] : memref<392x64xf32, #tpu.memory_space<vmem>>[vector<16xi32>, vector<16xi32>], vector<16xf32>,
        %mul3A_559 = arith.mulf %gather3A_522, %gather3A_557 : vector<16xf32>
        %add3A_560 = arith.addf %add3A_518, %mul3A_559 : vector<16xf32>
        %mul3A_561 = arith.mulf %gather3A_523, %gather3A_558 : vector<16xf32>
        %add3A_562 = arith.addf %add3A_560, %mul3A_561 : vector<16xf32>
        %broadcast_in_dim3A_563 = arith.constant 11 : i32
        %broadcast_in_dim3A_564 = vector.broadcast %broadcast_in_dim3A_563 : i32 to vector<16xi32>
        %gather3A_565 = tpu.vector_load_idx %arg8[%broadcast_in_dim3A, %broadcast_in_dim3A_564] : memref<128x17xi32, #tpu.memory_space<vmem>>[vector<16xi32>, vector<16xi32>], vector<16xi32>,
        %gather3A_566 = tpu.vector_load_idx %arg9[%broadcast_in_dim3A, %broadcast_in_dim3A_564] : memref<128x17xf32, #tpu.memory_space<vmem>>[vector<16xi32>, vector<16xi32>], vector<16xf32>,
        %gather3A_567 = tpu.vector_load_idx %arg10[%broadcast_in_dim3A, %broadcast_in_dim3A_564] : memref<128x17xf32, #tpu.memory_space<vmem>>[vector<16xi32>, vector<16xi32>], vector<16xf32>,
        %add3A_568 = arith.constant 1 : i32
        %add3A_569 = vector.broadcast %add3A_568 : i32 to vector<16xi32>
        %add3A_570 = arith.addi %gather3A_565, %add3A_569 : vector<16xi32>
        %add3A_571 = arith.constant 0 : i32
        %add3A_572 = vector.broadcast %add3A_571 : i32 to vector<16xi32>
        %add3A_573 = arith.addi %iota3A, %add3A_572 : vector<16xi32>
        %gather3A_574 = tpu.vector_load_idx %arg7[%gather3A_565, %add3A_573] : memref<392x64xf32, #tpu.memory_space<vmem>>[vector<16xi32>, vector<16xi32>], vector<16xf32>,
        %gather3A_575 = tpu.vector_load_idx %arg7[%add3A_570, %add3A_573] : memref<392x64xf32, #tpu.memory_space<vmem>>[vector<16xi32>, vector<16xi32>], vector<16xf32>,
        %mul3A_576 = arith.mulf %gather3A_566, %gather3A_574 : vector<16xf32>
        %add3A_577 = arith.addf %add3A_535, %mul3A_576 : vector<16xf32>
        %mul3A_578 = arith.mulf %gather3A_567, %gather3A_575 : vector<16xf32>
        %add3A_579 = arith.addf %add3A_577, %mul3A_578 : vector<16xf32>
        %add3A_580 = arith.constant 16 : i32
        %add3A_581 = vector.broadcast %add3A_580 : i32 to vector<16xi32>
        %add3A_582 = arith.addi %iota3A, %add3A_581 : vector<16xi32>
        %gather3A_583 = tpu.vector_load_idx %arg7[%gather3A_565, %add3A_582] : memref<392x64xf32, #tpu.memory_space<vmem>>[vector<16xi32>, vector<16xi32>], vector<16xf32>,
        %gather3A_584 = tpu.vector_load_idx %arg7[%add3A_570, %add3A_582] : memref<392x64xf32, #tpu.memory_space<vmem>>[vector<16xi32>, vector<16xi32>], vector<16xf32>,
        %mul3A_585 = arith.mulf %gather3A_566, %gather3A_583 : vector<16xf32>
        %add3A_586 = arith.addf %add3A_544, %mul3A_585 : vector<16xf32>
        %mul3A_587 = arith.mulf %gather3A_567, %gather3A_584 : vector<16xf32>
        %add3A_588 = arith.addf %add3A_586, %mul3A_587 : vector<16xf32>
        %add3A_589 = arith.constant 32 : i32
        %add3A_590 = vector.broadcast %add3A_589 : i32 to vector<16xi32>
        %add3A_591 = arith.addi %iota3A, %add3A_590 : vector<16xi32>
        %gather3A_592 = tpu.vector_load_idx %arg7[%gather3A_565, %add3A_591] : memref<392x64xf32, #tpu.memory_space<vmem>>[vector<16xi32>, vector<16xi32>], vector<16xf32>,
        %gather3A_593 = tpu.vector_load_idx %arg7[%add3A_570, %add3A_591] : memref<392x64xf32, #tpu.memory_space<vmem>>[vector<16xi32>, vector<16xi32>], vector<16xf32>,
        %mul3A_594 = arith.mulf %gather3A_566, %gather3A_592 : vector<16xf32>
        %add3A_595 = arith.addf %add3A_553, %mul3A_594 : vector<16xf32>
        %mul3A_596 = arith.mulf %gather3A_567, %gather3A_593 : vector<16xf32>
        %add3A_597 = arith.addf %add3A_595, %mul3A_596 : vector<16xf32>
        %add3A_598 = arith.constant 48 : i32
        %add3A_599 = vector.broadcast %add3A_598 : i32 to vector<16xi32>
        %add3A_600 = arith.addi %iota3A, %add3A_599 : vector<16xi32>
        %gather3A_601 = tpu.vector_load_idx %arg7[%gather3A_565, %add3A_600] : memref<392x64xf32, #tpu.memory_space<vmem>>[vector<16xi32>, vector<16xi32>], vector<16xf32>,
        %gather3A_602 = tpu.vector_load_idx %arg7[%add3A_570, %add3A_600] : memref<392x64xf32, #tpu.memory_space<vmem>>[vector<16xi32>, vector<16xi32>], vector<16xf32>,
        %mul3A_603 = arith.mulf %gather3A_566, %gather3A_601 : vector<16xf32>
        %add3A_604 = arith.addf %add3A_562, %mul3A_603 : vector<16xf32>
        %mul3A_605 = arith.mulf %gather3A_567, %gather3A_602 : vector<16xf32>
        %add3A_606 = arith.addf %add3A_604, %mul3A_605 : vector<16xf32>
        %broadcast_in_dim3A_607 = arith.constant 12 : i32
        %broadcast_in_dim3A_608 = vector.broadcast %broadcast_in_dim3A_607 : i32 to vector<16xi32>
        %gather3A_609 = tpu.vector_load_idx %arg8[%broadcast_in_dim3A, %broadcast_in_dim3A_608] : memref<128x17xi32, #tpu.memory_space<vmem>>[vector<16xi32>, vector<16xi32>], vector<16xi32>,
        %gather3A_610 = tpu.vector_load_idx %arg9[%broadcast_in_dim3A, %broadcast_in_dim3A_608] : memref<128x17xf32, #tpu.memory_space<vmem>>[vector<16xi32>, vector<16xi32>], vector<16xf32>,
        %gather3A_611 = tpu.vector_load_idx %arg10[%broadcast_in_dim3A, %broadcast_in_dim3A_608] : memref<128x17xf32, #tpu.memory_space<vmem>>[vector<16xi32>, vector<16xi32>], vector<16xf32>,
        %add3A_612 = arith.constant 1 : i32
        %add3A_613 = vector.broadcast %add3A_612 : i32 to vector<16xi32>
        %add3A_614 = arith.addi %gather3A_609, %add3A_613 : vector<16xi32>
        %add3A_615 = arith.constant 0 : i32
        %add3A_616 = vector.broadcast %add3A_615 : i32 to vector<16xi32>
        %add3A_617 = arith.addi %iota3A, %add3A_616 : vector<16xi32>
        %gather3A_618 = tpu.vector_load_idx %arg7[%gather3A_609, %add3A_617] : memref<392x64xf32, #tpu.memory_space<vmem>>[vector<16xi32>, vector<16xi32>], vector<16xf32>,
        %gather3A_619 = tpu.vector_load_idx %arg7[%add3A_614, %add3A_617] : memref<392x64xf32, #tpu.memory_space<vmem>>[vector<16xi32>, vector<16xi32>], vector<16xf32>,
        %mul3A_620 = arith.mulf %gather3A_610, %gather3A_618 : vector<16xf32>
        %add3A_621 = arith.addf %add3A_579, %mul3A_620 : vector<16xf32>
        %mul3A_622 = arith.mulf %gather3A_611, %gather3A_619 : vector<16xf32>
        %add3A_623 = arith.addf %add3A_621, %mul3A_622 : vector<16xf32>
        %add3A_624 = arith.constant 16 : i32
        %add3A_625 = vector.broadcast %add3A_624 : i32 to vector<16xi32>
        %add3A_626 = arith.addi %iota3A, %add3A_625 : vector<16xi32>
        %gather3A_627 = tpu.vector_load_idx %arg7[%gather3A_609, %add3A_626] : memref<392x64xf32, #tpu.memory_space<vmem>>[vector<16xi32>, vector<16xi32>], vector<16xf32>,
        %gather3A_628 = tpu.vector_load_idx %arg7[%add3A_614, %add3A_626] : memref<392x64xf32, #tpu.memory_space<vmem>>[vector<16xi32>, vector<16xi32>], vector<16xf32>,
        %mul3A_629 = arith.mulf %gather3A_610, %gather3A_627 : vector<16xf32>
        %add3A_630 = arith.addf %add3A_588, %mul3A_629 : vector<16xf32>
        %mul3A_631 = arith.mulf %gather3A_611, %gather3A_628 : vector<16xf32>
        %add3A_632 = arith.addf %add3A_630, %mul3A_631 : vector<16xf32>
        %add3A_633 = arith.constant 32 : i32
        %add3A_634 = vector.broadcast %add3A_633 : i32 to vector<16xi32>
        %add3A_635 = arith.addi %iota3A, %add3A_634 : vector<16xi32>
        %gather3A_636 = tpu.vector_load_idx %arg7[%gather3A_609, %add3A_635] : memref<392x64xf32, #tpu.memory_space<vmem>>[vector<16xi32>, vector<16xi32>], vector<16xf32>,
        %gather3A_637 = tpu.vector_load_idx %arg7[%add3A_614, %add3A_635] : memref<392x64xf32, #tpu.memory_space<vmem>>[vector<16xi32>, vector<16xi32>], vector<16xf32>,
        %mul3A_638 = arith.mulf %gather3A_610, %gather3A_636 : vector<16xf32>
        %add3A_639 = arith.addf %add3A_597, %mul3A_638 : vector<16xf32>
        %mul3A_640 = arith.mulf %gather3A_611, %gather3A_637 : vector<16xf32>
        %add3A_641 = arith.addf %add3A_639, %mul3A_640 : vector<16xf32>
        %add3A_642 = arith.constant 48 : i32
        %add3A_643 = vector.broadcast %add3A_642 : i32 to vector<16xi32>
        %add3A_644 = arith.addi %iota3A, %add3A_643 : vector<16xi32>
        %gather3A_645 = tpu.vector_load_idx %arg7[%gather3A_609, %add3A_644] : memref<392x64xf32, #tpu.memory_space<vmem>>[vector<16xi32>, vector<16xi32>], vector<16xf32>,
        %gather3A_646 = tpu.vector_load_idx %arg7[%add3A_614, %add3A_644] : memref<392x64xf32, #tpu.memory_space<vmem>>[vector<16xi32>, vector<16xi32>], vector<16xf32>,
        %mul3A_647 = arith.mulf %gather3A_610, %gather3A_645 : vector<16xf32>
        %add3A_648 = arith.addf %add3A_606, %mul3A_647 : vector<16xf32>
        %mul3A_649 = arith.mulf %gather3A_611, %gather3A_646 : vector<16xf32>
        %add3A_650 = arith.addf %add3A_648, %mul3A_649 : vector<16xf32>
        %broadcast_in_dim3A_651 = arith.constant 13 : i32
        %broadcast_in_dim3A_652 = vector.broadcast %broadcast_in_dim3A_651 : i32 to vector<16xi32>
        %gather3A_653 = tpu.vector_load_idx %arg8[%broadcast_in_dim3A, %broadcast_in_dim3A_652] : memref<128x17xi32, #tpu.memory_space<vmem>>[vector<16xi32>, vector<16xi32>], vector<16xi32>,
        %gather3A_654 = tpu.vector_load_idx %arg9[%broadcast_in_dim3A, %broadcast_in_dim3A_652] : memref<128x17xf32, #tpu.memory_space<vmem>>[vector<16xi32>, vector<16xi32>], vector<16xf32>,
        %gather3A_655 = tpu.vector_load_idx %arg10[%broadcast_in_dim3A, %broadcast_in_dim3A_652] : memref<128x17xf32, #tpu.memory_space<vmem>>[vector<16xi32>, vector<16xi32>], vector<16xf32>,
        %add3A_656 = arith.constant 1 : i32
        %add3A_657 = vector.broadcast %add3A_656 : i32 to vector<16xi32>
        %add3A_658 = arith.addi %gather3A_653, %add3A_657 : vector<16xi32>
        %add3A_659 = arith.constant 0 : i32
        %add3A_660 = vector.broadcast %add3A_659 : i32 to vector<16xi32>
        %add3A_661 = arith.addi %iota3A, %add3A_660 : vector<16xi32>
        %gather3A_662 = tpu.vector_load_idx %arg7[%gather3A_653, %add3A_661] : memref<392x64xf32, #tpu.memory_space<vmem>>[vector<16xi32>, vector<16xi32>], vector<16xf32>,
        %gather3A_663 = tpu.vector_load_idx %arg7[%add3A_658, %add3A_661] : memref<392x64xf32, #tpu.memory_space<vmem>>[vector<16xi32>, vector<16xi32>], vector<16xf32>,
        %mul3A_664 = arith.mulf %gather3A_654, %gather3A_662 : vector<16xf32>
        %add3A_665 = arith.addf %add3A_623, %mul3A_664 : vector<16xf32>
        %mul3A_666 = arith.mulf %gather3A_655, %gather3A_663 : vector<16xf32>
        %add3A_667 = arith.addf %add3A_665, %mul3A_666 : vector<16xf32>
        %add3A_668 = arith.constant 16 : i32
        %add3A_669 = vector.broadcast %add3A_668 : i32 to vector<16xi32>
        %add3A_670 = arith.addi %iota3A, %add3A_669 : vector<16xi32>
        %gather3A_671 = tpu.vector_load_idx %arg7[%gather3A_653, %add3A_670] : memref<392x64xf32, #tpu.memory_space<vmem>>[vector<16xi32>, vector<16xi32>], vector<16xf32>,
        %gather3A_672 = tpu.vector_load_idx %arg7[%add3A_658, %add3A_670] : memref<392x64xf32, #tpu.memory_space<vmem>>[vector<16xi32>, vector<16xi32>], vector<16xf32>,
        %mul3A_673 = arith.mulf %gather3A_654, %gather3A_671 : vector<16xf32>
        %add3A_674 = arith.addf %add3A_632, %mul3A_673 : vector<16xf32>
        %mul3A_675 = arith.mulf %gather3A_655, %gather3A_672 : vector<16xf32>
        %add3A_676 = arith.addf %add3A_674, %mul3A_675 : vector<16xf32>
        %add3A_677 = arith.constant 32 : i32
        %add3A_678 = vector.broadcast %add3A_677 : i32 to vector<16xi32>
        %add3A_679 = arith.addi %iota3A, %add3A_678 : vector<16xi32>
        %gather3A_680 = tpu.vector_load_idx %arg7[%gather3A_653, %add3A_679] : memref<392x64xf32, #tpu.memory_space<vmem>>[vector<16xi32>, vector<16xi32>], vector<16xf32>,
        %gather3A_681 = tpu.vector_load_idx %arg7[%add3A_658, %add3A_679] : memref<392x64xf32, #tpu.memory_space<vmem>>[vector<16xi32>, vector<16xi32>], vector<16xf32>,
        %mul3A_682 = arith.mulf %gather3A_654, %gather3A_680 : vector<16xf32>
        %add3A_683 = arith.addf %add3A_641, %mul3A_682 : vector<16xf32>
        %mul3A_684 = arith.mulf %gather3A_655, %gather3A_681 : vector<16xf32>
        %add3A_685 = arith.addf %add3A_683, %mul3A_684 : vector<16xf32>
        %add3A_686 = arith.constant 48 : i32
        %add3A_687 = vector.broadcast %add3A_686 : i32 to vector<16xi32>
        %add3A_688 = arith.addi %iota3A, %add3A_687 : vector<16xi32>
        %gather3A_689 = tpu.vector_load_idx %arg7[%gather3A_653, %add3A_688] : memref<392x64xf32, #tpu.memory_space<vmem>>[vector<16xi32>, vector<16xi32>], vector<16xf32>,
        %gather3A_690 = tpu.vector_load_idx %arg7[%add3A_658, %add3A_688] : memref<392x64xf32, #tpu.memory_space<vmem>>[vector<16xi32>, vector<16xi32>], vector<16xf32>,
        %mul3A_691 = arith.mulf %gather3A_654, %gather3A_689 : vector<16xf32>
        %add3A_692 = arith.addf %add3A_650, %mul3A_691 : vector<16xf32>
        %mul3A_693 = arith.mulf %gather3A_655, %gather3A_690 : vector<16xf32>
        %add3A_694 = arith.addf %add3A_692, %mul3A_693 : vector<16xf32>
        %broadcast_in_dim3A_695 = arith.constant 14 : i32
        %broadcast_in_dim3A_696 = vector.broadcast %broadcast_in_dim3A_695 : i32 to vector<16xi32>
        %gather3A_697 = tpu.vector_load_idx %arg8[%broadcast_in_dim3A, %broadcast_in_dim3A_696] : memref<128x17xi32, #tpu.memory_space<vmem>>[vector<16xi32>, vector<16xi32>], vector<16xi32>,
        %gather3A_698 = tpu.vector_load_idx %arg9[%broadcast_in_dim3A, %broadcast_in_dim3A_696] : memref<128x17xf32, #tpu.memory_space<vmem>>[vector<16xi32>, vector<16xi32>], vector<16xf32>,
        %gather3A_699 = tpu.vector_load_idx %arg10[%broadcast_in_dim3A, %broadcast_in_dim3A_696] : memref<128x17xf32, #tpu.memory_space<vmem>>[vector<16xi32>, vector<16xi32>], vector<16xf32>,
        %add3A_700 = arith.constant 1 : i32
        %add3A_701 = vector.broadcast %add3A_700 : i32 to vector<16xi32>
        %add3A_702 = arith.addi %gather3A_697, %add3A_701 : vector<16xi32>
        %add3A_703 = arith.constant 0 : i32
        %add3A_704 = vector.broadcast %add3A_703 : i32 to vector<16xi32>
        %add3A_705 = arith.addi %iota3A, %add3A_704 : vector<16xi32>
        %gather3A_706 = tpu.vector_load_idx %arg7[%gather3A_697, %add3A_705] : memref<392x64xf32, #tpu.memory_space<vmem>>[vector<16xi32>, vector<16xi32>], vector<16xf32>,
        %gather3A_707 = tpu.vector_load_idx %arg7[%add3A_702, %add3A_705] : memref<392x64xf32, #tpu.memory_space<vmem>>[vector<16xi32>, vector<16xi32>], vector<16xf32>,
        %mul3A_708 = arith.mulf %gather3A_698, %gather3A_706 : vector<16xf32>
        %add3A_709 = arith.addf %add3A_667, %mul3A_708 : vector<16xf32>
        %mul3A_710 = arith.mulf %gather3A_699, %gather3A_707 : vector<16xf32>
        %add3A_711 = arith.addf %add3A_709, %mul3A_710 : vector<16xf32>
        %add3A_712 = arith.constant 16 : i32
        %add3A_713 = vector.broadcast %add3A_712 : i32 to vector<16xi32>
        %add3A_714 = arith.addi %iota3A, %add3A_713 : vector<16xi32>
        %gather3A_715 = tpu.vector_load_idx %arg7[%gather3A_697, %add3A_714] : memref<392x64xf32, #tpu.memory_space<vmem>>[vector<16xi32>, vector<16xi32>], vector<16xf32>,
        %gather3A_716 = tpu.vector_load_idx %arg7[%add3A_702, %add3A_714] : memref<392x64xf32, #tpu.memory_space<vmem>>[vector<16xi32>, vector<16xi32>], vector<16xf32>,
        %mul3A_717 = arith.mulf %gather3A_698, %gather3A_715 : vector<16xf32>
        %add3A_718 = arith.addf %add3A_676, %mul3A_717 : vector<16xf32>
        %mul3A_719 = arith.mulf %gather3A_699, %gather3A_716 : vector<16xf32>
        %add3A_720 = arith.addf %add3A_718, %mul3A_719 : vector<16xf32>
        %add3A_721 = arith.constant 32 : i32
        %add3A_722 = vector.broadcast %add3A_721 : i32 to vector<16xi32>
        %add3A_723 = arith.addi %iota3A, %add3A_722 : vector<16xi32>
        %gather3A_724 = tpu.vector_load_idx %arg7[%gather3A_697, %add3A_723] : memref<392x64xf32, #tpu.memory_space<vmem>>[vector<16xi32>, vector<16xi32>], vector<16xf32>,
        %gather3A_725 = tpu.vector_load_idx %arg7[%add3A_702, %add3A_723] : memref<392x64xf32, #tpu.memory_space<vmem>>[vector<16xi32>, vector<16xi32>], vector<16xf32>,
        %mul3A_726 = arith.mulf %gather3A_698, %gather3A_724 : vector<16xf32>
        %add3A_727 = arith.addf %add3A_685, %mul3A_726 : vector<16xf32>
        %mul3A_728 = arith.mulf %gather3A_699, %gather3A_725 : vector<16xf32>
        %add3A_729 = arith.addf %add3A_727, %mul3A_728 : vector<16xf32>
        %add3A_730 = arith.constant 48 : i32
        %add3A_731 = vector.broadcast %add3A_730 : i32 to vector<16xi32>
        %add3A_732 = arith.addi %iota3A, %add3A_731 : vector<16xi32>
        %gather3A_733 = tpu.vector_load_idx %arg7[%gather3A_697, %add3A_732] : memref<392x64xf32, #tpu.memory_space<vmem>>[vector<16xi32>, vector<16xi32>], vector<16xf32>,
        %gather3A_734 = tpu.vector_load_idx %arg7[%add3A_702, %add3A_732] : memref<392x64xf32, #tpu.memory_space<vmem>>[vector<16xi32>, vector<16xi32>], vector<16xf32>,
        %mul3A_735 = arith.mulf %gather3A_698, %gather3A_733 : vector<16xf32>
        %add3A_736 = arith.addf %add3A_694, %mul3A_735 : vector<16xf32>
        %mul3A_737 = arith.mulf %gather3A_699, %gather3A_734 : vector<16xf32>
        %add3A_738 = arith.addf %add3A_736, %mul3A_737 : vector<16xf32>
        %broadcast_in_dim3A_739 = arith.constant 15 : i32
        %broadcast_in_dim3A_740 = vector.broadcast %broadcast_in_dim3A_739 : i32 to vector<16xi32>
        %gather3A_741 = tpu.vector_load_idx %arg8[%broadcast_in_dim3A, %broadcast_in_dim3A_740] : memref<128x17xi32, #tpu.memory_space<vmem>>[vector<16xi32>, vector<16xi32>], vector<16xi32>,
        %gather3A_742 = tpu.vector_load_idx %arg9[%broadcast_in_dim3A, %broadcast_in_dim3A_740] : memref<128x17xf32, #tpu.memory_space<vmem>>[vector<16xi32>, vector<16xi32>], vector<16xf32>,
        %gather3A_743 = tpu.vector_load_idx %arg10[%broadcast_in_dim3A, %broadcast_in_dim3A_740] : memref<128x17xf32, #tpu.memory_space<vmem>>[vector<16xi32>, vector<16xi32>], vector<16xf32>,
        %add3A_744 = arith.constant 1 : i32
        %add3A_745 = vector.broadcast %add3A_744 : i32 to vector<16xi32>
        %add3A_746 = arith.addi %gather3A_741, %add3A_745 : vector<16xi32>
        %add3A_747 = arith.constant 0 : i32
        %add3A_748 = vector.broadcast %add3A_747 : i32 to vector<16xi32>
        %add3A_749 = arith.addi %iota3A, %add3A_748 : vector<16xi32>
        %gather3A_750 = tpu.vector_load_idx %arg7[%gather3A_741, %add3A_749] : memref<392x64xf32, #tpu.memory_space<vmem>>[vector<16xi32>, vector<16xi32>], vector<16xf32>,
        %gather3A_751 = tpu.vector_load_idx %arg7[%add3A_746, %add3A_749] : memref<392x64xf32, #tpu.memory_space<vmem>>[vector<16xi32>, vector<16xi32>], vector<16xf32>,
        %mul3A_752 = arith.mulf %gather3A_742, %gather3A_750 : vector<16xf32>
        %add3A_753 = arith.addf %add3A_711, %mul3A_752 : vector<16xf32>
        %mul3A_754 = arith.mulf %gather3A_743, %gather3A_751 : vector<16xf32>
        %add3A_755 = arith.addf %add3A_753, %mul3A_754 : vector<16xf32>
        %add3A_756 = arith.constant 16 : i32
        %add3A_757 = vector.broadcast %add3A_756 : i32 to vector<16xi32>
        %add3A_758 = arith.addi %iota3A, %add3A_757 : vector<16xi32>
        %gather3A_759 = tpu.vector_load_idx %arg7[%gather3A_741, %add3A_758] : memref<392x64xf32, #tpu.memory_space<vmem>>[vector<16xi32>, vector<16xi32>], vector<16xf32>,
        %gather3A_760 = tpu.vector_load_idx %arg7[%add3A_746, %add3A_758] : memref<392x64xf32, #tpu.memory_space<vmem>>[vector<16xi32>, vector<16xi32>], vector<16xf32>,
        %mul3A_761 = arith.mulf %gather3A_742, %gather3A_759 : vector<16xf32>
        %add3A_762 = arith.addf %add3A_720, %mul3A_761 : vector<16xf32>
        %mul3A_763 = arith.mulf %gather3A_743, %gather3A_760 : vector<16xf32>
        %add3A_764 = arith.addf %add3A_762, %mul3A_763 : vector<16xf32>
        %add3A_765 = arith.constant 32 : i32
        %add3A_766 = vector.broadcast %add3A_765 : i32 to vector<16xi32>
        %add3A_767 = arith.addi %iota3A, %add3A_766 : vector<16xi32>
        %gather3A_768 = tpu.vector_load_idx %arg7[%gather3A_741, %add3A_767] : memref<392x64xf32, #tpu.memory_space<vmem>>[vector<16xi32>, vector<16xi32>], vector<16xf32>,
        %gather3A_769 = tpu.vector_load_idx %arg7[%add3A_746, %add3A_767] : memref<392x64xf32, #tpu.memory_space<vmem>>[vector<16xi32>, vector<16xi32>], vector<16xf32>,
        %mul3A_770 = arith.mulf %gather3A_742, %gather3A_768 : vector<16xf32>
        %add3A_771 = arith.addf %add3A_729, %mul3A_770 : vector<16xf32>
        %mul3A_772 = arith.mulf %gather3A_743, %gather3A_769 : vector<16xf32>
        %add3A_773 = arith.addf %add3A_771, %mul3A_772 : vector<16xf32>
        %add3A_774 = arith.constant 48 : i32
        %add3A_775 = vector.broadcast %add3A_774 : i32 to vector<16xi32>
        %add3A_776 = arith.addi %iota3A, %add3A_775 : vector<16xi32>
        %gather3A_777 = tpu.vector_load_idx %arg7[%gather3A_741, %add3A_776] : memref<392x64xf32, #tpu.memory_space<vmem>>[vector<16xi32>, vector<16xi32>], vector<16xf32>,
        %gather3A_778 = tpu.vector_load_idx %arg7[%add3A_746, %add3A_776] : memref<392x64xf32, #tpu.memory_space<vmem>>[vector<16xi32>, vector<16xi32>], vector<16xf32>,
        %mul3A_779 = arith.mulf %gather3A_742, %gather3A_777 : vector<16xf32>
        %add3A_780 = arith.addf %add3A_738, %mul3A_779 : vector<16xf32>
        %mul3A_781 = arith.mulf %gather3A_743, %gather3A_778 : vector<16xf32>
        %add3A_782 = arith.addf %add3A_780, %mul3A_781 : vector<16xf32>
        %broadcast_in_dim3A_783 = arith.constant 16 : i32
        %broadcast_in_dim3A_784 = vector.broadcast %broadcast_in_dim3A_783 : i32 to vector<16xi32>
        %gather3A_785 = tpu.vector_load_idx %arg8[%broadcast_in_dim3A, %broadcast_in_dim3A_784] : memref<128x17xi32, #tpu.memory_space<vmem>>[vector<16xi32>, vector<16xi32>], vector<16xi32>,
        %gather3A_786 = tpu.vector_load_idx %arg9[%broadcast_in_dim3A, %broadcast_in_dim3A_784] : memref<128x17xf32, #tpu.memory_space<vmem>>[vector<16xi32>, vector<16xi32>], vector<16xf32>,
        %gather3A_787 = tpu.vector_load_idx %arg10[%broadcast_in_dim3A, %broadcast_in_dim3A_784] : memref<128x17xf32, #tpu.memory_space<vmem>>[vector<16xi32>, vector<16xi32>], vector<16xf32>,
        %add3A_788 = arith.constant 1 : i32
        %add3A_789 = vector.broadcast %add3A_788 : i32 to vector<16xi32>
        %add3A_790 = arith.addi %gather3A_785, %add3A_789 : vector<16xi32>
        %add3A_791 = arith.constant 0 : i32
        %add3A_792 = vector.broadcast %add3A_791 : i32 to vector<16xi32>
        %add3A_793 = arith.addi %iota3A, %add3A_792 : vector<16xi32>
        %gather3A_794 = tpu.vector_load_idx %arg7[%gather3A_785, %add3A_793] : memref<392x64xf32, #tpu.memory_space<vmem>>[vector<16xi32>, vector<16xi32>], vector<16xf32>,
        %gather3A_795 = tpu.vector_load_idx %arg7[%add3A_790, %add3A_793] : memref<392x64xf32, #tpu.memory_space<vmem>>[vector<16xi32>, vector<16xi32>], vector<16xf32>,
        %mul3A_796 = arith.mulf %gather3A_786, %gather3A_794 : vector<16xf32>
        %add3A_797 = arith.addf %add3A_755, %mul3A_796 : vector<16xf32>
        %mul3A_798 = arith.mulf %gather3A_787, %gather3A_795 : vector<16xf32>
        %add3A_799 = arith.addf %add3A_797, %mul3A_798 : vector<16xf32>
        %add3A_800 = arith.constant 16 : i32
        %add3A_801 = vector.broadcast %add3A_800 : i32 to vector<16xi32>
        %add3A_802 = arith.addi %iota3A, %add3A_801 : vector<16xi32>
        %gather3A_803 = tpu.vector_load_idx %arg7[%gather3A_785, %add3A_802] : memref<392x64xf32, #tpu.memory_space<vmem>>[vector<16xi32>, vector<16xi32>], vector<16xf32>,
        %gather3A_804 = tpu.vector_load_idx %arg7[%add3A_790, %add3A_802] : memref<392x64xf32, #tpu.memory_space<vmem>>[vector<16xi32>, vector<16xi32>], vector<16xf32>,
        %mul3A_805 = arith.mulf %gather3A_786, %gather3A_803 : vector<16xf32>
        %add3A_806 = arith.addf %add3A_764, %mul3A_805 : vector<16xf32>
        %mul3A_807 = arith.mulf %gather3A_787, %gather3A_804 : vector<16xf32>
        %add3A_808 = arith.addf %add3A_806, %mul3A_807 : vector<16xf32>
        %add3A_809 = arith.constant 32 : i32
        %add3A_810 = vector.broadcast %add3A_809 : i32 to vector<16xi32>
        %add3A_811 = arith.addi %iota3A, %add3A_810 : vector<16xi32>
        %gather3A_812 = tpu.vector_load_idx %arg7[%gather3A_785, %add3A_811] : memref<392x64xf32, #tpu.memory_space<vmem>>[vector<16xi32>, vector<16xi32>], vector<16xf32>,
        %gather3A_813 = tpu.vector_load_idx %arg7[%add3A_790, %add3A_811] : memref<392x64xf32, #tpu.memory_space<vmem>>[vector<16xi32>, vector<16xi32>], vector<16xf32>,
        %mul3A_814 = arith.mulf %gather3A_786, %gather3A_812 : vector<16xf32>
        %add3A_815 = arith.addf %add3A_773, %mul3A_814 : vector<16xf32>
        %mul3A_816 = arith.mulf %gather3A_787, %gather3A_813 : vector<16xf32>
        %add3A_817 = arith.addf %add3A_815, %mul3A_816 : vector<16xf32>
        %add3A_818 = arith.constant 48 : i32
        %add3A_819 = vector.broadcast %add3A_818 : i32 to vector<16xi32>
        %add3A_820 = arith.addi %iota3A, %add3A_819 : vector<16xi32>
        %gather3A_821 = tpu.vector_load_idx %arg7[%gather3A_785, %add3A_820] : memref<392x64xf32, #tpu.memory_space<vmem>>[vector<16xi32>, vector<16xi32>], vector<16xf32>,
        %gather3A_822 = tpu.vector_load_idx %arg7[%add3A_790, %add3A_820] : memref<392x64xf32, #tpu.memory_space<vmem>>[vector<16xi32>, vector<16xi32>], vector<16xf32>,
        %mul3A_823 = arith.mulf %gather3A_786, %gather3A_821 : vector<16xf32>
        %add3A_824 = arith.addf %add3A_782, %mul3A_823 : vector<16xf32>
        %mul3A_825 = arith.mulf %gather3A_787, %gather3A_822 : vector<16xf32>
        %add3A_826 = arith.addf %add3A_824, %mul3A_825 : vector<16xf32>
        %add3A_827 = arith.constant 0 : i32
        %add3A_828 = vector.broadcast %add3A_827 : i32 to vector<16xi32>
        %add3A_829 = arith.addi %iota3A, %add3A_828 : vector<16xi32>
        tpu.vector_store_idx %arg11[%broadcast_in_dim3A, %add3A_829], %add3A_799 : memref<128x64xf32, #tpu.memory_space<vmem>>[vector<16xi32>, vector<16xi32>], vector<16xf32>,
        %add3A_830 = arith.constant 16 : i32
        %add3A_831 = vector.broadcast %add3A_830 : i32 to vector<16xi32>
        %add3A_832 = arith.addi %iota3A, %add3A_831 : vector<16xi32>
        tpu.vector_store_idx %arg11[%broadcast_in_dim3A, %add3A_832], %add3A_808 : memref<128x64xf32, #tpu.memory_space<vmem>>[vector<16xi32>, vector<16xi32>], vector<16xf32>,
        %add3A_833 = arith.constant 32 : i32
        %add3A_834 = vector.broadcast %add3A_833 : i32 to vector<16xi32>
        %add3A_835 = arith.addi %iota3A, %add3A_834 : vector<16xi32>
        tpu.vector_store_idx %arg11[%broadcast_in_dim3A, %add3A_835], %add3A_817 : memref<128x64xf32, #tpu.memory_space<vmem>>[vector<16xi32>, vector<16xi32>], vector<16xf32>,
        %add3A_836 = arith.constant 48 : i32
        %add3A_837 = vector.broadcast %add3A_836 : i32 to vector<16xi32>
        %add3A_838 = arith.addi %iota3A, %add3A_837 : vector<16xi32>
        tpu.vector_store_idx %arg11[%broadcast_in_dim3A, %add3A_838], %add3A_826 : memref<128x64xf32, #tpu.memory_space<vmem>>[vector<16xi32>, vector<16xi32>], vector<16xf32>,
      }
      %scan3A_66 = arith.constant 128 : i32
      "tpu.region"() ({
        %run_scoped3A = tpu.sem_alloc : memref<!tpu.dma_semaphore, #tpu.memory_space<semaphore_mem>>
        %dma_start3A = arith.constant 0 : i32
        %dma_start3A_67 = tpu.memref_slice %arg6[%add3A_62, %multiple_of3A, %dma_start3A] : memref<16x2048x64xf32, #tpu.memory_space<hbm>> -> memref<1x128x64xf32, #tpu.memory_space<hbm>>
        %dma_start3A_68 = tpu.memref_squeeze %dma_start3A_67 : memref<1x128x64xf32, #tpu.memory_space<hbm>> -> memref<128x64xf32, #tpu.memory_space<hbm>>
        %dma_start3A_69 = arith.constant 0 : i32
        %dma_start3A_70 = tpu.memref_slice %arg6[%add3A_62, %multiple_of3A, %dma_start3A_69] : memref<16x2048x64xf32, #tpu.memory_space<hbm>> -> memref<1x128x64xf32, #tpu.memory_space<hbm>>
        %dma_start3A_71 = tpu.memref_squeeze %dma_start3A_70 : memref<1x128x64xf32, #tpu.memory_space<hbm>> -> memref<128x64xf32, #tpu.memory_space<hbm>>
        tpu.enqueue_dma source(%arg11 : memref<128x64xf32, #tpu.memory_space<vmem>>) target(%dma_start3A_71 : memref<128x64xf32, #tpu.memory_space<hbm>>) target_semaphore(%run_scoped3A : memref<!tpu.dma_semaphore, #tpu.memory_space<semaphore_mem>>)
        %dma_wait3A = arith.constant 0 : i32
        %dma_wait3A_72 = tpu.memref_slice %arg6[%add3A_62, %multiple_of3A, %dma_wait3A] : memref<16x2048x64xf32, #tpu.memory_space<hbm>> -> memref<1x128x64xf32, #tpu.memory_space<hbm>>
        %dma_wait3A_73 = tpu.memref_squeeze %dma_wait3A_72 : memref<1x128x64xf32, #tpu.memory_space<hbm>> -> memref<128x64xf32, #tpu.memory_space<hbm>>
        %dma_wait3A_74 = arith.constant 0 : i32
        %dma_wait3A_75 = tpu.memref_slice %arg6[%add3A_62, %multiple_of3A, %dma_wait3A_74] : memref<16x2048x64xf32, #tpu.memory_space<hbm>> -> memref<1x128x64xf32, #tpu.memory_space<hbm>>
        %dma_wait3A_76 = tpu.memref_squeeze %dma_wait3A_75 : memref<1x128x64xf32, #tpu.memory_space<hbm>> -> memref<128x64xf32, #tpu.memory_space<hbm>>
        tpu.wait_dma2 semaphore(%run_scoped3A : memref<!tpu.dma_semaphore, #tpu.memory_space<semaphore_mem>>) src(%arg11 : memref<128x64xf32, #tpu.memory_space<vmem>>) dst(%dma_wait3A_76 : memref<128x64xf32, #tpu.memory_space<hbm>>)
        tpu.yield
      }) : () -> ()
    }
    %while3A_59 = arith.constant 1 : i32
    scf.for %while3A_60 = %while3A_57 to %while3A_53 step %while3A_59  : i32 {
      %mul3A_61 = arith.muli %while3A_60, %while3A : i32
      %add3A_62 = arith.addi %mul3A_32, %mul3A_61 : i32
      "tpu.region"() ({
        %run_scoped3A = tpu.sem_alloc : memref<!tpu.dma_semaphore, #tpu.memory_space<semaphore_mem>>
        %dma_start3A = arith.constant 0 : i32
        %dma_start3A_67 = tpu.memref_slice %arg2[%add3A_62, %multiple_of3A_41, %dma_start3A] : memref<16x2048x64xf32, #tpu.memory_space<hbm>> -> memref<1x392x64xf32, #tpu.memory_space<hbm>>
        %dma_start3A_68 = tpu.memref_squeeze %dma_start3A_67 : memref<1x392x64xf32, #tpu.memory_space<hbm>> -> memref<392x64xf32, #tpu.memory_space<hbm>>
        %dma_start3A_69 = arith.constant 0 : i32
        %dma_start3A_70 = tpu.memref_slice %arg2[%add3A_62, %multiple_of3A_41, %dma_start3A_69] : memref<16x2048x64xf32, #tpu.memory_space<hbm>> -> memref<1x392x64xf32, #tpu.memory_space<hbm>>
        %dma_start3A_71 = tpu.memref_squeeze %dma_start3A_70 : memref<1x392x64xf32, #tpu.memory_space<hbm>> -> memref<392x64xf32, #tpu.memory_space<hbm>>
        tpu.enqueue_dma source(%dma_start3A_71 : memref<392x64xf32, #tpu.memory_space<hbm>>) target(%arg7 : memref<392x64xf32, #tpu.memory_space<vmem>>) target_semaphore(%run_scoped3A : memref<!tpu.dma_semaphore, #tpu.memory_space<semaphore_mem>>)
        %dma_wait3A = arith.constant 0 : i32
        %dma_wait3A_72 = tpu.memref_slice %arg2[%add3A_62, %multiple_of3A_41, %dma_wait3A] : memref<16x2048x64xf32, #tpu.memory_space<hbm>> -> memref<1x392x64xf32, #tpu.memory_space<hbm>>
        %dma_wait3A_73 = tpu.memref_squeeze %dma_wait3A_72 : memref<1x392x64xf32, #tpu.memory_space<hbm>> -> memref<392x64xf32, #tpu.memory_space<hbm>>
        %dma_wait3A_74 = arith.constant 0 : i32
        %dma_wait3A_75 = tpu.memref_slice %arg2[%add3A_62, %multiple_of3A_41, %dma_wait3A_74] : memref<16x2048x64xf32, #tpu.memory_space<hbm>> -> memref<1x392x64xf32, #tpu.memory_space<hbm>>
        %dma_wait3A_76 = tpu.memref_squeeze %dma_wait3A_75 : memref<1x392x64xf32, #tpu.memory_space<hbm>> -> memref<392x64xf32, #tpu.memory_space<hbm>>
        tpu.wait_dma2 semaphore(%run_scoped3A : memref<!tpu.dma_semaphore, #tpu.memory_space<semaphore_mem>>) src(%dma_wait3A_76 : memref<392x64xf32, #tpu.memory_space<hbm>>) dst(%arg7 : memref<392x64xf32, #tpu.memory_space<vmem>>)
        tpu.yield
      }) : () -> ()
      "tpu.region"() ({
        %run_scoped3A = tpu.sem_alloc : memref<!tpu.dma_semaphore, #tpu.memory_space<semaphore_mem>>
        %dma_start3A = arith.constant 0 : i32
        %dma_start3A_67 = tpu.memref_slice %arg3[%add3A_62, %multiple_of3A, %dma_start3A] : memref<16x2048x17xi32, #tpu.memory_space<hbm>> -> memref<1x128x17xi32, #tpu.memory_space<hbm>>
        %dma_start3A_68 = tpu.memref_squeeze %dma_start3A_67 : memref<1x128x17xi32, #tpu.memory_space<hbm>> -> memref<128x17xi32, #tpu.memory_space<hbm>>
        %dma_start3A_69 = arith.constant 0 : i32
        %dma_start3A_70 = tpu.memref_slice %arg3[%add3A_62, %multiple_of3A, %dma_start3A_69] : memref<16x2048x17xi32, #tpu.memory_space<hbm>> -> memref<1x128x17xi32, #tpu.memory_space<hbm>>
        %dma_start3A_71 = tpu.memref_squeeze %dma_start3A_70 : memref<1x128x17xi32, #tpu.memory_space<hbm>> -> memref<128x17xi32, #tpu.memory_space<hbm>>
        tpu.enqueue_dma source(%dma_start3A_71 : memref<128x17xi32, #tpu.memory_space<hbm>>) target(%arg8 : memref<128x17xi32, #tpu.memory_space<vmem>>) target_semaphore(%run_scoped3A : memref<!tpu.dma_semaphore, #tpu.memory_space<semaphore_mem>>)
        %dma_wait3A = arith.constant 0 : i32
        %dma_wait3A_72 = tpu.memref_slice %arg3[%add3A_62, %multiple_of3A, %dma_wait3A] : memref<16x2048x17xi32, #tpu.memory_space<hbm>> -> memref<1x128x17xi32, #tpu.memory_space<hbm>>
        %dma_wait3A_73 = tpu.memref_squeeze %dma_wait3A_72 : memref<1x128x17xi32, #tpu.memory_space<hbm>> -> memref<128x17xi32, #tpu.memory_space<hbm>>
        %dma_wait3A_74 = arith.constant 0 : i32
        %dma_wait3A_75 = tpu.memref_slice %arg3[%add3A_62, %multiple_of3A, %dma_wait3A_74] : memref<16x2048x17xi32, #tpu.memory_space<hbm>> -> memref<1x128x17xi32, #tpu.memory_space<hbm>>
        %dma_wait3A_76 = tpu.memref_squeeze %dma_wait3A_75 : memref<1x128x17xi32, #tpu.memory_space<hbm>> -> memref<128x17xi32, #tpu.memory_space<hbm>>
        tpu.wait_dma2 semaphore(%run_scoped3A : memref<!tpu.dma_semaphore, #tpu.memory_space<semaphore_mem>>) src(%dma_wait3A_76 : memref<128x17xi32, #tpu.memory_space<hbm>>) dst(%arg8 : memref<128x17xi32, #tpu.memory_space<vmem>>)
        tpu.yield
      }) : () -> ()
      "tpu.region"() ({
        %run_scoped3A = tpu.sem_alloc : memref<!tpu.dma_semaphore, #tpu.memory_space<semaphore_mem>>
        %dma_start3A = arith.constant 0 : i32
        %dma_start3A_67 = tpu.memref_slice %arg4[%add3A_62, %multiple_of3A, %dma_start3A] : memref<16x2048x17xf32, #tpu.memory_space<hbm>> -> memref<1x128x17xf32, #tpu.memory_space<hbm>>
        %dma_start3A_68 = tpu.memref_squeeze %dma_start3A_67 : memref<1x128x17xf32, #tpu.memory_space<hbm>> -> memref<128x17xf32, #tpu.memory_space<hbm>>
        %dma_start3A_69 = arith.constant 0 : i32
        %dma_start3A_70 = tpu.memref_slice %arg4[%add3A_62, %multiple_of3A, %dma_start3A_69] : memref<16x2048x17xf32, #tpu.memory_space<hbm>> -> memref<1x128x17xf32, #tpu.memory_space<hbm>>
        %dma_start3A_71 = tpu.memref_squeeze %dma_start3A_70 : memref<1x128x17xf32, #tpu.memory_space<hbm>> -> memref<128x17xf32, #tpu.memory_space<hbm>>
        tpu.enqueue_dma source(%dma_start3A_71 : memref<128x17xf32, #tpu.memory_space<hbm>>) target(%arg9 : memref<128x17xf32, #tpu.memory_space<vmem>>) target_semaphore(%run_scoped3A : memref<!tpu.dma_semaphore, #tpu.memory_space<semaphore_mem>>)
        %dma_wait3A = arith.constant 0 : i32
        %dma_wait3A_72 = tpu.memref_slice %arg4[%add3A_62, %multiple_of3A, %dma_wait3A] : memref<16x2048x17xf32, #tpu.memory_space<hbm>> -> memref<1x128x17xf32, #tpu.memory_space<hbm>>
        %dma_wait3A_73 = tpu.memref_squeeze %dma_wait3A_72 : memref<1x128x17xf32, #tpu.memory_space<hbm>> -> memref<128x17xf32, #tpu.memory_space<hbm>>
        %dma_wait3A_74 = arith.constant 0 : i32
        %dma_wait3A_75 = tpu.memref_slice %arg4[%add3A_62, %multiple_of3A, %dma_wait3A_74] : memref<16x2048x17xf32, #tpu.memory_space<hbm>> -> memref<1x128x17xf32, #tpu.memory_space<hbm>>
        %dma_wait3A_76 = tpu.memref_squeeze %dma_wait3A_75 : memref<1x128x17xf32, #tpu.memory_space<hbm>> -> memref<128x17xf32, #tpu.memory_space<hbm>>
        tpu.wait_dma2 semaphore(%run_scoped3A : memref<!tpu.dma_semaphore, #tpu.memory_space<semaphore_mem>>) src(%dma_wait3A_76 : memref<128x17xf32, #tpu.memory_space<hbm>>) dst(%arg9 : memref<128x17xf32, #tpu.memory_space<vmem>>)
        tpu.yield
      }) : () -> ()
      "tpu.region"() ({
        %run_scoped3A = tpu.sem_alloc : memref<!tpu.dma_semaphore, #tpu.memory_space<semaphore_mem>>
        %dma_start3A = arith.constant 0 : i32
        %dma_start3A_67 = tpu.memref_slice %arg5[%add3A_62, %multiple_of3A, %dma_start3A] : memref<16x2048x17xf32, #tpu.memory_space<hbm>> -> memref<1x128x17xf32, #tpu.memory_space<hbm>>
        %dma_start3A_68 = tpu.memref_squeeze %dma_start3A_67 : memref<1x128x17xf32, #tpu.memory_space<hbm>> -> memref<128x17xf32, #tpu.memory_space<hbm>>
        %dma_start3A_69 = arith.constant 0 : i32
        %dma_start3A_70 = tpu.memref_slice %arg5[%add3A_62, %multiple_of3A, %dma_start3A_69] : memref<16x2048x17xf32, #tpu.memory_space<hbm>> -> memref<1x128x17xf32, #tpu.memory_space<hbm>>
        %dma_start3A_71 = tpu.memref_squeeze %dma_start3A_70 : memref<1x128x17xf32, #tpu.memory_space<hbm>> -> memref<128x17xf32, #tpu.memory_space<hbm>>
        tpu.enqueue_dma source(%dma_start3A_71 : memref<128x17xf32, #tpu.memory_space<hbm>>) target(%arg10 : memref<128x17xf32, #tpu.memory_space<vmem>>) target_semaphore(%run_scoped3A : memref<!tpu.dma_semaphore, #tpu.memory_space<semaphore_mem>>)
        %dma_wait3A = arith.constant 0 : i32
        %dma_wait3A_72 = tpu.memref_slice %arg5[%add3A_62, %multiple_of3A, %dma_wait3A] : memref<16x2048x17xf32, #tpu.memory_space<hbm>> -> memref<1x128x17xf32, #tpu.memory_space<hbm>>
        %dma_wait3A_73 = tpu.memref_squeeze %dma_wait3A_72 : memref<1x128x17xf32, #tpu.memory_space<hbm>> -> memref<128x17xf32, #tpu.memory_space<hbm>>
        %dma_wait3A_74 = arith.constant 0 : i32
        %dma_wait3A_75 = tpu.memref_slice %arg5[%add3A_62, %multiple_of3A, %dma_wait3A_74] : memref<16x2048x17xf32, #tpu.memory_space<hbm>> -> memref<1x128x17xf32, #tpu.memory_space<hbm>>
        %dma_wait3A_76 = tpu.memref_squeeze %dma_wait3A_75 : memref<1x128x17xf32, #tpu.memory_space<hbm>> -> memref<128x17xf32, #tpu.memory_space<hbm>>
        tpu.wait_dma2 semaphore(%run_scoped3A : memref<!tpu.dma_semaphore, #tpu.memory_space<semaphore_mem>>) src(%dma_wait3A_76 : memref<128x17xf32, #tpu.memory_space<hbm>>) dst(%arg10 : memref<128x17xf32, #tpu.memory_space<vmem>>)
        tpu.yield
      }) : () -> ()
      %scan3A = arith.constant 0 : i32
      %scan3A_63 = arith.constant 128 : i32
      %scan3A_64 = arith.addi %scan3A, %scan3A_63 : i32
      %scan3A_65 = arith.constant 1 : i32
      scf.for %scan3A_67 = %scan3A to %scan3A_64 step %scan3A_65  : i32 {
        %mul3A_68 = arith.constant 1 : i32
        %mul3A_69 = arith.muli %scan3A_67, %mul3A_68 : i32
        %add3A_70 = arith.constant 0 : i32
        %add3A_71 = arith.addi %add3A_70, %mul3A_69 : i32
        %broadcast_in_dim3A = vector.broadcast %add3A_71 : i32 to vector<16xi32>
        %broadcast_in_dim3A_72 = arith.constant 0.000000e+00 : f32
        %broadcast_in_dim3A_73 = vector.broadcast %broadcast_in_dim3A_72 : f32 to vector<16xf32>
        %broadcast_in_dim3A_74 = arith.constant 0.000000e+00 : f32
        %broadcast_in_dim3A_75 = vector.broadcast %broadcast_in_dim3A_74 : f32 to vector<16xf32>
        %broadcast_in_dim3A_76 = arith.constant 0.000000e+00 : f32
        %broadcast_in_dim3A_77 = vector.broadcast %broadcast_in_dim3A_76 : f32 to vector<16xf32>
        %broadcast_in_dim3A_78 = arith.constant 0.000000e+00 : f32
        %broadcast_in_dim3A_79 = vector.broadcast %broadcast_in_dim3A_78 : f32 to vector<16xf32>
        %broadcast_in_dim3A_80 = arith.constant 0 : i32
        %broadcast_in_dim3A_81 = vector.broadcast %broadcast_in_dim3A_80 : i32 to vector<16xi32>
        %gather3A = tpu.vector_load_idx %arg8[%broadcast_in_dim3A, %broadcast_in_dim3A_81] : memref<128x17xi32, #tpu.memory_space<vmem>>[vector<16xi32>, vector<16xi32>], vector<16xi32>,
        %gather3A_82 = tpu.vector_load_idx %arg9[%broadcast_in_dim3A, %broadcast_in_dim3A_81] : memref<128x17xf32, #tpu.memory_space<vmem>>[vector<16xi32>, vector<16xi32>], vector<16xf32>,
        %gather3A_83 = tpu.vector_load_idx %arg10[%broadcast_in_dim3A, %broadcast_in_dim3A_81] : memref<128x17xf32, #tpu.memory_space<vmem>>[vector<16xi32>, vector<16xi32>], vector<16xf32>,
        %add3A_84 = arith.constant 1 : i32
        %add3A_85 = vector.broadcast %add3A_84 : i32 to vector<16xi32>
        %add3A_86 = arith.addi %gather3A, %add3A_85 : vector<16xi32>
        %add3A_87 = arith.constant 0 : i32
        %add3A_88 = vector.broadcast %add3A_87 : i32 to vector<16xi32>
        %add3A_89 = arith.addi %iota3A, %add3A_88 : vector<16xi32>
        %gather3A_90 = tpu.vector_load_idx %arg7[%gather3A, %add3A_89] : memref<392x64xf32, #tpu.memory_space<vmem>>[vector<16xi32>, vector<16xi32>], vector<16xf32>,
        %gather3A_91 = tpu.vector_load_idx %arg7[%add3A_86, %add3A_89] : memref<392x64xf32, #tpu.memory_space<vmem>>[vector<16xi32>, vector<16xi32>], vector<16xf32>,
        %mul3A_92 = arith.mulf %gather3A_82, %gather3A_90 : vector<16xf32>
        %add3A_93 = arith.addf %broadcast_in_dim3A_73, %mul3A_92 : vector<16xf32>
        %mul3A_94 = arith.mulf %gather3A_83, %gather3A_91 : vector<16xf32>
        %add3A_95 = arith.addf %add3A_93, %mul3A_94 : vector<16xf32>
        %add3A_96 = arith.constant 16 : i32
        %add3A_97 = vector.broadcast %add3A_96 : i32 to vector<16xi32>
        %add3A_98 = arith.addi %iota3A, %add3A_97 : vector<16xi32>
        %gather3A_99 = tpu.vector_load_idx %arg7[%gather3A, %add3A_98] : memref<392x64xf32, #tpu.memory_space<vmem>>[vector<16xi32>, vector<16xi32>], vector<16xf32>,
        %gather3A_100 = tpu.vector_load_idx %arg7[%add3A_86, %add3A_98] : memref<392x64xf32, #tpu.memory_space<vmem>>[vector<16xi32>, vector<16xi32>], vector<16xf32>,
        %mul3A_101 = arith.mulf %gather3A_82, %gather3A_99 : vector<16xf32>
        %add3A_102 = arith.addf %broadcast_in_dim3A_75, %mul3A_101 : vector<16xf32>
        %mul3A_103 = arith.mulf %gather3A_83, %gather3A_100 : vector<16xf32>
        %add3A_104 = arith.addf %add3A_102, %mul3A_103 : vector<16xf32>
        %add3A_105 = arith.constant 32 : i32
        %add3A_106 = vector.broadcast %add3A_105 : i32 to vector<16xi32>
        %add3A_107 = arith.addi %iota3A, %add3A_106 : vector<16xi32>
        %gather3A_108 = tpu.vector_load_idx %arg7[%gather3A, %add3A_107] : memref<392x64xf32, #tpu.memory_space<vmem>>[vector<16xi32>, vector<16xi32>], vector<16xf32>,
        %gather3A_109 = tpu.vector_load_idx %arg7[%add3A_86, %add3A_107] : memref<392x64xf32, #tpu.memory_space<vmem>>[vector<16xi32>, vector<16xi32>], vector<16xf32>,
        %mul3A_110 = arith.mulf %gather3A_82, %gather3A_108 : vector<16xf32>
        %add3A_111 = arith.addf %broadcast_in_dim3A_77, %mul3A_110 : vector<16xf32>
        %mul3A_112 = arith.mulf %gather3A_83, %gather3A_109 : vector<16xf32>
        %add3A_113 = arith.addf %add3A_111, %mul3A_112 : vector<16xf32>
        %add3A_114 = arith.constant 48 : i32
        %add3A_115 = vector.broadcast %add3A_114 : i32 to vector<16xi32>
        %add3A_116 = arith.addi %iota3A, %add3A_115 : vector<16xi32>
        %gather3A_117 = tpu.vector_load_idx %arg7[%gather3A, %add3A_116] : memref<392x64xf32, #tpu.memory_space<vmem>>[vector<16xi32>, vector<16xi32>], vector<16xf32>,
        %gather3A_118 = tpu.vector_load_idx %arg7[%add3A_86, %add3A_116] : memref<392x64xf32, #tpu.memory_space<vmem>>[vector<16xi32>, vector<16xi32>], vector<16xf32>,
        %mul3A_119 = arith.mulf %gather3A_82, %gather3A_117 : vector<16xf32>
        %add3A_120 = arith.addf %broadcast_in_dim3A_79, %mul3A_119 : vector<16xf32>
        %mul3A_121 = arith.mulf %gather3A_83, %gather3A_118 : vector<16xf32>
        %add3A_122 = arith.addf %add3A_120, %mul3A_121 : vector<16xf32>
        %broadcast_in_dim3A_123 = arith.constant 1 : i32
        %broadcast_in_dim3A_124 = vector.broadcast %broadcast_in_dim3A_123 : i32 to vector<16xi32>
        %gather3A_125 = tpu.vector_load_idx %arg8[%broadcast_in_dim3A, %broadcast_in_dim3A_124] : memref<128x17xi32, #tpu.memory_space<vmem>>[vector<16xi32>, vector<16xi32>], vector<16xi32>,
        %gather3A_126 = tpu.vector_load_idx %arg9[%broadcast_in_dim3A, %broadcast_in_dim3A_124] : memref<128x17xf32, #tpu.memory_space<vmem>>[vector<16xi32>, vector<16xi32>], vector<16xf32>,
        %gather3A_127 = tpu.vector_load_idx %arg10[%broadcast_in_dim3A, %broadcast_in_dim3A_124] : memref<128x17xf32, #tpu.memory_space<vmem>>[vector<16xi32>, vector<16xi32>], vector<16xf32>,
        %add3A_128 = arith.constant 1 : i32
        %add3A_129 = vector.broadcast %add3A_128 : i32 to vector<16xi32>
        %add3A_130 = arith.addi %gather3A_125, %add3A_129 : vector<16xi32>
        %add3A_131 = arith.constant 0 : i32
        %add3A_132 = vector.broadcast %add3A_131 : i32 to vector<16xi32>
        %add3A_133 = arith.addi %iota3A, %add3A_132 : vector<16xi32>
        %gather3A_134 = tpu.vector_load_idx %arg7[%gather3A_125, %add3A_133] : memref<392x64xf32, #tpu.memory_space<vmem>>[vector<16xi32>, vector<16xi32>], vector<16xf32>,
        %gather3A_135 = tpu.vector_load_idx %arg7[%add3A_130, %add3A_133] : memref<392x64xf32, #tpu.memory_space<vmem>>[vector<16xi32>, vector<16xi32>], vector<16xf32>,
        %mul3A_136 = arith.mulf %gather3A_126, %gather3A_134 : vector<16xf32>
        %add3A_137 = arith.addf %add3A_95, %mul3A_136 : vector<16xf32>
        %mul3A_138 = arith.mulf %gather3A_127, %gather3A_135 : vector<16xf32>
        %add3A_139 = arith.addf %add3A_137, %mul3A_138 : vector<16xf32>
        %add3A_140 = arith.constant 16 : i32
        %add3A_141 = vector.broadcast %add3A_140 : i32 to vector<16xi32>
        %add3A_142 = arith.addi %iota3A, %add3A_141 : vector<16xi32>
        %gather3A_143 = tpu.vector_load_idx %arg7[%gather3A_125, %add3A_142] : memref<392x64xf32, #tpu.memory_space<vmem>>[vector<16xi32>, vector<16xi32>], vector<16xf32>,
        %gather3A_144 = tpu.vector_load_idx %arg7[%add3A_130, %add3A_142] : memref<392x64xf32, #tpu.memory_space<vmem>>[vector<16xi32>, vector<16xi32>], vector<16xf32>,
        %mul3A_145 = arith.mulf %gather3A_126, %gather3A_143 : vector<16xf32>
        %add3A_146 = arith.addf %add3A_104, %mul3A_145 : vector<16xf32>
        %mul3A_147 = arith.mulf %gather3A_127, %gather3A_144 : vector<16xf32>
        %add3A_148 = arith.addf %add3A_146, %mul3A_147 : vector<16xf32>
        %add3A_149 = arith.constant 32 : i32
        %add3A_150 = vector.broadcast %add3A_149 : i32 to vector<16xi32>
        %add3A_151 = arith.addi %iota3A, %add3A_150 : vector<16xi32>
        %gather3A_152 = tpu.vector_load_idx %arg7[%gather3A_125, %add3A_151] : memref<392x64xf32, #tpu.memory_space<vmem>>[vector<16xi32>, vector<16xi32>], vector<16xf32>,
        %gather3A_153 = tpu.vector_load_idx %arg7[%add3A_130, %add3A_151] : memref<392x64xf32, #tpu.memory_space<vmem>>[vector<16xi32>, vector<16xi32>], vector<16xf32>,
        %mul3A_154 = arith.mulf %gather3A_126, %gather3A_152 : vector<16xf32>
        %add3A_155 = arith.addf %add3A_113, %mul3A_154 : vector<16xf32>
        %mul3A_156 = arith.mulf %gather3A_127, %gather3A_153 : vector<16xf32>
        %add3A_157 = arith.addf %add3A_155, %mul3A_156 : vector<16xf32>
        %add3A_158 = arith.constant 48 : i32
        %add3A_159 = vector.broadcast %add3A_158 : i32 to vector<16xi32>
        %add3A_160 = arith.addi %iota3A, %add3A_159 : vector<16xi32>
        %gather3A_161 = tpu.vector_load_idx %arg7[%gather3A_125, %add3A_160] : memref<392x64xf32, #tpu.memory_space<vmem>>[vector<16xi32>, vector<16xi32>], vector<16xf32>,
        %gather3A_162 = tpu.vector_load_idx %arg7[%add3A_130, %add3A_160] : memref<392x64xf32, #tpu.memory_space<vmem>>[vector<16xi32>, vector<16xi32>], vector<16xf32>,
        %mul3A_163 = arith.mulf %gather3A_126, %gather3A_161 : vector<16xf32>
        %add3A_164 = arith.addf %add3A_122, %mul3A_163 : vector<16xf32>
        %mul3A_165 = arith.mulf %gather3A_127, %gather3A_162 : vector<16xf32>
        %add3A_166 = arith.addf %add3A_164, %mul3A_165 : vector<16xf32>
        %broadcast_in_dim3A_167 = arith.constant 2 : i32
        %broadcast_in_dim3A_168 = vector.broadcast %broadcast_in_dim3A_167 : i32 to vector<16xi32>
        %gather3A_169 = tpu.vector_load_idx %arg8[%broadcast_in_dim3A, %broadcast_in_dim3A_168] : memref<128x17xi32, #tpu.memory_space<vmem>>[vector<16xi32>, vector<16xi32>], vector<16xi32>,
        %gather3A_170 = tpu.vector_load_idx %arg9[%broadcast_in_dim3A, %broadcast_in_dim3A_168] : memref<128x17xf32, #tpu.memory_space<vmem>>[vector<16xi32>, vector<16xi32>], vector<16xf32>,
        %gather3A_171 = tpu.vector_load_idx %arg10[%broadcast_in_dim3A, %broadcast_in_dim3A_168] : memref<128x17xf32, #tpu.memory_space<vmem>>[vector<16xi32>, vector<16xi32>], vector<16xf32>,
        %add3A_172 = arith.constant 1 : i32
        %add3A_173 = vector.broadcast %add3A_172 : i32 to vector<16xi32>
        %add3A_174 = arith.addi %gather3A_169, %add3A_173 : vector<16xi32>
        %add3A_175 = arith.constant 0 : i32
        %add3A_176 = vector.broadcast %add3A_175 : i32 to vector<16xi32>
        %add3A_177 = arith.addi %iota3A, %add3A_176 : vector<16xi32>
        %gather3A_178 = tpu.vector_load_idx %arg7[%gather3A_169, %add3A_177] : memref<392x64xf32, #tpu.memory_space<vmem>>[vector<16xi32>, vector<16xi32>], vector<16xf32>,
        %gather3A_179 = tpu.vector_load_idx %arg7[%add3A_174, %add3A_177] : memref<392x64xf32, #tpu.memory_space<vmem>>[vector<16xi32>, vector<16xi32>], vector<16xf32>,
        %mul3A_180 = arith.mulf %gather3A_170, %gather3A_178 : vector<16xf32>
        %add3A_181 = arith.addf %add3A_139, %mul3A_180 : vector<16xf32>
        %mul3A_182 = arith.mulf %gather3A_171, %gather3A_179 : vector<16xf32>
        %add3A_183 = arith.addf %add3A_181, %mul3A_182 : vector<16xf32>
        %add3A_184 = arith.constant 16 : i32
        %add3A_185 = vector.broadcast %add3A_184 : i32 to vector<16xi32>
        %add3A_186 = arith.addi %iota3A, %add3A_185 : vector<16xi32>
        %gather3A_187 = tpu.vector_load_idx %arg7[%gather3A_169, %add3A_186] : memref<392x64xf32, #tpu.memory_space<vmem>>[vector<16xi32>, vector<16xi32>], vector<16xf32>,
        %gather3A_188 = tpu.vector_load_idx %arg7[%add3A_174, %add3A_186] : memref<392x64xf32, #tpu.memory_space<vmem>>[vector<16xi32>, vector<16xi32>], vector<16xf32>,
        %mul3A_189 = arith.mulf %gather3A_170, %gather3A_187 : vector<16xf32>
        %add3A_190 = arith.addf %add3A_148, %mul3A_189 : vector<16xf32>
        %mul3A_191 = arith.mulf %gather3A_171, %gather3A_188 : vector<16xf32>
        %add3A_192 = arith.addf %add3A_190, %mul3A_191 : vector<16xf32>
        %add3A_193 = arith.constant 32 : i32
        %add3A_194 = vector.broadcast %add3A_193 : i32 to vector<16xi32>
        %add3A_195 = arith.addi %iota3A, %add3A_194 : vector<16xi32>
        %gather3A_196 = tpu.vector_load_idx %arg7[%gather3A_169, %add3A_195] : memref<392x64xf32, #tpu.memory_space<vmem>>[vector<16xi32>, vector<16xi32>], vector<16xf32>,
        %gather3A_197 = tpu.vector_load_idx %arg7[%add3A_174, %add3A_195] : memref<392x64xf32, #tpu.memory_space<vmem>>[vector<16xi32>, vector<16xi32>], vector<16xf32>,
        %mul3A_198 = arith.mulf %gather3A_170, %gather3A_196 : vector<16xf32>
        %add3A_199 = arith.addf %add3A_157, %mul3A_198 : vector<16xf32>
        %mul3A_200 = arith.mulf %gather3A_171, %gather3A_197 : vector<16xf32>
        %add3A_201 = arith.addf %add3A_199, %mul3A_200 : vector<16xf32>
        %add3A_202 = arith.constant 48 : i32
        %add3A_203 = vector.broadcast %add3A_202 : i32 to vector<16xi32>
        %add3A_204 = arith.addi %iota3A, %add3A_203 : vector<16xi32>
        %gather3A_205 = tpu.vector_load_idx %arg7[%gather3A_169, %add3A_204] : memref<392x64xf32, #tpu.memory_space<vmem>>[vector<16xi32>, vector<16xi32>], vector<16xf32>,
        %gather3A_206 = tpu.vector_load_idx %arg7[%add3A_174, %add3A_204] : memref<392x64xf32, #tpu.memory_space<vmem>>[vector<16xi32>, vector<16xi32>], vector<16xf32>,
        %mul3A_207 = arith.mulf %gather3A_170, %gather3A_205 : vector<16xf32>
        %add3A_208 = arith.addf %add3A_166, %mul3A_207 : vector<16xf32>
        %mul3A_209 = arith.mulf %gather3A_171, %gather3A_206 : vector<16xf32>
        %add3A_210 = arith.addf %add3A_208, %mul3A_209 : vector<16xf32>
        %broadcast_in_dim3A_211 = arith.constant 3 : i32
        %broadcast_in_dim3A_212 = vector.broadcast %broadcast_in_dim3A_211 : i32 to vector<16xi32>
        %gather3A_213 = tpu.vector_load_idx %arg8[%broadcast_in_dim3A, %broadcast_in_dim3A_212] : memref<128x17xi32, #tpu.memory_space<vmem>>[vector<16xi32>, vector<16xi32>], vector<16xi32>,
        %gather3A_214 = tpu.vector_load_idx %arg9[%broadcast_in_dim3A, %broadcast_in_dim3A_212] : memref<128x17xf32, #tpu.memory_space<vmem>>[vector<16xi32>, vector<16xi32>], vector<16xf32>,
        %gather3A_215 = tpu.vector_load_idx %arg10[%broadcast_in_dim3A, %broadcast_in_dim3A_212] : memref<128x17xf32, #tpu.memory_space<vmem>>[vector<16xi32>, vector<16xi32>], vector<16xf32>,
        %add3A_216 = arith.constant 1 : i32
        %add3A_217 = vector.broadcast %add3A_216 : i32 to vector<16xi32>
        %add3A_218 = arith.addi %gather3A_213, %add3A_217 : vector<16xi32>
        %add3A_219 = arith.constant 0 : i32
        %add3A_220 = vector.broadcast %add3A_219 : i32 to vector<16xi32>
        %add3A_221 = arith.addi %iota3A, %add3A_220 : vector<16xi32>
        %gather3A_222 = tpu.vector_load_idx %arg7[%gather3A_213, %add3A_221] : memref<392x64xf32, #tpu.memory_space<vmem>>[vector<16xi32>, vector<16xi32>], vector<16xf32>,
        %gather3A_223 = tpu.vector_load_idx %arg7[%add3A_218, %add3A_221] : memref<392x64xf32, #tpu.memory_space<vmem>>[vector<16xi32>, vector<16xi32>], vector<16xf32>,
        %mul3A_224 = arith.mulf %gather3A_214, %gather3A_222 : vector<16xf32>
        %add3A_225 = arith.addf %add3A_183, %mul3A_224 : vector<16xf32>
        %mul3A_226 = arith.mulf %gather3A_215, %gather3A_223 : vector<16xf32>
        %add3A_227 = arith.addf %add3A_225, %mul3A_226 : vector<16xf32>
        %add3A_228 = arith.constant 16 : i32
        %add3A_229 = vector.broadcast %add3A_228 : i32 to vector<16xi32>
        %add3A_230 = arith.addi %iota3A, %add3A_229 : vector<16xi32>
        %gather3A_231 = tpu.vector_load_idx %arg7[%gather3A_213, %add3A_230] : memref<392x64xf32, #tpu.memory_space<vmem>>[vector<16xi32>, vector<16xi32>], vector<16xf32>,
        %gather3A_232 = tpu.vector_load_idx %arg7[%add3A_218, %add3A_230] : memref<392x64xf32, #tpu.memory_space<vmem>>[vector<16xi32>, vector<16xi32>], vector<16xf32>,
        %mul3A_233 = arith.mulf %gather3A_214, %gather3A_231 : vector<16xf32>
        %add3A_234 = arith.addf %add3A_192, %mul3A_233 : vector<16xf32>
        %mul3A_235 = arith.mulf %gather3A_215, %gather3A_232 : vector<16xf32>
        %add3A_236 = arith.addf %add3A_234, %mul3A_235 : vector<16xf32>
        %add3A_237 = arith.constant 32 : i32
        %add3A_238 = vector.broadcast %add3A_237 : i32 to vector<16xi32>
        %add3A_239 = arith.addi %iota3A, %add3A_238 : vector<16xi32>
        %gather3A_240 = tpu.vector_load_idx %arg7[%gather3A_213, %add3A_239] : memref<392x64xf32, #tpu.memory_space<vmem>>[vector<16xi32>, vector<16xi32>], vector<16xf32>,
        %gather3A_241 = tpu.vector_load_idx %arg7[%add3A_218, %add3A_239] : memref<392x64xf32, #tpu.memory_space<vmem>>[vector<16xi32>, vector<16xi32>], vector<16xf32>,
        %mul3A_242 = arith.mulf %gather3A_214, %gather3A_240 : vector<16xf32>
        %add3A_243 = arith.addf %add3A_201, %mul3A_242 : vector<16xf32>
        %mul3A_244 = arith.mulf %gather3A_215, %gather3A_241 : vector<16xf32>
        %add3A_245 = arith.addf %add3A_243, %mul3A_244 : vector<16xf32>
        %add3A_246 = arith.constant 48 : i32
        %add3A_247 = vector.broadcast %add3A_246 : i32 to vector<16xi32>
        %add3A_248 = arith.addi %iota3A, %add3A_247 : vector<16xi32>
        %gather3A_249 = tpu.vector_load_idx %arg7[%gather3A_213, %add3A_248] : memref<392x64xf32, #tpu.memory_space<vmem>>[vector<16xi32>, vector<16xi32>], vector<16xf32>,
        %gather3A_250 = tpu.vector_load_idx %arg7[%add3A_218, %add3A_248] : memref<392x64xf32, #tpu.memory_space<vmem>>[vector<16xi32>, vector<16xi32>], vector<16xf32>,
        %mul3A_251 = arith.mulf %gather3A_214, %gather3A_249 : vector<16xf32>
        %add3A_252 = arith.addf %add3A_210, %mul3A_251 : vector<16xf32>
        %mul3A_253 = arith.mulf %gather3A_215, %gather3A_250 : vector<16xf32>
        %add3A_254 = arith.addf %add3A_252, %mul3A_253 : vector<16xf32>
        %broadcast_in_dim3A_255 = arith.constant 4 : i32
        %broadcast_in_dim3A_256 = vector.broadcast %broadcast_in_dim3A_255 : i32 to vector<16xi32>
        %gather3A_257 = tpu.vector_load_idx %arg8[%broadcast_in_dim3A, %broadcast_in_dim3A_256] : memref<128x17xi32, #tpu.memory_space<vmem>>[vector<16xi32>, vector<16xi32>], vector<16xi32>,
        %gather3A_258 = tpu.vector_load_idx %arg9[%broadcast_in_dim3A, %broadcast_in_dim3A_256] : memref<128x17xf32, #tpu.memory_space<vmem>>[vector<16xi32>, vector<16xi32>], vector<16xf32>,
        %gather3A_259 = tpu.vector_load_idx %arg10[%broadcast_in_dim3A, %broadcast_in_dim3A_256] : memref<128x17xf32, #tpu.memory_space<vmem>>[vector<16xi32>, vector<16xi32>], vector<16xf32>,
        %add3A_260 = arith.constant 1 : i32
        %add3A_261 = vector.broadcast %add3A_260 : i32 to vector<16xi32>
        %add3A_262 = arith.addi %gather3A_257, %add3A_261 : vector<16xi32>
        %add3A_263 = arith.constant 0 : i32
        %add3A_264 = vector.broadcast %add3A_263 : i32 to vector<16xi32>
        %add3A_265 = arith.addi %iota3A, %add3A_264 : vector<16xi32>
        %gather3A_266 = tpu.vector_load_idx %arg7[%gather3A_257, %add3A_265] : memref<392x64xf32, #tpu.memory_space<vmem>>[vector<16xi32>, vector<16xi32>], vector<16xf32>,
        %gather3A_267 = tpu.vector_load_idx %arg7[%add3A_262, %add3A_265] : memref<392x64xf32, #tpu.memory_space<vmem>>[vector<16xi32>, vector<16xi32>], vector<16xf32>,
        %mul3A_268 = arith.mulf %gather3A_258, %gather3A_266 : vector<16xf32>
        %add3A_269 = arith.addf %add3A_227, %mul3A_268 : vector<16xf32>
        %mul3A_270 = arith.mulf %gather3A_259, %gather3A_267 : vector<16xf32>
        %add3A_271 = arith.addf %add3A_269, %mul3A_270 : vector<16xf32>
        %add3A_272 = arith.constant 16 : i32
        %add3A_273 = vector.broadcast %add3A_272 : i32 to vector<16xi32>
        %add3A_274 = arith.addi %iota3A, %add3A_273 : vector<16xi32>
        %gather3A_275 = tpu.vector_load_idx %arg7[%gather3A_257, %add3A_274] : memref<392x64xf32, #tpu.memory_space<vmem>>[vector<16xi32>, vector<16xi32>], vector<16xf32>,
        %gather3A_276 = tpu.vector_load_idx %arg7[%add3A_262, %add3A_274] : memref<392x64xf32, #tpu.memory_space<vmem>>[vector<16xi32>, vector<16xi32>], vector<16xf32>,
        %mul3A_277 = arith.mulf %gather3A_258, %gather3A_275 : vector<16xf32>
        %add3A_278 = arith.addf %add3A_236, %mul3A_277 : vector<16xf32>
        %mul3A_279 = arith.mulf %gather3A_259, %gather3A_276 : vector<16xf32>
        %add3A_280 = arith.addf %add3A_278, %mul3A_279 : vector<16xf32>
        %add3A_281 = arith.constant 32 : i32
        %add3A_282 = vector.broadcast %add3A_281 : i32 to vector<16xi32>
        %add3A_283 = arith.addi %iota3A, %add3A_282 : vector<16xi32>
        %gather3A_284 = tpu.vector_load_idx %arg7[%gather3A_257, %add3A_283] : memref<392x64xf32, #tpu.memory_space<vmem>>[vector<16xi32>, vector<16xi32>], vector<16xf32>,
        %gather3A_285 = tpu.vector_load_idx %arg7[%add3A_262, %add3A_283] : memref<392x64xf32, #tpu.memory_space<vmem>>[vector<16xi32>, vector<16xi32>], vector<16xf32>,
        %mul3A_286 = arith.mulf %gather3A_258, %gather3A_284 : vector<16xf32>
        %add3A_287 = arith.addf %add3A_245, %mul3A_286 : vector<16xf32>
        %mul3A_288 = arith.mulf %gather3A_259, %gather3A_285 : vector<16xf32>
        %add3A_289 = arith.addf %add3A_287, %mul3A_288 : vector<16xf32>
        %add3A_290 = arith.constant 48 : i32
        %add3A_291 = vector.broadcast %add3A_290 : i32 to vector<16xi32>
        %add3A_292 = arith.addi %iota3A, %add3A_291 : vector<16xi32>
        %gather3A_293 = tpu.vector_load_idx %arg7[%gather3A_257, %add3A_292] : memref<392x64xf32, #tpu.memory_space<vmem>>[vector<16xi32>, vector<16xi32>], vector<16xf32>,
        %gather3A_294 = tpu.vector_load_idx %arg7[%add3A_262, %add3A_292] : memref<392x64xf32, #tpu.memory_space<vmem>>[vector<16xi32>, vector<16xi32>], vector<16xf32>,
        %mul3A_295 = arith.mulf %gather3A_258, %gather3A_293 : vector<16xf32>
        %add3A_296 = arith.addf %add3A_254, %mul3A_295 : vector<16xf32>
        %mul3A_297 = arith.mulf %gather3A_259, %gather3A_294 : vector<16xf32>
        %add3A_298 = arith.addf %add3A_296, %mul3A_297 : vector<16xf32>
        %broadcast_in_dim3A_299 = arith.constant 5 : i32
        %broadcast_in_dim3A_300 = vector.broadcast %broadcast_in_dim3A_299 : i32 to vector<16xi32>
        %gather3A_301 = tpu.vector_load_idx %arg8[%broadcast_in_dim3A, %broadcast_in_dim3A_300] : memref<128x17xi32, #tpu.memory_space<vmem>>[vector<16xi32>, vector<16xi32>], vector<16xi32>,
        %gather3A_302 = tpu.vector_load_idx %arg9[%broadcast_in_dim3A, %broadcast_in_dim3A_300] : memref<128x17xf32, #tpu.memory_space<vmem>>[vector<16xi32>, vector<16xi32>], vector<16xf32>,
        %gather3A_303 = tpu.vector_load_idx %arg10[%broadcast_in_dim3A, %broadcast_in_dim3A_300] : memref<128x17xf32, #tpu.memory_space<vmem>>[vector<16xi32>, vector<16xi32>], vector<16xf32>,
        %add3A_304 = arith.constant 1 : i32
        %add3A_305 = vector.broadcast %add3A_304 : i32 to vector<16xi32>
        %add3A_306 = arith.addi %gather3A_301, %add3A_305 : vector<16xi32>
        %add3A_307 = arith.constant 0 : i32
        %add3A_308 = vector.broadcast %add3A_307 : i32 to vector<16xi32>
        %add3A_309 = arith.addi %iota3A, %add3A_308 : vector<16xi32>
        %gather3A_310 = tpu.vector_load_idx %arg7[%gather3A_301, %add3A_309] : memref<392x64xf32, #tpu.memory_space<vmem>>[vector<16xi32>, vector<16xi32>], vector<16xf32>,
        %gather3A_311 = tpu.vector_load_idx %arg7[%add3A_306, %add3A_309] : memref<392x64xf32, #tpu.memory_space<vmem>>[vector<16xi32>, vector<16xi32>], vector<16xf32>,
        %mul3A_312 = arith.mulf %gather3A_302, %gather3A_310 : vector<16xf32>
        %add3A_313 = arith.addf %add3A_271, %mul3A_312 : vector<16xf32>
        %mul3A_314 = arith.mulf %gather3A_303, %gather3A_311 : vector<16xf32>
        %add3A_315 = arith.addf %add3A_313, %mul3A_314 : vector<16xf32>
        %add3A_316 = arith.constant 16 : i32
        %add3A_317 = vector.broadcast %add3A_316 : i32 to vector<16xi32>
        %add3A_318 = arith.addi %iota3A, %add3A_317 : vector<16xi32>
        %gather3A_319 = tpu.vector_load_idx %arg7[%gather3A_301, %add3A_318] : memref<392x64xf32, #tpu.memory_space<vmem>>[vector<16xi32>, vector<16xi32>], vector<16xf32>,
        %gather3A_320 = tpu.vector_load_idx %arg7[%add3A_306, %add3A_318] : memref<392x64xf32, #tpu.memory_space<vmem>>[vector<16xi32>, vector<16xi32>], vector<16xf32>,
        %mul3A_321 = arith.mulf %gather3A_302, %gather3A_319 : vector<16xf32>
        %add3A_322 = arith.addf %add3A_280, %mul3A_321 : vector<16xf32>
        %mul3A_323 = arith.mulf %gather3A_303, %gather3A_320 : vector<16xf32>
        %add3A_324 = arith.addf %add3A_322, %mul3A_323 : vector<16xf32>
        %add3A_325 = arith.constant 32 : i32
        %add3A_326 = vector.broadcast %add3A_325 : i32 to vector<16xi32>
        %add3A_327 = arith.addi %iota3A, %add3A_326 : vector<16xi32>
        %gather3A_328 = tpu.vector_load_idx %arg7[%gather3A_301, %add3A_327] : memref<392x64xf32, #tpu.memory_space<vmem>>[vector<16xi32>, vector<16xi32>], vector<16xf32>,
        %gather3A_329 = tpu.vector_load_idx %arg7[%add3A_306, %add3A_327] : memref<392x64xf32, #tpu.memory_space<vmem>>[vector<16xi32>, vector<16xi32>], vector<16xf32>,
        %mul3A_330 = arith.mulf %gather3A_302, %gather3A_328 : vector<16xf32>
        %add3A_331 = arith.addf %add3A_289, %mul3A_330 : vector<16xf32>
        %mul3A_332 = arith.mulf %gather3A_303, %gather3A_329 : vector<16xf32>
        %add3A_333 = arith.addf %add3A_331, %mul3A_332 : vector<16xf32>
        %add3A_334 = arith.constant 48 : i32
        %add3A_335 = vector.broadcast %add3A_334 : i32 to vector<16xi32>
        %add3A_336 = arith.addi %iota3A, %add3A_335 : vector<16xi32>
        %gather3A_337 = tpu.vector_load_idx %arg7[%gather3A_301, %add3A_336] : memref<392x64xf32, #tpu.memory_space<vmem>>[vector<16xi32>, vector<16xi32>], vector<16xf32>,
        %gather3A_338 = tpu.vector_load_idx %arg7[%add3A_306, %add3A_336] : memref<392x64xf32, #tpu.memory_space<vmem>>[vector<16xi32>, vector<16xi32>], vector<16xf32>,
        %mul3A_339 = arith.mulf %gather3A_302, %gather3A_337 : vector<16xf32>
        %add3A_340 = arith.addf %add3A_298, %mul3A_339 : vector<16xf32>
        %mul3A_341 = arith.mulf %gather3A_303, %gather3A_338 : vector<16xf32>
        %add3A_342 = arith.addf %add3A_340, %mul3A_341 : vector<16xf32>
        %broadcast_in_dim3A_343 = arith.constant 6 : i32
        %broadcast_in_dim3A_344 = vector.broadcast %broadcast_in_dim3A_343 : i32 to vector<16xi32>
        %gather3A_345 = tpu.vector_load_idx %arg8[%broadcast_in_dim3A, %broadcast_in_dim3A_344] : memref<128x17xi32, #tpu.memory_space<vmem>>[vector<16xi32>, vector<16xi32>], vector<16xi32>,
        %gather3A_346 = tpu.vector_load_idx %arg9[%broadcast_in_dim3A, %broadcast_in_dim3A_344] : memref<128x17xf32, #tpu.memory_space<vmem>>[vector<16xi32>, vector<16xi32>], vector<16xf32>,
        %gather3A_347 = tpu.vector_load_idx %arg10[%broadcast_in_dim3A, %broadcast_in_dim3A_344] : memref<128x17xf32, #tpu.memory_space<vmem>>[vector<16xi32>, vector<16xi32>], vector<16xf32>,
        %add3A_348 = arith.constant 1 : i32
        %add3A_349 = vector.broadcast %add3A_348 : i32 to vector<16xi32>
        %add3A_350 = arith.addi %gather3A_345, %add3A_349 : vector<16xi32>
        %add3A_351 = arith.constant 0 : i32
        %add3A_352 = vector.broadcast %add3A_351 : i32 to vector<16xi32>
        %add3A_353 = arith.addi %iota3A, %add3A_352 : vector<16xi32>
        %gather3A_354 = tpu.vector_load_idx %arg7[%gather3A_345, %add3A_353] : memref<392x64xf32, #tpu.memory_space<vmem>>[vector<16xi32>, vector<16xi32>], vector<16xf32>,
        %gather3A_355 = tpu.vector_load_idx %arg7[%add3A_350, %add3A_353] : memref<392x64xf32, #tpu.memory_space<vmem>>[vector<16xi32>, vector<16xi32>], vector<16xf32>,
        %mul3A_356 = arith.mulf %gather3A_346, %gather3A_354 : vector<16xf32>
        %add3A_357 = arith.addf %add3A_315, %mul3A_356 : vector<16xf32>
        %mul3A_358 = arith.mulf %gather3A_347, %gather3A_355 : vector<16xf32>
        %add3A_359 = arith.addf %add3A_357, %mul3A_358 : vector<16xf32>
        %add3A_360 = arith.constant 16 : i32
        %add3A_361 = vector.broadcast %add3A_360 : i32 to vector<16xi32>
        %add3A_362 = arith.addi %iota3A, %add3A_361 : vector<16xi32>
        %gather3A_363 = tpu.vector_load_idx %arg7[%gather3A_345, %add3A_362] : memref<392x64xf32, #tpu.memory_space<vmem>>[vector<16xi32>, vector<16xi32>], vector<16xf32>,
        %gather3A_364 = tpu.vector_load_idx %arg7[%add3A_350, %add3A_362] : memref<392x64xf32, #tpu.memory_space<vmem>>[vector<16xi32>, vector<16xi32>], vector<16xf32>,
        %mul3A_365 = arith.mulf %gather3A_346, %gather3A_363 : vector<16xf32>
        %add3A_366 = arith.addf %add3A_324, %mul3A_365 : vector<16xf32>
        %mul3A_367 = arith.mulf %gather3A_347, %gather3A_364 : vector<16xf32>
        %add3A_368 = arith.addf %add3A_366, %mul3A_367 : vector<16xf32>
        %add3A_369 = arith.constant 32 : i32
        %add3A_370 = vector.broadcast %add3A_369 : i32 to vector<16xi32>
        %add3A_371 = arith.addi %iota3A, %add3A_370 : vector<16xi32>
        %gather3A_372 = tpu.vector_load_idx %arg7[%gather3A_345, %add3A_371] : memref<392x64xf32, #tpu.memory_space<vmem>>[vector<16xi32>, vector<16xi32>], vector<16xf32>,
        %gather3A_373 = tpu.vector_load_idx %arg7[%add3A_350, %add3A_371] : memref<392x64xf32, #tpu.memory_space<vmem>>[vector<16xi32>, vector<16xi32>], vector<16xf32>,
        %mul3A_374 = arith.mulf %gather3A_346, %gather3A_372 : vector<16xf32>
        %add3A_375 = arith.addf %add3A_333, %mul3A_374 : vector<16xf32>
        %mul3A_376 = arith.mulf %gather3A_347, %gather3A_373 : vector<16xf32>
        %add3A_377 = arith.addf %add3A_375, %mul3A_376 : vector<16xf32>
        %add3A_378 = arith.constant 48 : i32
        %add3A_379 = vector.broadcast %add3A_378 : i32 to vector<16xi32>
        %add3A_380 = arith.addi %iota3A, %add3A_379 : vector<16xi32>
        %gather3A_381 = tpu.vector_load_idx %arg7[%gather3A_345, %add3A_380] : memref<392x64xf32, #tpu.memory_space<vmem>>[vector<16xi32>, vector<16xi32>], vector<16xf32>,
        %gather3A_382 = tpu.vector_load_idx %arg7[%add3A_350, %add3A_380] : memref<392x64xf32, #tpu.memory_space<vmem>>[vector<16xi32>, vector<16xi32>], vector<16xf32>,
        %mul3A_383 = arith.mulf %gather3A_346, %gather3A_381 : vector<16xf32>
        %add3A_384 = arith.addf %add3A_342, %mul3A_383 : vector<16xf32>
        %mul3A_385 = arith.mulf %gather3A_347, %gather3A_382 : vector<16xf32>
        %add3A_386 = arith.addf %add3A_384, %mul3A_385 : vector<16xf32>
        %broadcast_in_dim3A_387 = arith.constant 7 : i32
        %broadcast_in_dim3A_388 = vector.broadcast %broadcast_in_dim3A_387 : i32 to vector<16xi32>
        %gather3A_389 = tpu.vector_load_idx %arg8[%broadcast_in_dim3A, %broadcast_in_dim3A_388] : memref<128x17xi32, #tpu.memory_space<vmem>>[vector<16xi32>, vector<16xi32>], vector<16xi32>,
        %gather3A_390 = tpu.vector_load_idx %arg9[%broadcast_in_dim3A, %broadcast_in_dim3A_388] : memref<128x17xf32, #tpu.memory_space<vmem>>[vector<16xi32>, vector<16xi32>], vector<16xf32>,
        %gather3A_391 = tpu.vector_load_idx %arg10[%broadcast_in_dim3A, %broadcast_in_dim3A_388] : memref<128x17xf32, #tpu.memory_space<vmem>>[vector<16xi32>, vector<16xi32>], vector<16xf32>,
        %add3A_392 = arith.constant 1 : i32
        %add3A_393 = vector.broadcast %add3A_392 : i32 to vector<16xi32>
        %add3A_394 = arith.addi %gather3A_389, %add3A_393 : vector<16xi32>
        %add3A_395 = arith.constant 0 : i32
        %add3A_396 = vector.broadcast %add3A_395 : i32 to vector<16xi32>
        %add3A_397 = arith.addi %iota3A, %add3A_396 : vector<16xi32>
        %gather3A_398 = tpu.vector_load_idx %arg7[%gather3A_389, %add3A_397] : memref<392x64xf32, #tpu.memory_space<vmem>>[vector<16xi32>, vector<16xi32>], vector<16xf32>,
        %gather3A_399 = tpu.vector_load_idx %arg7[%add3A_394, %add3A_397] : memref<392x64xf32, #tpu.memory_space<vmem>>[vector<16xi32>, vector<16xi32>], vector<16xf32>,
        %mul3A_400 = arith.mulf %gather3A_390, %gather3A_398 : vector<16xf32>
        %add3A_401 = arith.addf %add3A_359, %mul3A_400 : vector<16xf32>
        %mul3A_402 = arith.mulf %gather3A_391, %gather3A_399 : vector<16xf32>
        %add3A_403 = arith.addf %add3A_401, %mul3A_402 : vector<16xf32>
        %add3A_404 = arith.constant 16 : i32
        %add3A_405 = vector.broadcast %add3A_404 : i32 to vector<16xi32>
        %add3A_406 = arith.addi %iota3A, %add3A_405 : vector<16xi32>
        %gather3A_407 = tpu.vector_load_idx %arg7[%gather3A_389, %add3A_406] : memref<392x64xf32, #tpu.memory_space<vmem>>[vector<16xi32>, vector<16xi32>], vector<16xf32>,
        %gather3A_408 = tpu.vector_load_idx %arg7[%add3A_394, %add3A_406] : memref<392x64xf32, #tpu.memory_space<vmem>>[vector<16xi32>, vector<16xi32>], vector<16xf32>,
        %mul3A_409 = arith.mulf %gather3A_390, %gather3A_407 : vector<16xf32>
        %add3A_410 = arith.addf %add3A_368, %mul3A_409 : vector<16xf32>
        %mul3A_411 = arith.mulf %gather3A_391, %gather3A_408 : vector<16xf32>
        %add3A_412 = arith.addf %add3A_410, %mul3A_411 : vector<16xf32>
        %add3A_413 = arith.constant 32 : i32
        %add3A_414 = vector.broadcast %add3A_413 : i32 to vector<16xi32>
        %add3A_415 = arith.addi %iota3A, %add3A_414 : vector<16xi32>
        %gather3A_416 = tpu.vector_load_idx %arg7[%gather3A_389, %add3A_415] : memref<392x64xf32, #tpu.memory_space<vmem>>[vector<16xi32>, vector<16xi32>], vector<16xf32>,
        %gather3A_417 = tpu.vector_load_idx %arg7[%add3A_394, %add3A_415] : memref<392x64xf32, #tpu.memory_space<vmem>>[vector<16xi32>, vector<16xi32>], vector<16xf32>,
        %mul3A_418 = arith.mulf %gather3A_390, %gather3A_416 : vector<16xf32>
        %add3A_419 = arith.addf %add3A_377, %mul3A_418 : vector<16xf32>
        %mul3A_420 = arith.mulf %gather3A_391, %gather3A_417 : vector<16xf32>
        %add3A_421 = arith.addf %add3A_419, %mul3A_420 : vector<16xf32>
        %add3A_422 = arith.constant 48 : i32
        %add3A_423 = vector.broadcast %add3A_422 : i32 to vector<16xi32>
        %add3A_424 = arith.addi %iota3A, %add3A_423 : vector<16xi32>
        %gather3A_425 = tpu.vector_load_idx %arg7[%gather3A_389, %add3A_424] : memref<392x64xf32, #tpu.memory_space<vmem>>[vector<16xi32>, vector<16xi32>], vector<16xf32>,
        %gather3A_426 = tpu.vector_load_idx %arg7[%add3A_394, %add3A_424] : memref<392x64xf32, #tpu.memory_space<vmem>>[vector<16xi32>, vector<16xi32>], vector<16xf32>,
        %mul3A_427 = arith.mulf %gather3A_390, %gather3A_425 : vector<16xf32>
        %add3A_428 = arith.addf %add3A_386, %mul3A_427 : vector<16xf32>
        %mul3A_429 = arith.mulf %gather3A_391, %gather3A_426 : vector<16xf32>
        %add3A_430 = arith.addf %add3A_428, %mul3A_429 : vector<16xf32>
        %broadcast_in_dim3A_431 = arith.constant 8 : i32
        %broadcast_in_dim3A_432 = vector.broadcast %broadcast_in_dim3A_431 : i32 to vector<16xi32>
        %gather3A_433 = tpu.vector_load_idx %arg8[%broadcast_in_dim3A, %broadcast_in_dim3A_432] : memref<128x17xi32, #tpu.memory_space<vmem>>[vector<16xi32>, vector<16xi32>], vector<16xi32>,
        %gather3A_434 = tpu.vector_load_idx %arg9[%broadcast_in_dim3A, %broadcast_in_dim3A_432] : memref<128x17xf32, #tpu.memory_space<vmem>>[vector<16xi32>, vector<16xi32>], vector<16xf32>,
        %gather3A_435 = tpu.vector_load_idx %arg10[%broadcast_in_dim3A, %broadcast_in_dim3A_432] : memref<128x17xf32, #tpu.memory_space<vmem>>[vector<16xi32>, vector<16xi32>], vector<16xf32>,
        %add3A_436 = arith.constant 1 : i32
        %add3A_437 = vector.broadcast %add3A_436 : i32 to vector<16xi32>
        %add3A_438 = arith.addi %gather3A_433, %add3A_437 : vector<16xi32>
        %add3A_439 = arith.constant 0 : i32
        %add3A_440 = vector.broadcast %add3A_439 : i32 to vector<16xi32>
        %add3A_441 = arith.addi %iota3A, %add3A_440 : vector<16xi32>
        %gather3A_442 = tpu.vector_load_idx %arg7[%gather3A_433, %add3A_441] : memref<392x64xf32, #tpu.memory_space<vmem>>[vector<16xi32>, vector<16xi32>], vector<16xf32>,
        %gather3A_443 = tpu.vector_load_idx %arg7[%add3A_438, %add3A_441] : memref<392x64xf32, #tpu.memory_space<vmem>>[vector<16xi32>, vector<16xi32>], vector<16xf32>,
        %mul3A_444 = arith.mulf %gather3A_434, %gather3A_442 : vector<16xf32>
        %add3A_445 = arith.addf %add3A_403, %mul3A_444 : vector<16xf32>
        %mul3A_446 = arith.mulf %gather3A_435, %gather3A_443 : vector<16xf32>
        %add3A_447 = arith.addf %add3A_445, %mul3A_446 : vector<16xf32>
        %add3A_448 = arith.constant 16 : i32
        %add3A_449 = vector.broadcast %add3A_448 : i32 to vector<16xi32>
        %add3A_450 = arith.addi %iota3A, %add3A_449 : vector<16xi32>
        %gather3A_451 = tpu.vector_load_idx %arg7[%gather3A_433, %add3A_450] : memref<392x64xf32, #tpu.memory_space<vmem>>[vector<16xi32>, vector<16xi32>], vector<16xf32>,
        %gather3A_452 = tpu.vector_load_idx %arg7[%add3A_438, %add3A_450] : memref<392x64xf32, #tpu.memory_space<vmem>>[vector<16xi32>, vector<16xi32>], vector<16xf32>,
        %mul3A_453 = arith.mulf %gather3A_434, %gather3A_451 : vector<16xf32>
        %add3A_454 = arith.addf %add3A_412, %mul3A_453 : vector<16xf32>
        %mul3A_455 = arith.mulf %gather3A_435, %gather3A_452 : vector<16xf32>
        %add3A_456 = arith.addf %add3A_454, %mul3A_455 : vector<16xf32>
        %add3A_457 = arith.constant 32 : i32
        %add3A_458 = vector.broadcast %add3A_457 : i32 to vector<16xi32>
        %add3A_459 = arith.addi %iota3A, %add3A_458 : vector<16xi32>
        %gather3A_460 = tpu.vector_load_idx %arg7[%gather3A_433, %add3A_459] : memref<392x64xf32, #tpu.memory_space<vmem>>[vector<16xi32>, vector<16xi32>], vector<16xf32>,
        %gather3A_461 = tpu.vector_load_idx %arg7[%add3A_438, %add3A_459] : memref<392x64xf32, #tpu.memory_space<vmem>>[vector<16xi32>, vector<16xi32>], vector<16xf32>,
        %mul3A_462 = arith.mulf %gather3A_434, %gather3A_460 : vector<16xf32>
        %add3A_463 = arith.addf %add3A_421, %mul3A_462 : vector<16xf32>
        %mul3A_464 = arith.mulf %gather3A_435, %gather3A_461 : vector<16xf32>
        %add3A_465 = arith.addf %add3A_463, %mul3A_464 : vector<16xf32>
        %add3A_466 = arith.constant 48 : i32
        %add3A_467 = vector.broadcast %add3A_466 : i32 to vector<16xi32>
        %add3A_468 = arith.addi %iota3A, %add3A_467 : vector<16xi32>
        %gather3A_469 = tpu.vector_load_idx %arg7[%gather3A_433, %add3A_468] : memref<392x64xf32, #tpu.memory_space<vmem>>[vector<16xi32>, vector<16xi32>], vector<16xf32>,
        %gather3A_470 = tpu.vector_load_idx %arg7[%add3A_438, %add3A_468] : memref<392x64xf32, #tpu.memory_space<vmem>>[vector<16xi32>, vector<16xi32>], vector<16xf32>,
        %mul3A_471 = arith.mulf %gather3A_434, %gather3A_469 : vector<16xf32>
        %add3A_472 = arith.addf %add3A_430, %mul3A_471 : vector<16xf32>
        %mul3A_473 = arith.mulf %gather3A_435, %gather3A_470 : vector<16xf32>
        %add3A_474 = arith.addf %add3A_472, %mul3A_473 : vector<16xf32>
        %broadcast_in_dim3A_475 = arith.constant 9 : i32
        %broadcast_in_dim3A_476 = vector.broadcast %broadcast_in_dim3A_475 : i32 to vector<16xi32>
        %gather3A_477 = tpu.vector_load_idx %arg8[%broadcast_in_dim3A, %broadcast_in_dim3A_476] : memref<128x17xi32, #tpu.memory_space<vmem>>[vector<16xi32>, vector<16xi32>], vector<16xi32>,
        %gather3A_478 = tpu.vector_load_idx %arg9[%broadcast_in_dim3A, %broadcast_in_dim3A_476] : memref<128x17xf32, #tpu.memory_space<vmem>>[vector<16xi32>, vector<16xi32>], vector<16xf32>,
        %gather3A_479 = tpu.vector_load_idx %arg10[%broadcast_in_dim3A, %broadcast_in_dim3A_476] : memref<128x17xf32, #tpu.memory_space<vmem>>[vector<16xi32>, vector<16xi32>], vector<16xf32>,
        %add3A_480 = arith.constant 1 : i32
        %add3A_481 = vector.broadcast %add3A_480 : i32 to vector<16xi32>
        %add3A_482 = arith.addi %gather3A_477, %add3A_481 : vector<16xi32>
        %add3A_483 = arith.constant 0 : i32
        %add3A_484 = vector.broadcast %add3A_483 : i32 to vector<16xi32>
        %add3A_485 = arith.addi %iota3A, %add3A_484 : vector<16xi32>
        %gather3A_486 = tpu.vector_load_idx %arg7[%gather3A_477, %add3A_485] : memref<392x64xf32, #tpu.memory_space<vmem>>[vector<16xi32>, vector<16xi32>], vector<16xf32>,
        %gather3A_487 = tpu.vector_load_idx %arg7[%add3A_482, %add3A_485] : memref<392x64xf32, #tpu.memory_space<vmem>>[vector<16xi32>, vector<16xi32>], vector<16xf32>,
        %mul3A_488 = arith.mulf %gather3A_478, %gather3A_486 : vector<16xf32>
        %add3A_489 = arith.addf %add3A_447, %mul3A_488 : vector<16xf32>
        %mul3A_490 = arith.mulf %gather3A_479, %gather3A_487 : vector<16xf32>
        %add3A_491 = arith.addf %add3A_489, %mul3A_490 : vector<16xf32>
        %add3A_492 = arith.constant 16 : i32
        %add3A_493 = vector.broadcast %add3A_492 : i32 to vector<16xi32>
        %add3A_494 = arith.addi %iota3A, %add3A_493 : vector<16xi32>
        %gather3A_495 = tpu.vector_load_idx %arg7[%gather3A_477, %add3A_494] : memref<392x64xf32, #tpu.memory_space<vmem>>[vector<16xi32>, vector<16xi32>], vector<16xf32>,
        %gather3A_496 = tpu.vector_load_idx %arg7[%add3A_482, %add3A_494] : memref<392x64xf32, #tpu.memory_space<vmem>>[vector<16xi32>, vector<16xi32>], vector<16xf32>,
        %mul3A_497 = arith.mulf %gather3A_478, %gather3A_495 : vector<16xf32>
        %add3A_498 = arith.addf %add3A_456, %mul3A_497 : vector<16xf32>
        %mul3A_499 = arith.mulf %gather3A_479, %gather3A_496 : vector<16xf32>
        %add3A_500 = arith.addf %add3A_498, %mul3A_499 : vector<16xf32>
        %add3A_501 = arith.constant 32 : i32
        %add3A_502 = vector.broadcast %add3A_501 : i32 to vector<16xi32>
        %add3A_503 = arith.addi %iota3A, %add3A_502 : vector<16xi32>
        %gather3A_504 = tpu.vector_load_idx %arg7[%gather3A_477, %add3A_503] : memref<392x64xf32, #tpu.memory_space<vmem>>[vector<16xi32>, vector<16xi32>], vector<16xf32>,
        %gather3A_505 = tpu.vector_load_idx %arg7[%add3A_482, %add3A_503] : memref<392x64xf32, #tpu.memory_space<vmem>>[vector<16xi32>, vector<16xi32>], vector<16xf32>,
        %mul3A_506 = arith.mulf %gather3A_478, %gather3A_504 : vector<16xf32>
        %add3A_507 = arith.addf %add3A_465, %mul3A_506 : vector<16xf32>
        %mul3A_508 = arith.mulf %gather3A_479, %gather3A_505 : vector<16xf32>
        %add3A_509 = arith.addf %add3A_507, %mul3A_508 : vector<16xf32>
        %add3A_510 = arith.constant 48 : i32
        %add3A_511 = vector.broadcast %add3A_510 : i32 to vector<16xi32>
        %add3A_512 = arith.addi %iota3A, %add3A_511 : vector<16xi32>
        %gather3A_513 = tpu.vector_load_idx %arg7[%gather3A_477, %add3A_512] : memref<392x64xf32, #tpu.memory_space<vmem>>[vector<16xi32>, vector<16xi32>], vector<16xf32>,
        %gather3A_514 = tpu.vector_load_idx %arg7[%add3A_482, %add3A_512] : memref<392x64xf32, #tpu.memory_space<vmem>>[vector<16xi32>, vector<16xi32>], vector<16xf32>,
        %mul3A_515 = arith.mulf %gather3A_478, %gather3A_513 : vector<16xf32>
        %add3A_516 = arith.addf %add3A_474, %mul3A_515 : vector<16xf32>
        %mul3A_517 = arith.mulf %gather3A_479, %gather3A_514 : vector<16xf32>
        %add3A_518 = arith.addf %add3A_516, %mul3A_517 : vector<16xf32>
        %broadcast_in_dim3A_519 = arith.constant 10 : i32
        %broadcast_in_dim3A_520 = vector.broadcast %broadcast_in_dim3A_519 : i32 to vector<16xi32>
        %gather3A_521 = tpu.vector_load_idx %arg8[%broadcast_in_dim3A, %broadcast_in_dim3A_520] : memref<128x17xi32, #tpu.memory_space<vmem>>[vector<16xi32>, vector<16xi32>], vector<16xi32>,
        %gather3A_522 = tpu.vector_load_idx %arg9[%broadcast_in_dim3A, %broadcast_in_dim3A_520] : memref<128x17xf32, #tpu.memory_space<vmem>>[vector<16xi32>, vector<16xi32>], vector<16xf32>,
        %gather3A_523 = tpu.vector_load_idx %arg10[%broadcast_in_dim3A, %broadcast_in_dim3A_520] : memref<128x17xf32, #tpu.memory_space<vmem>>[vector<16xi32>, vector<16xi32>], vector<16xf32>,
        %add3A_524 = arith.constant 1 : i32
        %add3A_525 = vector.broadcast %add3A_524 : i32 to vector<16xi32>
        %add3A_526 = arith.addi %gather3A_521, %add3A_525 : vector<16xi32>
        %add3A_527 = arith.constant 0 : i32
        %add3A_528 = vector.broadcast %add3A_527 : i32 to vector<16xi32>
        %add3A_529 = arith.addi %iota3A, %add3A_528 : vector<16xi32>
        %gather3A_530 = tpu.vector_load_idx %arg7[%gather3A_521, %add3A_529] : memref<392x64xf32, #tpu.memory_space<vmem>>[vector<16xi32>, vector<16xi32>], vector<16xf32>,
        %gather3A_531 = tpu.vector_load_idx %arg7[%add3A_526, %add3A_529] : memref<392x64xf32, #tpu.memory_space<vmem>>[vector<16xi32>, vector<16xi32>], vector<16xf32>,
        %mul3A_532 = arith.mulf %gather3A_522, %gather3A_530 : vector<16xf32>
        %add3A_533 = arith.addf %add3A_491, %mul3A_532 : vector<16xf32>
        %mul3A_534 = arith.mulf %gather3A_523, %gather3A_531 : vector<16xf32>
        %add3A_535 = arith.addf %add3A_533, %mul3A_534 : vector<16xf32>
        %add3A_536 = arith.constant 16 : i32
        %add3A_537 = vector.broadcast %add3A_536 : i32 to vector<16xi32>
        %add3A_538 = arith.addi %iota3A, %add3A_537 : vector<16xi32>
        %gather3A_539 = tpu.vector_load_idx %arg7[%gather3A_521, %add3A_538] : memref<392x64xf32, #tpu.memory_space<vmem>>[vector<16xi32>, vector<16xi32>], vector<16xf32>,
        %gather3A_540 = tpu.vector_load_idx %arg7[%add3A_526, %add3A_538] : memref<392x64xf32, #tpu.memory_space<vmem>>[vector<16xi32>, vector<16xi32>], vector<16xf32>,
        %mul3A_541 = arith.mulf %gather3A_522, %gather3A_539 : vector<16xf32>
        %add3A_542 = arith.addf %add3A_500, %mul3A_541 : vector<16xf32>
        %mul3A_543 = arith.mulf %gather3A_523, %gather3A_540 : vector<16xf32>
        %add3A_544 = arith.addf %add3A_542, %mul3A_543 : vector<16xf32>
        %add3A_545 = arith.constant 32 : i32
        %add3A_546 = vector.broadcast %add3A_545 : i32 to vector<16xi32>
        %add3A_547 = arith.addi %iota3A, %add3A_546 : vector<16xi32>
        %gather3A_548 = tpu.vector_load_idx %arg7[%gather3A_521, %add3A_547] : memref<392x64xf32, #tpu.memory_space<vmem>>[vector<16xi32>, vector<16xi32>], vector<16xf32>,
        %gather3A_549 = tpu.vector_load_idx %arg7[%add3A_526, %add3A_547] : memref<392x64xf32, #tpu.memory_space<vmem>>[vector<16xi32>, vector<16xi32>], vector<16xf32>,
        %mul3A_550 = arith.mulf %gather3A_522, %gather3A_548 : vector<16xf32>
        %add3A_551 = arith.addf %add3A_509, %mul3A_550 : vector<16xf32>
        %mul3A_552 = arith.mulf %gather3A_523, %gather3A_549 : vector<16xf32>
        %add3A_553 = arith.addf %add3A_551, %mul3A_552 : vector<16xf32>
        %add3A_554 = arith.constant 48 : i32
        %add3A_555 = vector.broadcast %add3A_554 : i32 to vector<16xi32>
        %add3A_556 = arith.addi %iota3A, %add3A_555 : vector<16xi32>
        %gather3A_557 = tpu.vector_load_idx %arg7[%gather3A_521, %add3A_556] : memref<392x64xf32, #tpu.memory_space<vmem>>[vector<16xi32>, vector<16xi32>], vector<16xf32>,
        %gather3A_558 = tpu.vector_load_idx %arg7[%add3A_526, %add3A_556] : memref<392x64xf32, #tpu.memory_space<vmem>>[vector<16xi32>, vector<16xi32>], vector<16xf32>,
        %mul3A_559 = arith.mulf %gather3A_522, %gather3A_557 : vector<16xf32>
        %add3A_560 = arith.addf %add3A_518, %mul3A_559 : vector<16xf32>
        %mul3A_561 = arith.mulf %gather3A_523, %gather3A_558 : vector<16xf32>
        %add3A_562 = arith.addf %add3A_560, %mul3A_561 : vector<16xf32>
        %broadcast_in_dim3A_563 = arith.constant 11 : i32
        %broadcast_in_dim3A_564 = vector.broadcast %broadcast_in_dim3A_563 : i32 to vector<16xi32>
        %gather3A_565 = tpu.vector_load_idx %arg8[%broadcast_in_dim3A, %broadcast_in_dim3A_564] : memref<128x17xi32, #tpu.memory_space<vmem>>[vector<16xi32>, vector<16xi32>], vector<16xi32>,
        %gather3A_566 = tpu.vector_load_idx %arg9[%broadcast_in_dim3A, %broadcast_in_dim3A_564] : memref<128x17xf32, #tpu.memory_space<vmem>>[vector<16xi32>, vector<16xi32>], vector<16xf32>,
        %gather3A_567 = tpu.vector_load_idx %arg10[%broadcast_in_dim3A, %broadcast_in_dim3A_564] : memref<128x17xf32, #tpu.memory_space<vmem>>[vector<16xi32>, vector<16xi32>], vector<16xf32>,
        %add3A_568 = arith.constant 1 : i32
        %add3A_569 = vector.broadcast %add3A_568 : i32 to vector<16xi32>
        %add3A_570 = arith.addi %gather3A_565, %add3A_569 : vector<16xi32>
        %add3A_571 = arith.constant 0 : i32
        %add3A_572 = vector.broadcast %add3A_571 : i32 to vector<16xi32>
        %add3A_573 = arith.addi %iota3A, %add3A_572 : vector<16xi32>
        %gather3A_574 = tpu.vector_load_idx %arg7[%gather3A_565, %add3A_573] : memref<392x64xf32, #tpu.memory_space<vmem>>[vector<16xi32>, vector<16xi32>], vector<16xf32>,
        %gather3A_575 = tpu.vector_load_idx %arg7[%add3A_570, %add3A_573] : memref<392x64xf32, #tpu.memory_space<vmem>>[vector<16xi32>, vector<16xi32>], vector<16xf32>,
        %mul3A_576 = arith.mulf %gather3A_566, %gather3A_574 : vector<16xf32>
        %add3A_577 = arith.addf %add3A_535, %mul3A_576 : vector<16xf32>
        %mul3A_578 = arith.mulf %gather3A_567, %gather3A_575 : vector<16xf32>
        %add3A_579 = arith.addf %add3A_577, %mul3A_578 : vector<16xf32>
        %add3A_580 = arith.constant 16 : i32
        %add3A_581 = vector.broadcast %add3A_580 : i32 to vector<16xi32>
        %add3A_582 = arith.addi %iota3A, %add3A_581 : vector<16xi32>
        %gather3A_583 = tpu.vector_load_idx %arg7[%gather3A_565, %add3A_582] : memref<392x64xf32, #tpu.memory_space<vmem>>[vector<16xi32>, vector<16xi32>], vector<16xf32>,
        %gather3A_584 = tpu.vector_load_idx %arg7[%add3A_570, %add3A_582] : memref<392x64xf32, #tpu.memory_space<vmem>>[vector<16xi32>, vector<16xi32>], vector<16xf32>,
        %mul3A_585 = arith.mulf %gather3A_566, %gather3A_583 : vector<16xf32>
        %add3A_586 = arith.addf %add3A_544, %mul3A_585 : vector<16xf32>
        %mul3A_587 = arith.mulf %gather3A_567, %gather3A_584 : vector<16xf32>
        %add3A_588 = arith.addf %add3A_586, %mul3A_587 : vector<16xf32>
        %add3A_589 = arith.constant 32 : i32
        %add3A_590 = vector.broadcast %add3A_589 : i32 to vector<16xi32>
        %add3A_591 = arith.addi %iota3A, %add3A_590 : vector<16xi32>
        %gather3A_592 = tpu.vector_load_idx %arg7[%gather3A_565, %add3A_591] : memref<392x64xf32, #tpu.memory_space<vmem>>[vector<16xi32>, vector<16xi32>], vector<16xf32>,
        %gather3A_593 = tpu.vector_load_idx %arg7[%add3A_570, %add3A_591] : memref<392x64xf32, #tpu.memory_space<vmem>>[vector<16xi32>, vector<16xi32>], vector<16xf32>,
        %mul3A_594 = arith.mulf %gather3A_566, %gather3A_592 : vector<16xf32>
        %add3A_595 = arith.addf %add3A_553, %mul3A_594 : vector<16xf32>
        %mul3A_596 = arith.mulf %gather3A_567, %gather3A_593 : vector<16xf32>
        %add3A_597 = arith.addf %add3A_595, %mul3A_596 : vector<16xf32>
        %add3A_598 = arith.constant 48 : i32
        %add3A_599 = vector.broadcast %add3A_598 : i32 to vector<16xi32>
        %add3A_600 = arith.addi %iota3A, %add3A_599 : vector<16xi32>
        %gather3A_601 = tpu.vector_load_idx %arg7[%gather3A_565, %add3A_600] : memref<392x64xf32, #tpu.memory_space<vmem>>[vector<16xi32>, vector<16xi32>], vector<16xf32>,
        %gather3A_602 = tpu.vector_load_idx %arg7[%add3A_570, %add3A_600] : memref<392x64xf32, #tpu.memory_space<vmem>>[vector<16xi32>, vector<16xi32>], vector<16xf32>,
        %mul3A_603 = arith.mulf %gather3A_566, %gather3A_601 : vector<16xf32>
        %add3A_604 = arith.addf %add3A_562, %mul3A_603 : vector<16xf32>
        %mul3A_605 = arith.mulf %gather3A_567, %gather3A_602 : vector<16xf32>
        %add3A_606 = arith.addf %add3A_604, %mul3A_605 : vector<16xf32>
        %broadcast_in_dim3A_607 = arith.constant 12 : i32
        %broadcast_in_dim3A_608 = vector.broadcast %broadcast_in_dim3A_607 : i32 to vector<16xi32>
        %gather3A_609 = tpu.vector_load_idx %arg8[%broadcast_in_dim3A, %broadcast_in_dim3A_608] : memref<128x17xi32, #tpu.memory_space<vmem>>[vector<16xi32>, vector<16xi32>], vector<16xi32>,
        %gather3A_610 = tpu.vector_load_idx %arg9[%broadcast_in_dim3A, %broadcast_in_dim3A_608] : memref<128x17xf32, #tpu.memory_space<vmem>>[vector<16xi32>, vector<16xi32>], vector<16xf32>,
        %gather3A_611 = tpu.vector_load_idx %arg10[%broadcast_in_dim3A, %broadcast_in_dim3A_608] : memref<128x17xf32, #tpu.memory_space<vmem>>[vector<16xi32>, vector<16xi32>], vector<16xf32>,
        %add3A_612 = arith.constant 1 : i32
        %add3A_613 = vector.broadcast %add3A_612 : i32 to vector<16xi32>
        %add3A_614 = arith.addi %gather3A_609, %add3A_613 : vector<16xi32>
        %add3A_615 = arith.constant 0 : i32
        %add3A_616 = vector.broadcast %add3A_615 : i32 to vector<16xi32>
        %add3A_617 = arith.addi %iota3A, %add3A_616 : vector<16xi32>
        %gather3A_618 = tpu.vector_load_idx %arg7[%gather3A_609, %add3A_617] : memref<392x64xf32, #tpu.memory_space<vmem>>[vector<16xi32>, vector<16xi32>], vector<16xf32>,
        %gather3A_619 = tpu.vector_load_idx %arg7[%add3A_614, %add3A_617] : memref<392x64xf32, #tpu.memory_space<vmem>>[vector<16xi32>, vector<16xi32>], vector<16xf32>,
        %mul3A_620 = arith.mulf %gather3A_610, %gather3A_618 : vector<16xf32>
        %add3A_621 = arith.addf %add3A_579, %mul3A_620 : vector<16xf32>
        %mul3A_622 = arith.mulf %gather3A_611, %gather3A_619 : vector<16xf32>
        %add3A_623 = arith.addf %add3A_621, %mul3A_622 : vector<16xf32>
        %add3A_624 = arith.constant 16 : i32
        %add3A_625 = vector.broadcast %add3A_624 : i32 to vector<16xi32>
        %add3A_626 = arith.addi %iota3A, %add3A_625 : vector<16xi32>
        %gather3A_627 = tpu.vector_load_idx %arg7[%gather3A_609, %add3A_626] : memref<392x64xf32, #tpu.memory_space<vmem>>[vector<16xi32>, vector<16xi32>], vector<16xf32>,
        %gather3A_628 = tpu.vector_load_idx %arg7[%add3A_614, %add3A_626] : memref<392x64xf32, #tpu.memory_space<vmem>>[vector<16xi32>, vector<16xi32>], vector<16xf32>,
        %mul3A_629 = arith.mulf %gather3A_610, %gather3A_627 : vector<16xf32>
        %add3A_630 = arith.addf %add3A_588, %mul3A_629 : vector<16xf32>
        %mul3A_631 = arith.mulf %gather3A_611, %gather3A_628 : vector<16xf32>
        %add3A_632 = arith.addf %add3A_630, %mul3A_631 : vector<16xf32>
        %add3A_633 = arith.constant 32 : i32
        %add3A_634 = vector.broadcast %add3A_633 : i32 to vector<16xi32>
        %add3A_635 = arith.addi %iota3A, %add3A_634 : vector<16xi32>
        %gather3A_636 = tpu.vector_load_idx %arg7[%gather3A_609, %add3A_635] : memref<392x64xf32, #tpu.memory_space<vmem>>[vector<16xi32>, vector<16xi32>], vector<16xf32>,
        %gather3A_637 = tpu.vector_load_idx %arg7[%add3A_614, %add3A_635] : memref<392x64xf32, #tpu.memory_space<vmem>>[vector<16xi32>, vector<16xi32>], vector<16xf32>,
        %mul3A_638 = arith.mulf %gather3A_610, %gather3A_636 : vector<16xf32>
        %add3A_639 = arith.addf %add3A_597, %mul3A_638 : vector<16xf32>
        %mul3A_640 = arith.mulf %gather3A_611, %gather3A_637 : vector<16xf32>
        %add3A_641 = arith.addf %add3A_639, %mul3A_640 : vector<16xf32>
        %add3A_642 = arith.constant 48 : i32
        %add3A_643 = vector.broadcast %add3A_642 : i32 to vector<16xi32>
        %add3A_644 = arith.addi %iota3A, %add3A_643 : vector<16xi32>
        %gather3A_645 = tpu.vector_load_idx %arg7[%gather3A_609, %add3A_644] : memref<392x64xf32, #tpu.memory_space<vmem>>[vector<16xi32>, vector<16xi32>], vector<16xf32>,
        %gather3A_646 = tpu.vector_load_idx %arg7[%add3A_614, %add3A_644] : memref<392x64xf32, #tpu.memory_space<vmem>>[vector<16xi32>, vector<16xi32>], vector<16xf32>,
        %mul3A_647 = arith.mulf %gather3A_610, %gather3A_645 : vector<16xf32>
        %add3A_648 = arith.addf %add3A_606, %mul3A_647 : vector<16xf32>
        %mul3A_649 = arith.mulf %gather3A_611, %gather3A_646 : vector<16xf32>
        %add3A_650 = arith.addf %add3A_648, %mul3A_649 : vector<16xf32>
        %broadcast_in_dim3A_651 = arith.constant 13 : i32
        %broadcast_in_dim3A_652 = vector.broadcast %broadcast_in_dim3A_651 : i32 to vector<16xi32>
        %gather3A_653 = tpu.vector_load_idx %arg8[%broadcast_in_dim3A, %broadcast_in_dim3A_652] : memref<128x17xi32, #tpu.memory_space<vmem>>[vector<16xi32>, vector<16xi32>], vector<16xi32>,
        %gather3A_654 = tpu.vector_load_idx %arg9[%broadcast_in_dim3A, %broadcast_in_dim3A_652] : memref<128x17xf32, #tpu.memory_space<vmem>>[vector<16xi32>, vector<16xi32>], vector<16xf32>,
        %gather3A_655 = tpu.vector_load_idx %arg10[%broadcast_in_dim3A, %broadcast_in_dim3A_652] : memref<128x17xf32, #tpu.memory_space<vmem>>[vector<16xi32>, vector<16xi32>], vector<16xf32>,
        %add3A_656 = arith.constant 1 : i32
        %add3A_657 = vector.broadcast %add3A_656 : i32 to vector<16xi32>
        %add3A_658 = arith.addi %gather3A_653, %add3A_657 : vector<16xi32>
        %add3A_659 = arith.constant 0 : i32
        %add3A_660 = vector.broadcast %add3A_659 : i32 to vector<16xi32>
        %add3A_661 = arith.addi %iota3A, %add3A_660 : vector<16xi32>
        %gather3A_662 = tpu.vector_load_idx %arg7[%gather3A_653, %add3A_661] : memref<392x64xf32, #tpu.memory_space<vmem>>[vector<16xi32>, vector<16xi32>], vector<16xf32>,
        %gather3A_663 = tpu.vector_load_idx %arg7[%add3A_658, %add3A_661] : memref<392x64xf32, #tpu.memory_space<vmem>>[vector<16xi32>, vector<16xi32>], vector<16xf32>,
        %mul3A_664 = arith.mulf %gather3A_654, %gather3A_662 : vector<16xf32>
        %add3A_665 = arith.addf %add3A_623, %mul3A_664 : vector<16xf32>
        %mul3A_666 = arith.mulf %gather3A_655, %gather3A_663 : vector<16xf32>
        %add3A_667 = arith.addf %add3A_665, %mul3A_666 : vector<16xf32>
        %add3A_668 = arith.constant 16 : i32
        %add3A_669 = vector.broadcast %add3A_668 : i32 to vector<16xi32>
        %add3A_670 = arith.addi %iota3A, %add3A_669 : vector<16xi32>
        %gather3A_671 = tpu.vector_load_idx %arg7[%gather3A_653, %add3A_670] : memref<392x64xf32, #tpu.memory_space<vmem>>[vector<16xi32>, vector<16xi32>], vector<16xf32>,
        %gather3A_672 = tpu.vector_load_idx %arg7[%add3A_658, %add3A_670] : memref<392x64xf32, #tpu.memory_space<vmem>>[vector<16xi32>, vector<16xi32>], vector<16xf32>,
        %mul3A_673 = arith.mulf %gather3A_654, %gather3A_671 : vector<16xf32>
        %add3A_674 = arith.addf %add3A_632, %mul3A_673 : vector<16xf32>
        %mul3A_675 = arith.mulf %gather3A_655, %gather3A_672 : vector<16xf32>
        %add3A_676 = arith.addf %add3A_674, %mul3A_675 : vector<16xf32>
        %add3A_677 = arith.constant 32 : i32
        %add3A_678 = vector.broadcast %add3A_677 : i32 to vector<16xi32>
        %add3A_679 = arith.addi %iota3A, %add3A_678 : vector<16xi32>
        %gather3A_680 = tpu.vector_load_idx %arg7[%gather3A_653, %add3A_679] : memref<392x64xf32, #tpu.memory_space<vmem>>[vector<16xi32>, vector<16xi32>], vector<16xf32>,
        %gather3A_681 = tpu.vector_load_idx %arg7[%add3A_658, %add3A_679] : memref<392x64xf32, #tpu.memory_space<vmem>>[vector<16xi32>, vector<16xi32>], vector<16xf32>,
        %mul3A_682 = arith.mulf %gather3A_654, %gather3A_680 : vector<16xf32>
        %add3A_683 = arith.addf %add3A_641, %mul3A_682 : vector<16xf32>
        %mul3A_684 = arith.mulf %gather3A_655, %gather3A_681 : vector<16xf32>
        %add3A_685 = arith.addf %add3A_683, %mul3A_684 : vector<16xf32>
        %add3A_686 = arith.constant 48 : i32
        %add3A_687 = vector.broadcast %add3A_686 : i32 to vector<16xi32>
        %add3A_688 = arith.addi %iota3A, %add3A_687 : vector<16xi32>
        %gather3A_689 = tpu.vector_load_idx %arg7[%gather3A_653, %add3A_688] : memref<392x64xf32, #tpu.memory_space<vmem>>[vector<16xi32>, vector<16xi32>], vector<16xf32>,
        %gather3A_690 = tpu.vector_load_idx %arg7[%add3A_658, %add3A_688] : memref<392x64xf32, #tpu.memory_space<vmem>>[vector<16xi32>, vector<16xi32>], vector<16xf32>,
        %mul3A_691 = arith.mulf %gather3A_654, %gather3A_689 : vector<16xf32>
        %add3A_692 = arith.addf %add3A_650, %mul3A_691 : vector<16xf32>
        %mul3A_693 = arith.mulf %gather3A_655, %gather3A_690 : vector<16xf32>
        %add3A_694 = arith.addf %add3A_692, %mul3A_693 : vector<16xf32>
        %broadcast_in_dim3A_695 = arith.constant 14 : i32
        %broadcast_in_dim3A_696 = vector.broadcast %broadcast_in_dim3A_695 : i32 to vector<16xi32>
        %gather3A_697 = tpu.vector_load_idx %arg8[%broadcast_in_dim3A, %broadcast_in_dim3A_696] : memref<128x17xi32, #tpu.memory_space<vmem>>[vector<16xi32>, vector<16xi32>], vector<16xi32>,
        %gather3A_698 = tpu.vector_load_idx %arg9[%broadcast_in_dim3A, %broadcast_in_dim3A_696] : memref<128x17xf32, #tpu.memory_space<vmem>>[vector<16xi32>, vector<16xi32>], vector<16xf32>,
        %gather3A_699 = tpu.vector_load_idx %arg10[%broadcast_in_dim3A, %broadcast_in_dim3A_696] : memref<128x17xf32, #tpu.memory_space<vmem>>[vector<16xi32>, vector<16xi32>], vector<16xf32>,
        %add3A_700 = arith.constant 1 : i32
        %add3A_701 = vector.broadcast %add3A_700 : i32 to vector<16xi32>
        %add3A_702 = arith.addi %gather3A_697, %add3A_701 : vector<16xi32>
        %add3A_703 = arith.constant 0 : i32
        %add3A_704 = vector.broadcast %add3A_703 : i32 to vector<16xi32>
        %add3A_705 = arith.addi %iota3A, %add3A_704 : vector<16xi32>
        %gather3A_706 = tpu.vector_load_idx %arg7[%gather3A_697, %add3A_705] : memref<392x64xf32, #tpu.memory_space<vmem>>[vector<16xi32>, vector<16xi32>], vector<16xf32>,
        %gather3A_707 = tpu.vector_load_idx %arg7[%add3A_702, %add3A_705] : memref<392x64xf32, #tpu.memory_space<vmem>>[vector<16xi32>, vector<16xi32>], vector<16xf32>,
        %mul3A_708 = arith.mulf %gather3A_698, %gather3A_706 : vector<16xf32>
        %add3A_709 = arith.addf %add3A_667, %mul3A_708 : vector<16xf32>
        %mul3A_710 = arith.mulf %gather3A_699, %gather3A_707 : vector<16xf32>
        %add3A_711 = arith.addf %add3A_709, %mul3A_710 : vector<16xf32>
        %add3A_712 = arith.constant 16 : i32
        %add3A_713 = vector.broadcast %add3A_712 : i32 to vector<16xi32>
        %add3A_714 = arith.addi %iota3A, %add3A_713 : vector<16xi32>
        %gather3A_715 = tpu.vector_load_idx %arg7[%gather3A_697, %add3A_714] : memref<392x64xf32, #tpu.memory_space<vmem>>[vector<16xi32>, vector<16xi32>], vector<16xf32>,
        %gather3A_716 = tpu.vector_load_idx %arg7[%add3A_702, %add3A_714] : memref<392x64xf32, #tpu.memory_space<vmem>>[vector<16xi32>, vector<16xi32>], vector<16xf32>,
        %mul3A_717 = arith.mulf %gather3A_698, %gather3A_715 : vector<16xf32>
        %add3A_718 = arith.addf %add3A_676, %mul3A_717 : vector<16xf32>
        %mul3A_719 = arith.mulf %gather3A_699, %gather3A_716 : vector<16xf32>
        %add3A_720 = arith.addf %add3A_718, %mul3A_719 : vector<16xf32>
        %add3A_721 = arith.constant 32 : i32
        %add3A_722 = vector.broadcast %add3A_721 : i32 to vector<16xi32>
        %add3A_723 = arith.addi %iota3A, %add3A_722 : vector<16xi32>
        %gather3A_724 = tpu.vector_load_idx %arg7[%gather3A_697, %add3A_723] : memref<392x64xf32, #tpu.memory_space<vmem>>[vector<16xi32>, vector<16xi32>], vector<16xf32>,
        %gather3A_725 = tpu.vector_load_idx %arg7[%add3A_702, %add3A_723] : memref<392x64xf32, #tpu.memory_space<vmem>>[vector<16xi32>, vector<16xi32>], vector<16xf32>,
        %mul3A_726 = arith.mulf %gather3A_698, %gather3A_724 : vector<16xf32>
        %add3A_727 = arith.addf %add3A_685, %mul3A_726 : vector<16xf32>
        %mul3A_728 = arith.mulf %gather3A_699, %gather3A_725 : vector<16xf32>
        %add3A_729 = arith.addf %add3A_727, %mul3A_728 : vector<16xf32>
        %add3A_730 = arith.constant 48 : i32
        %add3A_731 = vector.broadcast %add3A_730 : i32 to vector<16xi32>
        %add3A_732 = arith.addi %iota3A, %add3A_731 : vector<16xi32>
        %gather3A_733 = tpu.vector_load_idx %arg7[%gather3A_697, %add3A_732] : memref<392x64xf32, #tpu.memory_space<vmem>>[vector<16xi32>, vector<16xi32>], vector<16xf32>,
        %gather3A_734 = tpu.vector_load_idx %arg7[%add3A_702, %add3A_732] : memref<392x64xf32, #tpu.memory_space<vmem>>[vector<16xi32>, vector<16xi32>], vector<16xf32>,
        %mul3A_735 = arith.mulf %gather3A_698, %gather3A_733 : vector<16xf32>
        %add3A_736 = arith.addf %add3A_694, %mul3A_735 : vector<16xf32>
        %mul3A_737 = arith.mulf %gather3A_699, %gather3A_734 : vector<16xf32>
        %add3A_738 = arith.addf %add3A_736, %mul3A_737 : vector<16xf32>
        %broadcast_in_dim3A_739 = arith.constant 15 : i32
        %broadcast_in_dim3A_740 = vector.broadcast %broadcast_in_dim3A_739 : i32 to vector<16xi32>
        %gather3A_741 = tpu.vector_load_idx %arg8[%broadcast_in_dim3A, %broadcast_in_dim3A_740] : memref<128x17xi32, #tpu.memory_space<vmem>>[vector<16xi32>, vector<16xi32>], vector<16xi32>,
        %gather3A_742 = tpu.vector_load_idx %arg9[%broadcast_in_dim3A, %broadcast_in_dim3A_740] : memref<128x17xf32, #tpu.memory_space<vmem>>[vector<16xi32>, vector<16xi32>], vector<16xf32>,
        %gather3A_743 = tpu.vector_load_idx %arg10[%broadcast_in_dim3A, %broadcast_in_dim3A_740] : memref<128x17xf32, #tpu.memory_space<vmem>>[vector<16xi32>, vector<16xi32>], vector<16xf32>,
        %add3A_744 = arith.constant 1 : i32
        %add3A_745 = vector.broadcast %add3A_744 : i32 to vector<16xi32>
        %add3A_746 = arith.addi %gather3A_741, %add3A_745 : vector<16xi32>
        %add3A_747 = arith.constant 0 : i32
        %add3A_748 = vector.broadcast %add3A_747 : i32 to vector<16xi32>
        %add3A_749 = arith.addi %iota3A, %add3A_748 : vector<16xi32>
        %gather3A_750 = tpu.vector_load_idx %arg7[%gather3A_741, %add3A_749] : memref<392x64xf32, #tpu.memory_space<vmem>>[vector<16xi32>, vector<16xi32>], vector<16xf32>,
        %gather3A_751 = tpu.vector_load_idx %arg7[%add3A_746, %add3A_749] : memref<392x64xf32, #tpu.memory_space<vmem>>[vector<16xi32>, vector<16xi32>], vector<16xf32>,
        %mul3A_752 = arith.mulf %gather3A_742, %gather3A_750 : vector<16xf32>
        %add3A_753 = arith.addf %add3A_711, %mul3A_752 : vector<16xf32>
        %mul3A_754 = arith.mulf %gather3A_743, %gather3A_751 : vector<16xf32>
        %add3A_755 = arith.addf %add3A_753, %mul3A_754 : vector<16xf32>
        %add3A_756 = arith.constant 16 : i32
        %add3A_757 = vector.broadcast %add3A_756 : i32 to vector<16xi32>
        %add3A_758 = arith.addi %iota3A, %add3A_757 : vector<16xi32>
        %gather3A_759 = tpu.vector_load_idx %arg7[%gather3A_741, %add3A_758] : memref<392x64xf32, #tpu.memory_space<vmem>>[vector<16xi32>, vector<16xi32>], vector<16xf32>,
        %gather3A_760 = tpu.vector_load_idx %arg7[%add3A_746, %add3A_758] : memref<392x64xf32, #tpu.memory_space<vmem>>[vector<16xi32>, vector<16xi32>], vector<16xf32>,
        %mul3A_761 = arith.mulf %gather3A_742, %gather3A_759 : vector<16xf32>
        %add3A_762 = arith.addf %add3A_720, %mul3A_761 : vector<16xf32>
        %mul3A_763 = arith.mulf %gather3A_743, %gather3A_760 : vector<16xf32>
        %add3A_764 = arith.addf %add3A_762, %mul3A_763 : vector<16xf32>
        %add3A_765 = arith.constant 32 : i32
        %add3A_766 = vector.broadcast %add3A_765 : i32 to vector<16xi32>
        %add3A_767 = arith.addi %iota3A, %add3A_766 : vector<16xi32>
        %gather3A_768 = tpu.vector_load_idx %arg7[%gather3A_741, %add3A_767] : memref<392x64xf32, #tpu.memory_space<vmem>>[vector<16xi32>, vector<16xi32>], vector<16xf32>,
        %gather3A_769 = tpu.vector_load_idx %arg7[%add3A_746, %add3A_767] : memref<392x64xf32, #tpu.memory_space<vmem>>[vector<16xi32>, vector<16xi32>], vector<16xf32>,
        %mul3A_770 = arith.mulf %gather3A_742, %gather3A_768 : vector<16xf32>
        %add3A_771 = arith.addf %add3A_729, %mul3A_770 : vector<16xf32>
        %mul3A_772 = arith.mulf %gather3A_743, %gather3A_769 : vector<16xf32>
        %add3A_773 = arith.addf %add3A_771, %mul3A_772 : vector<16xf32>
        %add3A_774 = arith.constant 48 : i32
        %add3A_775 = vector.broadcast %add3A_774 : i32 to vector<16xi32>
        %add3A_776 = arith.addi %iota3A, %add3A_775 : vector<16xi32>
        %gather3A_777 = tpu.vector_load_idx %arg7[%gather3A_741, %add3A_776] : memref<392x64xf32, #tpu.memory_space<vmem>>[vector<16xi32>, vector<16xi32>], vector<16xf32>,
        %gather3A_778 = tpu.vector_load_idx %arg7[%add3A_746, %add3A_776] : memref<392x64xf32, #tpu.memory_space<vmem>>[vector<16xi32>, vector<16xi32>], vector<16xf32>,
        %mul3A_779 = arith.mulf %gather3A_742, %gather3A_777 : vector<16xf32>
        %add3A_780 = arith.addf %add3A_738, %mul3A_779 : vector<16xf32>
        %mul3A_781 = arith.mulf %gather3A_743, %gather3A_778 : vector<16xf32>
        %add3A_782 = arith.addf %add3A_780, %mul3A_781 : vector<16xf32>
        %broadcast_in_dim3A_783 = arith.constant 16 : i32
        %broadcast_in_dim3A_784 = vector.broadcast %broadcast_in_dim3A_783 : i32 to vector<16xi32>
        %gather3A_785 = tpu.vector_load_idx %arg8[%broadcast_in_dim3A, %broadcast_in_dim3A_784] : memref<128x17xi32, #tpu.memory_space<vmem>>[vector<16xi32>, vector<16xi32>], vector<16xi32>,
        %gather3A_786 = tpu.vector_load_idx %arg9[%broadcast_in_dim3A, %broadcast_in_dim3A_784] : memref<128x17xf32, #tpu.memory_space<vmem>>[vector<16xi32>, vector<16xi32>], vector<16xf32>,
        %gather3A_787 = tpu.vector_load_idx %arg10[%broadcast_in_dim3A, %broadcast_in_dim3A_784] : memref<128x17xf32, #tpu.memory_space<vmem>>[vector<16xi32>, vector<16xi32>], vector<16xf32>,
        %add3A_788 = arith.constant 1 : i32
        %add3A_789 = vector.broadcast %add3A_788 : i32 to vector<16xi32>
        %add3A_790 = arith.addi %gather3A_785, %add3A_789 : vector<16xi32>
        %add3A_791 = arith.constant 0 : i32
        %add3A_792 = vector.broadcast %add3A_791 : i32 to vector<16xi32>
        %add3A_793 = arith.addi %iota3A, %add3A_792 : vector<16xi32>
        %gather3A_794 = tpu.vector_load_idx %arg7[%gather3A_785, %add3A_793] : memref<392x64xf32, #tpu.memory_space<vmem>>[vector<16xi32>, vector<16xi32>], vector<16xf32>,
        %gather3A_795 = tpu.vector_load_idx %arg7[%add3A_790, %add3A_793] : memref<392x64xf32, #tpu.memory_space<vmem>>[vector<16xi32>, vector<16xi32>], vector<16xf32>,
        %mul3A_796 = arith.mulf %gather3A_786, %gather3A_794 : vector<16xf32>
        %add3A_797 = arith.addf %add3A_755, %mul3A_796 : vector<16xf32>
        %mul3A_798 = arith.mulf %gather3A_787, %gather3A_795 : vector<16xf32>
        %add3A_799 = arith.addf %add3A_797, %mul3A_798 : vector<16xf32>
        %add3A_800 = arith.constant 16 : i32
        %add3A_801 = vector.broadcast %add3A_800 : i32 to vector<16xi32>
        %add3A_802 = arith.addi %iota3A, %add3A_801 : vector<16xi32>
        %gather3A_803 = tpu.vector_load_idx %arg7[%gather3A_785, %add3A_802] : memref<392x64xf32, #tpu.memory_space<vmem>>[vector<16xi32>, vector<16xi32>], vector<16xf32>,
        %gather3A_804 = tpu.vector_load_idx %arg7[%add3A_790, %add3A_802] : memref<392x64xf32, #tpu.memory_space<vmem>>[vector<16xi32>, vector<16xi32>], vector<16xf32>,
        %mul3A_805 = arith.mulf %gather3A_786, %gather3A_803 : vector<16xf32>
        %add3A_806 = arith.addf %add3A_764, %mul3A_805 : vector<16xf32>
        %mul3A_807 = arith.mulf %gather3A_787, %gather3A_804 : vector<16xf32>
        %add3A_808 = arith.addf %add3A_806, %mul3A_807 : vector<16xf32>
        %add3A_809 = arith.constant 32 : i32
        %add3A_810 = vector.broadcast %add3A_809 : i32 to vector<16xi32>
        %add3A_811 = arith.addi %iota3A, %add3A_810 : vector<16xi32>
        %gather3A_812 = tpu.vector_load_idx %arg7[%gather3A_785, %add3A_811] : memref<392x64xf32, #tpu.memory_space<vmem>>[vector<16xi32>, vector<16xi32>], vector<16xf32>,
        %gather3A_813 = tpu.vector_load_idx %arg7[%add3A_790, %add3A_811] : memref<392x64xf32, #tpu.memory_space<vmem>>[vector<16xi32>, vector<16xi32>], vector<16xf32>,
        %mul3A_814 = arith.mulf %gather3A_786, %gather3A_812 : vector<16xf32>
        %add3A_815 = arith.addf %add3A_773, %mul3A_814 : vector<16xf32>
        %mul3A_816 = arith.mulf %gather3A_787, %gather3A_813 : vector<16xf32>
        %add3A_817 = arith.addf %add3A_815, %mul3A_816 : vector<16xf32>
        %add3A_818 = arith.constant 48 : i32
        %add3A_819 = vector.broadcast %add3A_818 : i32 to vector<16xi32>
        %add3A_820 = arith.addi %iota3A, %add3A_819 : vector<16xi32>
        %gather3A_821 = tpu.vector_load_idx %arg7[%gather3A_785, %add3A_820] : memref<392x64xf32, #tpu.memory_space<vmem>>[vector<16xi32>, vector<16xi32>], vector<16xf32>,
        %gather3A_822 = tpu.vector_load_idx %arg7[%add3A_790, %add3A_820] : memref<392x64xf32, #tpu.memory_space<vmem>>[vector<16xi32>, vector<16xi32>], vector<16xf32>,
        %mul3A_823 = arith.mulf %gather3A_786, %gather3A_821 : vector<16xf32>
        %add3A_824 = arith.addf %add3A_782, %mul3A_823 : vector<16xf32>
        %mul3A_825 = arith.mulf %gather3A_787, %gather3A_822 : vector<16xf32>
        %add3A_826 = arith.addf %add3A_824, %mul3A_825 : vector<16xf32>
        %add3A_827 = arith.constant 0 : i32
        %add3A_828 = vector.broadcast %add3A_827 : i32 to vector<16xi32>
        %add3A_829 = arith.addi %iota3A, %add3A_828 : vector<16xi32>
        tpu.vector_store_idx %arg11[%broadcast_in_dim3A, %add3A_829], %add3A_799 : memref<128x64xf32, #tpu.memory_space<vmem>>[vector<16xi32>, vector<16xi32>], vector<16xf32>,
        %add3A_830 = arith.constant 16 : i32
        %add3A_831 = vector.broadcast %add3A_830 : i32 to vector<16xi32>
        %add3A_832 = arith.addi %iota3A, %add3A_831 : vector<16xi32>
        tpu.vector_store_idx %arg11[%broadcast_in_dim3A, %add3A_832], %add3A_808 : memref<128x64xf32, #tpu.memory_space<vmem>>[vector<16xi32>, vector<16xi32>], vector<16xf32>,
        %add3A_833 = arith.constant 32 : i32
        %add3A_834 = vector.broadcast %add3A_833 : i32 to vector<16xi32>
        %add3A_835 = arith.addi %iota3A, %add3A_834 : vector<16xi32>
        tpu.vector_store_idx %arg11[%broadcast_in_dim3A, %add3A_835], %add3A_817 : memref<128x64xf32, #tpu.memory_space<vmem>>[vector<16xi32>, vector<16xi32>], vector<16xf32>,
        %add3A_836 = arith.constant 48 : i32
        %add3A_837 = vector.broadcast %add3A_836 : i32 to vector<16xi32>
        %add3A_838 = arith.addi %iota3A, %add3A_837 : vector<16xi32>
        tpu.vector_store_idx %arg11[%broadcast_in_dim3A, %add3A_838], %add3A_826 : memref<128x64xf32, #tpu.memory_space<vmem>>[vector<16xi32>, vector<16xi32>], vector<16xf32>,
      }
      %scan3A_66 = arith.constant 128 : i32
      "tpu.region"() ({
        %run_scoped3A = tpu.sem_alloc : memref<!tpu.dma_semaphore, #tpu.memory_space<semaphore_mem>>
        %dma_start3A = arith.constant 0 : i32
        %dma_start3A_67 = tpu.memref_slice %arg6[%add3A_62, %multiple_of3A, %dma_start3A] : memref<16x2048x64xf32, #tpu.memory_space<hbm>> -> memref<1x128x64xf32, #tpu.memory_space<hbm>>
        %dma_start3A_68 = tpu.memref_squeeze %dma_start3A_67 : memref<1x128x64xf32, #tpu.memory_space<hbm>> -> memref<128x64xf32, #tpu.memory_space<hbm>>
        %dma_start3A_69 = arith.constant 0 : i32
        %dma_start3A_70 = tpu.memref_slice %arg6[%add3A_62, %multiple_of3A, %dma_start3A_69] : memref<16x2048x64xf32, #tpu.memory_space<hbm>> -> memref<1x128x64xf32, #tpu.memory_space<hbm>>
        %dma_start3A_71 = tpu.memref_squeeze %dma_start3A_70 : memref<1x128x64xf32, #tpu.memory_space<hbm>> -> memref<128x64xf32, #tpu.memory_space<hbm>>
        tpu.enqueue_dma source(%arg11 : memref<128x64xf32, #tpu.memory_space<vmem>>) target(%dma_start3A_71 : memref<128x64xf32, #tpu.memory_space<hbm>>) target_semaphore(%run_scoped3A : memref<!tpu.dma_semaphore, #tpu.memory_space<semaphore_mem>>)
        %dma_wait3A = arith.constant 0 : i32
        %dma_wait3A_72 = tpu.memref_slice %arg6[%add3A_62, %multiple_of3A, %dma_wait3A] : memref<16x2048x64xf32, #tpu.memory_space<hbm>> -> memref<1x128x64xf32, #tpu.memory_space<hbm>>
        %dma_wait3A_73 = tpu.memref_squeeze %dma_wait3A_72 : memref<1x128x64xf32, #tpu.memory_space<hbm>> -> memref<128x64xf32, #tpu.memory_space<hbm>>
        %dma_wait3A_74 = arith.constant 0 : i32
        %dma_wait3A_75 = tpu.memref_slice %arg6[%add3A_62, %multiple_of3A, %dma_wait3A_74] : memref<16x2048x64xf32, #tpu.memory_space<hbm>> -> memref<1x128x64xf32, #tpu.memory_space<hbm>>
        %dma_wait3A_76 = tpu.memref_squeeze %dma_wait3A_75 : memref<1x128x64xf32, #tpu.memory_space<hbm>> -> memref<128x64xf32, #tpu.memory_space<hbm>>
        tpu.wait_dma2 semaphore(%run_scoped3A : memref<!tpu.dma_semaphore, #tpu.memory_space<semaphore_mem>>) src(%arg11 : memref<128x64xf32, #tpu.memory_space<vmem>>) dst(%dma_wait3A_76 : memref<128x64xf32, #tpu.memory_space<hbm>>)
        tpu.yield
      }) : () -> ()
    }
    return
  }
}

module attributes {stable_mosaic.version = 14 : i64} {
  func.func @_out_kernel(%arg0: i32, %arg1: memref<16x256x64xf32, #tpu.memory_space<vmem>>, %arg2: memref<1024x1024xf32, #tpu.memory_space<vmem>>, %arg3: memref<256x1024xf32, #tpu.memory_space<vmem>>) attributes {dimension_semantics = [#tpu.dimension_semantics<arbitrary>], iteration_bounds = array<i64: 8>, scalar_prefetch = 0 : i64, scratch_operands = 0 : i64, tpu.core_type = #tpu.core_type<tc>, window_params = [{transform_indices = @transform_0, window_bounds = array<i64: 16, 256, 64>}, {pipeline_mode = #tpu.pipeline_mode<synchronous>, transform_indices = @transform_1, window_bounds = array<i64: 1024, 1024>}, {transform_indices = @transform_2, window_bounds = array<i64: 256, 1024>}]} {
    %get3A = arith.constant 0 : index
    %get3A_0 = arith.constant 0 : index
    %get3A_1 = arith.constant 0 : index
    %get3A_2 = vector.load %arg1[%get3A, %get3A_0, %get3A_1] : memref<16x256x64xf32, #tpu.memory_space<vmem>>, vector<1x256x64xf32>
    %get3A_3 = vector.shape_cast %get3A_2 : vector<1x256x64xf32> to vector<256x64xf32>
    %get3A_4 = arith.constant 1 : index
    %get3A_5 = arith.constant 0 : index
    %get3A_6 = arith.constant 0 : index
    %get3A_7 = vector.load %arg1[%get3A_4, %get3A_5, %get3A_6] : memref<16x256x64xf32, #tpu.memory_space<vmem>>, vector<1x256x64xf32>
    %get3A_8 = vector.shape_cast %get3A_7 : vector<1x256x64xf32> to vector<256x64xf32>
    %get3A_9 = arith.constant 2 : index
    %get3A_10 = arith.constant 0 : index
    %get3A_11 = arith.constant 0 : index
    %get3A_12 = vector.load %arg1[%get3A_9, %get3A_10, %get3A_11] : memref<16x256x64xf32, #tpu.memory_space<vmem>>, vector<1x256x64xf32>
    %get3A_13 = vector.shape_cast %get3A_12 : vector<1x256x64xf32> to vector<256x64xf32>
    %get3A_14 = arith.constant 3 : index
    %get3A_15 = arith.constant 0 : index
    %get3A_16 = arith.constant 0 : index
    %get3A_17 = vector.load %arg1[%get3A_14, %get3A_15, %get3A_16] : memref<16x256x64xf32, #tpu.memory_space<vmem>>, vector<1x256x64xf32>
    %get3A_18 = vector.shape_cast %get3A_17 : vector<1x256x64xf32> to vector<256x64xf32>
    %get3A_19 = arith.constant 4 : index
    %get3A_20 = arith.constant 0 : index
    %get3A_21 = arith.constant 0 : index
    %get3A_22 = vector.load %arg1[%get3A_19, %get3A_20, %get3A_21] : memref<16x256x64xf32, #tpu.memory_space<vmem>>, vector<1x256x64xf32>
    %get3A_23 = vector.shape_cast %get3A_22 : vector<1x256x64xf32> to vector<256x64xf32>
    %get3A_24 = arith.constant 5 : index
    %get3A_25 = arith.constant 0 : index
    %get3A_26 = arith.constant 0 : index
    %get3A_27 = vector.load %arg1[%get3A_24, %get3A_25, %get3A_26] : memref<16x256x64xf32, #tpu.memory_space<vmem>>, vector<1x256x64xf32>
    %get3A_28 = vector.shape_cast %get3A_27 : vector<1x256x64xf32> to vector<256x64xf32>
    %get3A_29 = arith.constant 6 : index
    %get3A_30 = arith.constant 0 : index
    %get3A_31 = arith.constant 0 : index
    %get3A_32 = vector.load %arg1[%get3A_29, %get3A_30, %get3A_31] : memref<16x256x64xf32, #tpu.memory_space<vmem>>, vector<1x256x64xf32>
    %get3A_33 = vector.shape_cast %get3A_32 : vector<1x256x64xf32> to vector<256x64xf32>
    %get3A_34 = arith.constant 7 : index
    %get3A_35 = arith.constant 0 : index
    %get3A_36 = arith.constant 0 : index
    %get3A_37 = vector.load %arg1[%get3A_34, %get3A_35, %get3A_36] : memref<16x256x64xf32, #tpu.memory_space<vmem>>, vector<1x256x64xf32>
    %get3A_38 = vector.shape_cast %get3A_37 : vector<1x256x64xf32> to vector<256x64xf32>
    %get3A_39 = arith.constant 8 : index
    %get3A_40 = arith.constant 0 : index
    %get3A_41 = arith.constant 0 : index
    %get3A_42 = vector.load %arg1[%get3A_39, %get3A_40, %get3A_41] : memref<16x256x64xf32, #tpu.memory_space<vmem>>, vector<1x256x64xf32>
    %get3A_43 = vector.shape_cast %get3A_42 : vector<1x256x64xf32> to vector<256x64xf32>
    %get3A_44 = arith.constant 9 : index
    %get3A_45 = arith.constant 0 : index
    %get3A_46 = arith.constant 0 : index
    %get3A_47 = vector.load %arg1[%get3A_44, %get3A_45, %get3A_46] : memref<16x256x64xf32, #tpu.memory_space<vmem>>, vector<1x256x64xf32>
    %get3A_48 = vector.shape_cast %get3A_47 : vector<1x256x64xf32> to vector<256x64xf32>
    %get3A_49 = arith.constant 10 : index
    %get3A_50 = arith.constant 0 : index
    %get3A_51 = arith.constant 0 : index
    %get3A_52 = vector.load %arg1[%get3A_49, %get3A_50, %get3A_51] : memref<16x256x64xf32, #tpu.memory_space<vmem>>, vector<1x256x64xf32>
    %get3A_53 = vector.shape_cast %get3A_52 : vector<1x256x64xf32> to vector<256x64xf32>
    %get3A_54 = arith.constant 11 : index
    %get3A_55 = arith.constant 0 : index
    %get3A_56 = arith.constant 0 : index
    %get3A_57 = vector.load %arg1[%get3A_54, %get3A_55, %get3A_56] : memref<16x256x64xf32, #tpu.memory_space<vmem>>, vector<1x256x64xf32>
    %get3A_58 = vector.shape_cast %get3A_57 : vector<1x256x64xf32> to vector<256x64xf32>
    %get3A_59 = arith.constant 12 : index
    %get3A_60 = arith.constant 0 : index
    %get3A_61 = arith.constant 0 : index
    %get3A_62 = vector.load %arg1[%get3A_59, %get3A_60, %get3A_61] : memref<16x256x64xf32, #tpu.memory_space<vmem>>, vector<1x256x64xf32>
    %get3A_63 = vector.shape_cast %get3A_62 : vector<1x256x64xf32> to vector<256x64xf32>
    %get3A_64 = arith.constant 13 : index
    %get3A_65 = arith.constant 0 : index
    %get3A_66 = arith.constant 0 : index
    %get3A_67 = vector.load %arg1[%get3A_64, %get3A_65, %get3A_66] : memref<16x256x64xf32, #tpu.memory_space<vmem>>, vector<1x256x64xf32>
    %get3A_68 = vector.shape_cast %get3A_67 : vector<1x256x64xf32> to vector<256x64xf32>
    %get3A_69 = arith.constant 14 : index
    %get3A_70 = arith.constant 0 : index
    %get3A_71 = arith.constant 0 : index
    %get3A_72 = vector.load %arg1[%get3A_69, %get3A_70, %get3A_71] : memref<16x256x64xf32, #tpu.memory_space<vmem>>, vector<1x256x64xf32>
    %get3A_73 = vector.shape_cast %get3A_72 : vector<1x256x64xf32> to vector<256x64xf32>
    %get3A_74 = arith.constant 15 : index
    %get3A_75 = arith.constant 0 : index
    %get3A_76 = arith.constant 0 : index
    %get3A_77 = vector.load %arg1[%get3A_74, %get3A_75, %get3A_76] : memref<16x256x64xf32, #tpu.memory_space<vmem>>, vector<1x256x64xf32>
    %get3A_78 = vector.shape_cast %get3A_77 : vector<1x256x64xf32> to vector<256x64xf32>
    %concatenate3A = tpu.concatenate %get3A_3, %get3A_8, %get3A_13, %get3A_18, %get3A_23, %get3A_28, %get3A_33, %get3A_38, %get3A_43, %get3A_48, %get3A_53, %get3A_58, %get3A_63, %get3A_68, %get3A_73, %get3A_78 in 1 : vector<256x64xf32>, vector<256x64xf32>, vector<256x64xf32>, vector<256x64xf32>, vector<256x64xf32>, vector<256x64xf32>, vector<256x64xf32>, vector<256x64xf32>, vector<256x64xf32>, vector<256x64xf32>, vector<256x64xf32>, vector<256x64xf32>, vector<256x64xf32>, vector<256x64xf32>, vector<256x64xf32>, vector<256x64xf32> -> vector<256x1024xf32>
    %get3A_79 = arith.constant 0 : index
    %get3A_80 = arith.constant 0 : index
    %get3A_81 = vector.load %arg2[%get3A_79, %get3A_80] : memref<1024x1024xf32, #tpu.memory_space<vmem>>, vector<1024x1024xf32>
    %convert_element_type3A = arith.truncf %concatenate3A : vector<256x1024xf32> to vector<256x1024xbf16>
    %convert_element_type3A_82 = arith.truncf %get3A_81 : vector<1024x1024xf32> to vector<1024x1024xbf16>
    %dot_general3A = arith.constant dense<0.000000e+00> : vector<256x1024xf32>
    %dot_general3A_83 = tpu.matmul %convert_element_type3A, %convert_element_type3A_82, %dot_general3A {dimension_numbers = #tpu.dot_dimension_numbers<[1], [1], [0], [0], [0, 0, 1, 0], [], []>, transpose_lhs_hint = false} : vector<256x1024xbf16>, vector<1024x1024xbf16>, vector<256x1024xf32> -> vector<256x1024xf32>
    %logistic3A = arith.negf %dot_general3A_83 : vector<256x1024xf32>
    %logistic3A_84 = math.exp %logistic3A : vector<256x1024xf32>
    %logistic3A_85 = arith.constant 1.000000e+00 : f32
    %logistic3A_86 = vector.broadcast %logistic3A_85 : f32 to vector<256x1024xf32>
    %logistic3A_87 = arith.addf %logistic3A_86, %logistic3A_84 : vector<256x1024xf32>
    %logistic3A_88 = arith.divf %logistic3A_86, %logistic3A_87 : vector<256x1024xf32>
    %mul3A = arith.mulf %dot_general3A_83, %logistic3A_88 : vector<256x1024xf32>
    %swap3A = arith.constant 0 : index
    %swap3A_89 = arith.constant 0 : index
    %swap3A_90 = vector.load %arg3[%swap3A, %swap3A_89] : memref<256x1024xf32, #tpu.memory_space<vmem>>, vector<256x1024xf32>
    tpu.vector_store %arg3[%swap3A, %swap3A_89], %mul3A {strides = array<i32>} : memref<256x1024xf32, #tpu.memory_space<vmem>>, vector<256x1024xf32>,
    return
  }
  func.func @transform_0(%arg0: i32) -> (i32, i32, i32) {
    %c0_i32 = arith.constant 0 : i32
    %c0_i32_0 = arith.constant 0 : i32
    %c0_i32_1 = arith.constant 0 : i32
    return %c0_i32, %arg0, %c0_i32_0 : i32, i32, i32
  }
  func.func @transform_1(%arg0: i32) -> (i32, i32) {
    %c0_i32 = arith.constant 0 : i32
    %c0_i32_0 = arith.constant 0 : i32
    %c0_i32_1 = arith.constant 0 : i32
    return %c0_i32, %c0_i32_0 : i32, i32
  }
  func.func @transform_2(%arg0: i32) -> (i32, i32) {
    %c0_i32 = arith.constant 0 : i32
    %c0_i32_0 = arith.constant 0 : i32
    return %arg0, %c0_i32 : i32, i32
  }
}

module attributes {stable_mosaic.version = 14 : i64} {
  func.func @_prep_kernel(%arg0: i32, %arg1: memref<256x1024xf32, #tpu.memory_space<vmem>>, %arg2: memref<32x1024xf32, #tpu.memory_space<vmem>>, %arg3: memref<1x32xf32, #tpu.memory_space<vmem>>, %arg4: memref<1024x1024xf32, #tpu.memory_space<vmem>>, %arg5: memref<1x1024xf32, #tpu.memory_space<vmem>>, %arg6: memref<16x256x17xi32, #tpu.memory_space<vmem>>, %arg7: memref<16x256x17xf32, #tpu.memory_space<vmem>>, %arg8: memref<16x256x17xf32, #tpu.memory_space<vmem>>, %arg9: memref<16x256x64xf32, #tpu.memory_space<vmem>>) attributes {dimension_semantics = [#tpu.dimension_semantics<arbitrary>], iteration_bounds = array<i64: 8>, scalar_prefetch = 0 : i64, scratch_operands = 0 : i64, tpu.core_type = #tpu.core_type<tc>, window_params = [{transform_indices = @transform_0, window_bounds = array<i64: 256, 1024>}, {pipeline_mode = #tpu.pipeline_mode<synchronous>, transform_indices = @transform_1, window_bounds = array<i64: 32, 1024>}, {pipeline_mode = #tpu.pipeline_mode<synchronous>, transform_indices = @transform_2, window_bounds = array<i64: 1, 32>}, {pipeline_mode = #tpu.pipeline_mode<synchronous>, transform_indices = @transform_3, window_bounds = array<i64: 1024, 1024>}, {pipeline_mode = #tpu.pipeline_mode<synchronous>, transform_indices = @transform_4, window_bounds = array<i64: 1, 1024>}, {transform_indices = @transform_5, window_bounds = array<i64: 16, 256, 17>}, {transform_indices = @transform_6, window_bounds = array<i64: 16, 256, 17>}, {transform_indices = @transform_7, window_bounds = array<i64: 16, 256, 17>}, {transform_indices = @transform_8, window_bounds = array<i64: 16, 256, 64>}]} {
    %mul3A = arith.constant 256 : i32
    %mul3A_0 = arith.muli %arg0, %mul3A : i32
    %get3A = arith.constant 0 : index
    %get3A_1 = arith.constant 0 : index
    %get3A_2 = vector.load %arg1[%get3A, %get3A_1] : memref<256x1024xf32, #tpu.memory_space<vmem>>, vector<256x1024xf32>
    %get3A_3 = arith.constant 0 : index
    %get3A_4 = arith.constant 0 : index
    %get3A_5 = vector.load %arg2[%get3A_3, %get3A_4] : memref<32x1024xf32, #tpu.memory_space<vmem>>, vector<32x1024xf32>
    %convert_element_type3A = arith.truncf %get3A_2 : vector<256x1024xf32> to vector<256x1024xbf16>
    %convert_element_type3A_6 = arith.truncf %get3A_5 : vector<32x1024xf32> to vector<32x1024xbf16>
    %dot_general3A = arith.constant dense<0.000000e+00> : vector<256x32xf32>
    %dot_general3A_7 = tpu.matmul %convert_element_type3A, %convert_element_type3A_6, %dot_general3A {dimension_numbers = #tpu.dot_dimension_numbers<[1], [1], [0], [0], [0, 0, 1, 0], [], []>, transpose_lhs_hint = false} : vector<256x1024xbf16>, vector<32x1024xbf16>, vector<256x32xf32> -> vector<256x32xf32>
    %get3A_8 = arith.constant 0 : index
    %get3A_9 = arith.constant 0 : index
    %get3A_10 = vector.load %arg3[%get3A_8, %get3A_9] : memref<1x32xf32, #tpu.memory_space<vmem>>, vector<1x32xf32>
    %add3A = vector.broadcast %get3A_10 : vector<1x32xf32> to vector<256x32xf32>
    %add3A_11 = arith.addf %dot_general3A_7, %add3A : vector<256x32xf32>
    %logistic3A = arith.negf %add3A_11 : vector<256x32xf32>
    %logistic3A_12 = math.exp %logistic3A : vector<256x32xf32>
    %logistic3A_13 = arith.constant 1.000000e+00 : f32
    %logistic3A_14 = vector.broadcast %logistic3A_13 : f32 to vector<256x32xf32>
    %logistic3A_15 = arith.addf %logistic3A_14, %logistic3A_12 : vector<256x32xf32>
    %logistic3A_16 = arith.divf %logistic3A_14, %logistic3A_15 : vector<256x32xf32>
    %mul3A_17 = arith.mulf %add3A_11, %logistic3A_16 : vector<256x32xf32>
    %slice3A = vector.extract_strided_slice %mul3A_17 {offsets = [0, 0], sizes = [256, 16], strides = [1, 1]} : vector<256x32xf32> to vector<256x16xf32>
    %neg3A = arith.constant 0.000000e+00 : f32
    %neg3A_18 = vector.broadcast %neg3A : f32 to vector<256x16xf32>
    %neg3A_19 = arith.subf %neg3A_18, %slice3A : vector<256x16xf32>
    %exp3A = math.exp %neg3A_19 : vector<256x16xf32>
    %add3A_20 = arith.constant 1.000000e+00 : f32
    %add3A_21 = vector.broadcast %add3A_20 : f32 to vector<256x16xf32>
    %add3A_22 = arith.addf %add3A_21, %exp3A : vector<256x16xf32>
    %div3A = arith.constant 1.000000e+00 : f32
    %div3A_23 = vector.broadcast %div3A : f32 to vector<256x16xf32>
    %div3A_24 = arith.divf %div3A_23, %add3A_22 : vector<256x16xf32>
    %mul3A_25 = arith.constant 1.500000e+01 : f32
    %mul3A_26 = vector.broadcast %mul3A_25 : f32 to vector<256x16xf32>
    %mul3A_27 = arith.mulf %div3A_24, %mul3A_26 : vector<256x16xf32>
    %add3A_28 = arith.constant 1.000000e+00 : f32
    %add3A_29 = vector.broadcast %add3A_28 : f32 to vector<256x16xf32>
    %add3A_30 = arith.addf %mul3A_27, %add3A_29 : vector<256x16xf32>
    %slice3A_31 = vector.extract_strided_slice %mul3A_17 {offsets = [0, 16], sizes = [256, 16], strides = [1, 1]} : vector<256x32xf32> to vector<256x16xf32>
    %mul3A_32 = arith.constant -2.000000e+00 : f32
    %mul3A_33 = vector.broadcast %mul3A_32 : f32 to vector<256x16xf32>
    %mul3A_34 = arith.mulf %mul3A_33, %slice3A_31 : vector<256x16xf32>
    %exp3A_35 = math.exp %mul3A_34 : vector<256x16xf32>
    %add3A_36 = arith.constant 1.000000e+00 : f32
    %add3A_37 = vector.broadcast %add3A_36 : f32 to vector<256x16xf32>
    %add3A_38 = arith.addf %add3A_37, %exp3A_35 : vector<256x16xf32>
    %div3A_39 = arith.constant 2.000000e+00 : f32
    %div3A_40 = vector.broadcast %div3A_39 : f32 to vector<256x16xf32>
    %div3A_41 = arith.divf %div3A_40, %add3A_38 : vector<256x16xf32>
    %sub3A = arith.constant 1.000000e+00 : f32
    %sub3A_42 = vector.broadcast %sub3A : f32 to vector<256x16xf32>
    %sub3A_43 = arith.subf %div3A_41, %sub3A_42 : vector<256x16xf32>
    %mul3A_44 = arith.constant 1.600000e+01 : f32
    %mul3A_45 = vector.broadcast %mul3A_44 : f32 to vector<256x16xf32>
    %mul3A_46 = arith.mulf %sub3A_43, %mul3A_45 : vector<256x16xf32>
    %get3A_47 = arith.constant 0 : index
    %get3A_48 = arith.constant 0 : index
    %get3A_49 = vector.load %arg4[%get3A_47, %get3A_48] : memref<1024x1024xf32, #tpu.memory_space<vmem>>, vector<1024x1024xf32>
    %convert_element_type3A_50 = arith.truncf %get3A_2 : vector<256x1024xf32> to vector<256x1024xbf16>
    %convert_element_type3A_51 = arith.truncf %get3A_49 : vector<1024x1024xf32> to vector<1024x1024xbf16>
    %dot_general3A_52 = arith.constant dense<0.000000e+00> : vector<256x1024xf32>
    %dot_general3A_53 = tpu.matmul %convert_element_type3A_50, %convert_element_type3A_51, %dot_general3A_52 {dimension_numbers = #tpu.dot_dimension_numbers<[1], [1], [0], [0], [0, 0, 1, 0], [], []>, transpose_lhs_hint = false} : vector<256x1024xbf16>, vector<1024x1024xbf16>, vector<256x1024xf32> -> vector<256x1024xf32>
    %get3A_54 = arith.constant 0 : index
    %get3A_55 = arith.constant 0 : index
    %get3A_56 = vector.load %arg5[%get3A_54, %get3A_55] : memref<1x1024xf32, #tpu.memory_space<vmem>>, vector<1x1024xf32>
    %add3A_57 = vector.broadcast %get3A_56 : vector<1x1024xf32> to vector<256x1024xf32>
    %add3A_58 = arith.addf %dot_general3A_53, %add3A_57 : vector<256x1024xf32>
    %logistic3A_59 = arith.negf %add3A_58 : vector<256x1024xf32>
    %logistic3A_60 = math.exp %logistic3A_59 : vector<256x1024xf32>
    %logistic3A_61 = arith.constant 1.000000e+00 : f32
    %logistic3A_62 = vector.broadcast %logistic3A_61 : f32 to vector<256x1024xf32>
    %logistic3A_63 = arith.addf %logistic3A_62, %logistic3A_60 : vector<256x1024xf32>
    %logistic3A_64 = arith.divf %logistic3A_62, %logistic3A_63 : vector<256x1024xf32>
    %mul3A_65 = arith.mulf %add3A_58, %logistic3A_64 : vector<256x1024xf32>
    %iota3A = tpu.iota {dimensions = array<i32: 1>} : vector<1x17xi32>
    %sub3A_66 = arith.constant 8 : i32
    %sub3A_67 = vector.broadcast %sub3A_66 : i32 to vector<1x17xi32>
    %sub3A_68 = arith.subi %iota3A, %sub3A_67 : vector<1x17xi32>
    %convert_element_type3A_69 = arith.sitofp %sub3A_68 : vector<1x17xi32> to vector<1x17xf32>
    %iota3A_70 = tpu.iota {dimensions = array<i32: 0>} : vector<256x17xi32>
    %add3A_71 = vector.broadcast %mul3A_0 : i32 to vector<256x17xi32>
    %add3A_72 = arith.addi %add3A_71, %iota3A_70 : vector<256x17xi32>
    %convert_element_type3A_73 = arith.sitofp %add3A_72 : vector<256x17xi32> to vector<256x17xf32>
    %jit3A = arith.constant 128 : i32
    %div3A_74 = vector.broadcast %jit3A : i32 to vector<256x17xi32>
    %div3A_75 = arith.divsi %add3A_72, %div3A_74 : vector<256x17xi32>
    %sign3A = arith.constant 0 : i32
    %sign3A_76 = vector.broadcast %sign3A : i32 to vector<256x17xi32>
    %sign3A_77 = arith.cmpi sgt, %add3A_72, %sign3A_76 : vector<256x17xi32>
    %sign3A_78 = arith.extui %sign3A_77 : vector<256x17xi1> to vector<256x17xi32>
    %sign3A_79 = arith.constant 0 : i32
    %sign3A_80 = vector.broadcast %sign3A_79 : i32 to vector<256x17xi32>
    %sign3A_81 = arith.cmpi slt, %add3A_72, %sign3A_80 : vector<256x17xi32>
    %sign3A_82 = arith.extui %sign3A_81 : vector<256x17xi1> to vector<256x17xi32>
    %sign3A_83 = arith.subi %sign3A_78, %sign3A_82 : vector<256x17xi32>
    %sign3A_84 = arith.constant 0 : i32
    %sign3A_85 = arith.cmpi sgt, %jit3A, %sign3A_84 : i32
    %sign3A_86 = arith.extui %sign3A_85 : i1 to i32
    %sign3A_87 = arith.constant 0 : i32
    %sign3A_88 = arith.cmpi slt, %jit3A, %sign3A_87 : i32
    %sign3A_89 = arith.extui %sign3A_88 : i1 to i32
    %sign3A_90 = arith.subi %sign3A_86, %sign3A_89 : i32
    %ne3A = vector.broadcast %sign3A_90 : i32 to vector<256x17xi32>
    %ne3A_91 = arith.cmpi ne, %sign3A_83, %ne3A : vector<256x17xi32>
    %rem3A = vector.broadcast %jit3A : i32 to vector<256x17xi32>
    %rem3A_92 = arith.remsi %add3A_72, %rem3A : vector<256x17xi32>
    %ne3A_93 = arith.constant 0 : i32
    %ne3A_94 = vector.broadcast %ne3A_93 : i32 to vector<256x17xi32>
    %ne3A_95 = arith.cmpi ne, %rem3A_92, %ne3A_94 : vector<256x17xi32>
    %and3A = arith.andi %ne3A_91, %ne3A_95 : vector<256x17xi1>
    %sub3A_96 = arith.constant 1 : i32
    %sub3A_97 = vector.broadcast %sub3A_96 : i32 to vector<256x17xi32>
    %sub3A_98 = arith.subi %div3A_75, %sub3A_97 : vector<256x17xi32>
    %select_n3A = arith.select %and3A, %sub3A_98, %div3A_75 : vector<256x17xi1>, vector<256x17xi32>
    %mul3A_99 = arith.constant 128 : i32
    %mul3A_100 = vector.broadcast %mul3A_99 : i32 to vector<256x17xi32>
    %mul3A_101 = arith.muli %select_n3A, %mul3A_100 : vector<256x17xi32>
    %sub3A_102 = arith.constant 128 : i32
    %sub3A_103 = vector.broadcast %sub3A_102 : i32 to vector<256x17xi32>
    %sub3A_104 = arith.subi %mul3A_101, %sub3A_103 : vector<256x17xi32>
    %jit3A_105 = arith.constant 0 : i32
    %jit3A_106 = arith.constant 1656 : i32
    %max3A = vector.broadcast %jit3A_105 : i32 to vector<256x17xi32>
    %max3A_107 = arith.maxsi %max3A, %sub3A_104 : vector<256x17xi32>
    %min3A = vector.broadcast %jit3A_106 : i32 to vector<256x17xi32>
    %min3A_108 = arith.minsi %min3A, %max3A_107 : vector<256x17xi32>
    %slice3A_109 = vector.extract_strided_slice %add3A_30 {offsets = [0, 0], sizes = [256, 1], strides = [1, 1]} : vector<256x16xf32> to vector<256x1xf32>
    %mul3A_110 = vector.broadcast %convert_element_type3A_69 : vector<1x17xf32> to vector<256x17xf32>
    %mul3A_111 = vector.broadcast %slice3A_109 : vector<256x1xf32> to vector<256x17xf32>
    %mul3A_112 = arith.mulf %mul3A_110, %mul3A_111 : vector<256x17xf32>
    %slice3A_113 = vector.extract_strided_slice %mul3A_46 {offsets = [0, 0], sizes = [256, 1], strides = [1, 1]} : vector<256x16xf32> to vector<256x1xf32>
    %add3A_114 = vector.broadcast %slice3A_113 : vector<256x1xf32> to vector<256x17xf32>
    %add3A_115 = arith.addf %mul3A_112, %add3A_114 : vector<256x17xf32>
    %jit3A_116 = arith.constant -1.280000e+02 : f32
    %jit3A_117 = arith.constant 1.280000e+02 : f32
    %max3A_118 = vector.broadcast %jit3A_116 : f32 to vector<256x17xf32>
    %max3A_119 = arith.maximumf %max3A_118, %add3A_115 : vector<256x17xf32>
    %min3A_120 = vector.broadcast %jit3A_117 : f32 to vector<256x17xf32>
    %min3A_121 = arith.minimumf %min3A_120, %max3A_119 : vector<256x17xf32>
    %add3A_122 = arith.addf %convert_element_type3A_73, %min3A_121 : vector<256x17xf32>
    %floor3A = math.floor %add3A_122 : vector<256x17xf32>
    %sub3A_123 = arith.subf %add3A_122, %floor3A : vector<256x17xf32>
    %jit3A_124 = arith.constant 0 : i32
    %jit3A_125 = arith.constant 2047 : i32
    %convert_element_type3A_126 = arith.sitofp %jit3A_124 : i32 to f32
    %max3A_127 = vector.broadcast %convert_element_type3A_126 : f32 to vector<256x17xf32>
    %max3A_128 = arith.maximumf %max3A_127, %floor3A : vector<256x17xf32>
    %convert_element_type3A_129 = arith.sitofp %jit3A_125 : i32 to f32
    %min3A_130 = vector.broadcast %convert_element_type3A_129 : f32 to vector<256x17xf32>
    %min3A_131 = arith.minimumf %min3A_130, %max3A_128 : vector<256x17xf32>
    %convert_element_type3A_132 = arith.fptosi %min3A_131 : vector<256x17xf32> to vector<256x17xi32>
    %add3A_133 = arith.constant 1.280000e+02 : f32
    %add3A_134 = vector.broadcast %add3A_133 : f32 to vector<256x17xf32>
    %add3A_135 = arith.addf %min3A_121, %add3A_134 : vector<256x17xf32>
    %mul3A_136 = arith.constant 2.500000e-01 : f32
    %mul3A_137 = vector.broadcast %mul3A_136 : f32 to vector<256x17xf32>
    %mul3A_138 = arith.mulf %add3A_135, %mul3A_137 : vector<256x17xf32>
    %floor3A_139 = math.floor %mul3A_138 : vector<256x17xf32>
    %jit3A_140 = arith.constant 0 : i32
    %jit3A_141 = arith.constant 63 : i32
    %convert_element_type3A_142 = arith.sitofp %jit3A_140 : i32 to f32
    %max3A_143 = vector.broadcast %convert_element_type3A_142 : f32 to vector<256x17xf32>
    %max3A_144 = arith.maximumf %max3A_143, %floor3A_139 : vector<256x17xf32>
    %convert_element_type3A_145 = arith.sitofp %jit3A_141 : i32 to f32
    %min3A_146 = vector.broadcast %convert_element_type3A_145 : f32 to vector<256x17xf32>
    %min3A_147 = arith.minimumf %min3A_146, %max3A_144 : vector<256x17xf32>
    %convert_element_type3A_148 = arith.fptosi %min3A_147 : vector<256x17xf32> to vector<256x17xi32>
    %slice3A_149 = vector.extract_strided_slice %mul3A_65 {offsets = [0, 0], sizes = [256, 64], strides = [1, 1]} : vector<256x1024xf32> to vector<256x64xf32>
    %lt3A = arith.constant 0 : i32
    %lt3A_150 = vector.broadcast %lt3A : i32 to vector<256x17xi32>
    %lt3A_151 = arith.cmpi slt, %convert_element_type3A_148, %lt3A_150 : vector<256x17xi32>
    %add3A_152 = arith.constant 64 : i32
    %add3A_153 = vector.broadcast %add3A_152 : i32 to vector<256x17xi32>
    %add3A_154 = arith.addi %convert_element_type3A_148, %add3A_153 : vector<256x17xi32>
    %select_n3A_155 = arith.select %lt3A_151, %add3A_154, %convert_element_type3A_148 : vector<256x17xi1>, vector<256x17xi32>
    %reshape3A = vector.shape_cast %select_n3A_155 : vector<256x17xi32> to vector<256x17x1xi32>
    %gather3A = vector.shape_cast %reshape3A : vector<256x17x1xi32> to vector<256x17xi32>
    %gather3A_156 = tpu.dynamic_gather %slice3A_149[%gather3A] in [1] : vector<256x64xf32>, vector<256x17xi32> -> vector<256x17xf32>
    %lt3A_157 = arith.constant 0.000000e+00 : f32
    %lt3A_158 = vector.broadcast %lt3A_157 : f32 to vector<256x17xf32>
    %lt3A_159 = arith.cmpf olt, %floor3A, %lt3A_158 : vector<256x17xf32>
    %add3A_160 = arith.constant 1.000000e+00 : f32
    %add3A_161 = vector.broadcast %add3A_160 : f32 to vector<256x17xf32>
    %add3A_162 = arith.addf %floor3A, %add3A_161 : vector<256x17xf32>
    %gt3A = arith.constant 2.047000e+03 : f32
    %gt3A_163 = vector.broadcast %gt3A : f32 to vector<256x17xf32>
    %gt3A_164 = arith.cmpf ogt, %add3A_162, %gt3A_163 : vector<256x17xf32>
    %or3A = arith.ori %lt3A_159, %gt3A_164 : vector<256x17xi1>
    %slice3A_165 = vector.extract_strided_slice %get3A_2 {offsets = [0, 0], sizes = [256, 64], strides = [1, 1]} : vector<256x1024xf32> to vector<256x64xf32>
    %swap3A = arith.constant 0 : index
    %swap3A_166 = arith.constant 0 : index
    %swap3A_167 = arith.constant 0 : index
    %swap3A_168 = vector.load %arg9[%swap3A, %swap3A_166, %swap3A_167] : memref<16x256x64xf32, #tpu.memory_space<vmem>>, vector<1x256x64xf32>
    %swap3A_169 = vector.shape_cast %swap3A_168 : vector<1x256x64xf32> to vector<256x64xf32>
    %swap3A_170 = vector.shape_cast %slice3A_165 : vector<256x64xf32> to vector<1x256x64xf32>
    tpu.vector_store %arg9[%swap3A, %swap3A_166, %swap3A_167], %swap3A_170 {strides = array<i32>} : memref<16x256x64xf32, #tpu.memory_space<vmem>>, vector<1x256x64xf32>,
    %sub3A_171 = arith.subi %convert_element_type3A_132, %min3A_108 : vector<256x17xi32>
    %swap3A_172 = arith.constant 0 : index
    %swap3A_173 = arith.constant 0 : index
    %swap3A_174 = arith.constant 0 : index
    %swap3A_175 = vector.load %arg6[%swap3A_172, %swap3A_173, %swap3A_174] : memref<16x256x17xi32, #tpu.memory_space<vmem>>, vector<1x256x17xi32>
    %swap3A_176 = vector.shape_cast %swap3A_175 : vector<1x256x17xi32> to vector<256x17xi32>
    %swap3A_177 = vector.shape_cast %sub3A_171 : vector<256x17xi32> to vector<1x256x17xi32>
    tpu.vector_store %arg6[%swap3A_172, %swap3A_173, %swap3A_174], %swap3A_177 {strides = array<i32>} : memref<16x256x17xi32, #tpu.memory_space<vmem>>, vector<1x256x17xi32>,
    %sub3A_178 = arith.constant 1.000000e+00 : f32
    %sub3A_179 = vector.broadcast %sub3A_178 : f32 to vector<256x17xf32>
    %sub3A_180 = arith.subf %sub3A_179, %sub3A_123 : vector<256x17xf32>
    %mul3A_181 = arith.mulf %gather3A_156, %sub3A_180 : vector<256x17xf32>
    %select_n3A_182 = arith.select %or3A, %gather3A_156, %mul3A_181 : vector<256x17xi1>, vector<256x17xf32>
    %swap3A_183 = arith.constant 0 : index
    %swap3A_184 = arith.constant 0 : index
    %swap3A_185 = arith.constant 0 : index
    %swap3A_186 = vector.load %arg7[%swap3A_183, %swap3A_184, %swap3A_185] : memref<16x256x17xf32, #tpu.memory_space<vmem>>, vector<1x256x17xf32>
    %swap3A_187 = vector.shape_cast %swap3A_186 : vector<1x256x17xf32> to vector<256x17xf32>
    %swap3A_188 = vector.shape_cast %select_n3A_182 : vector<256x17xf32> to vector<1x256x17xf32>
    tpu.vector_store %arg7[%swap3A_183, %swap3A_184, %swap3A_185], %swap3A_188 {strides = array<i32>} : memref<16x256x17xf32, #tpu.memory_space<vmem>>, vector<1x256x17xf32>,
    %mul3A_189 = arith.mulf %gather3A_156, %sub3A_123 : vector<256x17xf32>
    %jit3A_190 = arith.constant 0.000000e+00 : f32
    %broadcast_in_dim3A = vector.broadcast %jit3A_190 : f32 to vector<256x17xf32>
    %select_n3A_191 = arith.select %or3A, %broadcast_in_dim3A, %mul3A_189 : vector<256x17xi1>, vector<256x17xf32>
    %swap3A_192 = arith.constant 0 : index
    %swap3A_193 = arith.constant 0 : index
    %swap3A_194 = arith.constant 0 : index
    %swap3A_195 = vector.load %arg8[%swap3A_192, %swap3A_193, %swap3A_194] : memref<16x256x17xf32, #tpu.memory_space<vmem>>, vector<1x256x17xf32>
    %swap3A_196 = vector.shape_cast %swap3A_195 : vector<1x256x17xf32> to vector<256x17xf32>
    %swap3A_197 = vector.shape_cast %select_n3A_191 : vector<256x17xf32> to vector<1x256x17xf32>
    tpu.vector_store %arg8[%swap3A_192, %swap3A_193, %swap3A_194], %swap3A_197 {strides = array<i32>} : memref<16x256x17xf32, #tpu.memory_space<vmem>>, vector<1x256x17xf32>,
    %slice3A_198 = vector.extract_strided_slice %add3A_30 {offsets = [0, 1], sizes = [256, 1], strides = [1, 1]} : vector<256x16xf32> to vector<256x1xf32>
    %mul3A_199 = vector.broadcast %convert_element_type3A_69 : vector<1x17xf32> to vector<256x17xf32>
    %mul3A_200 = vector.broadcast %slice3A_198 : vector<256x1xf32> to vector<256x17xf32>
    %mul3A_201 = arith.mulf %mul3A_199, %mul3A_200 : vector<256x17xf32>
    %slice3A_202 = vector.extract_strided_slice %mul3A_46 {offsets = [0, 1], sizes = [256, 1], strides = [1, 1]} : vector<256x16xf32> to vector<256x1xf32>
    %add3A_203 = vector.broadcast %slice3A_202 : vector<256x1xf32> to vector<256x17xf32>
    %add3A_204 = arith.addf %mul3A_201, %add3A_203 : vector<256x17xf32>
    %jit3A_205 = arith.constant -1.280000e+02 : f32
    %jit3A_206 = arith.constant 1.280000e+02 : f32
    %max3A_207 = vector.broadcast %jit3A_205 : f32 to vector<256x17xf32>
    %max3A_208 = arith.maximumf %max3A_207, %add3A_204 : vector<256x17xf32>
    %min3A_209 = vector.broadcast %jit3A_206 : f32 to vector<256x17xf32>
    %min3A_210 = arith.minimumf %min3A_209, %max3A_208 : vector<256x17xf32>
    %add3A_211 = arith.addf %convert_element_type3A_73, %min3A_210 : vector<256x17xf32>
    %floor3A_212 = math.floor %add3A_211 : vector<256x17xf32>
    %sub3A_213 = arith.subf %add3A_211, %floor3A_212 : vector<256x17xf32>
    %jit3A_214 = arith.constant 0 : i32
    %jit3A_215 = arith.constant 2047 : i32
    %convert_element_type3A_216 = arith.sitofp %jit3A_214 : i32 to f32
    %max3A_217 = vector.broadcast %convert_element_type3A_216 : f32 to vector<256x17xf32>
    %max3A_218 = arith.maximumf %max3A_217, %floor3A_212 : vector<256x17xf32>
    %convert_element_type3A_219 = arith.sitofp %jit3A_215 : i32 to f32
    %min3A_220 = vector.broadcast %convert_element_type3A_219 : f32 to vector<256x17xf32>
    %min3A_221 = arith.minimumf %min3A_220, %max3A_218 : vector<256x17xf32>
    %convert_element_type3A_222 = arith.fptosi %min3A_221 : vector<256x17xf32> to vector<256x17xi32>
    %add3A_223 = arith.constant 1.280000e+02 : f32
    %add3A_224 = vector.broadcast %add3A_223 : f32 to vector<256x17xf32>
    %add3A_225 = arith.addf %min3A_210, %add3A_224 : vector<256x17xf32>
    %mul3A_226 = arith.constant 2.500000e-01 : f32
    %mul3A_227 = vector.broadcast %mul3A_226 : f32 to vector<256x17xf32>
    %mul3A_228 = arith.mulf %add3A_225, %mul3A_227 : vector<256x17xf32>
    %floor3A_229 = math.floor %mul3A_228 : vector<256x17xf32>
    %jit3A_230 = arith.constant 0 : i32
    %jit3A_231 = arith.constant 63 : i32
    %convert_element_type3A_232 = arith.sitofp %jit3A_230 : i32 to f32
    %max3A_233 = vector.broadcast %convert_element_type3A_232 : f32 to vector<256x17xf32>
    %max3A_234 = arith.maximumf %max3A_233, %floor3A_229 : vector<256x17xf32>
    %convert_element_type3A_235 = arith.sitofp %jit3A_231 : i32 to f32
    %min3A_236 = vector.broadcast %convert_element_type3A_235 : f32 to vector<256x17xf32>
    %min3A_237 = arith.minimumf %min3A_236, %max3A_234 : vector<256x17xf32>
    %convert_element_type3A_238 = arith.fptosi %min3A_237 : vector<256x17xf32> to vector<256x17xi32>
    %slice3A_239 = vector.extract_strided_slice %mul3A_65 {offsets = [0, 64], sizes = [256, 64], strides = [1, 1]} : vector<256x1024xf32> to vector<256x64xf32>
    %lt3A_240 = arith.constant 0 : i32
    %lt3A_241 = vector.broadcast %lt3A_240 : i32 to vector<256x17xi32>
    %lt3A_242 = arith.cmpi slt, %convert_element_type3A_238, %lt3A_241 : vector<256x17xi32>
    %add3A_243 = arith.constant 64 : i32
    %add3A_244 = vector.broadcast %add3A_243 : i32 to vector<256x17xi32>
    %add3A_245 = arith.addi %convert_element_type3A_238, %add3A_244 : vector<256x17xi32>
    %select_n3A_246 = arith.select %lt3A_242, %add3A_245, %convert_element_type3A_238 : vector<256x17xi1>, vector<256x17xi32>
    %reshape3A_247 = vector.shape_cast %select_n3A_246 : vector<256x17xi32> to vector<256x17x1xi32>
    %gather3A_248 = vector.shape_cast %reshape3A_247 : vector<256x17x1xi32> to vector<256x17xi32>
    %gather3A_249 = tpu.dynamic_gather %slice3A_239[%gather3A_248] in [1] : vector<256x64xf32>, vector<256x17xi32> -> vector<256x17xf32>
    %lt3A_250 = arith.constant 0.000000e+00 : f32
    %lt3A_251 = vector.broadcast %lt3A_250 : f32 to vector<256x17xf32>
    %lt3A_252 = arith.cmpf olt, %floor3A_212, %lt3A_251 : vector<256x17xf32>
    %add3A_253 = arith.constant 1.000000e+00 : f32
    %add3A_254 = vector.broadcast %add3A_253 : f32 to vector<256x17xf32>
    %add3A_255 = arith.addf %floor3A_212, %add3A_254 : vector<256x17xf32>
    %gt3A_256 = arith.constant 2.047000e+03 : f32
    %gt3A_257 = vector.broadcast %gt3A_256 : f32 to vector<256x17xf32>
    %gt3A_258 = arith.cmpf ogt, %add3A_255, %gt3A_257 : vector<256x17xf32>
    %or3A_259 = arith.ori %lt3A_252, %gt3A_258 : vector<256x17xi1>
    %slice3A_260 = vector.extract_strided_slice %get3A_2 {offsets = [0, 64], sizes = [256, 64], strides = [1, 1]} : vector<256x1024xf32> to vector<256x64xf32>
    %swap3A_261 = arith.constant 1 : index
    %swap3A_262 = arith.constant 0 : index
    %swap3A_263 = arith.constant 0 : index
    %swap3A_264 = vector.load %arg9[%swap3A_261, %swap3A_262, %swap3A_263] : memref<16x256x64xf32, #tpu.memory_space<vmem>>, vector<1x256x64xf32>
    %swap3A_265 = vector.shape_cast %swap3A_264 : vector<1x256x64xf32> to vector<256x64xf32>
    %swap3A_266 = vector.shape_cast %slice3A_260 : vector<256x64xf32> to vector<1x256x64xf32>
    tpu.vector_store %arg9[%swap3A_261, %swap3A_262, %swap3A_263], %swap3A_266 {strides = array<i32>} : memref<16x256x64xf32, #tpu.memory_space<vmem>>, vector<1x256x64xf32>,
    %sub3A_267 = arith.subi %convert_element_type3A_222, %min3A_108 : vector<256x17xi32>
    %swap3A_268 = arith.constant 1 : index
    %swap3A_269 = arith.constant 0 : index
    %swap3A_270 = arith.constant 0 : index
    %swap3A_271 = vector.load %arg6[%swap3A_268, %swap3A_269, %swap3A_270] : memref<16x256x17xi32, #tpu.memory_space<vmem>>, vector<1x256x17xi32>
    %swap3A_272 = vector.shape_cast %swap3A_271 : vector<1x256x17xi32> to vector<256x17xi32>
    %swap3A_273 = vector.shape_cast %sub3A_267 : vector<256x17xi32> to vector<1x256x17xi32>
    tpu.vector_store %arg6[%swap3A_268, %swap3A_269, %swap3A_270], %swap3A_273 {strides = array<i32>} : memref<16x256x17xi32, #tpu.memory_space<vmem>>, vector<1x256x17xi32>,
    %sub3A_274 = arith.constant 1.000000e+00 : f32
    %sub3A_275 = vector.broadcast %sub3A_274 : f32 to vector<256x17xf32>
    %sub3A_276 = arith.subf %sub3A_275, %sub3A_213 : vector<256x17xf32>
    %mul3A_277 = arith.mulf %gather3A_249, %sub3A_276 : vector<256x17xf32>
    %select_n3A_278 = arith.select %or3A_259, %gather3A_249, %mul3A_277 : vector<256x17xi1>, vector<256x17xf32>
    %swap3A_279 = arith.constant 1 : index
    %swap3A_280 = arith.constant 0 : index
    %swap3A_281 = arith.constant 0 : index
    %swap3A_282 = vector.load %arg7[%swap3A_279, %swap3A_280, %swap3A_281] : memref<16x256x17xf32, #tpu.memory_space<vmem>>, vector<1x256x17xf32>
    %swap3A_283 = vector.shape_cast %swap3A_282 : vector<1x256x17xf32> to vector<256x17xf32>
    %swap3A_284 = vector.shape_cast %select_n3A_278 : vector<256x17xf32> to vector<1x256x17xf32>
    tpu.vector_store %arg7[%swap3A_279, %swap3A_280, %swap3A_281], %swap3A_284 {strides = array<i32>} : memref<16x256x17xf32, #tpu.memory_space<vmem>>, vector<1x256x17xf32>,
    %mul3A_285 = arith.mulf %gather3A_249, %sub3A_213 : vector<256x17xf32>
    %jit3A_286 = arith.constant 0.000000e+00 : f32
    %broadcast_in_dim3A_287 = vector.broadcast %jit3A_286 : f32 to vector<256x17xf32>
    %select_n3A_288 = arith.select %or3A_259, %broadcast_in_dim3A_287, %mul3A_285 : vector<256x17xi1>, vector<256x17xf32>
    %swap3A_289 = arith.constant 1 : index
    %swap3A_290 = arith.constant 0 : index
    %swap3A_291 = arith.constant 0 : index
    %swap3A_292 = vector.load %arg8[%swap3A_289, %swap3A_290, %swap3A_291] : memref<16x256x17xf32, #tpu.memory_space<vmem>>, vector<1x256x17xf32>
    %swap3A_293 = vector.shape_cast %swap3A_292 : vector<1x256x17xf32> to vector<256x17xf32>
    %swap3A_294 = vector.shape_cast %select_n3A_288 : vector<256x17xf32> to vector<1x256x17xf32>
    tpu.vector_store %arg8[%swap3A_289, %swap3A_290, %swap3A_291], %swap3A_294 {strides = array<i32>} : memref<16x256x17xf32, #tpu.memory_space<vmem>>, vector<1x256x17xf32>,
    %slice3A_295 = vector.extract_strided_slice %add3A_30 {offsets = [0, 2], sizes = [256, 1], strides = [1, 1]} : vector<256x16xf32> to vector<256x1xf32>
    %mul3A_296 = vector.broadcast %convert_element_type3A_69 : vector<1x17xf32> to vector<256x17xf32>
    %mul3A_297 = vector.broadcast %slice3A_295 : vector<256x1xf32> to vector<256x17xf32>
    %mul3A_298 = arith.mulf %mul3A_296, %mul3A_297 : vector<256x17xf32>
    %slice3A_299 = vector.extract_strided_slice %mul3A_46 {offsets = [0, 2], sizes = [256, 1], strides = [1, 1]} : vector<256x16xf32> to vector<256x1xf32>
    %add3A_300 = vector.broadcast %slice3A_299 : vector<256x1xf32> to vector<256x17xf32>
    %add3A_301 = arith.addf %mul3A_298, %add3A_300 : vector<256x17xf32>
    %jit3A_302 = arith.constant -1.280000e+02 : f32
    %jit3A_303 = arith.constant 1.280000e+02 : f32
    %max3A_304 = vector.broadcast %jit3A_302 : f32 to vector<256x17xf32>
    %max3A_305 = arith.maximumf %max3A_304, %add3A_301 : vector<256x17xf32>
    %min3A_306 = vector.broadcast %jit3A_303 : f32 to vector<256x17xf32>
    %min3A_307 = arith.minimumf %min3A_306, %max3A_305 : vector<256x17xf32>
    %add3A_308 = arith.addf %convert_element_type3A_73, %min3A_307 : vector<256x17xf32>
    %floor3A_309 = math.floor %add3A_308 : vector<256x17xf32>
    %sub3A_310 = arith.subf %add3A_308, %floor3A_309 : vector<256x17xf32>
    %jit3A_311 = arith.constant 0 : i32
    %jit3A_312 = arith.constant 2047 : i32
    %convert_element_type3A_313 = arith.sitofp %jit3A_311 : i32 to f32
    %max3A_314 = vector.broadcast %convert_element_type3A_313 : f32 to vector<256x17xf32>
    %max3A_315 = arith.maximumf %max3A_314, %floor3A_309 : vector<256x17xf32>
    %convert_element_type3A_316 = arith.sitofp %jit3A_312 : i32 to f32
    %min3A_317 = vector.broadcast %convert_element_type3A_316 : f32 to vector<256x17xf32>
    %min3A_318 = arith.minimumf %min3A_317, %max3A_315 : vector<256x17xf32>
    %convert_element_type3A_319 = arith.fptosi %min3A_318 : vector<256x17xf32> to vector<256x17xi32>
    %add3A_320 = arith.constant 1.280000e+02 : f32
    %add3A_321 = vector.broadcast %add3A_320 : f32 to vector<256x17xf32>
    %add3A_322 = arith.addf %min3A_307, %add3A_321 : vector<256x17xf32>
    %mul3A_323 = arith.constant 2.500000e-01 : f32
    %mul3A_324 = vector.broadcast %mul3A_323 : f32 to vector<256x17xf32>
    %mul3A_325 = arith.mulf %add3A_322, %mul3A_324 : vector<256x17xf32>
    %floor3A_326 = math.floor %mul3A_325 : vector<256x17xf32>
    %jit3A_327 = arith.constant 0 : i32
    %jit3A_328 = arith.constant 63 : i32
    %convert_element_type3A_329 = arith.sitofp %jit3A_327 : i32 to f32
    %max3A_330 = vector.broadcast %convert_element_type3A_329 : f32 to vector<256x17xf32>
    %max3A_331 = arith.maximumf %max3A_330, %floor3A_326 : vector<256x17xf32>
    %convert_element_type3A_332 = arith.sitofp %jit3A_328 : i32 to f32
    %min3A_333 = vector.broadcast %convert_element_type3A_332 : f32 to vector<256x17xf32>
    %min3A_334 = arith.minimumf %min3A_333, %max3A_331 : vector<256x17xf32>
    %convert_element_type3A_335 = arith.fptosi %min3A_334 : vector<256x17xf32> to vector<256x17xi32>
    %slice3A_336 = vector.extract_strided_slice %mul3A_65 {offsets = [0, 128], sizes = [256, 64], strides = [1, 1]} : vector<256x1024xf32> to vector<256x64xf32>
    %lt3A_337 = arith.constant 0 : i32
    %lt3A_338 = vector.broadcast %lt3A_337 : i32 to vector<256x17xi32>
    %lt3A_339 = arith.cmpi slt, %convert_element_type3A_335, %lt3A_338 : vector<256x17xi32>
    %add3A_340 = arith.constant 64 : i32
    %add3A_341 = vector.broadcast %add3A_340 : i32 to vector<256x17xi32>
    %add3A_342 = arith.addi %convert_element_type3A_335, %add3A_341 : vector<256x17xi32>
    %select_n3A_343 = arith.select %lt3A_339, %add3A_342, %convert_element_type3A_335 : vector<256x17xi1>, vector<256x17xi32>
    %reshape3A_344 = vector.shape_cast %select_n3A_343 : vector<256x17xi32> to vector<256x17x1xi32>
    %gather3A_345 = vector.shape_cast %reshape3A_344 : vector<256x17x1xi32> to vector<256x17xi32>
    %gather3A_346 = tpu.dynamic_gather %slice3A_336[%gather3A_345] in [1] : vector<256x64xf32>, vector<256x17xi32> -> vector<256x17xf32>
    %lt3A_347 = arith.constant 0.000000e+00 : f32
    %lt3A_348 = vector.broadcast %lt3A_347 : f32 to vector<256x17xf32>
    %lt3A_349 = arith.cmpf olt, %floor3A_309, %lt3A_348 : vector<256x17xf32>
    %add3A_350 = arith.constant 1.000000e+00 : f32
    %add3A_351 = vector.broadcast %add3A_350 : f32 to vector<256x17xf32>
    %add3A_352 = arith.addf %floor3A_309, %add3A_351 : vector<256x17xf32>
    %gt3A_353 = arith.constant 2.047000e+03 : f32
    %gt3A_354 = vector.broadcast %gt3A_353 : f32 to vector<256x17xf32>
    %gt3A_355 = arith.cmpf ogt, %add3A_352, %gt3A_354 : vector<256x17xf32>
    %or3A_356 = arith.ori %lt3A_349, %gt3A_355 : vector<256x17xi1>
    %slice3A_357 = vector.extract_strided_slice %get3A_2 {offsets = [0, 128], sizes = [256, 64], strides = [1, 1]} : vector<256x1024xf32> to vector<256x64xf32>
    %swap3A_358 = arith.constant 2 : index
    %swap3A_359 = arith.constant 0 : index
    %swap3A_360 = arith.constant 0 : index
    %swap3A_361 = vector.load %arg9[%swap3A_358, %swap3A_359, %swap3A_360] : memref<16x256x64xf32, #tpu.memory_space<vmem>>, vector<1x256x64xf32>
    %swap3A_362 = vector.shape_cast %swap3A_361 : vector<1x256x64xf32> to vector<256x64xf32>
    %swap3A_363 = vector.shape_cast %slice3A_357 : vector<256x64xf32> to vector<1x256x64xf32>
    tpu.vector_store %arg9[%swap3A_358, %swap3A_359, %swap3A_360], %swap3A_363 {strides = array<i32>} : memref<16x256x64xf32, #tpu.memory_space<vmem>>, vector<1x256x64xf32>,
    %sub3A_364 = arith.subi %convert_element_type3A_319, %min3A_108 : vector<256x17xi32>
    %swap3A_365 = arith.constant 2 : index
    %swap3A_366 = arith.constant 0 : index
    %swap3A_367 = arith.constant 0 : index
    %swap3A_368 = vector.load %arg6[%swap3A_365, %swap3A_366, %swap3A_367] : memref<16x256x17xi32, #tpu.memory_space<vmem>>, vector<1x256x17xi32>
    %swap3A_369 = vector.shape_cast %swap3A_368 : vector<1x256x17xi32> to vector<256x17xi32>
    %swap3A_370 = vector.shape_cast %sub3A_364 : vector<256x17xi32> to vector<1x256x17xi32>
    tpu.vector_store %arg6[%swap3A_365, %swap3A_366, %swap3A_367], %swap3A_370 {strides = array<i32>} : memref<16x256x17xi32, #tpu.memory_space<vmem>>, vector<1x256x17xi32>,
    %sub3A_371 = arith.constant 1.000000e+00 : f32
    %sub3A_372 = vector.broadcast %sub3A_371 : f32 to vector<256x17xf32>
    %sub3A_373 = arith.subf %sub3A_372, %sub3A_310 : vector<256x17xf32>
    %mul3A_374 = arith.mulf %gather3A_346, %sub3A_373 : vector<256x17xf32>
    %select_n3A_375 = arith.select %or3A_356, %gather3A_346, %mul3A_374 : vector<256x17xi1>, vector<256x17xf32>
    %swap3A_376 = arith.constant 2 : index
    %swap3A_377 = arith.constant 0 : index
    %swap3A_378 = arith.constant 0 : index
    %swap3A_379 = vector.load %arg7[%swap3A_376, %swap3A_377, %swap3A_378] : memref<16x256x17xf32, #tpu.memory_space<vmem>>, vector<1x256x17xf32>
    %swap3A_380 = vector.shape_cast %swap3A_379 : vector<1x256x17xf32> to vector<256x17xf32>
    %swap3A_381 = vector.shape_cast %select_n3A_375 : vector<256x17xf32> to vector<1x256x17xf32>
    tpu.vector_store %arg7[%swap3A_376, %swap3A_377, %swap3A_378], %swap3A_381 {strides = array<i32>} : memref<16x256x17xf32, #tpu.memory_space<vmem>>, vector<1x256x17xf32>,
    %mul3A_382 = arith.mulf %gather3A_346, %sub3A_310 : vector<256x17xf32>
    %jit3A_383 = arith.constant 0.000000e+00 : f32
    %broadcast_in_dim3A_384 = vector.broadcast %jit3A_383 : f32 to vector<256x17xf32>
    %select_n3A_385 = arith.select %or3A_356, %broadcast_in_dim3A_384, %mul3A_382 : vector<256x17xi1>, vector<256x17xf32>
    %swap3A_386 = arith.constant 2 : index
    %swap3A_387 = arith.constant 0 : index
    %swap3A_388 = arith.constant 0 : index
    %swap3A_389 = vector.load %arg8[%swap3A_386, %swap3A_387, %swap3A_388] : memref<16x256x17xf32, #tpu.memory_space<vmem>>, vector<1x256x17xf32>
    %swap3A_390 = vector.shape_cast %swap3A_389 : vector<1x256x17xf32> to vector<256x17xf32>
    %swap3A_391 = vector.shape_cast %select_n3A_385 : vector<256x17xf32> to vector<1x256x17xf32>
    tpu.vector_store %arg8[%swap3A_386, %swap3A_387, %swap3A_388], %swap3A_391 {strides = array<i32>} : memref<16x256x17xf32, #tpu.memory_space<vmem>>, vector<1x256x17xf32>,
    %slice3A_392 = vector.extract_strided_slice %add3A_30 {offsets = [0, 3], sizes = [256, 1], strides = [1, 1]} : vector<256x16xf32> to vector<256x1xf32>
    %mul3A_393 = vector.broadcast %convert_element_type3A_69 : vector<1x17xf32> to vector<256x17xf32>
    %mul3A_394 = vector.broadcast %slice3A_392 : vector<256x1xf32> to vector<256x17xf32>
    %mul3A_395 = arith.mulf %mul3A_393, %mul3A_394 : vector<256x17xf32>
    %slice3A_396 = vector.extract_strided_slice %mul3A_46 {offsets = [0, 3], sizes = [256, 1], strides = [1, 1]} : vector<256x16xf32> to vector<256x1xf32>
    %add3A_397 = vector.broadcast %slice3A_396 : vector<256x1xf32> to vector<256x17xf32>
    %add3A_398 = arith.addf %mul3A_395, %add3A_397 : vector<256x17xf32>
    %jit3A_399 = arith.constant -1.280000e+02 : f32
    %jit3A_400 = arith.constant 1.280000e+02 : f32
    %max3A_401 = vector.broadcast %jit3A_399 : f32 to vector<256x17xf32>
    %max3A_402 = arith.maximumf %max3A_401, %add3A_398 : vector<256x17xf32>
    %min3A_403 = vector.broadcast %jit3A_400 : f32 to vector<256x17xf32>
    %min3A_404 = arith.minimumf %min3A_403, %max3A_402 : vector<256x17xf32>
    %add3A_405 = arith.addf %convert_element_type3A_73, %min3A_404 : vector<256x17xf32>
    %floor3A_406 = math.floor %add3A_405 : vector<256x17xf32>
    %sub3A_407 = arith.subf %add3A_405, %floor3A_406 : vector<256x17xf32>
    %jit3A_408 = arith.constant 0 : i32
    %jit3A_409 = arith.constant 2047 : i32
    %convert_element_type3A_410 = arith.sitofp %jit3A_408 : i32 to f32
    %max3A_411 = vector.broadcast %convert_element_type3A_410 : f32 to vector<256x17xf32>
    %max3A_412 = arith.maximumf %max3A_411, %floor3A_406 : vector<256x17xf32>
    %convert_element_type3A_413 = arith.sitofp %jit3A_409 : i32 to f32
    %min3A_414 = vector.broadcast %convert_element_type3A_413 : f32 to vector<256x17xf32>
    %min3A_415 = arith.minimumf %min3A_414, %max3A_412 : vector<256x17xf32>
    %convert_element_type3A_416 = arith.fptosi %min3A_415 : vector<256x17xf32> to vector<256x17xi32>
    %add3A_417 = arith.constant 1.280000e+02 : f32
    %add3A_418 = vector.broadcast %add3A_417 : f32 to vector<256x17xf32>
    %add3A_419 = arith.addf %min3A_404, %add3A_418 : vector<256x17xf32>
    %mul3A_420 = arith.constant 2.500000e-01 : f32
    %mul3A_421 = vector.broadcast %mul3A_420 : f32 to vector<256x17xf32>
    %mul3A_422 = arith.mulf %add3A_419, %mul3A_421 : vector<256x17xf32>
    %floor3A_423 = math.floor %mul3A_422 : vector<256x17xf32>
    %jit3A_424 = arith.constant 0 : i32
    %jit3A_425 = arith.constant 63 : i32
    %convert_element_type3A_426 = arith.sitofp %jit3A_424 : i32 to f32
    %max3A_427 = vector.broadcast %convert_element_type3A_426 : f32 to vector<256x17xf32>
    %max3A_428 = arith.maximumf %max3A_427, %floor3A_423 : vector<256x17xf32>
    %convert_element_type3A_429 = arith.sitofp %jit3A_425 : i32 to f32
    %min3A_430 = vector.broadcast %convert_element_type3A_429 : f32 to vector<256x17xf32>
    %min3A_431 = arith.minimumf %min3A_430, %max3A_428 : vector<256x17xf32>
    %convert_element_type3A_432 = arith.fptosi %min3A_431 : vector<256x17xf32> to vector<256x17xi32>
    %slice3A_433 = vector.extract_strided_slice %mul3A_65 {offsets = [0, 192], sizes = [256, 64], strides = [1, 1]} : vector<256x1024xf32> to vector<256x64xf32>
    %lt3A_434 = arith.constant 0 : i32
    %lt3A_435 = vector.broadcast %lt3A_434 : i32 to vector<256x17xi32>
    %lt3A_436 = arith.cmpi slt, %convert_element_type3A_432, %lt3A_435 : vector<256x17xi32>
    %add3A_437 = arith.constant 64 : i32
    %add3A_438 = vector.broadcast %add3A_437 : i32 to vector<256x17xi32>
    %add3A_439 = arith.addi %convert_element_type3A_432, %add3A_438 : vector<256x17xi32>
    %select_n3A_440 = arith.select %lt3A_436, %add3A_439, %convert_element_type3A_432 : vector<256x17xi1>, vector<256x17xi32>
    %reshape3A_441 = vector.shape_cast %select_n3A_440 : vector<256x17xi32> to vector<256x17x1xi32>
    %gather3A_442 = vector.shape_cast %reshape3A_441 : vector<256x17x1xi32> to vector<256x17xi32>
    %gather3A_443 = tpu.dynamic_gather %slice3A_433[%gather3A_442] in [1] : vector<256x64xf32>, vector<256x17xi32> -> vector<256x17xf32>
    %lt3A_444 = arith.constant 0.000000e+00 : f32
    %lt3A_445 = vector.broadcast %lt3A_444 : f32 to vector<256x17xf32>
    %lt3A_446 = arith.cmpf olt, %floor3A_406, %lt3A_445 : vector<256x17xf32>
    %add3A_447 = arith.constant 1.000000e+00 : f32
    %add3A_448 = vector.broadcast %add3A_447 : f32 to vector<256x17xf32>
    %add3A_449 = arith.addf %floor3A_406, %add3A_448 : vector<256x17xf32>
    %gt3A_450 = arith.constant 2.047000e+03 : f32
    %gt3A_451 = vector.broadcast %gt3A_450 : f32 to vector<256x17xf32>
    %gt3A_452 = arith.cmpf ogt, %add3A_449, %gt3A_451 : vector<256x17xf32>
    %or3A_453 = arith.ori %lt3A_446, %gt3A_452 : vector<256x17xi1>
    %slice3A_454 = vector.extract_strided_slice %get3A_2 {offsets = [0, 192], sizes = [256, 64], strides = [1, 1]} : vector<256x1024xf32> to vector<256x64xf32>
    %swap3A_455 = arith.constant 3 : index
    %swap3A_456 = arith.constant 0 : index
    %swap3A_457 = arith.constant 0 : index
    %swap3A_458 = vector.load %arg9[%swap3A_455, %swap3A_456, %swap3A_457] : memref<16x256x64xf32, #tpu.memory_space<vmem>>, vector<1x256x64xf32>
    %swap3A_459 = vector.shape_cast %swap3A_458 : vector<1x256x64xf32> to vector<256x64xf32>
    %swap3A_460 = vector.shape_cast %slice3A_454 : vector<256x64xf32> to vector<1x256x64xf32>
    tpu.vector_store %arg9[%swap3A_455, %swap3A_456, %swap3A_457], %swap3A_460 {strides = array<i32>} : memref<16x256x64xf32, #tpu.memory_space<vmem>>, vector<1x256x64xf32>,
    %sub3A_461 = arith.subi %convert_element_type3A_416, %min3A_108 : vector<256x17xi32>
    %swap3A_462 = arith.constant 3 : index
    %swap3A_463 = arith.constant 0 : index
    %swap3A_464 = arith.constant 0 : index
    %swap3A_465 = vector.load %arg6[%swap3A_462, %swap3A_463, %swap3A_464] : memref<16x256x17xi32, #tpu.memory_space<vmem>>, vector<1x256x17xi32>
    %swap3A_466 = vector.shape_cast %swap3A_465 : vector<1x256x17xi32> to vector<256x17xi32>
    %swap3A_467 = vector.shape_cast %sub3A_461 : vector<256x17xi32> to vector<1x256x17xi32>
    tpu.vector_store %arg6[%swap3A_462, %swap3A_463, %swap3A_464], %swap3A_467 {strides = array<i32>} : memref<16x256x17xi32, #tpu.memory_space<vmem>>, vector<1x256x17xi32>,
    %sub3A_468 = arith.constant 1.000000e+00 : f32
    %sub3A_469 = vector.broadcast %sub3A_468 : f32 to vector<256x17xf32>
    %sub3A_470 = arith.subf %sub3A_469, %sub3A_407 : vector<256x17xf32>
    %mul3A_471 = arith.mulf %gather3A_443, %sub3A_470 : vector<256x17xf32>
    %select_n3A_472 = arith.select %or3A_453, %gather3A_443, %mul3A_471 : vector<256x17xi1>, vector<256x17xf32>
    %swap3A_473 = arith.constant 3 : index
    %swap3A_474 = arith.constant 0 : index
    %swap3A_475 = arith.constant 0 : index
    %swap3A_476 = vector.load %arg7[%swap3A_473, %swap3A_474, %swap3A_475] : memref<16x256x17xf32, #tpu.memory_space<vmem>>, vector<1x256x17xf32>
    %swap3A_477 = vector.shape_cast %swap3A_476 : vector<1x256x17xf32> to vector<256x17xf32>
    %swap3A_478 = vector.shape_cast %select_n3A_472 : vector<256x17xf32> to vector<1x256x17xf32>
    tpu.vector_store %arg7[%swap3A_473, %swap3A_474, %swap3A_475], %swap3A_478 {strides = array<i32>} : memref<16x256x17xf32, #tpu.memory_space<vmem>>, vector<1x256x17xf32>,
    %mul3A_479 = arith.mulf %gather3A_443, %sub3A_407 : vector<256x17xf32>
    %jit3A_480 = arith.constant 0.000000e+00 : f32
    %broadcast_in_dim3A_481 = vector.broadcast %jit3A_480 : f32 to vector<256x17xf32>
    %select_n3A_482 = arith.select %or3A_453, %broadcast_in_dim3A_481, %mul3A_479 : vector<256x17xi1>, vector<256x17xf32>
    %swap3A_483 = arith.constant 3 : index
    %swap3A_484 = arith.constant 0 : index
    %swap3A_485 = arith.constant 0 : index
    %swap3A_486 = vector.load %arg8[%swap3A_483, %swap3A_484, %swap3A_485] : memref<16x256x17xf32, #tpu.memory_space<vmem>>, vector<1x256x17xf32>
    %swap3A_487 = vector.shape_cast %swap3A_486 : vector<1x256x17xf32> to vector<256x17xf32>
    %swap3A_488 = vector.shape_cast %select_n3A_482 : vector<256x17xf32> to vector<1x256x17xf32>
    tpu.vector_store %arg8[%swap3A_483, %swap3A_484, %swap3A_485], %swap3A_488 {strides = array<i32>} : memref<16x256x17xf32, #tpu.memory_space<vmem>>, vector<1x256x17xf32>,
    %slice3A_489 = vector.extract_strided_slice %add3A_30 {offsets = [0, 4], sizes = [256, 1], strides = [1, 1]} : vector<256x16xf32> to vector<256x1xf32>
    %mul3A_490 = vector.broadcast %convert_element_type3A_69 : vector<1x17xf32> to vector<256x17xf32>
    %mul3A_491 = vector.broadcast %slice3A_489 : vector<256x1xf32> to vector<256x17xf32>
    %mul3A_492 = arith.mulf %mul3A_490, %mul3A_491 : vector<256x17xf32>
    %slice3A_493 = vector.extract_strided_slice %mul3A_46 {offsets = [0, 4], sizes = [256, 1], strides = [1, 1]} : vector<256x16xf32> to vector<256x1xf32>
    %add3A_494 = vector.broadcast %slice3A_493 : vector<256x1xf32> to vector<256x17xf32>
    %add3A_495 = arith.addf %mul3A_492, %add3A_494 : vector<256x17xf32>
    %jit3A_496 = arith.constant -1.280000e+02 : f32
    %jit3A_497 = arith.constant 1.280000e+02 : f32
    %max3A_498 = vector.broadcast %jit3A_496 : f32 to vector<256x17xf32>
    %max3A_499 = arith.maximumf %max3A_498, %add3A_495 : vector<256x17xf32>
    %min3A_500 = vector.broadcast %jit3A_497 : f32 to vector<256x17xf32>
    %min3A_501 = arith.minimumf %min3A_500, %max3A_499 : vector<256x17xf32>
    %add3A_502 = arith.addf %convert_element_type3A_73, %min3A_501 : vector<256x17xf32>
    %floor3A_503 = math.floor %add3A_502 : vector<256x17xf32>
    %sub3A_504 = arith.subf %add3A_502, %floor3A_503 : vector<256x17xf32>
    %jit3A_505 = arith.constant 0 : i32
    %jit3A_506 = arith.constant 2047 : i32
    %convert_element_type3A_507 = arith.sitofp %jit3A_505 : i32 to f32
    %max3A_508 = vector.broadcast %convert_element_type3A_507 : f32 to vector<256x17xf32>
    %max3A_509 = arith.maximumf %max3A_508, %floor3A_503 : vector<256x17xf32>
    %convert_element_type3A_510 = arith.sitofp %jit3A_506 : i32 to f32
    %min3A_511 = vector.broadcast %convert_element_type3A_510 : f32 to vector<256x17xf32>
    %min3A_512 = arith.minimumf %min3A_511, %max3A_509 : vector<256x17xf32>
    %convert_element_type3A_513 = arith.fptosi %min3A_512 : vector<256x17xf32> to vector<256x17xi32>
    %add3A_514 = arith.constant 1.280000e+02 : f32
    %add3A_515 = vector.broadcast %add3A_514 : f32 to vector<256x17xf32>
    %add3A_516 = arith.addf %min3A_501, %add3A_515 : vector<256x17xf32>
    %mul3A_517 = arith.constant 2.500000e-01 : f32
    %mul3A_518 = vector.broadcast %mul3A_517 : f32 to vector<256x17xf32>
    %mul3A_519 = arith.mulf %add3A_516, %mul3A_518 : vector<256x17xf32>
    %floor3A_520 = math.floor %mul3A_519 : vector<256x17xf32>
    %jit3A_521 = arith.constant 0 : i32
    %jit3A_522 = arith.constant 63 : i32
    %convert_element_type3A_523 = arith.sitofp %jit3A_521 : i32 to f32
    %max3A_524 = vector.broadcast %convert_element_type3A_523 : f32 to vector<256x17xf32>
    %max3A_525 = arith.maximumf %max3A_524, %floor3A_520 : vector<256x17xf32>
    %convert_element_type3A_526 = arith.sitofp %jit3A_522 : i32 to f32
    %min3A_527 = vector.broadcast %convert_element_type3A_526 : f32 to vector<256x17xf32>
    %min3A_528 = arith.minimumf %min3A_527, %max3A_525 : vector<256x17xf32>
    %convert_element_type3A_529 = arith.fptosi %min3A_528 : vector<256x17xf32> to vector<256x17xi32>
    %slice3A_530 = vector.extract_strided_slice %mul3A_65 {offsets = [0, 256], sizes = [256, 64], strides = [1, 1]} : vector<256x1024xf32> to vector<256x64xf32>
    %lt3A_531 = arith.constant 0 : i32
    %lt3A_532 = vector.broadcast %lt3A_531 : i32 to vector<256x17xi32>
    %lt3A_533 = arith.cmpi slt, %convert_element_type3A_529, %lt3A_532 : vector<256x17xi32>
    %add3A_534 = arith.constant 64 : i32
    %add3A_535 = vector.broadcast %add3A_534 : i32 to vector<256x17xi32>
    %add3A_536 = arith.addi %convert_element_type3A_529, %add3A_535 : vector<256x17xi32>
    %select_n3A_537 = arith.select %lt3A_533, %add3A_536, %convert_element_type3A_529 : vector<256x17xi1>, vector<256x17xi32>
    %reshape3A_538 = vector.shape_cast %select_n3A_537 : vector<256x17xi32> to vector<256x17x1xi32>
    %gather3A_539 = vector.shape_cast %reshape3A_538 : vector<256x17x1xi32> to vector<256x17xi32>
    %gather3A_540 = tpu.dynamic_gather %slice3A_530[%gather3A_539] in [1] : vector<256x64xf32>, vector<256x17xi32> -> vector<256x17xf32>
    %lt3A_541 = arith.constant 0.000000e+00 : f32
    %lt3A_542 = vector.broadcast %lt3A_541 : f32 to vector<256x17xf32>
    %lt3A_543 = arith.cmpf olt, %floor3A_503, %lt3A_542 : vector<256x17xf32>
    %add3A_544 = arith.constant 1.000000e+00 : f32
    %add3A_545 = vector.broadcast %add3A_544 : f32 to vector<256x17xf32>
    %add3A_546 = arith.addf %floor3A_503, %add3A_545 : vector<256x17xf32>
    %gt3A_547 = arith.constant 2.047000e+03 : f32
    %gt3A_548 = vector.broadcast %gt3A_547 : f32 to vector<256x17xf32>
    %gt3A_549 = arith.cmpf ogt, %add3A_546, %gt3A_548 : vector<256x17xf32>
    %or3A_550 = arith.ori %lt3A_543, %gt3A_549 : vector<256x17xi1>
    %slice3A_551 = vector.extract_strided_slice %get3A_2 {offsets = [0, 256], sizes = [256, 64], strides = [1, 1]} : vector<256x1024xf32> to vector<256x64xf32>
    %swap3A_552 = arith.constant 4 : index
    %swap3A_553 = arith.constant 0 : index
    %swap3A_554 = arith.constant 0 : index
    %swap3A_555 = vector.load %arg9[%swap3A_552, %swap3A_553, %swap3A_554] : memref<16x256x64xf32, #tpu.memory_space<vmem>>, vector<1x256x64xf32>
    %swap3A_556 = vector.shape_cast %swap3A_555 : vector<1x256x64xf32> to vector<256x64xf32>
    %swap3A_557 = vector.shape_cast %slice3A_551 : vector<256x64xf32> to vector<1x256x64xf32>
    tpu.vector_store %arg9[%swap3A_552, %swap3A_553, %swap3A_554], %swap3A_557 {strides = array<i32>} : memref<16x256x64xf32, #tpu.memory_space<vmem>>, vector<1x256x64xf32>,
    %sub3A_558 = arith.subi %convert_element_type3A_513, %min3A_108 : vector<256x17xi32>
    %swap3A_559 = arith.constant 4 : index
    %swap3A_560 = arith.constant 0 : index
    %swap3A_561 = arith.constant 0 : index
    %swap3A_562 = vector.load %arg6[%swap3A_559, %swap3A_560, %swap3A_561] : memref<16x256x17xi32, #tpu.memory_space<vmem>>, vector<1x256x17xi32>
    %swap3A_563 = vector.shape_cast %swap3A_562 : vector<1x256x17xi32> to vector<256x17xi32>
    %swap3A_564 = vector.shape_cast %sub3A_558 : vector<256x17xi32> to vector<1x256x17xi32>
    tpu.vector_store %arg6[%swap3A_559, %swap3A_560, %swap3A_561], %swap3A_564 {strides = array<i32>} : memref<16x256x17xi32, #tpu.memory_space<vmem>>, vector<1x256x17xi32>,
    %sub3A_565 = arith.constant 1.000000e+00 : f32
    %sub3A_566 = vector.broadcast %sub3A_565 : f32 to vector<256x17xf32>
    %sub3A_567 = arith.subf %sub3A_566, %sub3A_504 : vector<256x17xf32>
    %mul3A_568 = arith.mulf %gather3A_540, %sub3A_567 : vector<256x17xf32>
    %select_n3A_569 = arith.select %or3A_550, %gather3A_540, %mul3A_568 : vector<256x17xi1>, vector<256x17xf32>
    %swap3A_570 = arith.constant 4 : index
    %swap3A_571 = arith.constant 0 : index
    %swap3A_572 = arith.constant 0 : index
    %swap3A_573 = vector.load %arg7[%swap3A_570, %swap3A_571, %swap3A_572] : memref<16x256x17xf32, #tpu.memory_space<vmem>>, vector<1x256x17xf32>
    %swap3A_574 = vector.shape_cast %swap3A_573 : vector<1x256x17xf32> to vector<256x17xf32>
    %swap3A_575 = vector.shape_cast %select_n3A_569 : vector<256x17xf32> to vector<1x256x17xf32>
    tpu.vector_store %arg7[%swap3A_570, %swap3A_571, %swap3A_572], %swap3A_575 {strides = array<i32>} : memref<16x256x17xf32, #tpu.memory_space<vmem>>, vector<1x256x17xf32>,
    %mul3A_576 = arith.mulf %gather3A_540, %sub3A_504 : vector<256x17xf32>
    %jit3A_577 = arith.constant 0.000000e+00 : f32
    %broadcast_in_dim3A_578 = vector.broadcast %jit3A_577 : f32 to vector<256x17xf32>
    %select_n3A_579 = arith.select %or3A_550, %broadcast_in_dim3A_578, %mul3A_576 : vector<256x17xi1>, vector<256x17xf32>
    %swap3A_580 = arith.constant 4 : index
    %swap3A_581 = arith.constant 0 : index
    %swap3A_582 = arith.constant 0 : index
    %swap3A_583 = vector.load %arg8[%swap3A_580, %swap3A_581, %swap3A_582] : memref<16x256x17xf32, #tpu.memory_space<vmem>>, vector<1x256x17xf32>
    %swap3A_584 = vector.shape_cast %swap3A_583 : vector<1x256x17xf32> to vector<256x17xf32>
    %swap3A_585 = vector.shape_cast %select_n3A_579 : vector<256x17xf32> to vector<1x256x17xf32>
    tpu.vector_store %arg8[%swap3A_580, %swap3A_581, %swap3A_582], %swap3A_585 {strides = array<i32>} : memref<16x256x17xf32, #tpu.memory_space<vmem>>, vector<1x256x17xf32>,
    %slice3A_586 = vector.extract_strided_slice %add3A_30 {offsets = [0, 5], sizes = [256, 1], strides = [1, 1]} : vector<256x16xf32> to vector<256x1xf32>
    %mul3A_587 = vector.broadcast %convert_element_type3A_69 : vector<1x17xf32> to vector<256x17xf32>
    %mul3A_588 = vector.broadcast %slice3A_586 : vector<256x1xf32> to vector<256x17xf32>
    %mul3A_589 = arith.mulf %mul3A_587, %mul3A_588 : vector<256x17xf32>
    %slice3A_590 = vector.extract_strided_slice %mul3A_46 {offsets = [0, 5], sizes = [256, 1], strides = [1, 1]} : vector<256x16xf32> to vector<256x1xf32>
    %add3A_591 = vector.broadcast %slice3A_590 : vector<256x1xf32> to vector<256x17xf32>
    %add3A_592 = arith.addf %mul3A_589, %add3A_591 : vector<256x17xf32>
    %jit3A_593 = arith.constant -1.280000e+02 : f32
    %jit3A_594 = arith.constant 1.280000e+02 : f32
    %max3A_595 = vector.broadcast %jit3A_593 : f32 to vector<256x17xf32>
    %max3A_596 = arith.maximumf %max3A_595, %add3A_592 : vector<256x17xf32>
    %min3A_597 = vector.broadcast %jit3A_594 : f32 to vector<256x17xf32>
    %min3A_598 = arith.minimumf %min3A_597, %max3A_596 : vector<256x17xf32>
    %add3A_599 = arith.addf %convert_element_type3A_73, %min3A_598 : vector<256x17xf32>
    %floor3A_600 = math.floor %add3A_599 : vector<256x17xf32>
    %sub3A_601 = arith.subf %add3A_599, %floor3A_600 : vector<256x17xf32>
    %jit3A_602 = arith.constant 0 : i32
    %jit3A_603 = arith.constant 2047 : i32
    %convert_element_type3A_604 = arith.sitofp %jit3A_602 : i32 to f32
    %max3A_605 = vector.broadcast %convert_element_type3A_604 : f32 to vector<256x17xf32>
    %max3A_606 = arith.maximumf %max3A_605, %floor3A_600 : vector<256x17xf32>
    %convert_element_type3A_607 = arith.sitofp %jit3A_603 : i32 to f32
    %min3A_608 = vector.broadcast %convert_element_type3A_607 : f32 to vector<256x17xf32>
    %min3A_609 = arith.minimumf %min3A_608, %max3A_606 : vector<256x17xf32>
    %convert_element_type3A_610 = arith.fptosi %min3A_609 : vector<256x17xf32> to vector<256x17xi32>
    %add3A_611 = arith.constant 1.280000e+02 : f32
    %add3A_612 = vector.broadcast %add3A_611 : f32 to vector<256x17xf32>
    %add3A_613 = arith.addf %min3A_598, %add3A_612 : vector<256x17xf32>
    %mul3A_614 = arith.constant 2.500000e-01 : f32
    %mul3A_615 = vector.broadcast %mul3A_614 : f32 to vector<256x17xf32>
    %mul3A_616 = arith.mulf %add3A_613, %mul3A_615 : vector<256x17xf32>
    %floor3A_617 = math.floor %mul3A_616 : vector<256x17xf32>
    %jit3A_618 = arith.constant 0 : i32
    %jit3A_619 = arith.constant 63 : i32
    %convert_element_type3A_620 = arith.sitofp %jit3A_618 : i32 to f32
    %max3A_621 = vector.broadcast %convert_element_type3A_620 : f32 to vector<256x17xf32>
    %max3A_622 = arith.maximumf %max3A_621, %floor3A_617 : vector<256x17xf32>
    %convert_element_type3A_623 = arith.sitofp %jit3A_619 : i32 to f32
    %min3A_624 = vector.broadcast %convert_element_type3A_623 : f32 to vector<256x17xf32>
    %min3A_625 = arith.minimumf %min3A_624, %max3A_622 : vector<256x17xf32>
    %convert_element_type3A_626 = arith.fptosi %min3A_625 : vector<256x17xf32> to vector<256x17xi32>
    %slice3A_627 = vector.extract_strided_slice %mul3A_65 {offsets = [0, 320], sizes = [256, 64], strides = [1, 1]} : vector<256x1024xf32> to vector<256x64xf32>
    %lt3A_628 = arith.constant 0 : i32
    %lt3A_629 = vector.broadcast %lt3A_628 : i32 to vector<256x17xi32>
    %lt3A_630 = arith.cmpi slt, %convert_element_type3A_626, %lt3A_629 : vector<256x17xi32>
    %add3A_631 = arith.constant 64 : i32
    %add3A_632 = vector.broadcast %add3A_631 : i32 to vector<256x17xi32>
    %add3A_633 = arith.addi %convert_element_type3A_626, %add3A_632 : vector<256x17xi32>
    %select_n3A_634 = arith.select %lt3A_630, %add3A_633, %convert_element_type3A_626 : vector<256x17xi1>, vector<256x17xi32>
    %reshape3A_635 = vector.shape_cast %select_n3A_634 : vector<256x17xi32> to vector<256x17x1xi32>
    %gather3A_636 = vector.shape_cast %reshape3A_635 : vector<256x17x1xi32> to vector<256x17xi32>
    %gather3A_637 = tpu.dynamic_gather %slice3A_627[%gather3A_636] in [1] : vector<256x64xf32>, vector<256x17xi32> -> vector<256x17xf32>
    %lt3A_638 = arith.constant 0.000000e+00 : f32
    %lt3A_639 = vector.broadcast %lt3A_638 : f32 to vector<256x17xf32>
    %lt3A_640 = arith.cmpf olt, %floor3A_600, %lt3A_639 : vector<256x17xf32>
    %add3A_641 = arith.constant 1.000000e+00 : f32
    %add3A_642 = vector.broadcast %add3A_641 : f32 to vector<256x17xf32>
    %add3A_643 = arith.addf %floor3A_600, %add3A_642 : vector<256x17xf32>
    %gt3A_644 = arith.constant 2.047000e+03 : f32
    %gt3A_645 = vector.broadcast %gt3A_644 : f32 to vector<256x17xf32>
    %gt3A_646 = arith.cmpf ogt, %add3A_643, %gt3A_645 : vector<256x17xf32>
    %or3A_647 = arith.ori %lt3A_640, %gt3A_646 : vector<256x17xi1>
    %slice3A_648 = vector.extract_strided_slice %get3A_2 {offsets = [0, 320], sizes = [256, 64], strides = [1, 1]} : vector<256x1024xf32> to vector<256x64xf32>
    %swap3A_649 = arith.constant 5 : index
    %swap3A_650 = arith.constant 0 : index
    %swap3A_651 = arith.constant 0 : index
    %swap3A_652 = vector.load %arg9[%swap3A_649, %swap3A_650, %swap3A_651] : memref<16x256x64xf32, #tpu.memory_space<vmem>>, vector<1x256x64xf32>
    %swap3A_653 = vector.shape_cast %swap3A_652 : vector<1x256x64xf32> to vector<256x64xf32>
    %swap3A_654 = vector.shape_cast %slice3A_648 : vector<256x64xf32> to vector<1x256x64xf32>
    tpu.vector_store %arg9[%swap3A_649, %swap3A_650, %swap3A_651], %swap3A_654 {strides = array<i32>} : memref<16x256x64xf32, #tpu.memory_space<vmem>>, vector<1x256x64xf32>,
    %sub3A_655 = arith.subi %convert_element_type3A_610, %min3A_108 : vector<256x17xi32>
    %swap3A_656 = arith.constant 5 : index
    %swap3A_657 = arith.constant 0 : index
    %swap3A_658 = arith.constant 0 : index
    %swap3A_659 = vector.load %arg6[%swap3A_656, %swap3A_657, %swap3A_658] : memref<16x256x17xi32, #tpu.memory_space<vmem>>, vector<1x256x17xi32>
    %swap3A_660 = vector.shape_cast %swap3A_659 : vector<1x256x17xi32> to vector<256x17xi32>
    %swap3A_661 = vector.shape_cast %sub3A_655 : vector<256x17xi32> to vector<1x256x17xi32>
    tpu.vector_store %arg6[%swap3A_656, %swap3A_657, %swap3A_658], %swap3A_661 {strides = array<i32>} : memref<16x256x17xi32, #tpu.memory_space<vmem>>, vector<1x256x17xi32>,
    %sub3A_662 = arith.constant 1.000000e+00 : f32
    %sub3A_663 = vector.broadcast %sub3A_662 : f32 to vector<256x17xf32>
    %sub3A_664 = arith.subf %sub3A_663, %sub3A_601 : vector<256x17xf32>
    %mul3A_665 = arith.mulf %gather3A_637, %sub3A_664 : vector<256x17xf32>
    %select_n3A_666 = arith.select %or3A_647, %gather3A_637, %mul3A_665 : vector<256x17xi1>, vector<256x17xf32>
    %swap3A_667 = arith.constant 5 : index
    %swap3A_668 = arith.constant 0 : index
    %swap3A_669 = arith.constant 0 : index
    %swap3A_670 = vector.load %arg7[%swap3A_667, %swap3A_668, %swap3A_669] : memref<16x256x17xf32, #tpu.memory_space<vmem>>, vector<1x256x17xf32>
    %swap3A_671 = vector.shape_cast %swap3A_670 : vector<1x256x17xf32> to vector<256x17xf32>
    %swap3A_672 = vector.shape_cast %select_n3A_666 : vector<256x17xf32> to vector<1x256x17xf32>
    tpu.vector_store %arg7[%swap3A_667, %swap3A_668, %swap3A_669], %swap3A_672 {strides = array<i32>} : memref<16x256x17xf32, #tpu.memory_space<vmem>>, vector<1x256x17xf32>,
    %mul3A_673 = arith.mulf %gather3A_637, %sub3A_601 : vector<256x17xf32>
    %jit3A_674 = arith.constant 0.000000e+00 : f32
    %broadcast_in_dim3A_675 = vector.broadcast %jit3A_674 : f32 to vector<256x17xf32>
    %select_n3A_676 = arith.select %or3A_647, %broadcast_in_dim3A_675, %mul3A_673 : vector<256x17xi1>, vector<256x17xf32>
    %swap3A_677 = arith.constant 5 : index
    %swap3A_678 = arith.constant 0 : index
    %swap3A_679 = arith.constant 0 : index
    %swap3A_680 = vector.load %arg8[%swap3A_677, %swap3A_678, %swap3A_679] : memref<16x256x17xf32, #tpu.memory_space<vmem>>, vector<1x256x17xf32>
    %swap3A_681 = vector.shape_cast %swap3A_680 : vector<1x256x17xf32> to vector<256x17xf32>
    %swap3A_682 = vector.shape_cast %select_n3A_676 : vector<256x17xf32> to vector<1x256x17xf32>
    tpu.vector_store %arg8[%swap3A_677, %swap3A_678, %swap3A_679], %swap3A_682 {strides = array<i32>} : memref<16x256x17xf32, #tpu.memory_space<vmem>>, vector<1x256x17xf32>,
    %slice3A_683 = vector.extract_strided_slice %add3A_30 {offsets = [0, 6], sizes = [256, 1], strides = [1, 1]} : vector<256x16xf32> to vector<256x1xf32>
    %mul3A_684 = vector.broadcast %convert_element_type3A_69 : vector<1x17xf32> to vector<256x17xf32>
    %mul3A_685 = vector.broadcast %slice3A_683 : vector<256x1xf32> to vector<256x17xf32>
    %mul3A_686 = arith.mulf %mul3A_684, %mul3A_685 : vector<256x17xf32>
    %slice3A_687 = vector.extract_strided_slice %mul3A_46 {offsets = [0, 6], sizes = [256, 1], strides = [1, 1]} : vector<256x16xf32> to vector<256x1xf32>
    %add3A_688 = vector.broadcast %slice3A_687 : vector<256x1xf32> to vector<256x17xf32>
    %add3A_689 = arith.addf %mul3A_686, %add3A_688 : vector<256x17xf32>
    %jit3A_690 = arith.constant -1.280000e+02 : f32
    %jit3A_691 = arith.constant 1.280000e+02 : f32
    %max3A_692 = vector.broadcast %jit3A_690 : f32 to vector<256x17xf32>
    %max3A_693 = arith.maximumf %max3A_692, %add3A_689 : vector<256x17xf32>
    %min3A_694 = vector.broadcast %jit3A_691 : f32 to vector<256x17xf32>
    %min3A_695 = arith.minimumf %min3A_694, %max3A_693 : vector<256x17xf32>
    %add3A_696 = arith.addf %convert_element_type3A_73, %min3A_695 : vector<256x17xf32>
    %floor3A_697 = math.floor %add3A_696 : vector<256x17xf32>
    %sub3A_698 = arith.subf %add3A_696, %floor3A_697 : vector<256x17xf32>
    %jit3A_699 = arith.constant 0 : i32
    %jit3A_700 = arith.constant 2047 : i32
    %convert_element_type3A_701 = arith.sitofp %jit3A_699 : i32 to f32
    %max3A_702 = vector.broadcast %convert_element_type3A_701 : f32 to vector<256x17xf32>
    %max3A_703 = arith.maximumf %max3A_702, %floor3A_697 : vector<256x17xf32>
    %convert_element_type3A_704 = arith.sitofp %jit3A_700 : i32 to f32
    %min3A_705 = vector.broadcast %convert_element_type3A_704 : f32 to vector<256x17xf32>
    %min3A_706 = arith.minimumf %min3A_705, %max3A_703 : vector<256x17xf32>
    %convert_element_type3A_707 = arith.fptosi %min3A_706 : vector<256x17xf32> to vector<256x17xi32>
    %add3A_708 = arith.constant 1.280000e+02 : f32
    %add3A_709 = vector.broadcast %add3A_708 : f32 to vector<256x17xf32>
    %add3A_710 = arith.addf %min3A_695, %add3A_709 : vector<256x17xf32>
    %mul3A_711 = arith.constant 2.500000e-01 : f32
    %mul3A_712 = vector.broadcast %mul3A_711 : f32 to vector<256x17xf32>
    %mul3A_713 = arith.mulf %add3A_710, %mul3A_712 : vector<256x17xf32>
    %floor3A_714 = math.floor %mul3A_713 : vector<256x17xf32>
    %jit3A_715 = arith.constant 0 : i32
    %jit3A_716 = arith.constant 63 : i32
    %convert_element_type3A_717 = arith.sitofp %jit3A_715 : i32 to f32
    %max3A_718 = vector.broadcast %convert_element_type3A_717 : f32 to vector<256x17xf32>
    %max3A_719 = arith.maximumf %max3A_718, %floor3A_714 : vector<256x17xf32>
    %convert_element_type3A_720 = arith.sitofp %jit3A_716 : i32 to f32
    %min3A_721 = vector.broadcast %convert_element_type3A_720 : f32 to vector<256x17xf32>
    %min3A_722 = arith.minimumf %min3A_721, %max3A_719 : vector<256x17xf32>
    %convert_element_type3A_723 = arith.fptosi %min3A_722 : vector<256x17xf32> to vector<256x17xi32>
    %slice3A_724 = vector.extract_strided_slice %mul3A_65 {offsets = [0, 384], sizes = [256, 64], strides = [1, 1]} : vector<256x1024xf32> to vector<256x64xf32>
    %lt3A_725 = arith.constant 0 : i32
    %lt3A_726 = vector.broadcast %lt3A_725 : i32 to vector<256x17xi32>
    %lt3A_727 = arith.cmpi slt, %convert_element_type3A_723, %lt3A_726 : vector<256x17xi32>
    %add3A_728 = arith.constant 64 : i32
    %add3A_729 = vector.broadcast %add3A_728 : i32 to vector<256x17xi32>
    %add3A_730 = arith.addi %convert_element_type3A_723, %add3A_729 : vector<256x17xi32>
    %select_n3A_731 = arith.select %lt3A_727, %add3A_730, %convert_element_type3A_723 : vector<256x17xi1>, vector<256x17xi32>
    %reshape3A_732 = vector.shape_cast %select_n3A_731 : vector<256x17xi32> to vector<256x17x1xi32>
    %gather3A_733 = vector.shape_cast %reshape3A_732 : vector<256x17x1xi32> to vector<256x17xi32>
    %gather3A_734 = tpu.dynamic_gather %slice3A_724[%gather3A_733] in [1] : vector<256x64xf32>, vector<256x17xi32> -> vector<256x17xf32>
    %lt3A_735 = arith.constant 0.000000e+00 : f32
    %lt3A_736 = vector.broadcast %lt3A_735 : f32 to vector<256x17xf32>
    %lt3A_737 = arith.cmpf olt, %floor3A_697, %lt3A_736 : vector<256x17xf32>
    %add3A_738 = arith.constant 1.000000e+00 : f32
    %add3A_739 = vector.broadcast %add3A_738 : f32 to vector<256x17xf32>
    %add3A_740 = arith.addf %floor3A_697, %add3A_739 : vector<256x17xf32>
    %gt3A_741 = arith.constant 2.047000e+03 : f32
    %gt3A_742 = vector.broadcast %gt3A_741 : f32 to vector<256x17xf32>
    %gt3A_743 = arith.cmpf ogt, %add3A_740, %gt3A_742 : vector<256x17xf32>
    %or3A_744 = arith.ori %lt3A_737, %gt3A_743 : vector<256x17xi1>
    %slice3A_745 = vector.extract_strided_slice %get3A_2 {offsets = [0, 384], sizes = [256, 64], strides = [1, 1]} : vector<256x1024xf32> to vector<256x64xf32>
    %swap3A_746 = arith.constant 6 : index
    %swap3A_747 = arith.constant 0 : index
    %swap3A_748 = arith.constant 0 : index
    %swap3A_749 = vector.load %arg9[%swap3A_746, %swap3A_747, %swap3A_748] : memref<16x256x64xf32, #tpu.memory_space<vmem>>, vector<1x256x64xf32>
    %swap3A_750 = vector.shape_cast %swap3A_749 : vector<1x256x64xf32> to vector<256x64xf32>
    %swap3A_751 = vector.shape_cast %slice3A_745 : vector<256x64xf32> to vector<1x256x64xf32>
    tpu.vector_store %arg9[%swap3A_746, %swap3A_747, %swap3A_748], %swap3A_751 {strides = array<i32>} : memref<16x256x64xf32, #tpu.memory_space<vmem>>, vector<1x256x64xf32>,
    %sub3A_752 = arith.subi %convert_element_type3A_707, %min3A_108 : vector<256x17xi32>
    %swap3A_753 = arith.constant 6 : index
    %swap3A_754 = arith.constant 0 : index
    %swap3A_755 = arith.constant 0 : index
    %swap3A_756 = vector.load %arg6[%swap3A_753, %swap3A_754, %swap3A_755] : memref<16x256x17xi32, #tpu.memory_space<vmem>>, vector<1x256x17xi32>
    %swap3A_757 = vector.shape_cast %swap3A_756 : vector<1x256x17xi32> to vector<256x17xi32>
    %swap3A_758 = vector.shape_cast %sub3A_752 : vector<256x17xi32> to vector<1x256x17xi32>
    tpu.vector_store %arg6[%swap3A_753, %swap3A_754, %swap3A_755], %swap3A_758 {strides = array<i32>} : memref<16x256x17xi32, #tpu.memory_space<vmem>>, vector<1x256x17xi32>,
    %sub3A_759 = arith.constant 1.000000e+00 : f32
    %sub3A_760 = vector.broadcast %sub3A_759 : f32 to vector<256x17xf32>
    %sub3A_761 = arith.subf %sub3A_760, %sub3A_698 : vector<256x17xf32>
    %mul3A_762 = arith.mulf %gather3A_734, %sub3A_761 : vector<256x17xf32>
    %select_n3A_763 = arith.select %or3A_744, %gather3A_734, %mul3A_762 : vector<256x17xi1>, vector<256x17xf32>
    %swap3A_764 = arith.constant 6 : index
    %swap3A_765 = arith.constant 0 : index
    %swap3A_766 = arith.constant 0 : index
    %swap3A_767 = vector.load %arg7[%swap3A_764, %swap3A_765, %swap3A_766] : memref<16x256x17xf32, #tpu.memory_space<vmem>>, vector<1x256x17xf32>
    %swap3A_768 = vector.shape_cast %swap3A_767 : vector<1x256x17xf32> to vector<256x17xf32>
    %swap3A_769 = vector.shape_cast %select_n3A_763 : vector<256x17xf32> to vector<1x256x17xf32>
    tpu.vector_store %arg7[%swap3A_764, %swap3A_765, %swap3A_766], %swap3A_769 {strides = array<i32>} : memref<16x256x17xf32, #tpu.memory_space<vmem>>, vector<1x256x17xf32>,
    %mul3A_770 = arith.mulf %gather3A_734, %sub3A_698 : vector<256x17xf32>
    %jit3A_771 = arith.constant 0.000000e+00 : f32
    %broadcast_in_dim3A_772 = vector.broadcast %jit3A_771 : f32 to vector<256x17xf32>
    %select_n3A_773 = arith.select %or3A_744, %broadcast_in_dim3A_772, %mul3A_770 : vector<256x17xi1>, vector<256x17xf32>
    %swap3A_774 = arith.constant 6 : index
    %swap3A_775 = arith.constant 0 : index
    %swap3A_776 = arith.constant 0 : index
    %swap3A_777 = vector.load %arg8[%swap3A_774, %swap3A_775, %swap3A_776] : memref<16x256x17xf32, #tpu.memory_space<vmem>>, vector<1x256x17xf32>
    %swap3A_778 = vector.shape_cast %swap3A_777 : vector<1x256x17xf32> to vector<256x17xf32>
    %swap3A_779 = vector.shape_cast %select_n3A_773 : vector<256x17xf32> to vector<1x256x17xf32>
    tpu.vector_store %arg8[%swap3A_774, %swap3A_775, %swap3A_776], %swap3A_779 {strides = array<i32>} : memref<16x256x17xf32, #tpu.memory_space<vmem>>, vector<1x256x17xf32>,
    %slice3A_780 = vector.extract_strided_slice %add3A_30 {offsets = [0, 7], sizes = [256, 1], strides = [1, 1]} : vector<256x16xf32> to vector<256x1xf32>
    %mul3A_781 = vector.broadcast %convert_element_type3A_69 : vector<1x17xf32> to vector<256x17xf32>
    %mul3A_782 = vector.broadcast %slice3A_780 : vector<256x1xf32> to vector<256x17xf32>
    %mul3A_783 = arith.mulf %mul3A_781, %mul3A_782 : vector<256x17xf32>
    %slice3A_784 = vector.extract_strided_slice %mul3A_46 {offsets = [0, 7], sizes = [256, 1], strides = [1, 1]} : vector<256x16xf32> to vector<256x1xf32>
    %add3A_785 = vector.broadcast %slice3A_784 : vector<256x1xf32> to vector<256x17xf32>
    %add3A_786 = arith.addf %mul3A_783, %add3A_785 : vector<256x17xf32>
    %jit3A_787 = arith.constant -1.280000e+02 : f32
    %jit3A_788 = arith.constant 1.280000e+02 : f32
    %max3A_789 = vector.broadcast %jit3A_787 : f32 to vector<256x17xf32>
    %max3A_790 = arith.maximumf %max3A_789, %add3A_786 : vector<256x17xf32>
    %min3A_791 = vector.broadcast %jit3A_788 : f32 to vector<256x17xf32>
    %min3A_792 = arith.minimumf %min3A_791, %max3A_790 : vector<256x17xf32>
    %add3A_793 = arith.addf %convert_element_type3A_73, %min3A_792 : vector<256x17xf32>
    %floor3A_794 = math.floor %add3A_793 : vector<256x17xf32>
    %sub3A_795 = arith.subf %add3A_793, %floor3A_794 : vector<256x17xf32>
    %jit3A_796 = arith.constant 0 : i32
    %jit3A_797 = arith.constant 2047 : i32
    %convert_element_type3A_798 = arith.sitofp %jit3A_796 : i32 to f32
    %max3A_799 = vector.broadcast %convert_element_type3A_798 : f32 to vector<256x17xf32>
    %max3A_800 = arith.maximumf %max3A_799, %floor3A_794 : vector<256x17xf32>
    %convert_element_type3A_801 = arith.sitofp %jit3A_797 : i32 to f32
    %min3A_802 = vector.broadcast %convert_element_type3A_801 : f32 to vector<256x17xf32>
    %min3A_803 = arith.minimumf %min3A_802, %max3A_800 : vector<256x17xf32>
    %convert_element_type3A_804 = arith.fptosi %min3A_803 : vector<256x17xf32> to vector<256x17xi32>
    %add3A_805 = arith.constant 1.280000e+02 : f32
    %add3A_806 = vector.broadcast %add3A_805 : f32 to vector<256x17xf32>
    %add3A_807 = arith.addf %min3A_792, %add3A_806 : vector<256x17xf32>
    %mul3A_808 = arith.constant 2.500000e-01 : f32
    %mul3A_809 = vector.broadcast %mul3A_808 : f32 to vector<256x17xf32>
    %mul3A_810 = arith.mulf %add3A_807, %mul3A_809 : vector<256x17xf32>
    %floor3A_811 = math.floor %mul3A_810 : vector<256x17xf32>
    %jit3A_812 = arith.constant 0 : i32
    %jit3A_813 = arith.constant 63 : i32
    %convert_element_type3A_814 = arith.sitofp %jit3A_812 : i32 to f32
    %max3A_815 = vector.broadcast %convert_element_type3A_814 : f32 to vector<256x17xf32>
    %max3A_816 = arith.maximumf %max3A_815, %floor3A_811 : vector<256x17xf32>
    %convert_element_type3A_817 = arith.sitofp %jit3A_813 : i32 to f32
    %min3A_818 = vector.broadcast %convert_element_type3A_817 : f32 to vector<256x17xf32>
    %min3A_819 = arith.minimumf %min3A_818, %max3A_816 : vector<256x17xf32>
    %convert_element_type3A_820 = arith.fptosi %min3A_819 : vector<256x17xf32> to vector<256x17xi32>
    %slice3A_821 = vector.extract_strided_slice %mul3A_65 {offsets = [0, 448], sizes = [256, 64], strides = [1, 1]} : vector<256x1024xf32> to vector<256x64xf32>
    %lt3A_822 = arith.constant 0 : i32
    %lt3A_823 = vector.broadcast %lt3A_822 : i32 to vector<256x17xi32>
    %lt3A_824 = arith.cmpi slt, %convert_element_type3A_820, %lt3A_823 : vector<256x17xi32>
    %add3A_825 = arith.constant 64 : i32
    %add3A_826 = vector.broadcast %add3A_825 : i32 to vector<256x17xi32>
    %add3A_827 = arith.addi %convert_element_type3A_820, %add3A_826 : vector<256x17xi32>
    %select_n3A_828 = arith.select %lt3A_824, %add3A_827, %convert_element_type3A_820 : vector<256x17xi1>, vector<256x17xi32>
    %reshape3A_829 = vector.shape_cast %select_n3A_828 : vector<256x17xi32> to vector<256x17x1xi32>
    %gather3A_830 = vector.shape_cast %reshape3A_829 : vector<256x17x1xi32> to vector<256x17xi32>
    %gather3A_831 = tpu.dynamic_gather %slice3A_821[%gather3A_830] in [1] : vector<256x64xf32>, vector<256x17xi32> -> vector<256x17xf32>
    %lt3A_832 = arith.constant 0.000000e+00 : f32
    %lt3A_833 = vector.broadcast %lt3A_832 : f32 to vector<256x17xf32>
    %lt3A_834 = arith.cmpf olt, %floor3A_794, %lt3A_833 : vector<256x17xf32>
    %add3A_835 = arith.constant 1.000000e+00 : f32
    %add3A_836 = vector.broadcast %add3A_835 : f32 to vector<256x17xf32>
    %add3A_837 = arith.addf %floor3A_794, %add3A_836 : vector<256x17xf32>
    %gt3A_838 = arith.constant 2.047000e+03 : f32
    %gt3A_839 = vector.broadcast %gt3A_838 : f32 to vector<256x17xf32>
    %gt3A_840 = arith.cmpf ogt, %add3A_837, %gt3A_839 : vector<256x17xf32>
    %or3A_841 = arith.ori %lt3A_834, %gt3A_840 : vector<256x17xi1>
    %slice3A_842 = vector.extract_strided_slice %get3A_2 {offsets = [0, 448], sizes = [256, 64], strides = [1, 1]} : vector<256x1024xf32> to vector<256x64xf32>
    %swap3A_843 = arith.constant 7 : index
    %swap3A_844 = arith.constant 0 : index
    %swap3A_845 = arith.constant 0 : index
    %swap3A_846 = vector.load %arg9[%swap3A_843, %swap3A_844, %swap3A_845] : memref<16x256x64xf32, #tpu.memory_space<vmem>>, vector<1x256x64xf32>
    %swap3A_847 = vector.shape_cast %swap3A_846 : vector<1x256x64xf32> to vector<256x64xf32>
    %swap3A_848 = vector.shape_cast %slice3A_842 : vector<256x64xf32> to vector<1x256x64xf32>
    tpu.vector_store %arg9[%swap3A_843, %swap3A_844, %swap3A_845], %swap3A_848 {strides = array<i32>} : memref<16x256x64xf32, #tpu.memory_space<vmem>>, vector<1x256x64xf32>,
    %sub3A_849 = arith.subi %convert_element_type3A_804, %min3A_108 : vector<256x17xi32>
    %swap3A_850 = arith.constant 7 : index
    %swap3A_851 = arith.constant 0 : index
    %swap3A_852 = arith.constant 0 : index
    %swap3A_853 = vector.load %arg6[%swap3A_850, %swap3A_851, %swap3A_852] : memref<16x256x17xi32, #tpu.memory_space<vmem>>, vector<1x256x17xi32>
    %swap3A_854 = vector.shape_cast %swap3A_853 : vector<1x256x17xi32> to vector<256x17xi32>
    %swap3A_855 = vector.shape_cast %sub3A_849 : vector<256x17xi32> to vector<1x256x17xi32>
    tpu.vector_store %arg6[%swap3A_850, %swap3A_851, %swap3A_852], %swap3A_855 {strides = array<i32>} : memref<16x256x17xi32, #tpu.memory_space<vmem>>, vector<1x256x17xi32>,
    %sub3A_856 = arith.constant 1.000000e+00 : f32
    %sub3A_857 = vector.broadcast %sub3A_856 : f32 to vector<256x17xf32>
    %sub3A_858 = arith.subf %sub3A_857, %sub3A_795 : vector<256x17xf32>
    %mul3A_859 = arith.mulf %gather3A_831, %sub3A_858 : vector<256x17xf32>
    %select_n3A_860 = arith.select %or3A_841, %gather3A_831, %mul3A_859 : vector<256x17xi1>, vector<256x17xf32>
    %swap3A_861 = arith.constant 7 : index
    %swap3A_862 = arith.constant 0 : index
    %swap3A_863 = arith.constant 0 : index
    %swap3A_864 = vector.load %arg7[%swap3A_861, %swap3A_862, %swap3A_863] : memref<16x256x17xf32, #tpu.memory_space<vmem>>, vector<1x256x17xf32>
    %swap3A_865 = vector.shape_cast %swap3A_864 : vector<1x256x17xf32> to vector<256x17xf32>
    %swap3A_866 = vector.shape_cast %select_n3A_860 : vector<256x17xf32> to vector<1x256x17xf32>
    tpu.vector_store %arg7[%swap3A_861, %swap3A_862, %swap3A_863], %swap3A_866 {strides = array<i32>} : memref<16x256x17xf32, #tpu.memory_space<vmem>>, vector<1x256x17xf32>,
    %mul3A_867 = arith.mulf %gather3A_831, %sub3A_795 : vector<256x17xf32>
    %jit3A_868 = arith.constant 0.000000e+00 : f32
    %broadcast_in_dim3A_869 = vector.broadcast %jit3A_868 : f32 to vector<256x17xf32>
    %select_n3A_870 = arith.select %or3A_841, %broadcast_in_dim3A_869, %mul3A_867 : vector<256x17xi1>, vector<256x17xf32>
    %swap3A_871 = arith.constant 7 : index
    %swap3A_872 = arith.constant 0 : index
    %swap3A_873 = arith.constant 0 : index
    %swap3A_874 = vector.load %arg8[%swap3A_871, %swap3A_872, %swap3A_873] : memref<16x256x17xf32, #tpu.memory_space<vmem>>, vector<1x256x17xf32>
    %swap3A_875 = vector.shape_cast %swap3A_874 : vector<1x256x17xf32> to vector<256x17xf32>
    %swap3A_876 = vector.shape_cast %select_n3A_870 : vector<256x17xf32> to vector<1x256x17xf32>
    tpu.vector_store %arg8[%swap3A_871, %swap3A_872, %swap3A_873], %swap3A_876 {strides = array<i32>} : memref<16x256x17xf32, #tpu.memory_space<vmem>>, vector<1x256x17xf32>,
    %slice3A_877 = vector.extract_strided_slice %add3A_30 {offsets = [0, 8], sizes = [256, 1], strides = [1, 1]} : vector<256x16xf32> to vector<256x1xf32>
    %mul3A_878 = vector.broadcast %convert_element_type3A_69 : vector<1x17xf32> to vector<256x17xf32>
    %mul3A_879 = vector.broadcast %slice3A_877 : vector<256x1xf32> to vector<256x17xf32>
    %mul3A_880 = arith.mulf %mul3A_878, %mul3A_879 : vector<256x17xf32>
    %slice3A_881 = vector.extract_strided_slice %mul3A_46 {offsets = [0, 8], sizes = [256, 1], strides = [1, 1]} : vector<256x16xf32> to vector<256x1xf32>
    %add3A_882 = vector.broadcast %slice3A_881 : vector<256x1xf32> to vector<256x17xf32>
    %add3A_883 = arith.addf %mul3A_880, %add3A_882 : vector<256x17xf32>
    %jit3A_884 = arith.constant -1.280000e+02 : f32
    %jit3A_885 = arith.constant 1.280000e+02 : f32
    %max3A_886 = vector.broadcast %jit3A_884 : f32 to vector<256x17xf32>
    %max3A_887 = arith.maximumf %max3A_886, %add3A_883 : vector<256x17xf32>
    %min3A_888 = vector.broadcast %jit3A_885 : f32 to vector<256x17xf32>
    %min3A_889 = arith.minimumf %min3A_888, %max3A_887 : vector<256x17xf32>
    %add3A_890 = arith.addf %convert_element_type3A_73, %min3A_889 : vector<256x17xf32>
    %floor3A_891 = math.floor %add3A_890 : vector<256x17xf32>
    %sub3A_892 = arith.subf %add3A_890, %floor3A_891 : vector<256x17xf32>
    %jit3A_893 = arith.constant 0 : i32
    %jit3A_894 = arith.constant 2047 : i32
    %convert_element_type3A_895 = arith.sitofp %jit3A_893 : i32 to f32
    %max3A_896 = vector.broadcast %convert_element_type3A_895 : f32 to vector<256x17xf32>
    %max3A_897 = arith.maximumf %max3A_896, %floor3A_891 : vector<256x17xf32>
    %convert_element_type3A_898 = arith.sitofp %jit3A_894 : i32 to f32
    %min3A_899 = vector.broadcast %convert_element_type3A_898 : f32 to vector<256x17xf32>
    %min3A_900 = arith.minimumf %min3A_899, %max3A_897 : vector<256x17xf32>
    %convert_element_type3A_901 = arith.fptosi %min3A_900 : vector<256x17xf32> to vector<256x17xi32>
    %add3A_902 = arith.constant 1.280000e+02 : f32
    %add3A_903 = vector.broadcast %add3A_902 : f32 to vector<256x17xf32>
    %add3A_904 = arith.addf %min3A_889, %add3A_903 : vector<256x17xf32>
    %mul3A_905 = arith.constant 2.500000e-01 : f32
    %mul3A_906 = vector.broadcast %mul3A_905 : f32 to vector<256x17xf32>
    %mul3A_907 = arith.mulf %add3A_904, %mul3A_906 : vector<256x17xf32>
    %floor3A_908 = math.floor %mul3A_907 : vector<256x17xf32>
    %jit3A_909 = arith.constant 0 : i32
    %jit3A_910 = arith.constant 63 : i32
    %convert_element_type3A_911 = arith.sitofp %jit3A_909 : i32 to f32
    %max3A_912 = vector.broadcast %convert_element_type3A_911 : f32 to vector<256x17xf32>
    %max3A_913 = arith.maximumf %max3A_912, %floor3A_908 : vector<256x17xf32>
    %convert_element_type3A_914 = arith.sitofp %jit3A_910 : i32 to f32
    %min3A_915 = vector.broadcast %convert_element_type3A_914 : f32 to vector<256x17xf32>
    %min3A_916 = arith.minimumf %min3A_915, %max3A_913 : vector<256x17xf32>
    %convert_element_type3A_917 = arith.fptosi %min3A_916 : vector<256x17xf32> to vector<256x17xi32>
    %slice3A_918 = vector.extract_strided_slice %mul3A_65 {offsets = [0, 512], sizes = [256, 64], strides = [1, 1]} : vector<256x1024xf32> to vector<256x64xf32>
    %lt3A_919 = arith.constant 0 : i32
    %lt3A_920 = vector.broadcast %lt3A_919 : i32 to vector<256x17xi32>
    %lt3A_921 = arith.cmpi slt, %convert_element_type3A_917, %lt3A_920 : vector<256x17xi32>
    %add3A_922 = arith.constant 64 : i32
    %add3A_923 = vector.broadcast %add3A_922 : i32 to vector<256x17xi32>
    %add3A_924 = arith.addi %convert_element_type3A_917, %add3A_923 : vector<256x17xi32>
    %select_n3A_925 = arith.select %lt3A_921, %add3A_924, %convert_element_type3A_917 : vector<256x17xi1>, vector<256x17xi32>
    %reshape3A_926 = vector.shape_cast %select_n3A_925 : vector<256x17xi32> to vector<256x17x1xi32>
    %gather3A_927 = vector.shape_cast %reshape3A_926 : vector<256x17x1xi32> to vector<256x17xi32>
    %gather3A_928 = tpu.dynamic_gather %slice3A_918[%gather3A_927] in [1] : vector<256x64xf32>, vector<256x17xi32> -> vector<256x17xf32>
    %lt3A_929 = arith.constant 0.000000e+00 : f32
    %lt3A_930 = vector.broadcast %lt3A_929 : f32 to vector<256x17xf32>
    %lt3A_931 = arith.cmpf olt, %floor3A_891, %lt3A_930 : vector<256x17xf32>
    %add3A_932 = arith.constant 1.000000e+00 : f32
    %add3A_933 = vector.broadcast %add3A_932 : f32 to vector<256x17xf32>
    %add3A_934 = arith.addf %floor3A_891, %add3A_933 : vector<256x17xf32>
    %gt3A_935 = arith.constant 2.047000e+03 : f32
    %gt3A_936 = vector.broadcast %gt3A_935 : f32 to vector<256x17xf32>
    %gt3A_937 = arith.cmpf ogt, %add3A_934, %gt3A_936 : vector<256x17xf32>
    %or3A_938 = arith.ori %lt3A_931, %gt3A_937 : vector<256x17xi1>
    %slice3A_939 = vector.extract_strided_slice %get3A_2 {offsets = [0, 512], sizes = [256, 64], strides = [1, 1]} : vector<256x1024xf32> to vector<256x64xf32>
    %swap3A_940 = arith.constant 8 : index
    %swap3A_941 = arith.constant 0 : index
    %swap3A_942 = arith.constant 0 : index
    %swap3A_943 = vector.load %arg9[%swap3A_940, %swap3A_941, %swap3A_942] : memref<16x256x64xf32, #tpu.memory_space<vmem>>, vector<1x256x64xf32>
    %swap3A_944 = vector.shape_cast %swap3A_943 : vector<1x256x64xf32> to vector<256x64xf32>
    %swap3A_945 = vector.shape_cast %slice3A_939 : vector<256x64xf32> to vector<1x256x64xf32>
    tpu.vector_store %arg9[%swap3A_940, %swap3A_941, %swap3A_942], %swap3A_945 {strides = array<i32>} : memref<16x256x64xf32, #tpu.memory_space<vmem>>, vector<1x256x64xf32>,
    %sub3A_946 = arith.subi %convert_element_type3A_901, %min3A_108 : vector<256x17xi32>
    %swap3A_947 = arith.constant 8 : index
    %swap3A_948 = arith.constant 0 : index
    %swap3A_949 = arith.constant 0 : index
    %swap3A_950 = vector.load %arg6[%swap3A_947, %swap3A_948, %swap3A_949] : memref<16x256x17xi32, #tpu.memory_space<vmem>>, vector<1x256x17xi32>
    %swap3A_951 = vector.shape_cast %swap3A_950 : vector<1x256x17xi32> to vector<256x17xi32>
    %swap3A_952 = vector.shape_cast %sub3A_946 : vector<256x17xi32> to vector<1x256x17xi32>
    tpu.vector_store %arg6[%swap3A_947, %swap3A_948, %swap3A_949], %swap3A_952 {strides = array<i32>} : memref<16x256x17xi32, #tpu.memory_space<vmem>>, vector<1x256x17xi32>,
    %sub3A_953 = arith.constant 1.000000e+00 : f32
    %sub3A_954 = vector.broadcast %sub3A_953 : f32 to vector<256x17xf32>
    %sub3A_955 = arith.subf %sub3A_954, %sub3A_892 : vector<256x17xf32>
    %mul3A_956 = arith.mulf %gather3A_928, %sub3A_955 : vector<256x17xf32>
    %select_n3A_957 = arith.select %or3A_938, %gather3A_928, %mul3A_956 : vector<256x17xi1>, vector<256x17xf32>
    %swap3A_958 = arith.constant 8 : index
    %swap3A_959 = arith.constant 0 : index
    %swap3A_960 = arith.constant 0 : index
    %swap3A_961 = vector.load %arg7[%swap3A_958, %swap3A_959, %swap3A_960] : memref<16x256x17xf32, #tpu.memory_space<vmem>>, vector<1x256x17xf32>
    %swap3A_962 = vector.shape_cast %swap3A_961 : vector<1x256x17xf32> to vector<256x17xf32>
    %swap3A_963 = vector.shape_cast %select_n3A_957 : vector<256x17xf32> to vector<1x256x17xf32>
    tpu.vector_store %arg7[%swap3A_958, %swap3A_959, %swap3A_960], %swap3A_963 {strides = array<i32>} : memref<16x256x17xf32, #tpu.memory_space<vmem>>, vector<1x256x17xf32>,
    %mul3A_964 = arith.mulf %gather3A_928, %sub3A_892 : vector<256x17xf32>
    %jit3A_965 = arith.constant 0.000000e+00 : f32
    %broadcast_in_dim3A_966 = vector.broadcast %jit3A_965 : f32 to vector<256x17xf32>
    %select_n3A_967 = arith.select %or3A_938, %broadcast_in_dim3A_966, %mul3A_964 : vector<256x17xi1>, vector<256x17xf32>
    %swap3A_968 = arith.constant 8 : index
    %swap3A_969 = arith.constant 0 : index
    %swap3A_970 = arith.constant 0 : index
    %swap3A_971 = vector.load %arg8[%swap3A_968, %swap3A_969, %swap3A_970] : memref<16x256x17xf32, #tpu.memory_space<vmem>>, vector<1x256x17xf32>
    %swap3A_972 = vector.shape_cast %swap3A_971 : vector<1x256x17xf32> to vector<256x17xf32>
    %swap3A_973 = vector.shape_cast %select_n3A_967 : vector<256x17xf32> to vector<1x256x17xf32>
    tpu.vector_store %arg8[%swap3A_968, %swap3A_969, %swap3A_970], %swap3A_973 {strides = array<i32>} : memref<16x256x17xf32, #tpu.memory_space<vmem>>, vector<1x256x17xf32>,
    %slice3A_974 = vector.extract_strided_slice %add3A_30 {offsets = [0, 9], sizes = [256, 1], strides = [1, 1]} : vector<256x16xf32> to vector<256x1xf32>
    %mul3A_975 = vector.broadcast %convert_element_type3A_69 : vector<1x17xf32> to vector<256x17xf32>
    %mul3A_976 = vector.broadcast %slice3A_974 : vector<256x1xf32> to vector<256x17xf32>
    %mul3A_977 = arith.mulf %mul3A_975, %mul3A_976 : vector<256x17xf32>
    %slice3A_978 = vector.extract_strided_slice %mul3A_46 {offsets = [0, 9], sizes = [256, 1], strides = [1, 1]} : vector<256x16xf32> to vector<256x1xf32>
    %add3A_979 = vector.broadcast %slice3A_978 : vector<256x1xf32> to vector<256x17xf32>
    %add3A_980 = arith.addf %mul3A_977, %add3A_979 : vector<256x17xf32>
    %jit3A_981 = arith.constant -1.280000e+02 : f32
    %jit3A_982 = arith.constant 1.280000e+02 : f32
    %max3A_983 = vector.broadcast %jit3A_981 : f32 to vector<256x17xf32>
    %max3A_984 = arith.maximumf %max3A_983, %add3A_980 : vector<256x17xf32>
    %min3A_985 = vector.broadcast %jit3A_982 : f32 to vector<256x17xf32>
    %min3A_986 = arith.minimumf %min3A_985, %max3A_984 : vector<256x17xf32>
    %add3A_987 = arith.addf %convert_element_type3A_73, %min3A_986 : vector<256x17xf32>
    %floor3A_988 = math.floor %add3A_987 : vector<256x17xf32>
    %sub3A_989 = arith.subf %add3A_987, %floor3A_988 : vector<256x17xf32>
    %jit3A_990 = arith.constant 0 : i32
    %jit3A_991 = arith.constant 2047 : i32
    %convert_element_type3A_992 = arith.sitofp %jit3A_990 : i32 to f32
    %max3A_993 = vector.broadcast %convert_element_type3A_992 : f32 to vector<256x17xf32>
    %max3A_994 = arith.maximumf %max3A_993, %floor3A_988 : vector<256x17xf32>
    %convert_element_type3A_995 = arith.sitofp %jit3A_991 : i32 to f32
    %min3A_996 = vector.broadcast %convert_element_type3A_995 : f32 to vector<256x17xf32>
    %min3A_997 = arith.minimumf %min3A_996, %max3A_994 : vector<256x17xf32>
    %convert_element_type3A_998 = arith.fptosi %min3A_997 : vector<256x17xf32> to vector<256x17xi32>
    %add3A_999 = arith.constant 1.280000e+02 : f32
    %add3A_1000 = vector.broadcast %add3A_999 : f32 to vector<256x17xf32>
    %add3A_1001 = arith.addf %min3A_986, %add3A_1000 : vector<256x17xf32>
    %mul3A_1002 = arith.constant 2.500000e-01 : f32
    %mul3A_1003 = vector.broadcast %mul3A_1002 : f32 to vector<256x17xf32>
    %mul3A_1004 = arith.mulf %add3A_1001, %mul3A_1003 : vector<256x17xf32>
    %floor3A_1005 = math.floor %mul3A_1004 : vector<256x17xf32>
    %jit3A_1006 = arith.constant 0 : i32
    %jit3A_1007 = arith.constant 63 : i32
    %convert_element_type3A_1008 = arith.sitofp %jit3A_1006 : i32 to f32
    %max3A_1009 = vector.broadcast %convert_element_type3A_1008 : f32 to vector<256x17xf32>
    %max3A_1010 = arith.maximumf %max3A_1009, %floor3A_1005 : vector<256x17xf32>
    %convert_element_type3A_1011 = arith.sitofp %jit3A_1007 : i32 to f32
    %min3A_1012 = vector.broadcast %convert_element_type3A_1011 : f32 to vector<256x17xf32>
    %min3A_1013 = arith.minimumf %min3A_1012, %max3A_1010 : vector<256x17xf32>
    %convert_element_type3A_1014 = arith.fptosi %min3A_1013 : vector<256x17xf32> to vector<256x17xi32>
    %slice3A_1015 = vector.extract_strided_slice %mul3A_65 {offsets = [0, 576], sizes = [256, 64], strides = [1, 1]} : vector<256x1024xf32> to vector<256x64xf32>
    %lt3A_1016 = arith.constant 0 : i32
    %lt3A_1017 = vector.broadcast %lt3A_1016 : i32 to vector<256x17xi32>
    %lt3A_1018 = arith.cmpi slt, %convert_element_type3A_1014, %lt3A_1017 : vector<256x17xi32>
    %add3A_1019 = arith.constant 64 : i32
    %add3A_1020 = vector.broadcast %add3A_1019 : i32 to vector<256x17xi32>
    %add3A_1021 = arith.addi %convert_element_type3A_1014, %add3A_1020 : vector<256x17xi32>
    %select_n3A_1022 = arith.select %lt3A_1018, %add3A_1021, %convert_element_type3A_1014 : vector<256x17xi1>, vector<256x17xi32>
    %reshape3A_1023 = vector.shape_cast %select_n3A_1022 : vector<256x17xi32> to vector<256x17x1xi32>
    %gather3A_1024 = vector.shape_cast %reshape3A_1023 : vector<256x17x1xi32> to vector<256x17xi32>
    %gather3A_1025 = tpu.dynamic_gather %slice3A_1015[%gather3A_1024] in [1] : vector<256x64xf32>, vector<256x17xi32> -> vector<256x17xf32>
    %lt3A_1026 = arith.constant 0.000000e+00 : f32
    %lt3A_1027 = vector.broadcast %lt3A_1026 : f32 to vector<256x17xf32>
    %lt3A_1028 = arith.cmpf olt, %floor3A_988, %lt3A_1027 : vector<256x17xf32>
    %add3A_1029 = arith.constant 1.000000e+00 : f32
    %add3A_1030 = vector.broadcast %add3A_1029 : f32 to vector<256x17xf32>
    %add3A_1031 = arith.addf %floor3A_988, %add3A_1030 : vector<256x17xf32>
    %gt3A_1032 = arith.constant 2.047000e+03 : f32
    %gt3A_1033 = vector.broadcast %gt3A_1032 : f32 to vector<256x17xf32>
    %gt3A_1034 = arith.cmpf ogt, %add3A_1031, %gt3A_1033 : vector<256x17xf32>
    %or3A_1035 = arith.ori %lt3A_1028, %gt3A_1034 : vector<256x17xi1>
    %slice3A_1036 = vector.extract_strided_slice %get3A_2 {offsets = [0, 576], sizes = [256, 64], strides = [1, 1]} : vector<256x1024xf32> to vector<256x64xf32>
    %swap3A_1037 = arith.constant 9 : index
    %swap3A_1038 = arith.constant 0 : index
    %swap3A_1039 = arith.constant 0 : index
    %swap3A_1040 = vector.load %arg9[%swap3A_1037, %swap3A_1038, %swap3A_1039] : memref<16x256x64xf32, #tpu.memory_space<vmem>>, vector<1x256x64xf32>
    %swap3A_1041 = vector.shape_cast %swap3A_1040 : vector<1x256x64xf32> to vector<256x64xf32>
    %swap3A_1042 = vector.shape_cast %slice3A_1036 : vector<256x64xf32> to vector<1x256x64xf32>
    tpu.vector_store %arg9[%swap3A_1037, %swap3A_1038, %swap3A_1039], %swap3A_1042 {strides = array<i32>} : memref<16x256x64xf32, #tpu.memory_space<vmem>>, vector<1x256x64xf32>,
    %sub3A_1043 = arith.subi %convert_element_type3A_998, %min3A_108 : vector<256x17xi32>
    %swap3A_1044 = arith.constant 9 : index
    %swap3A_1045 = arith.constant 0 : index
    %swap3A_1046 = arith.constant 0 : index
    %swap3A_1047 = vector.load %arg6[%swap3A_1044, %swap3A_1045, %swap3A_1046] : memref<16x256x17xi32, #tpu.memory_space<vmem>>, vector<1x256x17xi32>
    %swap3A_1048 = vector.shape_cast %swap3A_1047 : vector<1x256x17xi32> to vector<256x17xi32>
    %swap3A_1049 = vector.shape_cast %sub3A_1043 : vector<256x17xi32> to vector<1x256x17xi32>
    tpu.vector_store %arg6[%swap3A_1044, %swap3A_1045, %swap3A_1046], %swap3A_1049 {strides = array<i32>} : memref<16x256x17xi32, #tpu.memory_space<vmem>>, vector<1x256x17xi32>,
    %sub3A_1050 = arith.constant 1.000000e+00 : f32
    %sub3A_1051 = vector.broadcast %sub3A_1050 : f32 to vector<256x17xf32>
    %sub3A_1052 = arith.subf %sub3A_1051, %sub3A_989 : vector<256x17xf32>
    %mul3A_1053 = arith.mulf %gather3A_1025, %sub3A_1052 : vector<256x17xf32>
    %select_n3A_1054 = arith.select %or3A_1035, %gather3A_1025, %mul3A_1053 : vector<256x17xi1>, vector<256x17xf32>
    %swap3A_1055 = arith.constant 9 : index
    %swap3A_1056 = arith.constant 0 : index
    %swap3A_1057 = arith.constant 0 : index
    %swap3A_1058 = vector.load %arg7[%swap3A_1055, %swap3A_1056, %swap3A_1057] : memref<16x256x17xf32, #tpu.memory_space<vmem>>, vector<1x256x17xf32>
    %swap3A_1059 = vector.shape_cast %swap3A_1058 : vector<1x256x17xf32> to vector<256x17xf32>
    %swap3A_1060 = vector.shape_cast %select_n3A_1054 : vector<256x17xf32> to vector<1x256x17xf32>
    tpu.vector_store %arg7[%swap3A_1055, %swap3A_1056, %swap3A_1057], %swap3A_1060 {strides = array<i32>} : memref<16x256x17xf32, #tpu.memory_space<vmem>>, vector<1x256x17xf32>,
    %mul3A_1061 = arith.mulf %gather3A_1025, %sub3A_989 : vector<256x17xf32>
    %jit3A_1062 = arith.constant 0.000000e+00 : f32
    %broadcast_in_dim3A_1063 = vector.broadcast %jit3A_1062 : f32 to vector<256x17xf32>
    %select_n3A_1064 = arith.select %or3A_1035, %broadcast_in_dim3A_1063, %mul3A_1061 : vector<256x17xi1>, vector<256x17xf32>
    %swap3A_1065 = arith.constant 9 : index
    %swap3A_1066 = arith.constant 0 : index
    %swap3A_1067 = arith.constant 0 : index
    %swap3A_1068 = vector.load %arg8[%swap3A_1065, %swap3A_1066, %swap3A_1067] : memref<16x256x17xf32, #tpu.memory_space<vmem>>, vector<1x256x17xf32>
    %swap3A_1069 = vector.shape_cast %swap3A_1068 : vector<1x256x17xf32> to vector<256x17xf32>
    %swap3A_1070 = vector.shape_cast %select_n3A_1064 : vector<256x17xf32> to vector<1x256x17xf32>
    tpu.vector_store %arg8[%swap3A_1065, %swap3A_1066, %swap3A_1067], %swap3A_1070 {strides = array<i32>} : memref<16x256x17xf32, #tpu.memory_space<vmem>>, vector<1x256x17xf32>,
    %slice3A_1071 = vector.extract_strided_slice %add3A_30 {offsets = [0, 10], sizes = [256, 1], strides = [1, 1]} : vector<256x16xf32> to vector<256x1xf32>
    %mul3A_1072 = vector.broadcast %convert_element_type3A_69 : vector<1x17xf32> to vector<256x17xf32>
    %mul3A_1073 = vector.broadcast %slice3A_1071 : vector<256x1xf32> to vector<256x17xf32>
    %mul3A_1074 = arith.mulf %mul3A_1072, %mul3A_1073 : vector<256x17xf32>
    %slice3A_1075 = vector.extract_strided_slice %mul3A_46 {offsets = [0, 10], sizes = [256, 1], strides = [1, 1]} : vector<256x16xf32> to vector<256x1xf32>
    %add3A_1076 = vector.broadcast %slice3A_1075 : vector<256x1xf32> to vector<256x17xf32>
    %add3A_1077 = arith.addf %mul3A_1074, %add3A_1076 : vector<256x17xf32>
    %jit3A_1078 = arith.constant -1.280000e+02 : f32
    %jit3A_1079 = arith.constant 1.280000e+02 : f32
    %max3A_1080 = vector.broadcast %jit3A_1078 : f32 to vector<256x17xf32>
    %max3A_1081 = arith.maximumf %max3A_1080, %add3A_1077 : vector<256x17xf32>
    %min3A_1082 = vector.broadcast %jit3A_1079 : f32 to vector<256x17xf32>
    %min3A_1083 = arith.minimumf %min3A_1082, %max3A_1081 : vector<256x17xf32>
    %add3A_1084 = arith.addf %convert_element_type3A_73, %min3A_1083 : vector<256x17xf32>
    %floor3A_1085 = math.floor %add3A_1084 : vector<256x17xf32>
    %sub3A_1086 = arith.subf %add3A_1084, %floor3A_1085 : vector<256x17xf32>
    %jit3A_1087 = arith.constant 0 : i32
    %jit3A_1088 = arith.constant 2047 : i32
    %convert_element_type3A_1089 = arith.sitofp %jit3A_1087 : i32 to f32
    %max3A_1090 = vector.broadcast %convert_element_type3A_1089 : f32 to vector<256x17xf32>
    %max3A_1091 = arith.maximumf %max3A_1090, %floor3A_1085 : vector<256x17xf32>
    %convert_element_type3A_1092 = arith.sitofp %jit3A_1088 : i32 to f32
    %min3A_1093 = vector.broadcast %convert_element_type3A_1092 : f32 to vector<256x17xf32>
    %min3A_1094 = arith.minimumf %min3A_1093, %max3A_1091 : vector<256x17xf32>
    %convert_element_type3A_1095 = arith.fptosi %min3A_1094 : vector<256x17xf32> to vector<256x17xi32>
    %add3A_1096 = arith.constant 1.280000e+02 : f32
    %add3A_1097 = vector.broadcast %add3A_1096 : f32 to vector<256x17xf32>
    %add3A_1098 = arith.addf %min3A_1083, %add3A_1097 : vector<256x17xf32>
    %mul3A_1099 = arith.constant 2.500000e-01 : f32
    %mul3A_1100 = vector.broadcast %mul3A_1099 : f32 to vector<256x17xf32>
    %mul3A_1101 = arith.mulf %add3A_1098, %mul3A_1100 : vector<256x17xf32>
    %floor3A_1102 = math.floor %mul3A_1101 : vector<256x17xf32>
    %jit3A_1103 = arith.constant 0 : i32
    %jit3A_1104 = arith.constant 63 : i32
    %convert_element_type3A_1105 = arith.sitofp %jit3A_1103 : i32 to f32
    %max3A_1106 = vector.broadcast %convert_element_type3A_1105 : f32 to vector<256x17xf32>
    %max3A_1107 = arith.maximumf %max3A_1106, %floor3A_1102 : vector<256x17xf32>
    %convert_element_type3A_1108 = arith.sitofp %jit3A_1104 : i32 to f32
    %min3A_1109 = vector.broadcast %convert_element_type3A_1108 : f32 to vector<256x17xf32>
    %min3A_1110 = arith.minimumf %min3A_1109, %max3A_1107 : vector<256x17xf32>
    %convert_element_type3A_1111 = arith.fptosi %min3A_1110 : vector<256x17xf32> to vector<256x17xi32>
    %slice3A_1112 = vector.extract_strided_slice %mul3A_65 {offsets = [0, 640], sizes = [256, 64], strides = [1, 1]} : vector<256x1024xf32> to vector<256x64xf32>
    %lt3A_1113 = arith.constant 0 : i32
    %lt3A_1114 = vector.broadcast %lt3A_1113 : i32 to vector<256x17xi32>
    %lt3A_1115 = arith.cmpi slt, %convert_element_type3A_1111, %lt3A_1114 : vector<256x17xi32>
    %add3A_1116 = arith.constant 64 : i32
    %add3A_1117 = vector.broadcast %add3A_1116 : i32 to vector<256x17xi32>
    %add3A_1118 = arith.addi %convert_element_type3A_1111, %add3A_1117 : vector<256x17xi32>
    %select_n3A_1119 = arith.select %lt3A_1115, %add3A_1118, %convert_element_type3A_1111 : vector<256x17xi1>, vector<256x17xi32>
    %reshape3A_1120 = vector.shape_cast %select_n3A_1119 : vector<256x17xi32> to vector<256x17x1xi32>
    %gather3A_1121 = vector.shape_cast %reshape3A_1120 : vector<256x17x1xi32> to vector<256x17xi32>
    %gather3A_1122 = tpu.dynamic_gather %slice3A_1112[%gather3A_1121] in [1] : vector<256x64xf32>, vector<256x17xi32> -> vector<256x17xf32>
    %lt3A_1123 = arith.constant 0.000000e+00 : f32
    %lt3A_1124 = vector.broadcast %lt3A_1123 : f32 to vector<256x17xf32>
    %lt3A_1125 = arith.cmpf olt, %floor3A_1085, %lt3A_1124 : vector<256x17xf32>
    %add3A_1126 = arith.constant 1.000000e+00 : f32
    %add3A_1127 = vector.broadcast %add3A_1126 : f32 to vector<256x17xf32>
    %add3A_1128 = arith.addf %floor3A_1085, %add3A_1127 : vector<256x17xf32>
    %gt3A_1129 = arith.constant 2.047000e+03 : f32
    %gt3A_1130 = vector.broadcast %gt3A_1129 : f32 to vector<256x17xf32>
    %gt3A_1131 = arith.cmpf ogt, %add3A_1128, %gt3A_1130 : vector<256x17xf32>
    %or3A_1132 = arith.ori %lt3A_1125, %gt3A_1131 : vector<256x17xi1>
    %slice3A_1133 = vector.extract_strided_slice %get3A_2 {offsets = [0, 640], sizes = [256, 64], strides = [1, 1]} : vector<256x1024xf32> to vector<256x64xf32>
    %swap3A_1134 = arith.constant 10 : index
    %swap3A_1135 = arith.constant 0 : index
    %swap3A_1136 = arith.constant 0 : index
    %swap3A_1137 = vector.load %arg9[%swap3A_1134, %swap3A_1135, %swap3A_1136] : memref<16x256x64xf32, #tpu.memory_space<vmem>>, vector<1x256x64xf32>
    %swap3A_1138 = vector.shape_cast %swap3A_1137 : vector<1x256x64xf32> to vector<256x64xf32>
    %swap3A_1139 = vector.shape_cast %slice3A_1133 : vector<256x64xf32> to vector<1x256x64xf32>
    tpu.vector_store %arg9[%swap3A_1134, %swap3A_1135, %swap3A_1136], %swap3A_1139 {strides = array<i32>} : memref<16x256x64xf32, #tpu.memory_space<vmem>>, vector<1x256x64xf32>,
    %sub3A_1140 = arith.subi %convert_element_type3A_1095, %min3A_108 : vector<256x17xi32>
    %swap3A_1141 = arith.constant 10 : index
    %swap3A_1142 = arith.constant 0 : index
    %swap3A_1143 = arith.constant 0 : index
    %swap3A_1144 = vector.load %arg6[%swap3A_1141, %swap3A_1142, %swap3A_1143] : memref<16x256x17xi32, #tpu.memory_space<vmem>>, vector<1x256x17xi32>
    %swap3A_1145 = vector.shape_cast %swap3A_1144 : vector<1x256x17xi32> to vector<256x17xi32>
    %swap3A_1146 = vector.shape_cast %sub3A_1140 : vector<256x17xi32> to vector<1x256x17xi32>
    tpu.vector_store %arg6[%swap3A_1141, %swap3A_1142, %swap3A_1143], %swap3A_1146 {strides = array<i32>} : memref<16x256x17xi32, #tpu.memory_space<vmem>>, vector<1x256x17xi32>,
    %sub3A_1147 = arith.constant 1.000000e+00 : f32
    %sub3A_1148 = vector.broadcast %sub3A_1147 : f32 to vector<256x17xf32>
    %sub3A_1149 = arith.subf %sub3A_1148, %sub3A_1086 : vector<256x17xf32>
    %mul3A_1150 = arith.mulf %gather3A_1122, %sub3A_1149 : vector<256x17xf32>
    %select_n3A_1151 = arith.select %or3A_1132, %gather3A_1122, %mul3A_1150 : vector<256x17xi1>, vector<256x17xf32>
    %swap3A_1152 = arith.constant 10 : index
    %swap3A_1153 = arith.constant 0 : index
    %swap3A_1154 = arith.constant 0 : index
    %swap3A_1155 = vector.load %arg7[%swap3A_1152, %swap3A_1153, %swap3A_1154] : memref<16x256x17xf32, #tpu.memory_space<vmem>>, vector<1x256x17xf32>
    %swap3A_1156 = vector.shape_cast %swap3A_1155 : vector<1x256x17xf32> to vector<256x17xf32>
    %swap3A_1157 = vector.shape_cast %select_n3A_1151 : vector<256x17xf32> to vector<1x256x17xf32>
    tpu.vector_store %arg7[%swap3A_1152, %swap3A_1153, %swap3A_1154], %swap3A_1157 {strides = array<i32>} : memref<16x256x17xf32, #tpu.memory_space<vmem>>, vector<1x256x17xf32>,
    %mul3A_1158 = arith.mulf %gather3A_1122, %sub3A_1086 : vector<256x17xf32>
    %jit3A_1159 = arith.constant 0.000000e+00 : f32
    %broadcast_in_dim3A_1160 = vector.broadcast %jit3A_1159 : f32 to vector<256x17xf32>
    %select_n3A_1161 = arith.select %or3A_1132, %broadcast_in_dim3A_1160, %mul3A_1158 : vector<256x17xi1>, vector<256x17xf32>
    %swap3A_1162 = arith.constant 10 : index
    %swap3A_1163 = arith.constant 0 : index
    %swap3A_1164 = arith.constant 0 : index
    %swap3A_1165 = vector.load %arg8[%swap3A_1162, %swap3A_1163, %swap3A_1164] : memref<16x256x17xf32, #tpu.memory_space<vmem>>, vector<1x256x17xf32>
    %swap3A_1166 = vector.shape_cast %swap3A_1165 : vector<1x256x17xf32> to vector<256x17xf32>
    %swap3A_1167 = vector.shape_cast %select_n3A_1161 : vector<256x17xf32> to vector<1x256x17xf32>
    tpu.vector_store %arg8[%swap3A_1162, %swap3A_1163, %swap3A_1164], %swap3A_1167 {strides = array<i32>} : memref<16x256x17xf32, #tpu.memory_space<vmem>>, vector<1x256x17xf32>,
    %slice3A_1168 = vector.extract_strided_slice %add3A_30 {offsets = [0, 11], sizes = [256, 1], strides = [1, 1]} : vector<256x16xf32> to vector<256x1xf32>
    %mul3A_1169 = vector.broadcast %convert_element_type3A_69 : vector<1x17xf32> to vector<256x17xf32>
    %mul3A_1170 = vector.broadcast %slice3A_1168 : vector<256x1xf32> to vector<256x17xf32>
    %mul3A_1171 = arith.mulf %mul3A_1169, %mul3A_1170 : vector<256x17xf32>
    %slice3A_1172 = vector.extract_strided_slice %mul3A_46 {offsets = [0, 11], sizes = [256, 1], strides = [1, 1]} : vector<256x16xf32> to vector<256x1xf32>
    %add3A_1173 = vector.broadcast %slice3A_1172 : vector<256x1xf32> to vector<256x17xf32>
    %add3A_1174 = arith.addf %mul3A_1171, %add3A_1173 : vector<256x17xf32>
    %jit3A_1175 = arith.constant -1.280000e+02 : f32
    %jit3A_1176 = arith.constant 1.280000e+02 : f32
    %max3A_1177 = vector.broadcast %jit3A_1175 : f32 to vector<256x17xf32>
    %max3A_1178 = arith.maximumf %max3A_1177, %add3A_1174 : vector<256x17xf32>
    %min3A_1179 = vector.broadcast %jit3A_1176 : f32 to vector<256x17xf32>
    %min3A_1180 = arith.minimumf %min3A_1179, %max3A_1178 : vector<256x17xf32>
    %add3A_1181 = arith.addf %convert_element_type3A_73, %min3A_1180 : vector<256x17xf32>
    %floor3A_1182 = math.floor %add3A_1181 : vector<256x17xf32>
    %sub3A_1183 = arith.subf %add3A_1181, %floor3A_1182 : vector<256x17xf32>
    %jit3A_1184 = arith.constant 0 : i32
    %jit3A_1185 = arith.constant 2047 : i32
    %convert_element_type3A_1186 = arith.sitofp %jit3A_1184 : i32 to f32
    %max3A_1187 = vector.broadcast %convert_element_type3A_1186 : f32 to vector<256x17xf32>
    %max3A_1188 = arith.maximumf %max3A_1187, %floor3A_1182 : vector<256x17xf32>
    %convert_element_type3A_1189 = arith.sitofp %jit3A_1185 : i32 to f32
    %min3A_1190 = vector.broadcast %convert_element_type3A_1189 : f32 to vector<256x17xf32>
    %min3A_1191 = arith.minimumf %min3A_1190, %max3A_1188 : vector<256x17xf32>
    %convert_element_type3A_1192 = arith.fptosi %min3A_1191 : vector<256x17xf32> to vector<256x17xi32>
    %add3A_1193 = arith.constant 1.280000e+02 : f32
    %add3A_1194 = vector.broadcast %add3A_1193 : f32 to vector<256x17xf32>
    %add3A_1195 = arith.addf %min3A_1180, %add3A_1194 : vector<256x17xf32>
    %mul3A_1196 = arith.constant 2.500000e-01 : f32
    %mul3A_1197 = vector.broadcast %mul3A_1196 : f32 to vector<256x17xf32>
    %mul3A_1198 = arith.mulf %add3A_1195, %mul3A_1197 : vector<256x17xf32>
    %floor3A_1199 = math.floor %mul3A_1198 : vector<256x17xf32>
    %jit3A_1200 = arith.constant 0 : i32
    %jit3A_1201 = arith.constant 63 : i32
    %convert_element_type3A_1202 = arith.sitofp %jit3A_1200 : i32 to f32
    %max3A_1203 = vector.broadcast %convert_element_type3A_1202 : f32 to vector<256x17xf32>
    %max3A_1204 = arith.maximumf %max3A_1203, %floor3A_1199 : vector<256x17xf32>
    %convert_element_type3A_1205 = arith.sitofp %jit3A_1201 : i32 to f32
    %min3A_1206 = vector.broadcast %convert_element_type3A_1205 : f32 to vector<256x17xf32>
    %min3A_1207 = arith.minimumf %min3A_1206, %max3A_1204 : vector<256x17xf32>
    %convert_element_type3A_1208 = arith.fptosi %min3A_1207 : vector<256x17xf32> to vector<256x17xi32>
    %slice3A_1209 = vector.extract_strided_slice %mul3A_65 {offsets = [0, 704], sizes = [256, 64], strides = [1, 1]} : vector<256x1024xf32> to vector<256x64xf32>
    %lt3A_1210 = arith.constant 0 : i32
    %lt3A_1211 = vector.broadcast %lt3A_1210 : i32 to vector<256x17xi32>
    %lt3A_1212 = arith.cmpi slt, %convert_element_type3A_1208, %lt3A_1211 : vector<256x17xi32>
    %add3A_1213 = arith.constant 64 : i32
    %add3A_1214 = vector.broadcast %add3A_1213 : i32 to vector<256x17xi32>
    %add3A_1215 = arith.addi %convert_element_type3A_1208, %add3A_1214 : vector<256x17xi32>
    %select_n3A_1216 = arith.select %lt3A_1212, %add3A_1215, %convert_element_type3A_1208 : vector<256x17xi1>, vector<256x17xi32>
    %reshape3A_1217 = vector.shape_cast %select_n3A_1216 : vector<256x17xi32> to vector<256x17x1xi32>
    %gather3A_1218 = vector.shape_cast %reshape3A_1217 : vector<256x17x1xi32> to vector<256x17xi32>
    %gather3A_1219 = tpu.dynamic_gather %slice3A_1209[%gather3A_1218] in [1] : vector<256x64xf32>, vector<256x17xi32> -> vector<256x17xf32>
    %lt3A_1220 = arith.constant 0.000000e+00 : f32
    %lt3A_1221 = vector.broadcast %lt3A_1220 : f32 to vector<256x17xf32>
    %lt3A_1222 = arith.cmpf olt, %floor3A_1182, %lt3A_1221 : vector<256x17xf32>
    %add3A_1223 = arith.constant 1.000000e+00 : f32
    %add3A_1224 = vector.broadcast %add3A_1223 : f32 to vector<256x17xf32>
    %add3A_1225 = arith.addf %floor3A_1182, %add3A_1224 : vector<256x17xf32>
    %gt3A_1226 = arith.constant 2.047000e+03 : f32
    %gt3A_1227 = vector.broadcast %gt3A_1226 : f32 to vector<256x17xf32>
    %gt3A_1228 = arith.cmpf ogt, %add3A_1225, %gt3A_1227 : vector<256x17xf32>
    %or3A_1229 = arith.ori %lt3A_1222, %gt3A_1228 : vector<256x17xi1>
    %slice3A_1230 = vector.extract_strided_slice %get3A_2 {offsets = [0, 704], sizes = [256, 64], strides = [1, 1]} : vector<256x1024xf32> to vector<256x64xf32>
    %swap3A_1231 = arith.constant 11 : index
    %swap3A_1232 = arith.constant 0 : index
    %swap3A_1233 = arith.constant 0 : index
    %swap3A_1234 = vector.load %arg9[%swap3A_1231, %swap3A_1232, %swap3A_1233] : memref<16x256x64xf32, #tpu.memory_space<vmem>>, vector<1x256x64xf32>
    %swap3A_1235 = vector.shape_cast %swap3A_1234 : vector<1x256x64xf32> to vector<256x64xf32>
    %swap3A_1236 = vector.shape_cast %slice3A_1230 : vector<256x64xf32> to vector<1x256x64xf32>
    tpu.vector_store %arg9[%swap3A_1231, %swap3A_1232, %swap3A_1233], %swap3A_1236 {strides = array<i32>} : memref<16x256x64xf32, #tpu.memory_space<vmem>>, vector<1x256x64xf32>,
    %sub3A_1237 = arith.subi %convert_element_type3A_1192, %min3A_108 : vector<256x17xi32>
    %swap3A_1238 = arith.constant 11 : index
    %swap3A_1239 = arith.constant 0 : index
    %swap3A_1240 = arith.constant 0 : index
    %swap3A_1241 = vector.load %arg6[%swap3A_1238, %swap3A_1239, %swap3A_1240] : memref<16x256x17xi32, #tpu.memory_space<vmem>>, vector<1x256x17xi32>
    %swap3A_1242 = vector.shape_cast %swap3A_1241 : vector<1x256x17xi32> to vector<256x17xi32>
    %swap3A_1243 = vector.shape_cast %sub3A_1237 : vector<256x17xi32> to vector<1x256x17xi32>
    tpu.vector_store %arg6[%swap3A_1238, %swap3A_1239, %swap3A_1240], %swap3A_1243 {strides = array<i32>} : memref<16x256x17xi32, #tpu.memory_space<vmem>>, vector<1x256x17xi32>,
    %sub3A_1244 = arith.constant 1.000000e+00 : f32
    %sub3A_1245 = vector.broadcast %sub3A_1244 : f32 to vector<256x17xf32>
    %sub3A_1246 = arith.subf %sub3A_1245, %sub3A_1183 : vector<256x17xf32>
    %mul3A_1247 = arith.mulf %gather3A_1219, %sub3A_1246 : vector<256x17xf32>
    %select_n3A_1248 = arith.select %or3A_1229, %gather3A_1219, %mul3A_1247 : vector<256x17xi1>, vector<256x17xf32>
    %swap3A_1249 = arith.constant 11 : index
    %swap3A_1250 = arith.constant 0 : index
    %swap3A_1251 = arith.constant 0 : index
    %swap3A_1252 = vector.load %arg7[%swap3A_1249, %swap3A_1250, %swap3A_1251] : memref<16x256x17xf32, #tpu.memory_space<vmem>>, vector<1x256x17xf32>
    %swap3A_1253 = vector.shape_cast %swap3A_1252 : vector<1x256x17xf32> to vector<256x17xf32>
    %swap3A_1254 = vector.shape_cast %select_n3A_1248 : vector<256x17xf32> to vector<1x256x17xf32>
    tpu.vector_store %arg7[%swap3A_1249, %swap3A_1250, %swap3A_1251], %swap3A_1254 {strides = array<i32>} : memref<16x256x17xf32, #tpu.memory_space<vmem>>, vector<1x256x17xf32>,
    %mul3A_1255 = arith.mulf %gather3A_1219, %sub3A_1183 : vector<256x17xf32>
    %jit3A_1256 = arith.constant 0.000000e+00 : f32
    %broadcast_in_dim3A_1257 = vector.broadcast %jit3A_1256 : f32 to vector<256x17xf32>
    %select_n3A_1258 = arith.select %or3A_1229, %broadcast_in_dim3A_1257, %mul3A_1255 : vector<256x17xi1>, vector<256x17xf32>
    %swap3A_1259 = arith.constant 11 : index
    %swap3A_1260 = arith.constant 0 : index
    %swap3A_1261 = arith.constant 0 : index
    %swap3A_1262 = vector.load %arg8[%swap3A_1259, %swap3A_1260, %swap3A_1261] : memref<16x256x17xf32, #tpu.memory_space<vmem>>, vector<1x256x17xf32>
    %swap3A_1263 = vector.shape_cast %swap3A_1262 : vector<1x256x17xf32> to vector<256x17xf32>
    %swap3A_1264 = vector.shape_cast %select_n3A_1258 : vector<256x17xf32> to vector<1x256x17xf32>
    tpu.vector_store %arg8[%swap3A_1259, %swap3A_1260, %swap3A_1261], %swap3A_1264 {strides = array<i32>} : memref<16x256x17xf32, #tpu.memory_space<vmem>>, vector<1x256x17xf32>,
    %slice3A_1265 = vector.extract_strided_slice %add3A_30 {offsets = [0, 12], sizes = [256, 1], strides = [1, 1]} : vector<256x16xf32> to vector<256x1xf32>
    %mul3A_1266 = vector.broadcast %convert_element_type3A_69 : vector<1x17xf32> to vector<256x17xf32>
    %mul3A_1267 = vector.broadcast %slice3A_1265 : vector<256x1xf32> to vector<256x17xf32>
    %mul3A_1268 = arith.mulf %mul3A_1266, %mul3A_1267 : vector<256x17xf32>
    %slice3A_1269 = vector.extract_strided_slice %mul3A_46 {offsets = [0, 12], sizes = [256, 1], strides = [1, 1]} : vector<256x16xf32> to vector<256x1xf32>
    %add3A_1270 = vector.broadcast %slice3A_1269 : vector<256x1xf32> to vector<256x17xf32>
    %add3A_1271 = arith.addf %mul3A_1268, %add3A_1270 : vector<256x17xf32>
    %jit3A_1272 = arith.constant -1.280000e+02 : f32
    %jit3A_1273 = arith.constant 1.280000e+02 : f32
    %max3A_1274 = vector.broadcast %jit3A_1272 : f32 to vector<256x17xf32>
    %max3A_1275 = arith.maximumf %max3A_1274, %add3A_1271 : vector<256x17xf32>
    %min3A_1276 = vector.broadcast %jit3A_1273 : f32 to vector<256x17xf32>
    %min3A_1277 = arith.minimumf %min3A_1276, %max3A_1275 : vector<256x17xf32>
    %add3A_1278 = arith.addf %convert_element_type3A_73, %min3A_1277 : vector<256x17xf32>
    %floor3A_1279 = math.floor %add3A_1278 : vector<256x17xf32>
    %sub3A_1280 = arith.subf %add3A_1278, %floor3A_1279 : vector<256x17xf32>
    %jit3A_1281 = arith.constant 0 : i32
    %jit3A_1282 = arith.constant 2047 : i32
    %convert_element_type3A_1283 = arith.sitofp %jit3A_1281 : i32 to f32
    %max3A_1284 = vector.broadcast %convert_element_type3A_1283 : f32 to vector<256x17xf32>
    %max3A_1285 = arith.maximumf %max3A_1284, %floor3A_1279 : vector<256x17xf32>
    %convert_element_type3A_1286 = arith.sitofp %jit3A_1282 : i32 to f32
    %min3A_1287 = vector.broadcast %convert_element_type3A_1286 : f32 to vector<256x17xf32>
    %min3A_1288 = arith.minimumf %min3A_1287, %max3A_1285 : vector<256x17xf32>
    %convert_element_type3A_1289 = arith.fptosi %min3A_1288 : vector<256x17xf32> to vector<256x17xi32>
    %add3A_1290 = arith.constant 1.280000e+02 : f32
    %add3A_1291 = vector.broadcast %add3A_1290 : f32 to vector<256x17xf32>
    %add3A_1292 = arith.addf %min3A_1277, %add3A_1291 : vector<256x17xf32>
    %mul3A_1293 = arith.constant 2.500000e-01 : f32
    %mul3A_1294 = vector.broadcast %mul3A_1293 : f32 to vector<256x17xf32>
    %mul3A_1295 = arith.mulf %add3A_1292, %mul3A_1294 : vector<256x17xf32>
    %floor3A_1296 = math.floor %mul3A_1295 : vector<256x17xf32>
    %jit3A_1297 = arith.constant 0 : i32
    %jit3A_1298 = arith.constant 63 : i32
    %convert_element_type3A_1299 = arith.sitofp %jit3A_1297 : i32 to f32
    %max3A_1300 = vector.broadcast %convert_element_type3A_1299 : f32 to vector<256x17xf32>
    %max3A_1301 = arith.maximumf %max3A_1300, %floor3A_1296 : vector<256x17xf32>
    %convert_element_type3A_1302 = arith.sitofp %jit3A_1298 : i32 to f32
    %min3A_1303 = vector.broadcast %convert_element_type3A_1302 : f32 to vector<256x17xf32>
    %min3A_1304 = arith.minimumf %min3A_1303, %max3A_1301 : vector<256x17xf32>
    %convert_element_type3A_1305 = arith.fptosi %min3A_1304 : vector<256x17xf32> to vector<256x17xi32>
    %slice3A_1306 = vector.extract_strided_slice %mul3A_65 {offsets = [0, 768], sizes = [256, 64], strides = [1, 1]} : vector<256x1024xf32> to vector<256x64xf32>
    %lt3A_1307 = arith.constant 0 : i32
    %lt3A_1308 = vector.broadcast %lt3A_1307 : i32 to vector<256x17xi32>
    %lt3A_1309 = arith.cmpi slt, %convert_element_type3A_1305, %lt3A_1308 : vector<256x17xi32>
    %add3A_1310 = arith.constant 64 : i32
    %add3A_1311 = vector.broadcast %add3A_1310 : i32 to vector<256x17xi32>
    %add3A_1312 = arith.addi %convert_element_type3A_1305, %add3A_1311 : vector<256x17xi32>
    %select_n3A_1313 = arith.select %lt3A_1309, %add3A_1312, %convert_element_type3A_1305 : vector<256x17xi1>, vector<256x17xi32>
    %reshape3A_1314 = vector.shape_cast %select_n3A_1313 : vector<256x17xi32> to vector<256x17x1xi32>
    %gather3A_1315 = vector.shape_cast %reshape3A_1314 : vector<256x17x1xi32> to vector<256x17xi32>
    %gather3A_1316 = tpu.dynamic_gather %slice3A_1306[%gather3A_1315] in [1] : vector<256x64xf32>, vector<256x17xi32> -> vector<256x17xf32>
    %lt3A_1317 = arith.constant 0.000000e+00 : f32
    %lt3A_1318 = vector.broadcast %lt3A_1317 : f32 to vector<256x17xf32>
    %lt3A_1319 = arith.cmpf olt, %floor3A_1279, %lt3A_1318 : vector<256x17xf32>
    %add3A_1320 = arith.constant 1.000000e+00 : f32
    %add3A_1321 = vector.broadcast %add3A_1320 : f32 to vector<256x17xf32>
    %add3A_1322 = arith.addf %floor3A_1279, %add3A_1321 : vector<256x17xf32>
    %gt3A_1323 = arith.constant 2.047000e+03 : f32
    %gt3A_1324 = vector.broadcast %gt3A_1323 : f32 to vector<256x17xf32>
    %gt3A_1325 = arith.cmpf ogt, %add3A_1322, %gt3A_1324 : vector<256x17xf32>
    %or3A_1326 = arith.ori %lt3A_1319, %gt3A_1325 : vector<256x17xi1>
    %slice3A_1327 = vector.extract_strided_slice %get3A_2 {offsets = [0, 768], sizes = [256, 64], strides = [1, 1]} : vector<256x1024xf32> to vector<256x64xf32>
    %swap3A_1328 = arith.constant 12 : index
    %swap3A_1329 = arith.constant 0 : index
    %swap3A_1330 = arith.constant 0 : index
    %swap3A_1331 = vector.load %arg9[%swap3A_1328, %swap3A_1329, %swap3A_1330] : memref<16x256x64xf32, #tpu.memory_space<vmem>>, vector<1x256x64xf32>
    %swap3A_1332 = vector.shape_cast %swap3A_1331 : vector<1x256x64xf32> to vector<256x64xf32>
    %swap3A_1333 = vector.shape_cast %slice3A_1327 : vector<256x64xf32> to vector<1x256x64xf32>
    tpu.vector_store %arg9[%swap3A_1328, %swap3A_1329, %swap3A_1330], %swap3A_1333 {strides = array<i32>} : memref<16x256x64xf32, #tpu.memory_space<vmem>>, vector<1x256x64xf32>,
    %sub3A_1334 = arith.subi %convert_element_type3A_1289, %min3A_108 : vector<256x17xi32>
    %swap3A_1335 = arith.constant 12 : index
    %swap3A_1336 = arith.constant 0 : index
    %swap3A_1337 = arith.constant 0 : index
    %swap3A_1338 = vector.load %arg6[%swap3A_1335, %swap3A_1336, %swap3A_1337] : memref<16x256x17xi32, #tpu.memory_space<vmem>>, vector<1x256x17xi32>
    %swap3A_1339 = vector.shape_cast %swap3A_1338 : vector<1x256x17xi32> to vector<256x17xi32>
    %swap3A_1340 = vector.shape_cast %sub3A_1334 : vector<256x17xi32> to vector<1x256x17xi32>
    tpu.vector_store %arg6[%swap3A_1335, %swap3A_1336, %swap3A_1337], %swap3A_1340 {strides = array<i32>} : memref<16x256x17xi32, #tpu.memory_space<vmem>>, vector<1x256x17xi32>,
    %sub3A_1341 = arith.constant 1.000000e+00 : f32
    %sub3A_1342 = vector.broadcast %sub3A_1341 : f32 to vector<256x17xf32>
    %sub3A_1343 = arith.subf %sub3A_1342, %sub3A_1280 : vector<256x17xf32>
    %mul3A_1344 = arith.mulf %gather3A_1316, %sub3A_1343 : vector<256x17xf32>
    %select_n3A_1345 = arith.select %or3A_1326, %gather3A_1316, %mul3A_1344 : vector<256x17xi1>, vector<256x17xf32>
    %swap3A_1346 = arith.constant 12 : index
    %swap3A_1347 = arith.constant 0 : index
    %swap3A_1348 = arith.constant 0 : index
    %swap3A_1349 = vector.load %arg7[%swap3A_1346, %swap3A_1347, %swap3A_1348] : memref<16x256x17xf32, #tpu.memory_space<vmem>>, vector<1x256x17xf32>
    %swap3A_1350 = vector.shape_cast %swap3A_1349 : vector<1x256x17xf32> to vector<256x17xf32>
    %swap3A_1351 = vector.shape_cast %select_n3A_1345 : vector<256x17xf32> to vector<1x256x17xf32>
    tpu.vector_store %arg7[%swap3A_1346, %swap3A_1347, %swap3A_1348], %swap3A_1351 {strides = array<i32>} : memref<16x256x17xf32, #tpu.memory_space<vmem>>, vector<1x256x17xf32>,
    %mul3A_1352 = arith.mulf %gather3A_1316, %sub3A_1280 : vector<256x17xf32>
    %jit3A_1353 = arith.constant 0.000000e+00 : f32
    %broadcast_in_dim3A_1354 = vector.broadcast %jit3A_1353 : f32 to vector<256x17xf32>
    %select_n3A_1355 = arith.select %or3A_1326, %broadcast_in_dim3A_1354, %mul3A_1352 : vector<256x17xi1>, vector<256x17xf32>
    %swap3A_1356 = arith.constant 12 : index
    %swap3A_1357 = arith.constant 0 : index
    %swap3A_1358 = arith.constant 0 : index
    %swap3A_1359 = vector.load %arg8[%swap3A_1356, %swap3A_1357, %swap3A_1358] : memref<16x256x17xf32, #tpu.memory_space<vmem>>, vector<1x256x17xf32>
    %swap3A_1360 = vector.shape_cast %swap3A_1359 : vector<1x256x17xf32> to vector<256x17xf32>
    %swap3A_1361 = vector.shape_cast %select_n3A_1355 : vector<256x17xf32> to vector<1x256x17xf32>
    tpu.vector_store %arg8[%swap3A_1356, %swap3A_1357, %swap3A_1358], %swap3A_1361 {strides = array<i32>} : memref<16x256x17xf32, #tpu.memory_space<vmem>>, vector<1x256x17xf32>,
    %slice3A_1362 = vector.extract_strided_slice %add3A_30 {offsets = [0, 13], sizes = [256, 1], strides = [1, 1]} : vector<256x16xf32> to vector<256x1xf32>
    %mul3A_1363 = vector.broadcast %convert_element_type3A_69 : vector<1x17xf32> to vector<256x17xf32>
    %mul3A_1364 = vector.broadcast %slice3A_1362 : vector<256x1xf32> to vector<256x17xf32>
    %mul3A_1365 = arith.mulf %mul3A_1363, %mul3A_1364 : vector<256x17xf32>
    %slice3A_1366 = vector.extract_strided_slice %mul3A_46 {offsets = [0, 13], sizes = [256, 1], strides = [1, 1]} : vector<256x16xf32> to vector<256x1xf32>
    %add3A_1367 = vector.broadcast %slice3A_1366 : vector<256x1xf32> to vector<256x17xf32>
    %add3A_1368 = arith.addf %mul3A_1365, %add3A_1367 : vector<256x17xf32>
    %jit3A_1369 = arith.constant -1.280000e+02 : f32
    %jit3A_1370 = arith.constant 1.280000e+02 : f32
    %max3A_1371 = vector.broadcast %jit3A_1369 : f32 to vector<256x17xf32>
    %max3A_1372 = arith.maximumf %max3A_1371, %add3A_1368 : vector<256x17xf32>
    %min3A_1373 = vector.broadcast %jit3A_1370 : f32 to vector<256x17xf32>
    %min3A_1374 = arith.minimumf %min3A_1373, %max3A_1372 : vector<256x17xf32>
    %add3A_1375 = arith.addf %convert_element_type3A_73, %min3A_1374 : vector<256x17xf32>
    %floor3A_1376 = math.floor %add3A_1375 : vector<256x17xf32>
    %sub3A_1377 = arith.subf %add3A_1375, %floor3A_1376 : vector<256x17xf32>
    %jit3A_1378 = arith.constant 0 : i32
    %jit3A_1379 = arith.constant 2047 : i32
    %convert_element_type3A_1380 = arith.sitofp %jit3A_1378 : i32 to f32
    %max3A_1381 = vector.broadcast %convert_element_type3A_1380 : f32 to vector<256x17xf32>
    %max3A_1382 = arith.maximumf %max3A_1381, %floor3A_1376 : vector<256x17xf32>
    %convert_element_type3A_1383 = arith.sitofp %jit3A_1379 : i32 to f32
    %min3A_1384 = vector.broadcast %convert_element_type3A_1383 : f32 to vector<256x17xf32>
    %min3A_1385 = arith.minimumf %min3A_1384, %max3A_1382 : vector<256x17xf32>
    %convert_element_type3A_1386 = arith.fptosi %min3A_1385 : vector<256x17xf32> to vector<256x17xi32>
    %add3A_1387 = arith.constant 1.280000e+02 : f32
    %add3A_1388 = vector.broadcast %add3A_1387 : f32 to vector<256x17xf32>
    %add3A_1389 = arith.addf %min3A_1374, %add3A_1388 : vector<256x17xf32>
    %mul3A_1390 = arith.constant 2.500000e-01 : f32
    %mul3A_1391 = vector.broadcast %mul3A_1390 : f32 to vector<256x17xf32>
    %mul3A_1392 = arith.mulf %add3A_1389, %mul3A_1391 : vector<256x17xf32>
    %floor3A_1393 = math.floor %mul3A_1392 : vector<256x17xf32>
    %jit3A_1394 = arith.constant 0 : i32
    %jit3A_1395 = arith.constant 63 : i32
    %convert_element_type3A_1396 = arith.sitofp %jit3A_1394 : i32 to f32
    %max3A_1397 = vector.broadcast %convert_element_type3A_1396 : f32 to vector<256x17xf32>
    %max3A_1398 = arith.maximumf %max3A_1397, %floor3A_1393 : vector<256x17xf32>
    %convert_element_type3A_1399 = arith.sitofp %jit3A_1395 : i32 to f32
    %min3A_1400 = vector.broadcast %convert_element_type3A_1399 : f32 to vector<256x17xf32>
    %min3A_1401 = arith.minimumf %min3A_1400, %max3A_1398 : vector<256x17xf32>
    %convert_element_type3A_1402 = arith.fptosi %min3A_1401 : vector<256x17xf32> to vector<256x17xi32>
    %slice3A_1403 = vector.extract_strided_slice %mul3A_65 {offsets = [0, 832], sizes = [256, 64], strides = [1, 1]} : vector<256x1024xf32> to vector<256x64xf32>
    %lt3A_1404 = arith.constant 0 : i32
    %lt3A_1405 = vector.broadcast %lt3A_1404 : i32 to vector<256x17xi32>
    %lt3A_1406 = arith.cmpi slt, %convert_element_type3A_1402, %lt3A_1405 : vector<256x17xi32>
    %add3A_1407 = arith.constant 64 : i32
    %add3A_1408 = vector.broadcast %add3A_1407 : i32 to vector<256x17xi32>
    %add3A_1409 = arith.addi %convert_element_type3A_1402, %add3A_1408 : vector<256x17xi32>
    %select_n3A_1410 = arith.select %lt3A_1406, %add3A_1409, %convert_element_type3A_1402 : vector<256x17xi1>, vector<256x17xi32>
    %reshape3A_1411 = vector.shape_cast %select_n3A_1410 : vector<256x17xi32> to vector<256x17x1xi32>
    %gather3A_1412 = vector.shape_cast %reshape3A_1411 : vector<256x17x1xi32> to vector<256x17xi32>
    %gather3A_1413 = tpu.dynamic_gather %slice3A_1403[%gather3A_1412] in [1] : vector<256x64xf32>, vector<256x17xi32> -> vector<256x17xf32>
    %lt3A_1414 = arith.constant 0.000000e+00 : f32
    %lt3A_1415 = vector.broadcast %lt3A_1414 : f32 to vector<256x17xf32>
    %lt3A_1416 = arith.cmpf olt, %floor3A_1376, %lt3A_1415 : vector<256x17xf32>
    %add3A_1417 = arith.constant 1.000000e+00 : f32
    %add3A_1418 = vector.broadcast %add3A_1417 : f32 to vector<256x17xf32>
    %add3A_1419 = arith.addf %floor3A_1376, %add3A_1418 : vector<256x17xf32>
    %gt3A_1420 = arith.constant 2.047000e+03 : f32
    %gt3A_1421 = vector.broadcast %gt3A_1420 : f32 to vector<256x17xf32>
    %gt3A_1422 = arith.cmpf ogt, %add3A_1419, %gt3A_1421 : vector<256x17xf32>
    %or3A_1423 = arith.ori %lt3A_1416, %gt3A_1422 : vector<256x17xi1>
    %slice3A_1424 = vector.extract_strided_slice %get3A_2 {offsets = [0, 832], sizes = [256, 64], strides = [1, 1]} : vector<256x1024xf32> to vector<256x64xf32>
    %swap3A_1425 = arith.constant 13 : index
    %swap3A_1426 = arith.constant 0 : index
    %swap3A_1427 = arith.constant 0 : index
    %swap3A_1428 = vector.load %arg9[%swap3A_1425, %swap3A_1426, %swap3A_1427] : memref<16x256x64xf32, #tpu.memory_space<vmem>>, vector<1x256x64xf32>
    %swap3A_1429 = vector.shape_cast %swap3A_1428 : vector<1x256x64xf32> to vector<256x64xf32>
    %swap3A_1430 = vector.shape_cast %slice3A_1424 : vector<256x64xf32> to vector<1x256x64xf32>
    tpu.vector_store %arg9[%swap3A_1425, %swap3A_1426, %swap3A_1427], %swap3A_1430 {strides = array<i32>} : memref<16x256x64xf32, #tpu.memory_space<vmem>>, vector<1x256x64xf32>,
    %sub3A_1431 = arith.subi %convert_element_type3A_1386, %min3A_108 : vector<256x17xi32>
    %swap3A_1432 = arith.constant 13 : index
    %swap3A_1433 = arith.constant 0 : index
    %swap3A_1434 = arith.constant 0 : index
    %swap3A_1435 = vector.load %arg6[%swap3A_1432, %swap3A_1433, %swap3A_1434] : memref<16x256x17xi32, #tpu.memory_space<vmem>>, vector<1x256x17xi32>
    %swap3A_1436 = vector.shape_cast %swap3A_1435 : vector<1x256x17xi32> to vector<256x17xi32>
    %swap3A_1437 = vector.shape_cast %sub3A_1431 : vector<256x17xi32> to vector<1x256x17xi32>
    tpu.vector_store %arg6[%swap3A_1432, %swap3A_1433, %swap3A_1434], %swap3A_1437 {strides = array<i32>} : memref<16x256x17xi32, #tpu.memory_space<vmem>>, vector<1x256x17xi32>,
    %sub3A_1438 = arith.constant 1.000000e+00 : f32
    %sub3A_1439 = vector.broadcast %sub3A_1438 : f32 to vector<256x17xf32>
    %sub3A_1440 = arith.subf %sub3A_1439, %sub3A_1377 : vector<256x17xf32>
    %mul3A_1441 = arith.mulf %gather3A_1413, %sub3A_1440 : vector<256x17xf32>
    %select_n3A_1442 = arith.select %or3A_1423, %gather3A_1413, %mul3A_1441 : vector<256x17xi1>, vector<256x17xf32>
    %swap3A_1443 = arith.constant 13 : index
    %swap3A_1444 = arith.constant 0 : index
    %swap3A_1445 = arith.constant 0 : index
    %swap3A_1446 = vector.load %arg7[%swap3A_1443, %swap3A_1444, %swap3A_1445] : memref<16x256x17xf32, #tpu.memory_space<vmem>>, vector<1x256x17xf32>
    %swap3A_1447 = vector.shape_cast %swap3A_1446 : vector<1x256x17xf32> to vector<256x17xf32>
    %swap3A_1448 = vector.shape_cast %select_n3A_1442 : vector<256x17xf32> to vector<1x256x17xf32>
    tpu.vector_store %arg7[%swap3A_1443, %swap3A_1444, %swap3A_1445], %swap3A_1448 {strides = array<i32>} : memref<16x256x17xf32, #tpu.memory_space<vmem>>, vector<1x256x17xf32>,
    %mul3A_1449 = arith.mulf %gather3A_1413, %sub3A_1377 : vector<256x17xf32>
    %jit3A_1450 = arith.constant 0.000000e+00 : f32
    %broadcast_in_dim3A_1451 = vector.broadcast %jit3A_1450 : f32 to vector<256x17xf32>
    %select_n3A_1452 = arith.select %or3A_1423, %broadcast_in_dim3A_1451, %mul3A_1449 : vector<256x17xi1>, vector<256x17xf32>
    %swap3A_1453 = arith.constant 13 : index
    %swap3A_1454 = arith.constant 0 : index
    %swap3A_1455 = arith.constant 0 : index
    %swap3A_1456 = vector.load %arg8[%swap3A_1453, %swap3A_1454, %swap3A_1455] : memref<16x256x17xf32, #tpu.memory_space<vmem>>, vector<1x256x17xf32>
    %swap3A_1457 = vector.shape_cast %swap3A_1456 : vector<1x256x17xf32> to vector<256x17xf32>
    %swap3A_1458 = vector.shape_cast %select_n3A_1452 : vector<256x17xf32> to vector<1x256x17xf32>
    tpu.vector_store %arg8[%swap3A_1453, %swap3A_1454, %swap3A_1455], %swap3A_1458 {strides = array<i32>} : memref<16x256x17xf32, #tpu.memory_space<vmem>>, vector<1x256x17xf32>,
    %slice3A_1459 = vector.extract_strided_slice %add3A_30 {offsets = [0, 14], sizes = [256, 1], strides = [1, 1]} : vector<256x16xf32> to vector<256x1xf32>
    %mul3A_1460 = vector.broadcast %convert_element_type3A_69 : vector<1x17xf32> to vector<256x17xf32>
    %mul3A_1461 = vector.broadcast %slice3A_1459 : vector<256x1xf32> to vector<256x17xf32>
    %mul3A_1462 = arith.mulf %mul3A_1460, %mul3A_1461 : vector<256x17xf32>
    %slice3A_1463 = vector.extract_strided_slice %mul3A_46 {offsets = [0, 14], sizes = [256, 1], strides = [1, 1]} : vector<256x16xf32> to vector<256x1xf32>
    %add3A_1464 = vector.broadcast %slice3A_1463 : vector<256x1xf32> to vector<256x17xf32>
    %add3A_1465 = arith.addf %mul3A_1462, %add3A_1464 : vector<256x17xf32>
    %jit3A_1466 = arith.constant -1.280000e+02 : f32
    %jit3A_1467 = arith.constant 1.280000e+02 : f32
    %max3A_1468 = vector.broadcast %jit3A_1466 : f32 to vector<256x17xf32>
    %max3A_1469 = arith.maximumf %max3A_1468, %add3A_1465 : vector<256x17xf32>
    %min3A_1470 = vector.broadcast %jit3A_1467 : f32 to vector<256x17xf32>
    %min3A_1471 = arith.minimumf %min3A_1470, %max3A_1469 : vector<256x17xf32>
    %add3A_1472 = arith.addf %convert_element_type3A_73, %min3A_1471 : vector<256x17xf32>
    %floor3A_1473 = math.floor %add3A_1472 : vector<256x17xf32>
    %sub3A_1474 = arith.subf %add3A_1472, %floor3A_1473 : vector<256x17xf32>
    %jit3A_1475 = arith.constant 0 : i32
    %jit3A_1476 = arith.constant 2047 : i32
    %convert_element_type3A_1477 = arith.sitofp %jit3A_1475 : i32 to f32
    %max3A_1478 = vector.broadcast %convert_element_type3A_1477 : f32 to vector<256x17xf32>
    %max3A_1479 = arith.maximumf %max3A_1478, %floor3A_1473 : vector<256x17xf32>
    %convert_element_type3A_1480 = arith.sitofp %jit3A_1476 : i32 to f32
    %min3A_1481 = vector.broadcast %convert_element_type3A_1480 : f32 to vector<256x17xf32>
    %min3A_1482 = arith.minimumf %min3A_1481, %max3A_1479 : vector<256x17xf32>
    %convert_element_type3A_1483 = arith.fptosi %min3A_1482 : vector<256x17xf32> to vector<256x17xi32>
    %add3A_1484 = arith.constant 1.280000e+02 : f32
    %add3A_1485 = vector.broadcast %add3A_1484 : f32 to vector<256x17xf32>
    %add3A_1486 = arith.addf %min3A_1471, %add3A_1485 : vector<256x17xf32>
    %mul3A_1487 = arith.constant 2.500000e-01 : f32
    %mul3A_1488 = vector.broadcast %mul3A_1487 : f32 to vector<256x17xf32>
    %mul3A_1489 = arith.mulf %add3A_1486, %mul3A_1488 : vector<256x17xf32>
    %floor3A_1490 = math.floor %mul3A_1489 : vector<256x17xf32>
    %jit3A_1491 = arith.constant 0 : i32
    %jit3A_1492 = arith.constant 63 : i32
    %convert_element_type3A_1493 = arith.sitofp %jit3A_1491 : i32 to f32
    %max3A_1494 = vector.broadcast %convert_element_type3A_1493 : f32 to vector<256x17xf32>
    %max3A_1495 = arith.maximumf %max3A_1494, %floor3A_1490 : vector<256x17xf32>
    %convert_element_type3A_1496 = arith.sitofp %jit3A_1492 : i32 to f32
    %min3A_1497 = vector.broadcast %convert_element_type3A_1496 : f32 to vector<256x17xf32>
    %min3A_1498 = arith.minimumf %min3A_1497, %max3A_1495 : vector<256x17xf32>
    %convert_element_type3A_1499 = arith.fptosi %min3A_1498 : vector<256x17xf32> to vector<256x17xi32>
    %slice3A_1500 = vector.extract_strided_slice %mul3A_65 {offsets = [0, 896], sizes = [256, 64], strides = [1, 1]} : vector<256x1024xf32> to vector<256x64xf32>
    %lt3A_1501 = arith.constant 0 : i32
    %lt3A_1502 = vector.broadcast %lt3A_1501 : i32 to vector<256x17xi32>
    %lt3A_1503 = arith.cmpi slt, %convert_element_type3A_1499, %lt3A_1502 : vector<256x17xi32>
    %add3A_1504 = arith.constant 64 : i32
    %add3A_1505 = vector.broadcast %add3A_1504 : i32 to vector<256x17xi32>
    %add3A_1506 = arith.addi %convert_element_type3A_1499, %add3A_1505 : vector<256x17xi32>
    %select_n3A_1507 = arith.select %lt3A_1503, %add3A_1506, %convert_element_type3A_1499 : vector<256x17xi1>, vector<256x17xi32>
    %reshape3A_1508 = vector.shape_cast %select_n3A_1507 : vector<256x17xi32> to vector<256x17x1xi32>
    %gather3A_1509 = vector.shape_cast %reshape3A_1508 : vector<256x17x1xi32> to vector<256x17xi32>
    %gather3A_1510 = tpu.dynamic_gather %slice3A_1500[%gather3A_1509] in [1] : vector<256x64xf32>, vector<256x17xi32> -> vector<256x17xf32>
    %lt3A_1511 = arith.constant 0.000000e+00 : f32
    %lt3A_1512 = vector.broadcast %lt3A_1511 : f32 to vector<256x17xf32>
    %lt3A_1513 = arith.cmpf olt, %floor3A_1473, %lt3A_1512 : vector<256x17xf32>
    %add3A_1514 = arith.constant 1.000000e+00 : f32
    %add3A_1515 = vector.broadcast %add3A_1514 : f32 to vector<256x17xf32>
    %add3A_1516 = arith.addf %floor3A_1473, %add3A_1515 : vector<256x17xf32>
    %gt3A_1517 = arith.constant 2.047000e+03 : f32
    %gt3A_1518 = vector.broadcast %gt3A_1517 : f32 to vector<256x17xf32>
    %gt3A_1519 = arith.cmpf ogt, %add3A_1516, %gt3A_1518 : vector<256x17xf32>
    %or3A_1520 = arith.ori %lt3A_1513, %gt3A_1519 : vector<256x17xi1>
    %slice3A_1521 = vector.extract_strided_slice %get3A_2 {offsets = [0, 896], sizes = [256, 64], strides = [1, 1]} : vector<256x1024xf32> to vector<256x64xf32>
    %swap3A_1522 = arith.constant 14 : index
    %swap3A_1523 = arith.constant 0 : index
    %swap3A_1524 = arith.constant 0 : index
    %swap3A_1525 = vector.load %arg9[%swap3A_1522, %swap3A_1523, %swap3A_1524] : memref<16x256x64xf32, #tpu.memory_space<vmem>>, vector<1x256x64xf32>
    %swap3A_1526 = vector.shape_cast %swap3A_1525 : vector<1x256x64xf32> to vector<256x64xf32>
    %swap3A_1527 = vector.shape_cast %slice3A_1521 : vector<256x64xf32> to vector<1x256x64xf32>
    tpu.vector_store %arg9[%swap3A_1522, %swap3A_1523, %swap3A_1524], %swap3A_1527 {strides = array<i32>} : memref<16x256x64xf32, #tpu.memory_space<vmem>>, vector<1x256x64xf32>,
    %sub3A_1528 = arith.subi %convert_element_type3A_1483, %min3A_108 : vector<256x17xi32>
    %swap3A_1529 = arith.constant 14 : index
    %swap3A_1530 = arith.constant 0 : index
    %swap3A_1531 = arith.constant 0 : index
    %swap3A_1532 = vector.load %arg6[%swap3A_1529, %swap3A_1530, %swap3A_1531] : memref<16x256x17xi32, #tpu.memory_space<vmem>>, vector<1x256x17xi32>
    %swap3A_1533 = vector.shape_cast %swap3A_1532 : vector<1x256x17xi32> to vector<256x17xi32>
    %swap3A_1534 = vector.shape_cast %sub3A_1528 : vector<256x17xi32> to vector<1x256x17xi32>
    tpu.vector_store %arg6[%swap3A_1529, %swap3A_1530, %swap3A_1531], %swap3A_1534 {strides = array<i32>} : memref<16x256x17xi32, #tpu.memory_space<vmem>>, vector<1x256x17xi32>,
    %sub3A_1535 = arith.constant 1.000000e+00 : f32
    %sub3A_1536 = vector.broadcast %sub3A_1535 : f32 to vector<256x17xf32>
    %sub3A_1537 = arith.subf %sub3A_1536, %sub3A_1474 : vector<256x17xf32>
    %mul3A_1538 = arith.mulf %gather3A_1510, %sub3A_1537 : vector<256x17xf32>
    %select_n3A_1539 = arith.select %or3A_1520, %gather3A_1510, %mul3A_1538 : vector<256x17xi1>, vector<256x17xf32>
    %swap3A_1540 = arith.constant 14 : index
    %swap3A_1541 = arith.constant 0 : index
    %swap3A_1542 = arith.constant 0 : index
    %swap3A_1543 = vector.load %arg7[%swap3A_1540, %swap3A_1541, %swap3A_1542] : memref<16x256x17xf32, #tpu.memory_space<vmem>>, vector<1x256x17xf32>
    %swap3A_1544 = vector.shape_cast %swap3A_1543 : vector<1x256x17xf32> to vector<256x17xf32>
    %swap3A_1545 = vector.shape_cast %select_n3A_1539 : vector<256x17xf32> to vector<1x256x17xf32>
    tpu.vector_store %arg7[%swap3A_1540, %swap3A_1541, %swap3A_1542], %swap3A_1545 {strides = array<i32>} : memref<16x256x17xf32, #tpu.memory_space<vmem>>, vector<1x256x17xf32>,
    %mul3A_1546 = arith.mulf %gather3A_1510, %sub3A_1474 : vector<256x17xf32>
    %jit3A_1547 = arith.constant 0.000000e+00 : f32
    %broadcast_in_dim3A_1548 = vector.broadcast %jit3A_1547 : f32 to vector<256x17xf32>
    %select_n3A_1549 = arith.select %or3A_1520, %broadcast_in_dim3A_1548, %mul3A_1546 : vector<256x17xi1>, vector<256x17xf32>
    %swap3A_1550 = arith.constant 14 : index
    %swap3A_1551 = arith.constant 0 : index
    %swap3A_1552 = arith.constant 0 : index
    %swap3A_1553 = vector.load %arg8[%swap3A_1550, %swap3A_1551, %swap3A_1552] : memref<16x256x17xf32, #tpu.memory_space<vmem>>, vector<1x256x17xf32>
    %swap3A_1554 = vector.shape_cast %swap3A_1553 : vector<1x256x17xf32> to vector<256x17xf32>
    %swap3A_1555 = vector.shape_cast %select_n3A_1549 : vector<256x17xf32> to vector<1x256x17xf32>
    tpu.vector_store %arg8[%swap3A_1550, %swap3A_1551, %swap3A_1552], %swap3A_1555 {strides = array<i32>} : memref<16x256x17xf32, #tpu.memory_space<vmem>>, vector<1x256x17xf32>,
    %slice3A_1556 = vector.extract_strided_slice %add3A_30 {offsets = [0, 15], sizes = [256, 1], strides = [1, 1]} : vector<256x16xf32> to vector<256x1xf32>
    %mul3A_1557 = vector.broadcast %convert_element_type3A_69 : vector<1x17xf32> to vector<256x17xf32>
    %mul3A_1558 = vector.broadcast %slice3A_1556 : vector<256x1xf32> to vector<256x17xf32>
    %mul3A_1559 = arith.mulf %mul3A_1557, %mul3A_1558 : vector<256x17xf32>
    %slice3A_1560 = vector.extract_strided_slice %mul3A_46 {offsets = [0, 15], sizes = [256, 1], strides = [1, 1]} : vector<256x16xf32> to vector<256x1xf32>
    %add3A_1561 = vector.broadcast %slice3A_1560 : vector<256x1xf32> to vector<256x17xf32>
    %add3A_1562 = arith.addf %mul3A_1559, %add3A_1561 : vector<256x17xf32>
    %jit3A_1563 = arith.constant -1.280000e+02 : f32
    %jit3A_1564 = arith.constant 1.280000e+02 : f32
    %max3A_1565 = vector.broadcast %jit3A_1563 : f32 to vector<256x17xf32>
    %max3A_1566 = arith.maximumf %max3A_1565, %add3A_1562 : vector<256x17xf32>
    %min3A_1567 = vector.broadcast %jit3A_1564 : f32 to vector<256x17xf32>
    %min3A_1568 = arith.minimumf %min3A_1567, %max3A_1566 : vector<256x17xf32>
    %add3A_1569 = arith.addf %convert_element_type3A_73, %min3A_1568 : vector<256x17xf32>
    %floor3A_1570 = math.floor %add3A_1569 : vector<256x17xf32>
    %sub3A_1571 = arith.subf %add3A_1569, %floor3A_1570 : vector<256x17xf32>
    %jit3A_1572 = arith.constant 0 : i32
    %jit3A_1573 = arith.constant 2047 : i32
    %convert_element_type3A_1574 = arith.sitofp %jit3A_1572 : i32 to f32
    %max3A_1575 = vector.broadcast %convert_element_type3A_1574 : f32 to vector<256x17xf32>
    %max3A_1576 = arith.maximumf %max3A_1575, %floor3A_1570 : vector<256x17xf32>
    %convert_element_type3A_1577 = arith.sitofp %jit3A_1573 : i32 to f32
    %min3A_1578 = vector.broadcast %convert_element_type3A_1577 : f32 to vector<256x17xf32>
    %min3A_1579 = arith.minimumf %min3A_1578, %max3A_1576 : vector<256x17xf32>
    %convert_element_type3A_1580 = arith.fptosi %min3A_1579 : vector<256x17xf32> to vector<256x17xi32>
    %add3A_1581 = arith.constant 1.280000e+02 : f32
    %add3A_1582 = vector.broadcast %add3A_1581 : f32 to vector<256x17xf32>
    %add3A_1583 = arith.addf %min3A_1568, %add3A_1582 : vector<256x17xf32>
    %mul3A_1584 = arith.constant 2.500000e-01 : f32
    %mul3A_1585 = vector.broadcast %mul3A_1584 : f32 to vector<256x17xf32>
    %mul3A_1586 = arith.mulf %add3A_1583, %mul3A_1585 : vector<256x17xf32>
    %floor3A_1587 = math.floor %mul3A_1586 : vector<256x17xf32>
    %jit3A_1588 = arith.constant 0 : i32
    %jit3A_1589 = arith.constant 63 : i32
    %convert_element_type3A_1590 = arith.sitofp %jit3A_1588 : i32 to f32
    %max3A_1591 = vector.broadcast %convert_element_type3A_1590 : f32 to vector<256x17xf32>
    %max3A_1592 = arith.maximumf %max3A_1591, %floor3A_1587 : vector<256x17xf32>
    %convert_element_type3A_1593 = arith.sitofp %jit3A_1589 : i32 to f32
    %min3A_1594 = vector.broadcast %convert_element_type3A_1593 : f32 to vector<256x17xf32>
    %min3A_1595 = arith.minimumf %min3A_1594, %max3A_1592 : vector<256x17xf32>
    %convert_element_type3A_1596 = arith.fptosi %min3A_1595 : vector<256x17xf32> to vector<256x17xi32>
    %slice3A_1597 = vector.extract_strided_slice %mul3A_65 {offsets = [0, 960], sizes = [256, 64], strides = [1, 1]} : vector<256x1024xf32> to vector<256x64xf32>
    %lt3A_1598 = arith.constant 0 : i32
    %lt3A_1599 = vector.broadcast %lt3A_1598 : i32 to vector<256x17xi32>
    %lt3A_1600 = arith.cmpi slt, %convert_element_type3A_1596, %lt3A_1599 : vector<256x17xi32>
    %add3A_1601 = arith.constant 64 : i32
    %add3A_1602 = vector.broadcast %add3A_1601 : i32 to vector<256x17xi32>
    %add3A_1603 = arith.addi %convert_element_type3A_1596, %add3A_1602 : vector<256x17xi32>
    %select_n3A_1604 = arith.select %lt3A_1600, %add3A_1603, %convert_element_type3A_1596 : vector<256x17xi1>, vector<256x17xi32>
    %reshape3A_1605 = vector.shape_cast %select_n3A_1604 : vector<256x17xi32> to vector<256x17x1xi32>
    %gather3A_1606 = vector.shape_cast %reshape3A_1605 : vector<256x17x1xi32> to vector<256x17xi32>
    %gather3A_1607 = tpu.dynamic_gather %slice3A_1597[%gather3A_1606] in [1] : vector<256x64xf32>, vector<256x17xi32> -> vector<256x17xf32>
    %lt3A_1608 = arith.constant 0.000000e+00 : f32
    %lt3A_1609 = vector.broadcast %lt3A_1608 : f32 to vector<256x17xf32>
    %lt3A_1610 = arith.cmpf olt, %floor3A_1570, %lt3A_1609 : vector<256x17xf32>
    %add3A_1611 = arith.constant 1.000000e+00 : f32
    %add3A_1612 = vector.broadcast %add3A_1611 : f32 to vector<256x17xf32>
    %add3A_1613 = arith.addf %floor3A_1570, %add3A_1612 : vector<256x17xf32>
    %gt3A_1614 = arith.constant 2.047000e+03 : f32
    %gt3A_1615 = vector.broadcast %gt3A_1614 : f32 to vector<256x17xf32>
    %gt3A_1616 = arith.cmpf ogt, %add3A_1613, %gt3A_1615 : vector<256x17xf32>
    %or3A_1617 = arith.ori %lt3A_1610, %gt3A_1616 : vector<256x17xi1>
    %slice3A_1618 = vector.extract_strided_slice %get3A_2 {offsets = [0, 960], sizes = [256, 64], strides = [1, 1]} : vector<256x1024xf32> to vector<256x64xf32>
    %swap3A_1619 = arith.constant 15 : index
    %swap3A_1620 = arith.constant 0 : index
    %swap3A_1621 = arith.constant 0 : index
    %swap3A_1622 = vector.load %arg9[%swap3A_1619, %swap3A_1620, %swap3A_1621] : memref<16x256x64xf32, #tpu.memory_space<vmem>>, vector<1x256x64xf32>
    %swap3A_1623 = vector.shape_cast %swap3A_1622 : vector<1x256x64xf32> to vector<256x64xf32>
    %swap3A_1624 = vector.shape_cast %slice3A_1618 : vector<256x64xf32> to vector<1x256x64xf32>
    tpu.vector_store %arg9[%swap3A_1619, %swap3A_1620, %swap3A_1621], %swap3A_1624 {strides = array<i32>} : memref<16x256x64xf32, #tpu.memory_space<vmem>>, vector<1x256x64xf32>,
    %sub3A_1625 = arith.subi %convert_element_type3A_1580, %min3A_108 : vector<256x17xi32>
    %swap3A_1626 = arith.constant 15 : index
    %swap3A_1627 = arith.constant 0 : index
    %swap3A_1628 = arith.constant 0 : index
    %swap3A_1629 = vector.load %arg6[%swap3A_1626, %swap3A_1627, %swap3A_1628] : memref<16x256x17xi32, #tpu.memory_space<vmem>>, vector<1x256x17xi32>
    %swap3A_1630 = vector.shape_cast %swap3A_1629 : vector<1x256x17xi32> to vector<256x17xi32>
    %swap3A_1631 = vector.shape_cast %sub3A_1625 : vector<256x17xi32> to vector<1x256x17xi32>
    tpu.vector_store %arg6[%swap3A_1626, %swap3A_1627, %swap3A_1628], %swap3A_1631 {strides = array<i32>} : memref<16x256x17xi32, #tpu.memory_space<vmem>>, vector<1x256x17xi32>,
    %sub3A_1632 = arith.constant 1.000000e+00 : f32
    %sub3A_1633 = vector.broadcast %sub3A_1632 : f32 to vector<256x17xf32>
    %sub3A_1634 = arith.subf %sub3A_1633, %sub3A_1571 : vector<256x17xf32>
    %mul3A_1635 = arith.mulf %gather3A_1607, %sub3A_1634 : vector<256x17xf32>
    %select_n3A_1636 = arith.select %or3A_1617, %gather3A_1607, %mul3A_1635 : vector<256x17xi1>, vector<256x17xf32>
    %swap3A_1637 = arith.constant 15 : index
    %swap3A_1638 = arith.constant 0 : index
    %swap3A_1639 = arith.constant 0 : index
    %swap3A_1640 = vector.load %arg7[%swap3A_1637, %swap3A_1638, %swap3A_1639] : memref<16x256x17xf32, #tpu.memory_space<vmem>>, vector<1x256x17xf32>
    %swap3A_1641 = vector.shape_cast %swap3A_1640 : vector<1x256x17xf32> to vector<256x17xf32>
    %swap3A_1642 = vector.shape_cast %select_n3A_1636 : vector<256x17xf32> to vector<1x256x17xf32>
    tpu.vector_store %arg7[%swap3A_1637, %swap3A_1638, %swap3A_1639], %swap3A_1642 {strides = array<i32>} : memref<16x256x17xf32, #tpu.memory_space<vmem>>, vector<1x256x17xf32>,
    %mul3A_1643 = arith.mulf %gather3A_1607, %sub3A_1571 : vector<256x17xf32>
    %jit3A_1644 = arith.constant 0.000000e+00 : f32
    %broadcast_in_dim3A_1645 = vector.broadcast %jit3A_1644 : f32 to vector<256x17xf32>
    %select_n3A_1646 = arith.select %or3A_1617, %broadcast_in_dim3A_1645, %mul3A_1643 : vector<256x17xi1>, vector<256x17xf32>
    %swap3A_1647 = arith.constant 15 : index
    %swap3A_1648 = arith.constant 0 : index
    %swap3A_1649 = arith.constant 0 : index
    %swap3A_1650 = vector.load %arg8[%swap3A_1647, %swap3A_1648, %swap3A_1649] : memref<16x256x17xf32, #tpu.memory_space<vmem>>, vector<1x256x17xf32>
    %swap3A_1651 = vector.shape_cast %swap3A_1650 : vector<1x256x17xf32> to vector<256x17xf32>
    %swap3A_1652 = vector.shape_cast %select_n3A_1646 : vector<256x17xf32> to vector<1x256x17xf32>
    tpu.vector_store %arg8[%swap3A_1647, %swap3A_1648, %swap3A_1649], %swap3A_1652 {strides = array<i32>} : memref<16x256x17xf32, #tpu.memory_space<vmem>>, vector<1x256x17xf32>,
    return
  }
  func.func @transform_0(%arg0: i32) -> (i32, i32) {
    %c0_i32 = arith.constant 0 : i32
    %c0_i32_0 = arith.constant 0 : i32
    return %arg0, %c0_i32 : i32, i32
  }
  func.func @transform_1(%arg0: i32) -> (i32, i32) {
    %c0_i32 = arith.constant 0 : i32
    %c0_i32_0 = arith.constant 0 : i32
    %c0_i32_1 = arith.constant 0 : i32
    return %c0_i32, %c0_i32_0 : i32, i32
  }
  func.func @transform_2(%arg0: i32) -> (i32, i32) {
    %c0_i32 = arith.constant 0 : i32
    %c0_i32_0 = arith.constant 0 : i32
    %c0_i32_1 = arith.constant 0 : i32
    return %c0_i32, %c0_i32_0 : i32, i32
  }
  func.func @transform_3(%arg0: i32) -> (i32, i32) {
    %c0_i32 = arith.constant 0 : i32
    %c0_i32_0 = arith.constant 0 : i32
    %c0_i32_1 = arith.constant 0 : i32
    return %c0_i32, %c0_i32_0 : i32, i32
  }
  func.func @transform_4(%arg0: i32) -> (i32, i32) {
    %c0_i32 = arith.constant 0 : i32
    %c0_i32_0 = arith.constant 0 : i32
    %c0_i32_1 = arith.constant 0 : i32
    return %c0_i32, %c0_i32_0 : i32, i32
  }
  func.func @transform_5(%arg0: i32) -> (i32, i32, i32) {
    %c0_i32 = arith.constant 0 : i32
    %c0_i32_0 = arith.constant 0 : i32
    %c0_i32_1 = arith.constant 0 : i32
    return %c0_i32, %arg0, %c0_i32_0 : i32, i32, i32
  }
  func.func @transform_6(%arg0: i32) -> (i32, i32, i32) {
    %c0_i32 = arith.constant 0 : i32
    %c0_i32_0 = arith.constant 0 : i32
    %c0_i32_1 = arith.constant 0 : i32
    return %c0_i32, %arg0, %c0_i32_0 : i32, i32, i32
  }
  func.func @transform_7(%arg0: i32) -> (i32, i32, i32) {
    %c0_i32 = arith.constant 0 : i32
    %c0_i32_0 = arith.constant 0 : i32
    %c0_i32_1 = arith.constant 0 : i32
    return %c0_i32, %arg0, %c0_i32_0 : i32, i32, i32
  }
  func.func @transform_8(%arg0: i32) -> (i32, i32, i32) {
    %c0_i32 = arith.constant 0 : i32
    %c0_i32_0 = arith.constant 0 : i32
    %c0_i32_1 = arith.constant 0 : i32
    return %c0_i32, %arg0, %c0_i32_0 : i32, i32, i32
  }
}

</mosaic_0001>

<sc_bundles>
// kernel: kernel.5.cloned.1.call-start
scs
__scs_entry_jumppad:
0x0: {  	(pc) =	sbr.rel $0x88, $3  }
0x1: {  	(tag) =	ssettag $0x0;
	lr =	simm.s32 $0x1  }
0x2: {  	[smem:$0x3F9B] =	sst lr;
	_ =	strace $0xD0000000  }
0x3: {  	_ = 	snop  }
0x4: {  	_ = 	snop  }
0x5: {  	_ = 	snop  }
0x6: {  	_ = 	snop  }
0x7: {  	_ = 	snop  }
__scs_overlays_trampoline_lowered:
0x8: {  	[smem:$0x3FAA] =	sst s0  }
0x9: {  	[smem:$0x3FAB] =	sst s1  }
0xa: {  	[smem:$0x3FAC] =	sst s2  }
0xb: {  	[smem:$0x3FAD] =	sst s3  }
0xc: {  	[smem:$0x3FAE] =	sst s4  }
0xd: {  	[smem:$0x3FAF] =	sst s5  }
0xe: {  	[smem:$0x3FB0] =	sst s6  }
0xf: {  	[smem:$0x3FB1] =	sst s7  }
0x10: {  	[smem:$0x3FB2] =	sst s8  }
0x11: {  	[smem:$0x3FB3] =	sst s9;
	s0 =	simm.s32 @!p0 $0x0  }
0x12: {  	s1 =	sld [smem:$0x3F99];
	s0 =	simm.s32 @p0 $0x1  }
0x13: {  	[smem:$0x3FB4] =	sst s0;
	s0 =	simm.s32 @!p1 $0x0  }
0x14: {  	s2 =	sld [smem:$0x3F98];
	s0 =	simm.s32 @p1 $0x1  }
0x15: {  	[smem:$0x3FB5] =	sst s0;
	s0 =	simm.s32 @!p2 $0x0  }
0x16: {  	s3 =	sld [smem:$0x3FDB];
	s0 =	simm.s32 @p2 $0x1  }
0x17: {  	s4 =	simm.s32 $0x1BF5;
	[smem:$0x3FB7] =	sst s0  }
0x18: {  	s0 =	sld [smem:$0x3F9A];
	_ =	swait.ge [sflag:s4], $0x0  }
0x19: {  	s7 =	sld [smem:$0x3F9B]  }
0x1a: {  	s8 =	sadd.s32 $0xFFFFE003, lr  }
0x1b: {  	s9 =	sadd.s32 $0xFFFFFEF7, lr;
	s5 =	simm.s32 $0xFFFFFFFF;
	p2 =	slt.u32 s8, $0xFFFFF086  }
0x1c: {  	p1 =	slt.u32 s9, $0xF7A;
	s5 =	simm.s32 @!p2 $0x0  }
0x1d: {  	s5 =	simm.s32 @p1 $0x1;
	p0 =	seq.s32 s7, s2  }
0x1e: {  	s7 =	smul.u32 @!p0 $0xF7A, s2;
	p2 =	seq.s32 @!p0 s5, $0x0  }
0x1f: {  	s9 =	smul.u32 $0xF7A, s1;
	s8 =	simm.s32 @!p0 $0x1BF5;
	p2 =	por !p2, p0  }
0x20: {  	[sflag:s8] =	ssyncset.s32 @!p0 $0xFFFFF086;
	s6 =	sadd.s32 @!p0 s3, s7;
	s7 =	simm.s32 @!p0 $0x108  }
0x21: {  	s3 =	sadd.s32 s3, s9;
	s6 =	sadd.s32 @!p0 $0x88, s6;
	s7 =	simm.s32 @p2 $0x1082  }
0x22: {  	[simem:s7], [sflag:s8] =	dma.local @!p0 [hbm:s6], $0xF7A  }
0x23: {  	s9 =	sor.u32 $0xD0000000, s2;
	s6 =	simm.s32 $0x108;
	_ =	swait.ge @!p0 [sflag:s8], $0x0  }
0x24: {  	s3 =	sadd.s32 $0x88, s3;
	s6 =	simm.s32 @!p1 $0x1082;
	[sflag:s4] =	ssyncset.s32 $0xFFFFF086  }
0x25: {  	[simem:s6], [sflag:s4] =	dma.local [hbm:s3], $0xF7A  }
0x26: {  	[smem:$0x3F9B] =	sst s1;
	(tag) =	ssettag s2;
	_ =	strace s9  }
0x27: {  	s1 =	sld [smem:$0x3FAB]  }
0x28: {  	s2 =	sld [smem:$0x3FAC]  }
0x29: {  	s4 =	sld [smem:$0x3FAE]  }
0x2a: {  	p0 =	seq.s32 s5, $0x0;
	s5 =	sld [smem:$0x3FAF]  }
0x2b: {  	s6 =	sld [smem:$0x3FB0]  }
0x2c: {  	s7 =	sld [smem:$0x3FB1]  }
0x2d: {  	s3 =	simm.s32 $0x108;
	s8 =	sld [smem:$0x3FB2]  }
0x2e: {  	s3 =	simm.s32 @!p0 $0x1082;
	s9 =	sld [smem:$0x3FB3]  }
0x2f: {  	lr =	sadd.s32 s0, s3;
	s0 =	sld [smem:$0x3FAA]  }
0x30: {  	s3 =	sld [smem:$0x3FAD]  }
0x31: {  	[smem:$0x3FB6] =	sst s10  }
0x32: {  	s10 =	sld [smem:$0x3FB4];
	_ =	sdelay $0x3  }
0x33: {  	p0 =	seq.s32 s10, $0x1;
	s10 =	sld [smem:$0x3FB6];
	_ =	sdelay $0x3  }
0x34: {  	[smem:$0x3FB6] =	sst s10  }
0x35: {  	s10 =	sld [smem:$0x3FB5];
	_ =	sdelay $0x3  }
0x36: {  	p1 =	seq.s32 s10, $0x1;
	s10 =	sld [smem:$0x3FB6];
	_ =	sdelay $0x3  }
0x37: {  	[smem:$0x3FB6] =	sst s10  }
0x38: {  	s10 =	sld [smem:$0x3FB7]  }
0x39: {  	_ = 	snop;
	(pc) =	sbr.ind lr, $3  }
0x3a: {  	_ = 	snop  }
0x3b: {  	_ = 	snop  }
0x3c: {  	p2 =	seq.s32 s10, $0x1;
	s10 =	sld [smem:$0x3FB6]  }
0x3d: {  	_ =	shalt  }
0x3e: {  	_ =	shalt  }
0x3f: {  	_ =	shalt  }
0x40: {  	_ =	shalt  }
0x41: {  	_ =	shalt  }
0x42: {  	_ =	shalt  }
0x43: {  	_ =	shalt  }
0x44: {  	_ =	shalt  }
0x45: {  	_ =	shalt  }
0x46: {  	_ =	shalt  }
0x47: {  	_ =	shalt  }
0x48: {  	_ =	shalt  }
0x49: {  	_ =	shalt  }
0x4a: {  	_ =	shalt  }
0x4b: {  	_ =	shalt  }
0x4c: {  	_ =	shalt  }
0x4d: {  	_ =	shalt  }
0x4e: {  	_ =	shalt  }
0x4f: {  	_ =	shalt  }
0x50: {  	_ =	shalt  }
0x51: {  	_ =	shalt  }
0x52: {  	_ =	shalt  }
0x53: {  	_ =	shalt  }
0x54: {  	_ =	shalt  }
0x55: {  	_ =	shalt  }
0x56: {  	_ =	shalt  }
0x57: {  	_ =	shalt  }
0x58: {  	_ =	shalt  }
0x59: {  	_ =	shalt  }
0x5a: {  	_ =	shalt  }
0x5b: {  	_ =	shalt  }
0x5c: {  	_ =	shalt  }
0x5d: {  	_ =	shalt  }
0x5e: {  	_ =	shalt  }
0x5f: {  	_ =	shalt  }
0x60: {  	_ =	shalt  }
0x61: {  	_ =	shalt  }
0x62: {  	_ =	shalt  }
0x63: {  	_ =	shalt  }
0x64: {  	_ =	shalt  }
0x65: {  	_ =	shalt  }
0x66: {  	_ =	shalt  }
0x67: {  	_ =	shalt  }
0x68: {  	_ =	shalt  }
0x69: {  	_ =	shalt  }
0x6a: {  	_ =	shalt  }
0x6b: {  	_ =	shalt  }
0x6c: {  	_ =	shalt  }
0x6d: {  	_ =	shalt  }
0x6e: {  	_ =	shalt  }
0x6f: {  	_ =	shalt  }
0x70: {  	_ =	shalt  }
0x71: {  	_ =	shalt  }
0x72: {  	_ =	shalt  }
0x73: {  	_ =	shalt  }
0x74: {  	_ =	shalt  }
0x75: {  	_ =	shalt  }
0x76: {  	_ =	shalt  }
0x77: {  	_ =	shalt  }
0x78: {  	_ =	shalt  }
0x79: {  	_ =	shalt  }
0x7a: {  	_ =	shalt  }
0x7b: {  	_ =	shalt  }
0x7c: {  	_ =	shalt  }
0x7d: {  	_ =	shalt  }
0x7e: {  	_ =	shalt  }
0x7f: {  	_ =	shalt  }
0x80: {  	_ =	shalt  }
0x81: {  	_ =	shalt  }
0x82: {  	_ =	shalt  }
0x83: {  	_ =	shalt  }
0x84: {  	_ =	shalt  }
0x85: {  	_ =	shalt  }
0x86: {  	_ =	shalt  }
0x87: {  	_ =	shalt  }
.Lfunc_end0:
.L_simem_size_0:
called_computation_lowered:
.L_overlay_start_0:
0x88: {  	s2 =	sld [smem:$0x3FD9]  }
0x89: {  	s3 =	sld [smem:$0x3FFE];
	_ =	sdelay $0x1  }
0x8a: {  	s1 =	srdreg.scid  }
0x8b: {  	s0 =	sand.u32 $0x1, s1  }
0x8c: {  	s16 =	sshll.u32 s0, $0xA;
	s2 =	sadd.s32 s3, s2  }
0x8d: {  	s2 =	sadd.s32 s2, s16  }
0x8e: {  	[smem:$0x3FC2] =	sst s2  }
0x8f: {  	_ = 	snop  }
0x90: {  	(tm) =	ssettm $0x1  }
0x91: {  	s17 =	sld [smem:$0x3FFB];
	_ =	sdelay $0x3  }
0x92: {  	_ =	strace s17  }
0x93: {  	s2 =	sld [smem:$0x3FFC];
	_ =	sdelay $0x3  }
0x94: {  	_ =	strace s2  }
0x95: {  	s2 =	sld [smem:$0x3FFD];
	_ =	sdelay $0x3  }
0x96: {  	_ =	strace s2  }
0x97: {  	_ =	strace $0x8FFFFFFF  }
0x98: {  	s18 =	sld [smem:$0x3FDB];
	_ =	sdelay $0x1  }
0x99: {  	s19 =	simm.s32 $_scs_section_size  }
0x9a: {  	s4 =	simm.s32 $_size__tile_overlayer_lowered;
	s5 =	simm.s32 $_tile_overlayer_lowered  }
0x9b: {  	s22 =	simm.s32 $0x1BFF;
	s21 =	sshll.u32 s5, $0x1;
	s2 =	sadd.s32 s19, s18  }
0x9c: {  	s6 =	simm.s32 $0x0;
	s20 =	sshll.u32 s4, $0x1;
	s4 =	sadd.s32 s21, s2  }
0x9d: {  	[timem:s6], [sflag:s22] =	dma.local [hbm:s4], s20  }
0x9e: {  	_ =	swait.ge [sflag:s22], s20  }
0x9f: {  	s3 =	ssub.s32 $0x0, s20;
	[sflag:s22] =	ssyncset.done $0x0  }
0xa0: {  	[sflag:s22] =	ssyncadd.s32 s3;
	_ =	sdelay $0x1  }
0xa1: {  	s23 =	simm.s32 $0x1B8B  }
0xa2: {  	_ =	swait.ge [sflag:s23], $0x1  }
0xa3: {  	[sflag:s23] =	ssyncset.done $0x0  }
0xa4: {  	s25 =	simm.s32 $0x1B8E;
	s24 =	sld [smem:$0x3FFE];
	[sflag:s23] =	ssyncadd.s32 $0xFFFFFFFF  }
0xa5: {  	s26 =	simm.s32 $execute0_lowered;
	[smem:$0x3FD2] =	sst s25  }
0xa6: {  	s4 =	sshll.u32 s26, $0x1;
	_ =	strace $0x80000046;
	[dreg:$0x1] =	wrdreg $0xFFFFFFFF  }
0xa7: {  	s28 =	simm.s32 $_size_execute0_lowered;
	s2 =	sadd.s32 s2, s4;
	[dreg:$0x0] =	wrdreg $0x0  }
0xa8: {  	s4 =	sshll.u32 s28, $0x1;
	[dreg:$0x2] =	wrdreg s2  }
0xa9: {  	[dreg:$0x3] =	wrdreg s4  }
0xaa: {  	[dreg:$0x4] =	wrdreg $0xC0  }
0xab: {  	_ =	task [dreg:s6], $0x5FFFF  }
0xac: {  	[dreg:$0x1] =	wrdreg $0xFFFFFFFF  }
0xad: {  	[dreg:$0x0] =	wrdreg $0x60  }
0xae: {  	[dreg:$0x2] =	wrdreg s24  }
0xaf: {  	[dreg:$0x3] =	wrdreg $0x9  }
0xb0: {  	_ =	task.clear_ibuf [dreg:s6], $0x4FFFF;
	_ =	strace $0x90000046  }
0xb1: {  	s29 =	simm.s32 $0x9;
	_ =	strace $0x80000048  }
0xb2: {  	_ =	swait.ge [sflag:s29], $0x1  }
0xb3: {  	[sflag:s29] =	ssyncadd.s32 $0xFFFFFFFF  }
0xb4: {  	_ =	strace $0x90000048  }
0xb5: {  	_ =	sfence  }
0xb6: {  	s30 =	sld [smem:$0x0];
	_ =	sdelay $0x2  }
0xb7: {  	s31 =	sshll.u32 s1, $0xD;
	s1 =	sshrl.u32 s1, $0x2  }
0xb8: {  	s3 =	sand.u32 $0x4000, s31;
	s1 =	sadd.s32 s1, s30  }
0xb9: {  	s0 =	sor.u32 s3, s0;
	s1 =	sshll.u32 s1, $0x11  }
0xba: {  	s0 =	sor.u32 s1, s0  }
0xbb: {  	s0 =	sadd.s32 $0x8F2B, s0  }
0xbc: {  	[sflag:s0] =	ssyncadd.remote.s32 $0x1  }
0xbd: {  	_ =	sfence.sel $0xFFFF  }
0xbe: {  	[dreg:$0x0] =	wrdreg $0xFFFFFFFF;
	(pc) =	sbr.abs _section_cstart, $3  }
0xbf: {  	[dreg:$0x1] =	wrdreg $0xFFFFFFFF  }
0xc0: {  	_ =	task.clear_ibuf [dreg:s6], $0x2FFFF;
	_ =	strace $0x9FFFFFFF  }
0xc1: {  	(tm) =	ssettm $0x7FFFFFFF  }
tec
execute0_lowered:
.L_overlay_start_1:
0x0: {  	(tag) =	ssettag $0x1  }
0x1: {  	s1 =	srdreg.scid  }
0x2: {  	s0 =	stileid.u32;
	s9 =	sand.u32 $0x1, s1  }
0x3: {  	s7 =	rddreg [dreg:$0x0];
	s3 =	simm.s32 $0x1;
	s1 =	sor.u32 s9, s0  }
0x4: {  	s2 =	simm.s32 $0x0;
	p1 =	seq.s32 s9, $0x1;
	p0 =	seq.s32 s1, $0x0  }
0x5: {  	s14 =	simm.s32 $0x10400;
	s15 =	simm.s32 $0x14400;
	p0 =	por !p0, !p1  }
0x6: {  	s16 =	simm.s32 $0x18400;
	s17 =	simm.s32 $0x0;
	p0 =	por !p0, !p0  }
0x7: {  	[smem:$0x7FF] =	sst s2;
	s4 =	sadd.s32 $0x1400, s7;
	s3 =	simm.s32 @!p0 $0x0  }
0x8: {  	s5 =	sadd.s32 $0x81400, s7;
	s6 =	sadd.s32 $0x101400, s7;
	s11 =	ssub.s32 s0, s3  }
0x9: {  	s10 =	ssub.s32 $0x2, s9;
	s9 =	sshll.u32 s9, $0x15;
	s8 =	sshll.u32 s11, $0x7  }
0xa: {  	s1 =	rddreg [dreg:$0x1];
	s12 =	sshrl.u32 s10, $0x1;
	p0 =	sgt.s32 s8, $0x80  }
0xb: {  	v51 =	vlaneseq.u32;
	_ =	strace $0x80000047;
	s12 =	ssub.s32 s10, s12;
	s8 =	simm.s32 @!p0 $0x80  }
0xc: {  	v1 =	vor.u32 $0x80, v51;
	s12 =	smax.u32 s12, $0x1;
	s3 =	sadd.s32 $0x181400, s7;
	s13 =	sadd.s32 $0xFFFFFF80, s8  }
0xd: {  	v2 =	vor.u32 $0x10, v51;
	v3 =	vor.u32 $0x90, v51;
	v4 =	vor.u32 $0x20, v51;
	s7 =	sadd.s32 $0x201400, s7;
	s11 =	sshll.u32 s11, $0xE;
	s31 =	smin.u32 s13, $0x678  }
0xe: {  	v5 =	vor.u32 $0xA0, v51;
	v6 =	vor.u32 $0x30, v51;
	v7 =	vor.u32 $0xB0, v51;
	s8 =	simm.s32 $0x1;
	s13 =	simm.s32 $0xC400;
	s10 =	sshll.u32 s31, $0x7  }
.LBB2_1:
0xf: {  	s18 =	simm.s32 $0x0  }
.LBB2_2:
0x10: {  	s19 =	sshll.u32 s18, $0x12  }
0x11: {  	s20 =	sadd.s32 s9, s19  }
0x12: {  	s19 =	sor.u32 s10, s20  }
0x13: {  	s19 =	sshrl.u32 s19, $0x3  }
0x14: {  	s21 =	sadd.s32 s3, s19;
	s19 =	simm.s32 $0x0  }
0x15: {  	[tilespmem:s19], [sflag:$0x1] =	stream.linear.gather [hbm4b:s21+s19], $0xC400, $0x38;
	[tilespmem:$0x1C400] =	vst v63  }
0x16: {  	s20 =	sadd.s32 s11, s20;
	_ =	swait.ge [sflag:s8], $0xC400  }
0x17: {  	s20 =	sshrl.u32 s20, $0x3;
	[sflag:s8] =	ssyncset.done $0x0  }
0x18: {  	s29 =	sadd.s32 s4, s20;
	[sflag:s8] =	ssyncadd.s32 $0xFFFF3C00  }
0x19: {  	[tilespmem:s13], [sflag:$0x1] =	stream.linear.gather [hbm4b:s29+s19], $0x4000, $0x38;
	[tilespmem:$0x1C400] =	vst v63  }
0x1a: {  	_ =	swait.ge [sflag:s8], $0x4000  }
0x1b: {  	[sflag:s8] =	ssyncset.done $0x0  }
0x1c: {  	s30 =	sadd.s32 s5, s20;
	[sflag:s8] =	ssyncadd.s32 $0xFFFFC000  }
0x1d: {  	[tilespmem:s14], [sflag:$0x1] =	stream.linear.gather [hbm4b:s30+s19], $0x4000, $0x38;
	[tilespmem:$0x1C400] =	vst v63  }
0x1e: {  	_ =	swait.ge [sflag:s8], $0x4000  }
0x1f: {  	[sflag:s8] =	ssyncset.done $0x0  }
0x20: {  	s31 =	sadd.s32 s6, s20;
	[sflag:s8] =	ssyncadd.s32 $0xFFFFC000  }
0x21: {  	[tilespmem:s15], [sflag:$0x1] =	stream.linear.gather [hbm4b:s31+s19], $0x4000, $0x38;
	[tilespmem:$0x1C400] =	vst v63  }
0x22: {  	_ =	swait.ge [sflag:s8], $0x4000  }
0x23: {  	[sflag:s8] =	ssyncset.done $0x0  }
0x24: {  	[sflag:s8] =	ssyncadd.s32 $0xFFFFC000  }
.LBB2_3:
0x25: {  	s21 =	sshll.u32 s19, $0x7  }
0x26: {  	v8 =	vmov s21;
	_ =	sdelay $0x4  }
0x27: {  	v11 =	vor.u32 $0x1, v8;
	v9 =	vld.idx.msk [tilespmem:v8+s13+$0x0], $0xffff;
	_ =	sdelay $0x1  }
0x28: {  	v31 =	vor.u32 $0x2, v8  }
0x29: {  	v15 =	vld.idx.msk [tilespmem:v8+s14+$0x0], $0xffff  }
0x2a: {  	v30 =	vld.idx.msk [tilespmem:v8+s15+$0x0], $0xffff  }
0x2b: {  	v37 =	vor.u32 $0x3, v8;
	v18 =	vld.idx.msk [tilespmem:v11+s13+$0x0], $0xffff;
	v9 =	vshll.u32 v9, $0x7  }
0x2c: {  	v27 =	vld.idx.msk [tilespmem:v11+s14+$0x0], $0xffff;
	v10 =	vor.u32 v51, v9  }
0x2d: {  	v20 =	vld.idx.msk [tilespmem:v31+s13+$0x0], $0xffff;
	v12 =	vadd.s32 v1, v9  }
0x2e: {  	v34 =	vld.idx.msk [tilespmem:v31+s14+$0x0], $0xffff;
	v13 =	vor.u32 v2, v9  }
0x2f: {  	v23 =	vld.idx.msk [tilespmem:v31+s15+$0x0], $0xffff;
	v14 =	vadd.s32 v3, v9  }
0x30: {  	v28 =	vld.idx.msk [tilespmem:v37+s13+$0x0], $0xffff;
	v16 =	vor.u32 v4, v9  }
0x31: {  	v17 =	vadd.s32 v5, v9;
	v10 =	vld.idx.msk [tilespmem:v10+s2+$0x0], $0xffff  }
0x32: {  	v58 =	vor.u32 v6, v9;
	v22 =	vld.idx.msk [tilespmem:v12+s2+$0x0], $0xffff  }
0x33: {  	v9 =	vadd.s32 v7, v9;
	v25 =	vld.idx.msk [tilespmem:v13+s2+$0x0], $0xffff  }
0x34: {  	v59 =	vshll.u32 v18, $0x7;
	v14 =	vld.idx.msk [tilespmem:v14+s2+$0x0], $0xffff  }
0x35: {  	v39 =	vor.u32 v51, v59;
	v26 =	vld.idx.msk [tilespmem:v16+s2+$0x0], $0xffff  }
0x36: {  	v40 =	vadd.s32 v1, v59;
	v29 =	vld.idx.msk [tilespmem:v17+s2+$0x0], $0xffff  }
0x37: {  	v18 =	vor.u32 v2, v59;
	v38 =	vld.idx.msk [tilespmem:v58+s2+$0x0], $0xffff  }
0x38: {  	v41 =	vadd.s32 v3, v59;
	v43 =	vld.idx.msk [tilespmem:v9+s2+$0x0], $0xffff  }
0x39: {  	v19 =	vor.u32 v4, v59;
	v13 =	vld.idx.msk [tilespmem:v11+s15+$0x0], $0xffff  }
0x3a: {  	v42 =	vadd.s32 v5, v59;
	v44 =	vld.idx.msk [tilespmem:v39+s2+$0x0], $0xffff  }
0x3b: {  	v47 =	vshll.u32 v20, $0x7;
	v46 =	vor.u32 v6, v59;
	v45 =	vld.idx.msk [tilespmem:v40+s2+$0x0], $0xffff  }
0x3c: {  	v36 =	vor.u32 v51, v47;
	v60 =	vld.idx.msk [tilespmem:v18+s2+$0x0], $0xffff  }
0x3d: {  	v48 =	vadd.s32 v1, v47;
	v61 =	vld.idx.msk [tilespmem:v41+s2+$0x0], $0xffff  }
0x3e: {  	v49 =	vor.u32 v2, v47;
	v62 =	vld.idx.msk [tilespmem:v19+s2+$0x0], $0xffff  }
0x3f: {  	v50 =	vadd.s32 v3, v47;
	v52 =	vld.idx.msk [tilespmem:v42+s2+$0x0], $0xffff  }
0x40: {  	v24 =	vadd.s32 v5, v47;
	v63 =	vld.idx.msk [tilespmem:v46+s2+$0x0], $0xffff  }
0x41: {  	v31 =	vor.u32 v6, v47;
	v58 =	vld.idx.msk [tilespmem:v36+s2+$0x0], $0xffff  }
0x42: {  	v32 =	vshll.u32 v28, $0x7;
	v53 =	vld.idx.msk [tilespmem:v48+s2+$0x0], $0xffff  }
0x43: {  	v33 =	vor.u32 v51, v32;
	v0 =	vld.idx.msk [tilespmem:v49+s2+$0x0], $0xffff  }
0x44: {  	v35 =	vadd.s32 v1, v32;
	v54 =	vld.idx.msk [tilespmem:v50+s2+$0x0], $0xffff  }
0x45: {  	v20 =	vor.u32 v2, v32;
	v49 =	vld.idx.msk [tilespmem:v24+s2+$0x0], $0xffff  }
0x46: {  	v16 =	vadd.s32 v7, v59;
	v55 =	vld.idx.msk [tilespmem:v31+s2+$0x0], $0xffff  }
0x47: {  	v19 =	vld.idx.msk [tilespmem:v37+s14+$0x0], $0xffff  }
0x48: {  	v18 =	vor.u32 $0x4, v8;
	v56 =	vld.idx.msk [tilespmem:v33+s2+$0x0], $0xffff  }
0x49: {  	v59 =	vor.u32 v4, v47;
	v50 =	vld.idx.msk [tilespmem:v35+s2+$0x0], $0xffff  }
0x4a: {  	v11 =	vadd.s32 v7, v47;
	v57 =	vld.idx.msk [tilespmem:v20+s2+$0x0], $0xffff  }
0x4b: {  	v12 =	vadd.s32 v7, v32;
	v40 =	vld.idx.msk [tilespmem:v16+s2+$0x0], $0xffff  }
0x4c: {  	v16 =	vld.idx.msk [tilespmem:v37+s15+$0x0], $0xffff;
	v37 =	vadd.s32 v5, v32  }
0x4d: {  	v24 =	vor.u32 v4, v32;
	v28 =	vld.idx.msk [tilespmem:v18+s13+$0x0], $0xffff  }
0x4e: {  	v36 =	vadd.s32 v3, v32;
	v59 =	vld.idx.msk [tilespmem:v59+s2+$0x0], $0xffff  }
0x4f: {  	v39 =	vor.u32 v6, v32;
	v46 =	vld.idx.msk [tilespmem:v11+s2+$0x0], $0xffff  }
0x50: {  	v47 =	vld.idx.msk [tilespmem:v12+s2+$0x0], $0xffff  }
0x51: {  	v17 =	vld.idx.msk [tilespmem:v37+s2+$0x0], $0xffff  }
0x52: {  	v41 =	vld.idx.msk [tilespmem:v24+s2+$0x0], $0xffff;
	v9 =	vshll.u32 v28, $0x7;
	v28 =	vor.u32 $0x5, v8  }
0x53: {  	v35 =	vld.idx.msk [tilespmem:v36+s2+$0x0], $0xffff;
	v42 =	vor.u32 v51, v9  }
0x54: {  	v11 =	vld.idx.msk [tilespmem:v39+s2+$0x0], $0xffff;
	v33 =	vadd.s32 v5, v9  }
0x55: {  	v12 =	vld.idx.msk [tilespmem:v18+s15+$0x0], $0xffff;
	v48 =	vadd.s32 v1, v9  }
0x56: {  	v31 =	vor.u32 v2, v9;
	[tilespmem:$0x1FF80] =	vst v17;
	v17 =	vld.idx.msk [tilespmem:v18+s14+$0x0], $0xffff  }
0x57: {  	[tilespmem:$0x1FF60] =	vst v41;
	v41 =	vadd.s32 v3, v9;
	v37 =	vld.idx.msk [tilespmem:v28+s13+$0x0], $0xffff  }
0x58: {  	v20 =	vld.idx.msk [tilespmem:v42+s2+$0x0], $0xffff;
	v42 =	vor.u32 v4, v9  }
0x59: {  	[tilespmem:$0x1FFA0] =	vst v47;
	v47 =	vor.u32 v6, v9;
	v9 =	vadd.s32 v7, v9;
	v21 =	vld.idx.msk [tilespmem:v33+s2+$0x0], $0xffff  }
0x5a: {  	[tilespmem:$0x1FF70] =	vst v11;
	v11 =	vld.idx.msk [tilespmem:v48+s2+$0x0], $0xffff  }
0x5b: {  	v24 =	vld.idx.msk [tilespmem:v31+s2+$0x0], $0xffff  }
0x5c: {  	v18 =	vld.idx.msk [tilespmem:v41+s2+$0x0], $0xffff;
	v31 =	vor.u32 $0x6, v8  }
0x5d: {  	[tilespmem:$0x1FF90] =	vst v20;
	v20 =	vld.idx.msk [tilespmem:v42+s2+$0x0], $0xffff  }
0x5e: {  	v25 =	vmul.f32 v25, v15;
	[tilespmem:$0x1FFC0] =	vst v21;
	v21 =	vshll.u32 v37, $0x7;
	v9 =	vld.idx.msk [tilespmem:v9+s2+$0x0], $0xffff  }
0x5f: {  	v37 =	vld.idx.msk [tilespmem:v47+s2+$0x0], $0xffff;
	v48 =	vor.u32 v51, v21  }
0x60: {  	v14 =	vmul.f32 v14, v30;
	v25 =	vadd.f32 $0.0e+00, v25;
	[tilespmem:$0x1FFB0] =	vst v11;
	v11 =	vld.idx.msk [tilespmem:v28+s14+$0x0], $0xffff;
	v47 =	vadd.s32 v5, v21  }
0x61: {  	v42 =	vld.idx.msk [tilespmem:v31+s13+$0x0], $0xffff;
	v32 =	vadd.s32 v1, v21  }
0x62: {  	v25 =	vadd.f32 v14, v25;
	v14 =	vld.idx.msk [tilespmem:v31+s14+$0x0], $0xffff  }
0x63: {  	v10 =	vmul.f32 v10, v15;
	v36 =	vor.u32 v2, v21;
	[tilespmem:$0x1FFD0] =	vst v9;
	v9 =	vld.idx.msk [tilespmem:v28+s15+$0x0], $0xffff  }
0x64: {  	v39 =	vadd.s32 v3, v21;
	v28 =	vld.idx.msk [tilespmem:v48+s2+$0x0], $0xffff  }
0x65: {  	v22 =	vmul.f32 v22, v30;
	v10 =	vadd.f32 $0.0e+00, v10;
	v41 =	vor.u32 v4, v21;
	v33 =	vld.idx.msk [tilespmem:v47+s2+$0x0], $0xffff  }
0x66: {  	v60 =	vmul.f32 v60, v27;
	v32 =	vld.idx.msk [tilespmem:v32+s2+$0x0], $0xffff;
	v48 =	vor.u32 v6, v21  }
0x67: {  	v22 =	vadd.f32 v22, v10;
	v10 =	vld.idx.msk [tilespmem:v31+s15+$0x0], $0xffff;
	v42 =	vshll.u32 v42, $0x7;
	v47 =	vor.u32 $0x7, v8  }
0x68: {  	v26 =	vmul.f32 v26, v15;
	v29 =	vmul.f32 v29, v30;
	v36 =	vld.idx.msk [tilespmem:v36+s2+$0x0], $0xffff;
	v31 =	vadd.s32 v3, v42  }
0x69: {  	v15 =	vmul.f32 v38, v15;
	v25 =	vadd.f32 v60, v25;
	v39 =	vld.idx.msk [tilespmem:v39+s2+$0x0], $0xffff;
	v60 =	vadd.s32 v5, v42  }
0x6a: {  	v30 =	vmul.f32 v43, v30;
	v41 =	vld.idx.msk [tilespmem:v41+s2+$0x0], $0xffff;
	[tilespmem:$0x1FFF0] =	vst v33;
	v33 =	vor.u32 v51, v42  }
0x6b: {  	v26 =	vadd.f32 $0.0e+00, v26;
	v15 =	vadd.f32 $0.0e+00, v15;
	[tilespmem:$0x1FFE0] =	vst v32;
	v32 =	vld.idx.msk [tilespmem:v48+s2+$0x0], $0xffff;
	v48 =	vadd.s32 v1, v42  }
0x6c: {  	v44 =	vmul.f32 v44, v27;
	v21 =	vadd.s32 v7, v21;
	v38 =	vld.idx.msk [tilespmem:v47+s13+$0x0], $0xffff  }
0x6d: {  	v26 =	vadd.f32 v29, v26;
	v15 =	vadd.f32 v30, v15;
	v29 =	vor.u32 v2, v42;
	v30 =	vld.idx.msk [tilespmem:v31+s2+$0x0], $0xffff  }
0x6e: {  	v62 =	vmul.f32 v62, v27;
	v31 =	vmul.f32 v63, v27;
	v27 =	vld.idx.msk [tilespmem:v60+s2+$0x0], $0xffff;
	v60 =	vor.u32 $0x8, v8  }
0x6f: {  	v61 =	vmul.f32 v61, v13;
	v43 =	vld.idx.msk [tilespmem:v33+s2+$0x0], $0xffff;
	v33 =	vor.u32 v4, v42  }
0x70: {  	v0 =	vmul.f32 v0, v34;
	v22 =	vadd.f32 v44, v22;
	v44 =	vld.idx.msk [tilespmem:v48+s2+$0x0], $0xffff;
	v48 =	vor.u32 v6, v42  }
0x71: {  	v25 =	vadd.f32 v61, v25;
	v21 =	vld.idx.msk [tilespmem:v21+s2+$0x0], $0xffff;
	v42 =	vadd.s32 v7, v42;
	v38 =	vshll.u32 v38, $0x7  }
0x72: {  	v45 =	vmul.f32 v45, v13;
	v29 =	vld.idx.msk [tilespmem:v29+s2+$0x0], $0xffff;
	v15 =	vadd.f32 v31, v15;
	v31 =	vor.u32 v51, v38  }
0x73: {  	v0 =	vadd.f32 v0, v25;
	v61 =	vld.idx.msk [tilespmem:v60+s13+$0x0], $0xffff;
	v25 =	vor.u32 v4, v38  }
0x74: {  	v22 =	vadd.f32 v45, v22;
	v45 =	vld.idx.msk [tilespmem:v33+s2+$0x0], $0xffff  }
0x75: {  	v33 =	vmul.f32 v52, v13;
	v52 =	vld.idx.msk [tilespmem:v48+s2+$0x0], $0xffff  }
0x76: {  	v63 =	vmul.f32 v58, v34;
	v13 =	vmul.f32 v40, v13;
	v40 =	vld.idx.msk [tilespmem:v42+s2+$0x0], $0xffff  }
0x77: {  	v26 =	vadd.f32 v62, v26;
	v62 =	vmul.f32 v54, v23;
	v58 =	vor.u32 v2, v38;
	v54 =	vld.idx.msk [tilespmem:v31+s2+$0x0], $0xffff  }
0x78: {  	v22 =	vadd.f32 v63, v22;
	v63 =	vmul.f32 v56, v19;
	v56 =	vld.idx.msk [tilespmem:v25+s2+$0x0], $0xffff  }
0x79: {  	v42 =	vadd.s32 v1, v38;
	v25 =	vshll.u32 v61, $0x7;
	v61 =	vld [tilespmem:$0x1FF90]  }
0x7a: {  	v31 =	vadd.s32 v5, v38;
	v26 =	vadd.f32 v33, v26;
	v48 =	vadd.f32 v13, v15;
	v15 =	vld.idx.msk [tilespmem:v47+s14+$0x0], $0xffff  }
0x7b: {  	v33 =	vmul.f32 v59, v34;
	v13 =	vld.idx.msk [tilespmem:v47+s15+$0x0], $0xffff;
	v47 =	vadd.s32 v3, v38;
	v59 =	vmul.f32 v53, v23  }
0x7c: {  	v34 =	vmul.f32 v55, v34;
	v55 =	vld.idx.msk [tilespmem:v58+s2+$0x0], $0xffff  }
0x7d: {  	v22 =	vadd.f32 v59, v22;
	v59 =	vld [tilespmem:$0x1FF70]  }
0x7e: {  	v49 =	vmul.f32 v49, v23;
	v23 =	vmul.f32 v46, v23;
	v26 =	vadd.f32 v33, v26;
	v53 =	vld.idx.msk [tilespmem:v42+s2+$0x0], $0xffff  }
0x7f: {  	v33 =	vadd.f32 v34, v48;
	v42 =	vor.u32 v6, v38;
	v38 =	vadd.s32 v7, v38;
	v46 =	vld.idx.msk [tilespmem:v31+s2+$0x0], $0xffff  }
0x80: {  	v26 =	vadd.f32 v49, v26;
	v22 =	vadd.f32 v63, v22;
	v63 =	vor.u32 v51, v25;
	v49 =	vld.idx.msk [tilespmem:v47+s2+$0x0], $0xffff  }
0x81: {  	v0 =	vadd.f32 v62, v0;
	v62 =	vmul.f32 v50, v16;
	v47 =	vmul.f32 v57, v19;
	v57 =	vld [tilespmem:$0x1FF60]  }
0x82: {  	v33 =	vadd.f32 v23, v33;
	v23 =	vld.idx.msk [tilespmem:v60+s14+$0x0], $0xffff  }
0x83: {  	v22 =	vadd.f32 v62, v22;
	v62 =	vld [tilespmem:$0x1FFA0]  }
0x84: {  	v34 =	vld.idx.msk [tilespmem:v38+s2+$0x0], $0xffff  }
0x85: {  	v0 =	vadd.f32 v47, v0;
	v47 =	vmul.f32 v59, v19;
	v59 =	vor.u32 v4, v25;
	v31 =	vld.idx.msk [tilespmem:v63+s2+$0x0], $0xffff  }
0x86: {  	v35 =	vmul.f32 v35, v16;
	v38 =	vadd.s32 v1, v25;
	v58 =	vmul.f32 v57, v19;
	v19 =	vld.idx.msk [tilespmem:v60+s15+$0x0], $0xffff  }
0x87: {  	v33 =	vadd.f32 v47, v33;
	v47 =	vadd.s32 v5, v25;
	v60 =	vld [tilespmem:$0x1FF80]  }
0x88: {  	v24 =	vmul.f32 v24, v17;
	v0 =	vadd.f32 v35, v0;
	v63 =	vld [tilespmem:$0x1FFB0]  }
0x89: {  	v50 =	vld.idx.msk [tilespmem:v42+s2+$0x0], $0xffff;
	v42 =	vor.u32 $0x9, v8  }
0x8a: {  	v20 =	vmul.f32 v20, v17;
	v0 =	vadd.f32 v24, v0;
	v24 =	vld.idx.msk [tilespmem:v59+s2+$0x0], $0xffff  }
0x8b: {  	v26 =	vadd.f32 v58, v26;
	v58 =	vmul.f32 v61, v17;
	v61 =	vor.u32 v6, v25;
	v38 =	vld.idx.msk [tilespmem:v38+s2+$0x0], $0xffff  }
0x8c: {  	v59 =	vmul.f32 v37, v17;
	v17 =	vld.idx.msk [tilespmem:v47+s2+$0x0], $0xffff;
	v57 =	vmul.f32 v60, v16  }
0x8d: {  	v35 =	vor.u32 v2, v25;
	v22 =	vadd.f32 v58, v22;
	v58 =	vmul.f32 v63, v12;
	v63 =	vld [tilespmem:$0x1FFE0]  }
0x8e: {  	v18 =	vmul.f32 v18, v12;
	v48 =	vadd.s32 v3, v25;
	v60 =	vld.idx.msk [tilespmem:v42+s13+$0x0], $0xffff;
	v26 =	vadd.f32 v57, v26  }
0x8f: {  	v25 =	vadd.s32 v7, v25;
	v16 =	vmul.f32 v62, v16;
	v62 =	vld [tilespmem:$0x1FFD0]  }
0x90: {  	v0 =	vadd.f32 v18, v0;
	v18 =	vadd.f32 v20, v26;
	v20 =	vld.idx.msk [tilespmem:v61+s2+$0x0], $0xffff  }
0x91: {  	v61 =	vld [tilespmem:$0x1FFC0]  }
0x92: {  	v57 =	vld.idx.msk [tilespmem:v35+s2+$0x0], $0xffff  }
0x93: {  	v47 =	vor.u32 $0xA, v8;
	v16 =	vadd.f32 v16, v33;
	v35 =	vld.idx.msk [tilespmem:v48+s2+$0x0], $0xffff;
	v37 =	vshll.u32 v60, $0x7  }
0x94: {  	v28 =	vmul.f32 v28, v11;
	v25 =	vld.idx.msk [tilespmem:v25+s2+$0x0], $0xffff;
	v26 =	vor.u32 v51, v37  }
0x95: {  	v22 =	vadd.f32 v58, v22;
	v33 =	vadd.f32 v59, v16;
	v16 =	vld.idx.msk [tilespmem:v42+s14+$0x0], $0xffff;
	v58 =	vadd.s32 v1, v37  }
0x96: {  	v59 =	vmul.f32 v62, v12;
	v62 =	vld [tilespmem:$0x1FFF0];
	v60 =	vor.u32 v2, v37;
	v48 =	vmul.f32 v61, v12  }
0x97: {  	v36 =	vmul.f32 v36, v11;
	v22 =	vadd.f32 v28, v22;
	v28 =	vor.u32 v4, v37;
	v12 =	vld.idx.msk [tilespmem:v42+s15+$0x0], $0xffff  }
0x98: {  	v42 =	vadd.s32 v3, v37;
	v18 =	vadd.f32 v48, v18;
	v48 =	vld.idx.msk [tilespmem:v47+s13+$0x0], $0xffff  }
0x99: {  	v39 =	vmul.f32 v39, v9;
	v0 =	vadd.f32 v36, v0;
	v36 =	vadd.s32 v5, v37;
	v26 =	vld.idx.msk [tilespmem:v26+s2+$0x0], $0xffff  }
0x9a: {  	v33 =	vadd.f32 v59, v33;
	v59 =	vmul.f32 v63, v9;
	v61 =	vor.u32 v6, v37;
	v58 =	vld.idx.msk [tilespmem:v58+s2+$0x0], $0xffff  }
0x9b: {  	v41 =	vmul.f32 v41, v11;
	v11 =	vmul.f32 v32, v11;
	v37 =	vadd.s32 v7, v37;
	v32 =	vld.idx.msk [tilespmem:v60+s2+$0x0], $0xffff  }
0x9c: {  	v22 =	vadd.f32 v59, v22;
	v59 =	vmul.f32 v44, v10;
	v44 =	vor.u32 $0xB, v8;
	v28 =	vld.idx.msk [tilespmem:v28+s2+$0x0], $0xffff  }
0x9d: {  	v29 =	vmul.f32 v29, v14;
	v27 =	vmul.f32 v27, v10;
	v0 =	vadd.f32 v39, v0;
	v39 =	vld.idx.msk [tilespmem:v42+s2+$0x0], $0xffff  }
0x9e: {  	v42 =	vmul.f32 v62, v9;
	v9 =	vmul.f32 v21, v9;
	v21 =	vld.idx.msk [tilespmem:v36+s2+$0x0], $0xffff  }
0x9f: {  	v45 =	vmul.f32 v45, v14;
	v0 =	vadd.f32 v29, v0;
	v60 =	vmul.f32 v43, v14;
	v43 =	vld.idx.msk [tilespmem:v61+s2+$0x0], $0xffff  }
0xa0: {  	v11 =	vadd.f32 v11, v33;
	v18 =	vadd.f32 v41, v18;
	v37 =	vld.idx.msk [tilespmem:v37+s2+$0x0], $0xffff;
	v41 =	vshll.u32 v48, $0x7  }
0xa1: {  	v14 =	vmul.f32 v52, v14;
	v22 =	vadd.f32 v60, v22;
	v52 =	vld.idx.msk [tilespmem:v44+s13+$0x0], $0xffff;
	v63 =	vor.u32 v51, v41  }
0xa2: {  	v62 =	vmul.f32 v30, v10;
	v60 =	vadd.f32 v9, v11;
	v11 =	vld.idx.msk [tilespmem:v47+s14+$0x0], $0xffff;
	v48 =	vadd.s32 v1, v41  }
0xa3: {  	v18 =	vadd.f32 v42, v18;
	v9 =	vld.idx.msk [tilespmem:v47+s15+$0x0], $0xffff;
	v33 =	vor.u32 v2, v41;
	v61 =	vadd.s32 v3, v41  }
0xa4: {  	v14 =	vadd.f32 v14, v60;
	v60 =	vmul.f32 v54, v15;
	v54 =	vmul.f32 v49, v13;
	v49 =	vld.idx.msk [tilespmem:v44+s14+$0x0], $0xffff  }
0xa5: {  	v10 =	vmul.f32 v40, v10;
	v22 =	vadd.f32 v59, v22;
	v42 =	vadd.s32 v5, v41;
	v44 =	vld.idx.msk [tilespmem:v44+s15+$0x0], $0xffff  }
0xa6: {  	v59 =	vor.u32 v6, v41;
	v18 =	vadd.f32 v45, v18;
	v45 =	vshll.u32 v52, $0x7;
	v30 =	vld.idx.msk [tilespmem:v63+s2+$0x0], $0xffff  }
0xa7: {  	v0 =	vadd.f32 v62, v0;
	v62 =	vmul.f32 v55, v15;
	v55 =	vadd.s32 v1, v45;
	v40 =	vld.idx.msk [tilespmem:v48+s2+$0x0], $0xffff  }
0xa8: {  	v63 =	vor.u32 v4, v41;
	v33 =	vld.idx.msk [tilespmem:v33+s2+$0x0], $0xffff  }
0xa9: {  	v46 =	vmul.f32 v46, v13;
	v10 =	vadd.f32 v10, v14;
	v41 =	vadd.s32 v7, v41;
	v14 =	vld.idx.msk [tilespmem:v61+s2+$0x0], $0xffff  }
0xaa: {  	v0 =	vadd.f32 v62, v0;
	v52 =	vor.u32 $0xC, v8;
	v18 =	vadd.f32 v27, v18;
	v42 =	vld.idx.msk [tilespmem:v42+s2+$0x0], $0xffff  }
0xab: {  	v22 =	vadd.f32 v60, v22;
	v61 =	vmul.f32 v53, v13;
	v27 =	vld.idx.msk [tilespmem:v59+s2+$0x0], $0xffff;
	v53 =	vor.u32 v51, v45  }
0xac: {  	v31 =	vmul.f32 v31, v23;
	v0 =	vadd.f32 v54, v0;
	v60 =	vmul.f32 v38, v19;
	v47 =	vld.idx.msk [tilespmem:v55+s2+$0x0], $0xffff  }
0xad: {  	v48 =	vadd.s32 v3, v45;
	v22 =	vadd.f32 v61, v22;
	v61 =	vmul.f32 v57, v23;
	v36 =	vld.idx.msk [tilespmem:v63+s2+$0x0], $0xffff  }
0xae: {  	v63 =	vmul.f32 v56, v15;
	v41 =	vld.idx.msk [tilespmem:v41+s2+$0x0], $0xffff;
	v15 =	vmul.f32 v50, v15;
	v50 =	vor.u32 v2, v45  }
0xaf: {  	v62 =	vor.u32 v6, v45;
	v38 =	vmul.f32 v35, v19;
	v0 =	vadd.f32 v61, v0;
	v56 =	vld.idx.msk [tilespmem:v52+s13+$0x0], $0xffff  }
0xb0: {  	v17 =	vmul.f32 v17, v19;
	v20 =	vmul.f32 v20, v23;
	v35 =	vor.u32 $0xD, v8;
	v29 =	vld.idx.msk [tilespmem:v53+s2+$0x0], $0xffff  }
0xb1: {  	v32 =	vmul.f32 v32, v16;
	v59 =	vadd.s32 v5, v45;
	v0 =	vadd.f32 v38, v0;
	v38 =	vld.idx.msk [tilespmem:v52+s15+$0x0], $0xffff  }
0xb2: {  	v22 =	vadd.f32 v31, v22;
	v18 =	vadd.f32 v63, v18;
	v63 =	vmul.f32 v24, v23;
	v23 =	vld.idx.msk [tilespmem:v48+s2+$0x0], $0xffff  }
0xb3: {  	v13 =	vmul.f32 v34, v13;
	v10 =	vadd.f32 v15, v10;
	v15 =	vor.u32 v4, v45;
	v24 =	vld.idx.msk [tilespmem:v50+s2+$0x0], $0xffff  }
0xb4: {  	v39 =	vmul.f32 v39, v12;
	v22 =	vadd.f32 v60, v22;
	v50 =	vmul.f32 v26, v16;
	v26 =	vld.idx.msk [tilespmem:v62+s2+$0x0], $0xffff  }
0xb5: {  	v45 =	vadd.s32 v7, v45;
	v0 =	vadd.f32 v32, v0;
	v10 =	vadd.f32 v13, v10;
	v62 =	vld.idx.msk [tilespmem:v35+s13+$0x0], $0xffff  }
0xb6: {  	v18 =	vadd.f32 v46, v18;
	v46 =	vmul.f32 v33, v11;
	v53 =	vmul.f32 v36, v11;
	v36 =	vld.idx.msk [tilespmem:v35+s14+$0x0], $0xffff  }
0xb7: {  	v33 =	vor.u32 $0xE, v8;
	v0 =	vadd.f32 v39, v0;
	v10 =	vadd.f32 v20, v10;
	v20 =	vld.idx.msk [tilespmem:v59+s2+$0x0], $0xffff  }
0xb8: {  	v14 =	vmul.f32 v14, v9;
	v34 =	vshll.u32 v56, $0x7;
	v13 =	vadd.f32 v63, v18;
	v15 =	vld.idx.msk [tilespmem:v15+s2+$0x0], $0xffff  }
0xb9: {  	v48 =	vor.u32 v51, v34;
	v55 =	vadd.f32 v50, v22;
	v22 =	vld.idx.msk [tilespmem:v52+s14+$0x0], $0xffff;
	v0 =	vadd.f32 v46, v0  }
0xba: {  	v28 =	vmul.f32 v28, v16;
	v54 =	vadd.s32 v1, v34;
	v13 =	vadd.f32 v17, v13;
	v17 =	vld.idx.msk [tilespmem:v45+s2+$0x0], $0xffff  }
0xbb: {  	v19 =	vmul.f32 v25, v19;
	v56 =	vor.u32 v2, v34;
	v0 =	vadd.f32 v14, v0;
	v14 =	vld.idx.msk [tilespmem:v35+s15+$0x0], $0xffff  }
0xbc: {  	v21 =	vmul.f32 v21, v12;
	v57 =	vadd.s32 v3, v34;
	v59 =	vmul.f32 v58, v12;
	v58 =	vld.idx.msk [tilespmem:v33+s13+$0x0], $0xffff  }
0xbd: {  	v16 =	vmul.f32 v43, v16;
	v61 =	vadd.s32 v5, v34;
	v10 =	vadd.f32 v19, v10;
	v39 =	vld.idx.msk [tilespmem:v33+s14+$0x0], $0xffff  }
0xbe: {  	v29 =	vmul.f32 v29, v49;
	v60 =	vor.u32 v4, v34;
	v63 =	vor.u32 v6, v34;
	v31 =	vld.idx.msk [tilespmem:v48+s2+$0x0], $0xffff  }
0xbf: {  	v12 =	vmul.f32 v37, v12;
	v34 =	vadd.s32 v7, v34;
	v10 =	vadd.f32 v16, v10;
	v16 =	vld.idx.msk [tilespmem:v54+s2+$0x0], $0xffff  }
0xc0: {  	v23 =	vmul.f32 v23, v44;
	v45 =	vmul.f32 v30, v11;
	v32 =	vshll.u32 v62, $0x7;
	v25 =	vld.idx.msk [tilespmem:v56+s2+$0x0], $0xffff  }
0xc1: {  	v62 =	vmul.f32 v47, v44;
	v47 =	vor.u32 $0xF, v8;
	v8 =	vor.u32 $0x10, v8;
	v37 =	vld.idx.msk [tilespmem:v57+s2+$0x0], $0xffff  }
0xc2: {  	v11 =	vmul.f32 v27, v11;
	v19 =	vadd.f32 v59, v55;
	v13 =	vadd.f32 v28, v13;
	v28 =	vld.idx.msk [tilespmem:v61+s2+$0x0], $0xffff  }
0xc3: {  	v24 =	vmul.f32 v24, v49;
	v48 =	vmul.f32 v40, v9;
	v18 =	vld.idx.msk [tilespmem:v63+s2+$0x0], $0xffff;
	v50 =	vor.u32 v51, v32  }
0xc4: {  	v30 =	vld.idx.msk [tilespmem:v34+s2+$0x0], $0xffff;
	v52 =	vadd.s32 v1, v32;
	v54 =	vor.u32 v2, v32;
	v55 =	vadd.s32 v3, v32  }
0xc5: {  	v56 =	vmul.f32 v42, v9;
	v13 =	vadd.f32 v21, v13;
	v21 =	vld.idx.msk [tilespmem:v60+s2+$0x0], $0xffff;
	v0 =	vadd.f32 v24, v0  }
0xc6: {  	v20 =	vmul.f32 v20, v44;
	v10 =	vadd.f32 v12, v10;
	v17 =	vmul.f32 v17, v44;
	v44 =	vld.idx.msk [tilespmem:v8+s13+$0x0], $0xffff  }
0xc7: {  	v57 =	vor.u32 v4, v32;
	v9 =	vmul.f32 v41, v9;
	v0 =	vadd.f32 v23, v0;
	v23 =	vld.idx.msk [tilespmem:v47+s15+$0x0], $0xffff  }
0xc8: {  	v59 =	vadd.s32 v5, v32;
	v12 =	vadd.f32 v45, v19;
	v10 =	vadd.f32 v11, v10;
	v11 =	vld.idx.msk [tilespmem:v50+s2+$0x0], $0xffff  }
0xc9: {  	v43 =	vmul.f32 v26, v49;
	v61 =	vadd.s32 v7, v32;
	v60 =	vor.u32 v6, v32;
	v34 =	vld.idx.msk [tilespmem:v52+s2+$0x0], $0xffff  }
0xca: {  	v12 =	vadd.f32 v48, v12;
	v63 =	vshll.u32 v58, $0x7;
	v9 =	vadd.f32 v9, v10;
	v10 =	vld.idx.msk [tilespmem:v54+s2+$0x0], $0xffff  }
0xcb: {  	v15 =	vmul.f32 v15, v49;
	v13 =	vadd.f32 v53, v13;
	v45 =	vor.u32 v51, v63;
	v27 =	vld.idx.msk [tilespmem:v55+s2+$0x0], $0xffff  }
0xcc: {  	v48 =	vadd.s32 v1, v63;
	v49 =	vor.u32 v2, v63;
	v12 =	vadd.f32 v29, v12;
	v29 =	vld.idx.msk [tilespmem:v57+s2+$0x0], $0xffff  }
0xcd: {  	v13 =	vadd.f32 v56, v13;
	v26 =	vld.idx.msk [tilespmem:v59+s2+$0x0], $0xffff;
	v31 =	vmul.f32 v31, v22;
	v50 =	vmul.f32 v25, v22  }
0xce: {  	v19 =	vld.idx.msk [tilespmem:v61+s2+$0x0], $0xffff;
	v52 =	vadd.s32 v3, v63;
	v54 =	vor.u32 v4, v63;
	v16 =	vmul.f32 v16, v38  }
0xcf: {  	v25 =	vld.idx.msk [tilespmem:v33+s15+$0x0], $0xffff;
	v55 =	vadd.s32 v5, v63;
	v37 =	vmul.f32 v37, v38;
	v58 =	vmul.f32 v18, v22  }
0xd0: {  	v56 =	vld.idx.msk [tilespmem:v47+s13+$0x0], $0xffff;
	v57 =	vor.u32 v6, v63;
	v28 =	vmul.f32 v28, v38;
	v30 =	vmul.f32 v30, v38  }
0xd1: {  	v46 =	vld.idx.msk [tilespmem:v60+s2+$0x0], $0xffff;
	v21 =	vmul.f32 v21, v22;
	v13 =	vadd.f32 v15, v13;
	v9 =	vadd.f32 v43, v9  }
0xd2: {  	v60 =	vadd.s32 v7, v63;
	v12 =	vadd.f32 v62, v12;
	v0 =	vadd.f32 v50, v0;
	v53 =	vld.idx.msk [tilespmem:v45+s2+$0x0], $0xffff  }
0xd3: {  	v13 =	vadd.f32 v20, v13;
	v9 =	vadd.f32 v17, v9;
	v24 =	vld.idx.msk [tilespmem:v48+s2+$0x0], $0xffff;
	v11 =	vmul.f32 v11, v36  }
0xd4: {  	v12 =	vadd.f32 v31, v12;
	v59 =	vld.idx.msk [tilespmem:v49+s2+$0x0], $0xffff;
	v10 =	vmul.f32 v10, v36;
	v41 =	vmul.f32 v34, v14  }
0xd5: {  	v0 =	vadd.f32 v37, v0;
	v61 =	vld.idx.msk [tilespmem:v52+s2+$0x0], $0xffff;
	v27 =	vmul.f32 v27, v14;
	v29 =	vmul.f32 v29, v36  }
0xd6: {  	v62 =	vld.idx.msk [tilespmem:v54+s2+$0x0], $0xffff;
	v63 =	vshll.u32 v56, $0x7;
	v26 =	vmul.f32 v26, v14;
	v14 =	vmul.f32 v19, v14  }
0xd7: {  	v20 =	vld.idx.msk [tilespmem:v55+s2+$0x0], $0xffff;
	v55 =	vshll.u32 v44, $0x7;
	v12 =	vadd.f32 v16, v12;
	v13 =	vadd.f32 v21, v13  }
0xd8: {  	v37 =	vld.idx.msk [tilespmem:v57+s2+$0x0], $0xffff;
	v9 =	vadd.f32 v58, v9;
	v38 =	vor.u32 v51, v63;
	v40 =	vadd.s32 v1, v63  }
0xd9: {  	v42 =	vor.u32 v2, v63;
	v43 =	vadd.s32 v3, v63;
	v15 =	vmul.f32 v46, v36;
	v36 =	vld.idx.msk [tilespmem:v8+s14+$0x0], $0xffff  }
0xda: {  	v45 =	vor.u32 v4, v63;
	v50 =	vor.u32 v6, v63;
	v31 =	vadd.s32 v7, v63;
	v8 =	vld.idx.msk [tilespmem:v8+s15+$0x0], $0xffff  }
0xdb: {  	v57 =	vor.u32 v51, v55;
	v34 =	vor.u32 v2, v55;
	v0 =	vadd.f32 v10, v0;
	v10 =	vld.idx.msk [tilespmem:v47+s14+$0x0], $0xffff  }
0xdc: {  	v44 =	vadd.s32 v5, v55;
	v13 =	vadd.f32 v28, v13;
	v11 =	vadd.f32 v11, v12;
	v12 =	vld.idx.msk [tilespmem:v60+s2+$0x0], $0xffff  }
0xdd: {  	v47 =	vadd.s32 v5, v63;
	v9 =	vadd.f32 v30, v9;
	v0 =	vadd.f32 v27, v0;
	v46 =	vld.idx.msk [tilespmem:v38+s2+$0x0], $0xffff  }
0xde: {  	v48 =	vmul.f32 v53, v39;
	v53 =	vmul.f32 v24, v25;
	v11 =	vadd.f32 v41, v11;
	v49 =	vld.idx.msk [tilespmem:v40+s2+$0x0], $0xffff  }
0xdf: {  	v18 =	vmul.f32 v59, v39;
	v13 =	vadd.f32 v29, v13;
	v9 =	vadd.f32 v15, v9;
	v52 =	vld.idx.msk [tilespmem:v42+s2+$0x0], $0xffff  }
0xe0: {  	v58 =	vmul.f32 v62, v39;
	v60 =	vmul.f32 v61, v25;
	v62 =	vadd.s32 v1, v55;
	v54 =	vld.idx.msk [tilespmem:v43+s2+$0x0], $0xffff  }
0xe1: {  	v63 =	vmul.f32 v20, v25;
	v35 =	vmul.f32 v37, v39;
	v37 =	vadd.s32 v3, v55;
	v56 =	vld.idx.msk [tilespmem:v45+s2+$0x0], $0xffff  }
0xe2: {  	v41 =	vor.u32 v6, v55;
	v0 =	vadd.f32 v18, v0;
	v61 =	vld.idx.msk [tilespmem:v50+s2+$0x0], $0xffff;
	v11 =	vadd.f32 v48, v11  }
0xe3: {  	v39 =	vld.idx.msk [tilespmem:v57+s2+$0x0], $0xffff;
	v40 =	vor.u32 v4, v55;
	v13 =	vadd.f32 v26, v13;
	v9 =	vadd.f32 v14, v9  }
0xe4: {  	v33 =	vld.idx.msk [tilespmem:v31+s2+$0x0], $0xffff;
	v0 =	vadd.f32 v60, v0;
	v12 =	vmul.f32 v12, v25;
	v11 =	vadd.f32 v53, v11  }
0xe5: {  	v22 =	vld.idx.msk [tilespmem:v34+s2+$0x0], $0xffff;
	v60 =	vor.u32 s21, v2;
	v13 =	vadd.f32 v58, v13;
	v9 =	vadd.f32 v35, v9  }
0xe6: {  	v59 =	vld.idx.msk [tilespmem:v47+s2+$0x0], $0xffff;
	v58 =	vor.u32 s21, v51;
	v38 =	vmul.f32 v46, v10;
	v42 =	vmul.f32 v49, v23  }
0xe7: {  	v43 =	vld.idx.msk [tilespmem:v62+s2+$0x0], $0xffff;
	v19 =	vmul.f32 v52, v10;
	v45 =	vmul.f32 v56, v10;
	v46 =	vadd.s32 v7, v55  }
0xe8: {  	v47 =	vld.idx.msk [tilespmem:v37+s2+$0x0], $0xffff;
	v13 =	vadd.f32 v63, v13;
	v10 =	vmul.f32 v61, v10;
	v48 =	vmul.f32 v39, v36  }
0xe9: {  	v9 =	vadd.f32 v12, v9;
	v49 =	vld.idx.msk [tilespmem:v40+s2+$0x0], $0xffff;
	v50 =	vmul.f32 v54, v23;
	v52 =	vmul.f32 v33, v23  }
0xea: {  	v16 =	vld.idx.msk [tilespmem:v41+s2+$0x0], $0xffff;
	v56 =	vmul.f32 v22, v36;
	v61 =	vor.u32 s21, v4;
	v11 =	vadd.f32 v38, v11  }
0xeb: {  	v54 =	vld.idx.msk [tilespmem:v44+s2+$0x0], $0xffff;
	v15 =	vmul.f32 v59, v23;
	v0 =	vadd.f32 v19, v0;
	v13 =	vadd.f32 v45, v13  }
0xec: {  	v63 =	vor.u32 s21, v6;
	v9 =	vadd.f32 v10, v9;
	v11 =	vadd.f32 v42, v11;
	v57 =	vld.idx.msk [tilespmem:v46+s2+$0x0], $0xffff  }
0xed: {  	v53 =	vmul.f32 v43, v8;
	v0 =	vadd.f32 v50, v0;
	v55 =	vadd.f32 v15, v13  }
0xee: {  	v9 =	vadd.f32 v52, v9;
	v59 =	vmul.f32 v49, v36;
	v11 =	vadd.f32 v48, v11  }
0xef: {  	v12 =	vmul.f32 v47, v8;
	v16 =	vmul.f32 v16, v36;
	v0 =	vadd.f32 v56, v0  }
0xf0: {  	p0 =	sne.s32 s19, $0x7F;
	v62 =	vmul.f32 v54, v8;
	v10 =	vadd.f32 v59, v55;
	v11 =	vadd.f32 v53, v11  }
.Ltmp0:
0xf1: {  	v9 =	vadd.f32 v16, v9;
	v0 =	vadd.f32 v12, v0;
	v8 =	vmul.f32 v57, v8;
	(pc) =	sbr.rel @p0 .LBB2_3-.Ltmp0, $4  }
0xf2: {  	v10 =	vadd.f32 v62, v10;
	[tilespmem:v58+s16+$0x0] =	vst.idx.msk $0xffff, v11  }
0xf3: {  	[tilespmem:v60+s16+$0x0] =	vst.idx.msk $0xffff, v0;
	v8 =	vadd.f32 v8, v9  }
0xf4: {  	[tilespmem:v61+s16+$0x0] =	vst.idx.msk $0xffff, v10  }
0xf5: {  	s19 =	sadd.s32 $0x1, s19;
	[tilespmem:v63+s16+$0x0] =	vst.idx.msk $0xffff, v8  }
0xf6: {  	s18 =	sadd.s32 $0x1, s18  }
0xf7: {  	p0 =	sne.s32 s18, $0x8  }
.Ltmp1:
0xf8: {  	s19 =	sadd.s32 s7, s20;
	(pc) =	sbr.rel @p0 .LBB2_2-.Ltmp1, $4  }
0xf9: {  	[hbm4b:s19+s2] =	stream.linear.scatter [tilespmem:s16], [sflag:$0x1], $0x4000, $0x38;
	[tilespmem:$0x1C400] =	vst v63  }
0xfa: {  	_ =	swait.ge [sflag:s8], $0x4000  }
0xfb: {  	[sflag:s8] =	ssyncset.done $0x0  }
0xfc: {  	[sflag:s8] =	ssyncadd.s32 $0xFFFFC000  }
0xfd: {  	s17 =	sadd.s32 $0x1, s17  }
0xfe: {  	p0 =	sne.s32 s17, s12  }
.Ltmp2:
0xff: {  	_ = 	snop;
	(pc) =	sbr.rel @p0 .LBB2_1-.Ltmp2, $1  }
0x100: {  	_ =	sdelay $0x3  }
0x101: {  	_ =	sfence.sel $0x180000  }
0x102: {  	[bflag:$0x0] =	sbarrier.arrive $0xFFFF  }
0x103: {  	p0 =	sne.s32 s0, $0x0;
	_ =	strace $0x90000047  }
0x104: {  	s0 =	sadd.s32 @!p0 $0x100000, s1;
	[bflag:$0x2] =	sbarrier.arrive $0xFFFF  }
0x105: {  	[sflag:s0] =	ssyncadd.tile.s32 @!p0 $0x1;
	_ =	shalt  }
.Lfunc_end2:
_tile_overlayer_lowered:
.L_overlay_start_2:
0x106: {  	(tag) =	ssettag $0x2  }
0x107: {  	s0 =	rddreg [dreg:$0x0];
	s2 =	stileid.u32  }
0x108: {  	s1 =	rddreg [dreg:$0x1];
	p0 =	sne.s32 s2, $0x0  }
0x109: {  	s3 =	rddreg [dreg:$0x2];
	[bflag:$0x3] =	sbarrier.arrive $0xFFFF;
	s2 =	simm.s32 @!p0 $0x1C01  }
0x10a: {  	[timem:s3], [sflag:s2] =	dma.local @!p0 [hbm:s0], s1  }
0x10b: {  	s0 =	simm.s32 @!p0 $0x1  }
0x10c: {  	_ =	swait.ge @!p0 [sflag:s0], s1  }
0x10d: {  	s1 =	ssub.s32 @!p0 $0x0, s1;
	[sflag:s0] =	ssyncset.done @!p0 $0x0  }
0x10e: {  	[sflag:s0] =	ssyncadd.s32 @!p0 s1  }
0x10f: {  	[bflag:$0x3] =	sbarrier.arrive $0xFFFF  }
0x110: {  	_ =	shalt  }

</sc_bundles>
